<compile_context>
chip_gen: v7x
topology: tpu7x:2x2x1
jax: 0.10.2.dev20260603
libtpu: 0.0.44.dev20260713+nightly
codegen_flags: <defaults>
</compile_context>

<pallas_src>
import functools

import jax
import jax.numpy as jnp
from jax import lax
from jax.experimental import pallas as pl
from jax.experimental.pallas import tpu as pltpu
from jax.experimental.pallas import tpu_sc as plsc

NC, NS, LANES = 2, 16, 16
NW = NC * NS

B, L = 16384, 50
D = 32
RPW = B // NW
CHUNKS = RPW // LANES


def _dot_body(e_ref, w_ref, o_ref):
    o_ref[...] = jnp.sum(e_ref[...] * w_ref[...], axis=0)


SCB = 65536


def _precompute_s(embed_t, w_col):
    V = embed_t.shape[1]
    grid = (V + SCB - 1) // SCB
    return pl.pallas_call(
        _dot_body,
        grid=(grid,),
        in_specs=[
            pl.BlockSpec((D, SCB), lambda i: (0, i)),
            pl.BlockSpec((D, 1), lambda i: (0, 0)),
        ],
        out_specs=pl.BlockSpec((SCB,), lambda i: (i,)),
        out_shape=jax.ShapeDtypeStruct((V,), jnp.float32),
    )(embed_t, w_col)


def _sc_body(s_hbm, idx_hbm, mask_hbm, b_hbm, out_hbm,
             idx_v, mask_v, vals_v, out_v, b_v,
             sem_i, sem_m, sem_g0, sem_g1):
    wid = lax.axis_index("s") * NC + lax.axis_index("c")
    base = wid * RPW
    icopies, mcopies = [], []
    for l in range(L):
        icopies.append(pltpu.async_copy(
            idx_hbm.at[pl.ds(l * B + base, RPW)],
            idx_v.at[pl.ds(l * RPW, RPW)], sem_i))
        mcopies.append(pltpu.async_copy(
            mask_hbm.at[pl.ds(l * B + base, RPW)],
            mask_v.at[pl.ds(l * RPW, RPW)], sem_m))
    pltpu.sync_copy(b_hbm, b_v)
    for cp in icopies:
        cp.wait()
    BOUNDS = (0, 25, L)
    gsems = (sem_g0, sem_g1)
    gs = [pltpu.async_copy(
        s_hbm.at[idx_v.at[pl.ds(lo * RPW, (hi - lo) * RPW)]],
        vals_v.at[pl.ds(lo * RPW, (hi - lo) * RPW)], gsems[k])
        for k, (lo, hi) in enumerate(zip(BOUNDS[:-1], BOUNDS[1:]))]
    for cp in mcopies:
        cp.wait()

    bias = b_v[...]
    zero = jnp.zeros((LANES,), jnp.float32)

    def stage(l_lo, l_hi, carries):
        res = []
        for c in range(CHUNKS):
            col = c * LANES
            def body(l, carry, col=col):
                acc, msum = carry
                off = l * RPW + col
                v = vals_v[pl.ds(off, LANES)]
                m = mask_v[pl.ds(off, LANES)]
                return acc + v * m, msum + m
            res.append(lax.fori_loop(l_lo, l_hi, body, carries[c]))
        return res

    part = [(zero, zero)] * CHUNKS
    for k, (lo, hi) in enumerate(zip(BOUNDS[:-1], BOUNDS[1:])):
        gs[k].wait()
        part = stage(lo, hi, part)
    for c in range(CHUNKS):
        acc, msum = part[c]
        out_v[pl.ds(c * LANES, LANES)] = acc / (msum + 1e-9) + bias
    pltpu.sync_copy(out_v, out_hbm.at[pl.ds(wid * RPW, RPW)])


@functools.cache
def _make_sc_call():
    mesh = plsc.VectorSubcoreMesh(
        core_axis_name="c", subcore_axis_name="s",
        num_cores=NC, num_subcores=NS)
    return pl.kernel(
        _sc_body,
        out_type=jax.ShapeDtypeStruct((B,), jnp.float32),
        mesh=mesh,
        compiler_params=pltpu.CompilerParams(needs_layout_passes=False),
        scratch_types=[
            pltpu.VMEM((L * RPW,), jnp.int32),
            pltpu.VMEM((L * RPW,), jnp.float32),
            pltpu.VMEM((L * RPW,), jnp.float32),
            pltpu.VMEM((RPW,), jnp.float32),
            pltpu.VMEM((LANES,), jnp.float32),
            pltpu.SemaphoreType.DMA,
            pltpu.SemaphoreType.DMA,
            pltpu.SemaphoreType.DMA,
            pltpu.SemaphoreType.DMA,
        ],
    )


@jax.jit
def kernel(inputs, mask, embed, W, b):
    s = _precompute_s(embed.astype(jnp.float32).T,
                      W.astype(jnp.float32).reshape(D, 1))
    idx_t = inputs.astype(jnp.int32).T.reshape(L * B)
    mask_t = mask.astype(jnp.float32).T.reshape(L * B)
    b16 = jnp.broadcast_to(b.astype(jnp.float32).reshape(()), (LANES,))
    return _make_sc_call()(s, idx_t, mask_t, b16)

# --- scband reference (transcript-rebuilt; emitter-appended) ---
"""Pipeline reference for scband-word-avg-model-8100308320489 (READ-ONLY COPY).

The authoritative reference and input builder live on the scoring server;
editing this copy changes nothing except your own understanding.
"""

import jax, jax.numpy as jnp
import numpy as np

B, L = 16384, 50
VOCAB, D = 1000000, 32

def setup_inputs(seed: int = 0) -> dict:
    key = jax.random.key(seed)
    k1, k2, k3, k4, k5 = jax.random.split(key, 5)
    inputs = jax.random.randint(k1, (B, L), 0, VOCAB, dtype=jnp.int64 if jax.config.jax_enable_x64 else jnp.int32)
    mask = jax.random.uniform(k2, (B, L), dtype=jnp.float32)
    embed = jax.random.normal(k3, (VOCAB, D), dtype=jnp.float32) * 0.02
    W = jax.random.normal(k4, (1, D), dtype=jnp.float32) * (1.0 / np.sqrt(D))
    b = jax.random.normal(k5, (1,), dtype=jnp.float32) * 0.01
    return {"inputs": inputs, "mask": mask, "embed": embed, "W": W, "b": b}

def reference(inputs, mask, embed, W, b):
    # embedding lookup (gather)
    x_embed = jnp.take(embed, inputs, axis=0)            # [B, L, D]
    # dropout is identity at inference
    m = mask[:, :, None]                                  # [B, L, 1]
    x_embed = x_embed * m
    x_out = jnp.sum(x_embed, axis=1) / (jnp.sum(m, axis=1) + 1e-09)  # [B, D]
    out = x_out @ W.T + b                                 # [B, 1]
    return jnp.squeeze(out)

if __name__ == "__main__":
    import jax
    _d = setup_inputs()
    print(jax.jit(kernel)(*tuple(_d.values())))

</pallas_src>

<mosaic_0001>
#map = affine_map<(d0, d1) -> (0)>
module attributes {stable_mosaic.version = 14 : i64} {
  func.func @_sc_body(%arg0: i32, %arg1: i32, %arg2: memref<1000000xf32, #tpu.memory_space<hbm>>, %arg3: memref<819200xi32, #tpu.memory_space<hbm>>, %arg4: memref<819200xf32, #tpu.memory_space<hbm>>, %arg5: memref<16xf32, #tpu.memory_space<hbm>>, %arg6: memref<16384xf32, #tpu.memory_space<hbm>>, %arg7: memref<25600xi32, #tpu.memory_space<vmem>>, %arg8: memref<25600xf32, #tpu.memory_space<vmem>>, %arg9: memref<25600xf32, #tpu.memory_space<vmem>>, %arg10: memref<512xf32, #tpu.memory_space<vmem>>, %arg11: memref<16xf32, #tpu.memory_space<vmem>>, %arg12: memref<!tpu.dma_semaphore, #tpu.memory_space<semaphore_mem>>, %arg13: memref<!tpu.dma_semaphore, #tpu.memory_space<semaphore_mem>>, %arg14: memref<!tpu.dma_semaphore, #tpu.memory_space<semaphore_mem>>, %arg15: memref<!tpu.dma_semaphore, #tpu.memory_space<semaphore_mem>>) attributes {dimension_semantics = [#tpu.dimension_semantics<core_parallel>, #tpu.dimension_semantics<subcore_parallel>], iteration_bounds = array<i64: 2, 16>, scalar_prefetch = 0 : i64, scratch_operands = 9 : i64, tpu.core_type = #tpu.core_type<sc_vector_subcore>, window_params = [{transform_indices = #map}, {transform_indices = #map}, {transform_indices = #map}, {transform_indices = #map}, {transform_indices = #map}]} {
    %mul3A = arith.constant 2 : i32
    %mul3A_0 = arith.muli %arg1, %mul3A : i32
    %add3A = arith.addi %mul3A_0, %arg0 : i32
    %mul3A_1 = arith.constant 512 : i32
    %mul3A_2 = arith.muli %add3A, %mul3A_1 : i32
    %add3A_3 = arith.constant 0 : i32
    %add3A_4 = arith.addi %add3A_3, %mul3A_2 : i32
    %dma_start3A = arith.constant 0 : i32
    %dma_start3A_5 = tpu.memref_slice %arg7[%dma_start3A] : memref<25600xi32, #tpu.memory_space<vmem>> -> memref<512xi32, #tpu.memory_space<vmem>>
    %dma_start3A_6 = tpu.memref_slice %arg3[%add3A_4] : memref<819200xi32, #tpu.memory_space<hbm>> -> memref<512xi32, #tpu.memory_space<hbm>>
    %dma_start3A_7 = arith.constant 0 : i32
    %dma_start3A_8 = tpu.memref_slice %arg7[%dma_start3A_7] : memref<25600xi32, #tpu.memory_space<vmem>> -> memref<512xi32, #tpu.memory_space<vmem>>
    %dma_start3A_9 = tpu.memref_slice %arg3[%add3A_4] : memref<819200xi32, #tpu.memory_space<hbm>> -> memref<512xi32, #tpu.memory_space<hbm>>
    tpu.enqueue_dma source(%dma_start3A_9 : memref<512xi32, #tpu.memory_space<hbm>>) target(%dma_start3A_8 : memref<512xi32, #tpu.memory_space<vmem>>) target_semaphore(%arg12 : memref<!tpu.dma_semaphore, #tpu.memory_space<semaphore_mem>>)
    %add3A_10 = arith.constant 0 : i32
    %add3A_11 = arith.addi %add3A_10, %mul3A_2 : i32
    %dma_start3A_12 = arith.constant 0 : i32
    %dma_start3A_13 = tpu.memref_slice %arg8[%dma_start3A_12] : memref<25600xf32, #tpu.memory_space<vmem>> -> memref<512xf32, #tpu.memory_space<vmem>>
    %dma_start3A_14 = tpu.memref_slice %arg4[%add3A_11] : memref<819200xf32, #tpu.memory_space<hbm>> -> memref<512xf32, #tpu.memory_space<hbm>>
    %dma_start3A_15 = arith.constant 0 : i32
    %dma_start3A_16 = tpu.memref_slice %arg8[%dma_start3A_15] : memref<25600xf32, #tpu.memory_space<vmem>> -> memref<512xf32, #tpu.memory_space<vmem>>
    %dma_start3A_17 = tpu.memref_slice %arg4[%add3A_11] : memref<819200xf32, #tpu.memory_space<hbm>> -> memref<512xf32, #tpu.memory_space<hbm>>
    tpu.enqueue_dma source(%dma_start3A_17 : memref<512xf32, #tpu.memory_space<hbm>>) target(%dma_start3A_16 : memref<512xf32, #tpu.memory_space<vmem>>) target_semaphore(%arg13 : memref<!tpu.dma_semaphore, #tpu.memory_space<semaphore_mem>>)
    %add3A_18 = arith.constant 16384 : i32
    %add3A_19 = arith.addi %add3A_18, %mul3A_2 : i32
    %dma_start3A_20 = arith.constant 512 : i32
    %dma_start3A_21 = tpu.memref_slice %arg7[%dma_start3A_20] : memref<25600xi32, #tpu.memory_space<vmem>> -> memref<512xi32, #tpu.memory_space<vmem>>
    %dma_start3A_22 = tpu.memref_slice %arg3[%add3A_19] : memref<819200xi32, #tpu.memory_space<hbm>> -> memref<512xi32, #tpu.memory_space<hbm>>
    %dma_start3A_23 = arith.constant 512 : i32
    %dma_start3A_24 = tpu.memref_slice %arg7[%dma_start3A_23] : memref<25600xi32, #tpu.memory_space<vmem>> -> memref<512xi32, #tpu.memory_space<vmem>>
    %dma_start3A_25 = tpu.memref_slice %arg3[%add3A_19] : memref<819200xi32, #tpu.memory_space<hbm>> -> memref<512xi32, #tpu.memory_space<hbm>>
    tpu.enqueue_dma source(%dma_start3A_25 : memref<512xi32, #tpu.memory_space<hbm>>) target(%dma_start3A_24 : memref<512xi32, #tpu.memory_space<vmem>>) target_semaphore(%arg12 : memref<!tpu.dma_semaphore, #tpu.memory_space<semaphore_mem>>)
    %add3A_26 = arith.constant 16384 : i32
    %add3A_27 = arith.addi %add3A_26, %mul3A_2 : i32
    %dma_start3A_28 = arith.constant 512 : i32
    %dma_start3A_29 = tpu.memref_slice %arg8[%dma_start3A_28] : memref<25600xf32, #tpu.memory_space<vmem>> -> memref<512xf32, #tpu.memory_space<vmem>>
    %dma_start3A_30 = tpu.memref_slice %arg4[%add3A_27] : memref<819200xf32, #tpu.memory_space<hbm>> -> memref<512xf32, #tpu.memory_space<hbm>>
    %dma_start3A_31 = arith.constant 512 : i32
    %dma_start3A_32 = tpu.memref_slice %arg8[%dma_start3A_31] : memref<25600xf32, #tpu.memory_space<vmem>> -> memref<512xf32, #tpu.memory_space<vmem>>
    %dma_start3A_33 = tpu.memref_slice %arg4[%add3A_27] : memref<819200xf32, #tpu.memory_space<hbm>> -> memref<512xf32, #tpu.memory_space<hbm>>
    tpu.enqueue_dma source(%dma_start3A_33 : memref<512xf32, #tpu.memory_space<hbm>>) target(%dma_start3A_32 : memref<512xf32, #tpu.memory_space<vmem>>) target_semaphore(%arg13 : memref<!tpu.dma_semaphore, #tpu.memory_space<semaphore_mem>>)
    %add3A_34 = arith.constant 32768 : i32
    %add3A_35 = arith.addi %add3A_34, %mul3A_2 : i32
    %dma_start3A_36 = arith.constant 1024 : i32
    %dma_start3A_37 = tpu.memref_slice %arg7[%dma_start3A_36] : memref<25600xi32, #tpu.memory_space<vmem>> -> memref<512xi32, #tpu.memory_space<vmem>>
    %dma_start3A_38 = tpu.memref_slice %arg3[%add3A_35] : memref<819200xi32, #tpu.memory_space<hbm>> -> memref<512xi32, #tpu.memory_space<hbm>>
    %dma_start3A_39 = arith.constant 1024 : i32
    %dma_start3A_40 = tpu.memref_slice %arg7[%dma_start3A_39] : memref<25600xi32, #tpu.memory_space<vmem>> -> memref<512xi32, #tpu.memory_space<vmem>>
    %dma_start3A_41 = tpu.memref_slice %arg3[%add3A_35] : memref<819200xi32, #tpu.memory_space<hbm>> -> memref<512xi32, #tpu.memory_space<hbm>>
    tpu.enqueue_dma source(%dma_start3A_41 : memref<512xi32, #tpu.memory_space<hbm>>) target(%dma_start3A_40 : memref<512xi32, #tpu.memory_space<vmem>>) target_semaphore(%arg12 : memref<!tpu.dma_semaphore, #tpu.memory_space<semaphore_mem>>)
    %add3A_42 = arith.constant 32768 : i32
    %add3A_43 = arith.addi %add3A_42, %mul3A_2 : i32
    %dma_start3A_44 = arith.constant 1024 : i32
    %dma_start3A_45 = tpu.memref_slice %arg8[%dma_start3A_44] : memref<25600xf32, #tpu.memory_space<vmem>> -> memref<512xf32, #tpu.memory_space<vmem>>
    %dma_start3A_46 = tpu.memref_slice %arg4[%add3A_43] : memref<819200xf32, #tpu.memory_space<hbm>> -> memref<512xf32, #tpu.memory_space<hbm>>
    %dma_start3A_47 = arith.constant 1024 : i32
    %dma_start3A_48 = tpu.memref_slice %arg8[%dma_start3A_47] : memref<25600xf32, #tpu.memory_space<vmem>> -> memref<512xf32, #tpu.memory_space<vmem>>
    %dma_start3A_49 = tpu.memref_slice %arg4[%add3A_43] : memref<819200xf32, #tpu.memory_space<hbm>> -> memref<512xf32, #tpu.memory_space<hbm>>
    tpu.enqueue_dma source(%dma_start3A_49 : memref<512xf32, #tpu.memory_space<hbm>>) target(%dma_start3A_48 : memref<512xf32, #tpu.memory_space<vmem>>) target_semaphore(%arg13 : memref<!tpu.dma_semaphore, #tpu.memory_space<semaphore_mem>>)
    %add3A_50 = arith.constant 49152 : i32
    %add3A_51 = arith.addi %add3A_50, %mul3A_2 : i32
    %dma_start3A_52 = arith.constant 1536 : i32
    %dma_start3A_53 = tpu.memref_slice %arg7[%dma_start3A_52] : memref<25600xi32, #tpu.memory_space<vmem>> -> memref<512xi32, #tpu.memory_space<vmem>>
    %dma_start3A_54 = tpu.memref_slice %arg3[%add3A_51] : memref<819200xi32, #tpu.memory_space<hbm>> -> memref<512xi32, #tpu.memory_space<hbm>>
    %dma_start3A_55 = arith.constant 1536 : i32
    %dma_start3A_56 = tpu.memref_slice %arg7[%dma_start3A_55] : memref<25600xi32, #tpu.memory_space<vmem>> -> memref<512xi32, #tpu.memory_space<vmem>>
    %dma_start3A_57 = tpu.memref_slice %arg3[%add3A_51] : memref<819200xi32, #tpu.memory_space<hbm>> -> memref<512xi32, #tpu.memory_space<hbm>>
    tpu.enqueue_dma source(%dma_start3A_57 : memref<512xi32, #tpu.memory_space<hbm>>) target(%dma_start3A_56 : memref<512xi32, #tpu.memory_space<vmem>>) target_semaphore(%arg12 : memref<!tpu.dma_semaphore, #tpu.memory_space<semaphore_mem>>)
    %add3A_58 = arith.constant 49152 : i32
    %add3A_59 = arith.addi %add3A_58, %mul3A_2 : i32
    %dma_start3A_60 = arith.constant 1536 : i32
    %dma_start3A_61 = tpu.memref_slice %arg8[%dma_start3A_60] : memref<25600xf32, #tpu.memory_space<vmem>> -> memref<512xf32, #tpu.memory_space<vmem>>
    %dma_start3A_62 = tpu.memref_slice %arg4[%add3A_59] : memref<819200xf32, #tpu.memory_space<hbm>> -> memref<512xf32, #tpu.memory_space<hbm>>
    %dma_start3A_63 = arith.constant 1536 : i32
    %dma_start3A_64 = tpu.memref_slice %arg8[%dma_start3A_63] : memref<25600xf32, #tpu.memory_space<vmem>> -> memref<512xf32, #tpu.memory_space<vmem>>
    %dma_start3A_65 = tpu.memref_slice %arg4[%add3A_59] : memref<819200xf32, #tpu.memory_space<hbm>> -> memref<512xf32, #tpu.memory_space<hbm>>
    tpu.enqueue_dma source(%dma_start3A_65 : memref<512xf32, #tpu.memory_space<hbm>>) target(%dma_start3A_64 : memref<512xf32, #tpu.memory_space<vmem>>) target_semaphore(%arg13 : memref<!tpu.dma_semaphore, #tpu.memory_space<semaphore_mem>>)
    %add3A_66 = arith.constant 65536 : i32
    %add3A_67 = arith.addi %add3A_66, %mul3A_2 : i32
    %dma_start3A_68 = arith.constant 2048 : i32
    %dma_start3A_69 = tpu.memref_slice %arg7[%dma_start3A_68] : memref<25600xi32, #tpu.memory_space<vmem>> -> memref<512xi32, #tpu.memory_space<vmem>>
    %dma_start3A_70 = tpu.memref_slice %arg3[%add3A_67] : memref<819200xi32, #tpu.memory_space<hbm>> -> memref<512xi32, #tpu.memory_space<hbm>>
    %dma_start3A_71 = arith.constant 2048 : i32
    %dma_start3A_72 = tpu.memref_slice %arg7[%dma_start3A_71] : memref<25600xi32, #tpu.memory_space<vmem>> -> memref<512xi32, #tpu.memory_space<vmem>>
    %dma_start3A_73 = tpu.memref_slice %arg3[%add3A_67] : memref<819200xi32, #tpu.memory_space<hbm>> -> memref<512xi32, #tpu.memory_space<hbm>>
    tpu.enqueue_dma source(%dma_start3A_73 : memref<512xi32, #tpu.memory_space<hbm>>) target(%dma_start3A_72 : memref<512xi32, #tpu.memory_space<vmem>>) target_semaphore(%arg12 : memref<!tpu.dma_semaphore, #tpu.memory_space<semaphore_mem>>)
    %add3A_74 = arith.constant 65536 : i32
    %add3A_75 = arith.addi %add3A_74, %mul3A_2 : i32
    %dma_start3A_76 = arith.constant 2048 : i32
    %dma_start3A_77 = tpu.memref_slice %arg8[%dma_start3A_76] : memref<25600xf32, #tpu.memory_space<vmem>> -> memref<512xf32, #tpu.memory_space<vmem>>
    %dma_start3A_78 = tpu.memref_slice %arg4[%add3A_75] : memref<819200xf32, #tpu.memory_space<hbm>> -> memref<512xf32, #tpu.memory_space<hbm>>
    %dma_start3A_79 = arith.constant 2048 : i32
    %dma_start3A_80 = tpu.memref_slice %arg8[%dma_start3A_79] : memref<25600xf32, #tpu.memory_space<vmem>> -> memref<512xf32, #tpu.memory_space<vmem>>
    %dma_start3A_81 = tpu.memref_slice %arg4[%add3A_75] : memref<819200xf32, #tpu.memory_space<hbm>> -> memref<512xf32, #tpu.memory_space<hbm>>
    tpu.enqueue_dma source(%dma_start3A_81 : memref<512xf32, #tpu.memory_space<hbm>>) target(%dma_start3A_80 : memref<512xf32, #tpu.memory_space<vmem>>) target_semaphore(%arg13 : memref<!tpu.dma_semaphore, #tpu.memory_space<semaphore_mem>>)
    %add3A_82 = arith.constant 81920 : i32
    %add3A_83 = arith.addi %add3A_82, %mul3A_2 : i32
    %dma_start3A_84 = arith.constant 2560 : i32
    %dma_start3A_85 = tpu.memref_slice %arg7[%dma_start3A_84] : memref<25600xi32, #tpu.memory_space<vmem>> -> memref<512xi32, #tpu.memory_space<vmem>>
    %dma_start3A_86 = tpu.memref_slice %arg3[%add3A_83] : memref<819200xi32, #tpu.memory_space<hbm>> -> memref<512xi32, #tpu.memory_space<hbm>>
    %dma_start3A_87 = arith.constant 2560 : i32
    %dma_start3A_88 = tpu.memref_slice %arg7[%dma_start3A_87] : memref<25600xi32, #tpu.memory_space<vmem>> -> memref<512xi32, #tpu.memory_space<vmem>>
    %dma_start3A_89 = tpu.memref_slice %arg3[%add3A_83] : memref<819200xi32, #tpu.memory_space<hbm>> -> memref<512xi32, #tpu.memory_space<hbm>>
    tpu.enqueue_dma source(%dma_start3A_89 : memref<512xi32, #tpu.memory_space<hbm>>) target(%dma_start3A_88 : memref<512xi32, #tpu.memory_space<vmem>>) target_semaphore(%arg12 : memref<!tpu.dma_semaphore, #tpu.memory_space<semaphore_mem>>)
    %add3A_90 = arith.constant 81920 : i32
    %add3A_91 = arith.addi %add3A_90, %mul3A_2 : i32
    %dma_start3A_92 = arith.constant 2560 : i32
    %dma_start3A_93 = tpu.memref_slice %arg8[%dma_start3A_92] : memref<25600xf32, #tpu.memory_space<vmem>> -> memref<512xf32, #tpu.memory_space<vmem>>
    %dma_start3A_94 = tpu.memref_slice %arg4[%add3A_91] : memref<819200xf32, #tpu.memory_space<hbm>> -> memref<512xf32, #tpu.memory_space<hbm>>
    %dma_start3A_95 = arith.constant 2560 : i32
    %dma_start3A_96 = tpu.memref_slice %arg8[%dma_start3A_95] : memref<25600xf32, #tpu.memory_space<vmem>> -> memref<512xf32, #tpu.memory_space<vmem>>
    %dma_start3A_97 = tpu.memref_slice %arg4[%add3A_91] : memref<819200xf32, #tpu.memory_space<hbm>> -> memref<512xf32, #tpu.memory_space<hbm>>
    tpu.enqueue_dma source(%dma_start3A_97 : memref<512xf32, #tpu.memory_space<hbm>>) target(%dma_start3A_96 : memref<512xf32, #tpu.memory_space<vmem>>) target_semaphore(%arg13 : memref<!tpu.dma_semaphore, #tpu.memory_space<semaphore_mem>>)
    %add3A_98 = arith.constant 98304 : i32
    %add3A_99 = arith.addi %add3A_98, %mul3A_2 : i32
    %dma_start3A_100 = arith.constant 3072 : i32
    %dma_start3A_101 = tpu.memref_slice %arg7[%dma_start3A_100] : memref<25600xi32, #tpu.memory_space<vmem>> -> memref<512xi32, #tpu.memory_space<vmem>>
    %dma_start3A_102 = tpu.memref_slice %arg3[%add3A_99] : memref<819200xi32, #tpu.memory_space<hbm>> -> memref<512xi32, #tpu.memory_space<hbm>>
    %dma_start3A_103 = arith.constant 3072 : i32
    %dma_start3A_104 = tpu.memref_slice %arg7[%dma_start3A_103] : memref<25600xi32, #tpu.memory_space<vmem>> -> memref<512xi32, #tpu.memory_space<vmem>>
    %dma_start3A_105 = tpu.memref_slice %arg3[%add3A_99] : memref<819200xi32, #tpu.memory_space<hbm>> -> memref<512xi32, #tpu.memory_space<hbm>>
    tpu.enqueue_dma source(%dma_start3A_105 : memref<512xi32, #tpu.memory_space<hbm>>) target(%dma_start3A_104 : memref<512xi32, #tpu.memory_space<vmem>>) target_semaphore(%arg12 : memref<!tpu.dma_semaphore, #tpu.memory_space<semaphore_mem>>)
    %add3A_106 = arith.constant 98304 : i32
    %add3A_107 = arith.addi %add3A_106, %mul3A_2 : i32
    %dma_start3A_108 = arith.constant 3072 : i32
    %dma_start3A_109 = tpu.memref_slice %arg8[%dma_start3A_108] : memref<25600xf32, #tpu.memory_space<vmem>> -> memref<512xf32, #tpu.memory_space<vmem>>
    %dma_start3A_110 = tpu.memref_slice %arg4[%add3A_107] : memref<819200xf32, #tpu.memory_space<hbm>> -> memref<512xf32, #tpu.memory_space<hbm>>
    %dma_start3A_111 = arith.constant 3072 : i32
    %dma_start3A_112 = tpu.memref_slice %arg8[%dma_start3A_111] : memref<25600xf32, #tpu.memory_space<vmem>> -> memref<512xf32, #tpu.memory_space<vmem>>
    %dma_start3A_113 = tpu.memref_slice %arg4[%add3A_107] : memref<819200xf32, #tpu.memory_space<hbm>> -> memref<512xf32, #tpu.memory_space<hbm>>
    tpu.enqueue_dma source(%dma_start3A_113 : memref<512xf32, #tpu.memory_space<hbm>>) target(%dma_start3A_112 : memref<512xf32, #tpu.memory_space<vmem>>) target_semaphore(%arg13 : memref<!tpu.dma_semaphore, #tpu.memory_space<semaphore_mem>>)
    %add3A_114 = arith.constant 114688 : i32
    %add3A_115 = arith.addi %add3A_114, %mul3A_2 : i32
    %dma_start3A_116 = arith.constant 3584 : i32
    %dma_start3A_117 = tpu.memref_slice %arg7[%dma_start3A_116] : memref<25600xi32, #tpu.memory_space<vmem>> -> memref<512xi32, #tpu.memory_space<vmem>>
    %dma_start3A_118 = tpu.memref_slice %arg3[%add3A_115] : memref<819200xi32, #tpu.memory_space<hbm>> -> memref<512xi32, #tpu.memory_space<hbm>>
    %dma_start3A_119 = arith.constant 3584 : i32
    %dma_start3A_120 = tpu.memref_slice %arg7[%dma_start3A_119] : memref<25600xi32, #tpu.memory_space<vmem>> -> memref<512xi32, #tpu.memory_space<vmem>>
    %dma_start3A_121 = tpu.memref_slice %arg3[%add3A_115] : memref<819200xi32, #tpu.memory_space<hbm>> -> memref<512xi32, #tpu.memory_space<hbm>>
    tpu.enqueue_dma source(%dma_start3A_121 : memref<512xi32, #tpu.memory_space<hbm>>) target(%dma_start3A_120 : memref<512xi32, #tpu.memory_space<vmem>>) target_semaphore(%arg12 : memref<!tpu.dma_semaphore, #tpu.memory_space<semaphore_mem>>)
    %add3A_122 = arith.constant 114688 : i32
    %add3A_123 = arith.addi %add3A_122, %mul3A_2 : i32
    %dma_start3A_124 = arith.constant 3584 : i32
    %dma_start3A_125 = tpu.memref_slice %arg8[%dma_start3A_124] : memref<25600xf32, #tpu.memory_space<vmem>> -> memref<512xf32, #tpu.memory_space<vmem>>
    %dma_start3A_126 = tpu.memref_slice %arg4[%add3A_123] : memref<819200xf32, #tpu.memory_space<hbm>> -> memref<512xf32, #tpu.memory_space<hbm>>
    %dma_start3A_127 = arith.constant 3584 : i32
    %dma_start3A_128 = tpu.memref_slice %arg8[%dma_start3A_127] : memref<25600xf32, #tpu.memory_space<vmem>> -> memref<512xf32, #tpu.memory_space<vmem>>
    %dma_start3A_129 = tpu.memref_slice %arg4[%add3A_123] : memref<819200xf32, #tpu.memory_space<hbm>> -> memref<512xf32, #tpu.memory_space<hbm>>
    tpu.enqueue_dma source(%dma_start3A_129 : memref<512xf32, #tpu.memory_space<hbm>>) target(%dma_start3A_128 : memref<512xf32, #tpu.memory_space<vmem>>) target_semaphore(%arg13 : memref<!tpu.dma_semaphore, #tpu.memory_space<semaphore_mem>>)
    %add3A_130 = arith.constant 131072 : i32
    %add3A_131 = arith.addi %add3A_130, %mul3A_2 : i32
    %dma_start3A_132 = arith.constant 4096 : i32
    %dma_start3A_133 = tpu.memref_slice %arg7[%dma_start3A_132] : memref<25600xi32, #tpu.memory_space<vmem>> -> memref<512xi32, #tpu.memory_space<vmem>>
    %dma_start3A_134 = tpu.memref_slice %arg3[%add3A_131] : memref<819200xi32, #tpu.memory_space<hbm>> -> memref<512xi32, #tpu.memory_space<hbm>>
    %dma_start3A_135 = arith.constant 4096 : i32
    %dma_start3A_136 = tpu.memref_slice %arg7[%dma_start3A_135] : memref<25600xi32, #tpu.memory_space<vmem>> -> memref<512xi32, #tpu.memory_space<vmem>>
    %dma_start3A_137 = tpu.memref_slice %arg3[%add3A_131] : memref<819200xi32, #tpu.memory_space<hbm>> -> memref<512xi32, #tpu.memory_space<hbm>>
    tpu.enqueue_dma source(%dma_start3A_137 : memref<512xi32, #tpu.memory_space<hbm>>) target(%dma_start3A_136 : memref<512xi32, #tpu.memory_space<vmem>>) target_semaphore(%arg12 : memref<!tpu.dma_semaphore, #tpu.memory_space<semaphore_mem>>)
    %add3A_138 = arith.constant 131072 : i32
    %add3A_139 = arith.addi %add3A_138, %mul3A_2 : i32
    %dma_start3A_140 = arith.constant 4096 : i32
    %dma_start3A_141 = tpu.memref_slice %arg8[%dma_start3A_140] : memref<25600xf32, #tpu.memory_space<vmem>> -> memref<512xf32, #tpu.memory_space<vmem>>
    %dma_start3A_142 = tpu.memref_slice %arg4[%add3A_139] : memref<819200xf32, #tpu.memory_space<hbm>> -> memref<512xf32, #tpu.memory_space<hbm>>
    %dma_start3A_143 = arith.constant 4096 : i32
    %dma_start3A_144 = tpu.memref_slice %arg8[%dma_start3A_143] : memref<25600xf32, #tpu.memory_space<vmem>> -> memref<512xf32, #tpu.memory_space<vmem>>
    %dma_start3A_145 = tpu.memref_slice %arg4[%add3A_139] : memref<819200xf32, #tpu.memory_space<hbm>> -> memref<512xf32, #tpu.memory_space<hbm>>
    tpu.enqueue_dma source(%dma_start3A_145 : memref<512xf32, #tpu.memory_space<hbm>>) target(%dma_start3A_144 : memref<512xf32, #tpu.memory_space<vmem>>) target_semaphore(%arg13 : memref<!tpu.dma_semaphore, #tpu.memory_space<semaphore_mem>>)
    %add3A_146 = arith.constant 147456 : i32
    %add3A_147 = arith.addi %add3A_146, %mul3A_2 : i32
    %dma_start3A_148 = arith.constant 4608 : i32
    %dma_start3A_149 = tpu.memref_slice %arg7[%dma_start3A_148] : memref<25600xi32, #tpu.memory_space<vmem>> -> memref<512xi32, #tpu.memory_space<vmem>>
    %dma_start3A_150 = tpu.memref_slice %arg3[%add3A_147] : memref<819200xi32, #tpu.memory_space<hbm>> -> memref<512xi32, #tpu.memory_space<hbm>>
    %dma_start3A_151 = arith.constant 4608 : i32
    %dma_start3A_152 = tpu.memref_slice %arg7[%dma_start3A_151] : memref<25600xi32, #tpu.memory_space<vmem>> -> memref<512xi32, #tpu.memory_space<vmem>>
    %dma_start3A_153 = tpu.memref_slice %arg3[%add3A_147] : memref<819200xi32, #tpu.memory_space<hbm>> -> memref<512xi32, #tpu.memory_space<hbm>>
    tpu.enqueue_dma source(%dma_start3A_153 : memref<512xi32, #tpu.memory_space<hbm>>) target(%dma_start3A_152 : memref<512xi32, #tpu.memory_space<vmem>>) target_semaphore(%arg12 : memref<!tpu.dma_semaphore, #tpu.memory_space<semaphore_mem>>)
    %add3A_154 = arith.constant 147456 : i32
    %add3A_155 = arith.addi %add3A_154, %mul3A_2 : i32
    %dma_start3A_156 = arith.constant 4608 : i32
    %dma_start3A_157 = tpu.memref_slice %arg8[%dma_start3A_156] : memref<25600xf32, #tpu.memory_space<vmem>> -> memref<512xf32, #tpu.memory_space<vmem>>
    %dma_start3A_158 = tpu.memref_slice %arg4[%add3A_155] : memref<819200xf32, #tpu.memory_space<hbm>> -> memref<512xf32, #tpu.memory_space<hbm>>
    %dma_start3A_159 = arith.constant 4608 : i32
    %dma_start3A_160 = tpu.memref_slice %arg8[%dma_start3A_159] : memref<25600xf32, #tpu.memory_space<vmem>> -> memref<512xf32, #tpu.memory_space<vmem>>
    %dma_start3A_161 = tpu.memref_slice %arg4[%add3A_155] : memref<819200xf32, #tpu.memory_space<hbm>> -> memref<512xf32, #tpu.memory_space<hbm>>
    tpu.enqueue_dma source(%dma_start3A_161 : memref<512xf32, #tpu.memory_space<hbm>>) target(%dma_start3A_160 : memref<512xf32, #tpu.memory_space<vmem>>) target_semaphore(%arg13 : memref<!tpu.dma_semaphore, #tpu.memory_space<semaphore_mem>>)
    %add3A_162 = arith.constant 163840 : i32
    %add3A_163 = arith.addi %add3A_162, %mul3A_2 : i32
    %dma_start3A_164 = arith.constant 5120 : i32
    %dma_start3A_165 = tpu.memref_slice %arg7[%dma_start3A_164] : memref<25600xi32, #tpu.memory_space<vmem>> -> memref<512xi32, #tpu.memory_space<vmem>>
    %dma_start3A_166 = tpu.memref_slice %arg3[%add3A_163] : memref<819200xi32, #tpu.memory_space<hbm>> -> memref<512xi32, #tpu.memory_space<hbm>>
    %dma_start3A_167 = arith.constant 5120 : i32
    %dma_start3A_168 = tpu.memref_slice %arg7[%dma_start3A_167] : memref<25600xi32, #tpu.memory_space<vmem>> -> memref<512xi32, #tpu.memory_space<vmem>>
    %dma_start3A_169 = tpu.memref_slice %arg3[%add3A_163] : memref<819200xi32, #tpu.memory_space<hbm>> -> memref<512xi32, #tpu.memory_space<hbm>>
    tpu.enqueue_dma source(%dma_start3A_169 : memref<512xi32, #tpu.memory_space<hbm>>) target(%dma_start3A_168 : memref<512xi32, #tpu.memory_space<vmem>>) target_semaphore(%arg12 : memref<!tpu.dma_semaphore, #tpu.memory_space<semaphore_mem>>)
    %add3A_170 = arith.constant 163840 : i32
    %add3A_171 = arith.addi %add3A_170, %mul3A_2 : i32
    %dma_start3A_172 = arith.constant 5120 : i32
    %dma_start3A_173 = tpu.memref_slice %arg8[%dma_start3A_172] : memref<25600xf32, #tpu.memory_space<vmem>> -> memref<512xf32, #tpu.memory_space<vmem>>
    %dma_start3A_174 = tpu.memref_slice %arg4[%add3A_171] : memref<819200xf32, #tpu.memory_space<hbm>> -> memref<512xf32, #tpu.memory_space<hbm>>
    %dma_start3A_175 = arith.constant 5120 : i32
    %dma_start3A_176 = tpu.memref_slice %arg8[%dma_start3A_175] : memref<25600xf32, #tpu.memory_space<vmem>> -> memref<512xf32, #tpu.memory_space<vmem>>
    %dma_start3A_177 = tpu.memref_slice %arg4[%add3A_171] : memref<819200xf32, #tpu.memory_space<hbm>> -> memref<512xf32, #tpu.memory_space<hbm>>
    tpu.enqueue_dma source(%dma_start3A_177 : memref<512xf32, #tpu.memory_space<hbm>>) target(%dma_start3A_176 : memref<512xf32, #tpu.memory_space<vmem>>) target_semaphore(%arg13 : memref<!tpu.dma_semaphore, #tpu.memory_space<semaphore_mem>>)
    %add3A_178 = arith.constant 180224 : i32
    %add3A_179 = arith.addi %add3A_178, %mul3A_2 : i32
    %dma_start3A_180 = arith.constant 5632 : i32
    %dma_start3A_181 = tpu.memref_slice %arg7[%dma_start3A_180] : memref<25600xi32, #tpu.memory_space<vmem>> -> memref<512xi32, #tpu.memory_space<vmem>>
    %dma_start3A_182 = tpu.memref_slice %arg3[%add3A_179] : memref<819200xi32, #tpu.memory_space<hbm>> -> memref<512xi32, #tpu.memory_space<hbm>>
    %dma_start3A_183 = arith.constant 5632 : i32
    %dma_start3A_184 = tpu.memref_slice %arg7[%dma_start3A_183] : memref<25600xi32, #tpu.memory_space<vmem>> -> memref<512xi32, #tpu.memory_space<vmem>>
    %dma_start3A_185 = tpu.memref_slice %arg3[%add3A_179] : memref<819200xi32, #tpu.memory_space<hbm>> -> memref<512xi32, #tpu.memory_space<hbm>>
    tpu.enqueue_dma source(%dma_start3A_185 : memref<512xi32, #tpu.memory_space<hbm>>) target(%dma_start3A_184 : memref<512xi32, #tpu.memory_space<vmem>>) target_semaphore(%arg12 : memref<!tpu.dma_semaphore, #tpu.memory_space<semaphore_mem>>)
    %add3A_186 = arith.constant 180224 : i32
    %add3A_187 = arith.addi %add3A_186, %mul3A_2 : i32
    %dma_start3A_188 = arith.constant 5632 : i32
    %dma_start3A_189 = tpu.memref_slice %arg8[%dma_start3A_188] : memref<25600xf32, #tpu.memory_space<vmem>> -> memref<512xf32, #tpu.memory_space<vmem>>
    %dma_start3A_190 = tpu.memref_slice %arg4[%add3A_187] : memref<819200xf32, #tpu.memory_space<hbm>> -> memref<512xf32, #tpu.memory_space<hbm>>
    %dma_start3A_191 = arith.constant 5632 : i32
    %dma_start3A_192 = tpu.memref_slice %arg8[%dma_start3A_191] : memref<25600xf32, #tpu.memory_space<vmem>> -> memref<512xf32, #tpu.memory_space<vmem>>
    %dma_start3A_193 = tpu.memref_slice %arg4[%add3A_187] : memref<819200xf32, #tpu.memory_space<hbm>> -> memref<512xf32, #tpu.memory_space<hbm>>
    tpu.enqueue_dma source(%dma_start3A_193 : memref<512xf32, #tpu.memory_space<hbm>>) target(%dma_start3A_192 : memref<512xf32, #tpu.memory_space<vmem>>) target_semaphore(%arg13 : memref<!tpu.dma_semaphore, #tpu.memory_space<semaphore_mem>>)
    %add3A_194 = arith.constant 196608 : i32
    %add3A_195 = arith.addi %add3A_194, %mul3A_2 : i32
    %dma_start3A_196 = arith.constant 6144 : i32
    %dma_start3A_197 = tpu.memref_slice %arg7[%dma_start3A_196] : memref<25600xi32, #tpu.memory_space<vmem>> -> memref<512xi32, #tpu.memory_space<vmem>>
    %dma_start3A_198 = tpu.memref_slice %arg3[%add3A_195] : memref<819200xi32, #tpu.memory_space<hbm>> -> memref<512xi32, #tpu.memory_space<hbm>>
    %dma_start3A_199 = arith.constant 6144 : i32
    %dma_start3A_200 = tpu.memref_slice %arg7[%dma_start3A_199] : memref<25600xi32, #tpu.memory_space<vmem>> -> memref<512xi32, #tpu.memory_space<vmem>>
    %dma_start3A_201 = tpu.memref_slice %arg3[%add3A_195] : memref<819200xi32, #tpu.memory_space<hbm>> -> memref<512xi32, #tpu.memory_space<hbm>>
    tpu.enqueue_dma source(%dma_start3A_201 : memref<512xi32, #tpu.memory_space<hbm>>) target(%dma_start3A_200 : memref<512xi32, #tpu.memory_space<vmem>>) target_semaphore(%arg12 : memref<!tpu.dma_semaphore, #tpu.memory_space<semaphore_mem>>)
    %add3A_202 = arith.constant 196608 : i32
    %add3A_203 = arith.addi %add3A_202, %mul3A_2 : i32
    %dma_start3A_204 = arith.constant 6144 : i32
    %dma_start3A_205 = tpu.memref_slice %arg8[%dma_start3A_204] : memref<25600xf32, #tpu.memory_space<vmem>> -> memref<512xf32, #tpu.memory_space<vmem>>
    %dma_start3A_206 = tpu.memref_slice %arg4[%add3A_203] : memref<819200xf32, #tpu.memory_space<hbm>> -> memref<512xf32, #tpu.memory_space<hbm>>
    %dma_start3A_207 = arith.constant 6144 : i32
    %dma_start3A_208 = tpu.memref_slice %arg8[%dma_start3A_207] : memref<25600xf32, #tpu.memory_space<vmem>> -> memref<512xf32, #tpu.memory_space<vmem>>
    %dma_start3A_209 = tpu.memref_slice %arg4[%add3A_203] : memref<819200xf32, #tpu.memory_space<hbm>> -> memref<512xf32, #tpu.memory_space<hbm>>
    tpu.enqueue_dma source(%dma_start3A_209 : memref<512xf32, #tpu.memory_space<hbm>>) target(%dma_start3A_208 : memref<512xf32, #tpu.memory_space<vmem>>) target_semaphore(%arg13 : memref<!tpu.dma_semaphore, #tpu.memory_space<semaphore_mem>>)
    %add3A_210 = arith.constant 212992 : i32
    %add3A_211 = arith.addi %add3A_210, %mul3A_2 : i32
    %dma_start3A_212 = arith.constant 6656 : i32
    %dma_start3A_213 = tpu.memref_slice %arg7[%dma_start3A_212] : memref<25600xi32, #tpu.memory_space<vmem>> -> memref<512xi32, #tpu.memory_space<vmem>>
    %dma_start3A_214 = tpu.memref_slice %arg3[%add3A_211] : memref<819200xi32, #tpu.memory_space<hbm>> -> memref<512xi32, #tpu.memory_space<hbm>>
    %dma_start3A_215 = arith.constant 6656 : i32
    %dma_start3A_216 = tpu.memref_slice %arg7[%dma_start3A_215] : memref<25600xi32, #tpu.memory_space<vmem>> -> memref<512xi32, #tpu.memory_space<vmem>>
    %dma_start3A_217 = tpu.memref_slice %arg3[%add3A_211] : memref<819200xi32, #tpu.memory_space<hbm>> -> memref<512xi32, #tpu.memory_space<hbm>>
    tpu.enqueue_dma source(%dma_start3A_217 : memref<512xi32, #tpu.memory_space<hbm>>) target(%dma_start3A_216 : memref<512xi32, #tpu.memory_space<vmem>>) target_semaphore(%arg12 : memref<!tpu.dma_semaphore, #tpu.memory_space<semaphore_mem>>)
    %add3A_218 = arith.constant 212992 : i32
    %add3A_219 = arith.addi %add3A_218, %mul3A_2 : i32
    %dma_start3A_220 = arith.constant 6656 : i32
    %dma_start3A_221 = tpu.memref_slice %arg8[%dma_start3A_220] : memref<25600xf32, #tpu.memory_space<vmem>> -> memref<512xf32, #tpu.memory_space<vmem>>
    %dma_start3A_222 = tpu.memref_slice %arg4[%add3A_219] : memref<819200xf32, #tpu.memory_space<hbm>> -> memref<512xf32, #tpu.memory_space<hbm>>
    %dma_start3A_223 = arith.constant 6656 : i32
    %dma_start3A_224 = tpu.memref_slice %arg8[%dma_start3A_223] : memref<25600xf32, #tpu.memory_space<vmem>> -> memref<512xf32, #tpu.memory_space<vmem>>
    %dma_start3A_225 = tpu.memref_slice %arg4[%add3A_219] : memref<819200xf32, #tpu.memory_space<hbm>> -> memref<512xf32, #tpu.memory_space<hbm>>
    tpu.enqueue_dma source(%dma_start3A_225 : memref<512xf32, #tpu.memory_space<hbm>>) target(%dma_start3A_224 : memref<512xf32, #tpu.memory_space<vmem>>) target_semaphore(%arg13 : memref<!tpu.dma_semaphore, #tpu.memory_space<semaphore_mem>>)
    %add3A_226 = arith.constant 229376 : i32
    %add3A_227 = arith.addi %add3A_226, %mul3A_2 : i32
    %dma_start3A_228 = arith.constant 7168 : i32
    %dma_start3A_229 = tpu.memref_slice %arg7[%dma_start3A_228] : memref<25600xi32, #tpu.memory_space<vmem>> -> memref<512xi32, #tpu.memory_space<vmem>>
    %dma_start3A_230 = tpu.memref_slice %arg3[%add3A_227] : memref<819200xi32, #tpu.memory_space<hbm>> -> memref<512xi32, #tpu.memory_space<hbm>>
    %dma_start3A_231 = arith.constant 7168 : i32
    %dma_start3A_232 = tpu.memref_slice %arg7[%dma_start3A_231] : memref<25600xi32, #tpu.memory_space<vmem>> -> memref<512xi32, #tpu.memory_space<vmem>>
    %dma_start3A_233 = tpu.memref_slice %arg3[%add3A_227] : memref<819200xi32, #tpu.memory_space<hbm>> -> memref<512xi32, #tpu.memory_space<hbm>>
    tpu.enqueue_dma source(%dma_start3A_233 : memref<512xi32, #tpu.memory_space<hbm>>) target(%dma_start3A_232 : memref<512xi32, #tpu.memory_space<vmem>>) target_semaphore(%arg12 : memref<!tpu.dma_semaphore, #tpu.memory_space<semaphore_mem>>)
    %add3A_234 = arith.constant 229376 : i32
    %add3A_235 = arith.addi %add3A_234, %mul3A_2 : i32
    %dma_start3A_236 = arith.constant 7168 : i32
    %dma_start3A_237 = tpu.memref_slice %arg8[%dma_start3A_236] : memref<25600xf32, #tpu.memory_space<vmem>> -> memref<512xf32, #tpu.memory_space<vmem>>
    %dma_start3A_238 = tpu.memref_slice %arg4[%add3A_235] : memref<819200xf32, #tpu.memory_space<hbm>> -> memref<512xf32, #tpu.memory_space<hbm>>
    %dma_start3A_239 = arith.constant 7168 : i32
    %dma_start3A_240 = tpu.memref_slice %arg8[%dma_start3A_239] : memref<25600xf32, #tpu.memory_space<vmem>> -> memref<512xf32, #tpu.memory_space<vmem>>
    %dma_start3A_241 = tpu.memref_slice %arg4[%add3A_235] : memref<819200xf32, #tpu.memory_space<hbm>> -> memref<512xf32, #tpu.memory_space<hbm>>
    tpu.enqueue_dma source(%dma_start3A_241 : memref<512xf32, #tpu.memory_space<hbm>>) target(%dma_start3A_240 : memref<512xf32, #tpu.memory_space<vmem>>) target_semaphore(%arg13 : memref<!tpu.dma_semaphore, #tpu.memory_space<semaphore_mem>>)
    %add3A_242 = arith.constant 245760 : i32
    %add3A_243 = arith.addi %add3A_242, %mul3A_2 : i32
    %dma_start3A_244 = arith.constant 7680 : i32
    %dma_start3A_245 = tpu.memref_slice %arg7[%dma_start3A_244] : memref<25600xi32, #tpu.memory_space<vmem>> -> memref<512xi32, #tpu.memory_space<vmem>>
    %dma_start3A_246 = tpu.memref_slice %arg3[%add3A_243] : memref<819200xi32, #tpu.memory_space<hbm>> -> memref<512xi32, #tpu.memory_space<hbm>>
    %dma_start3A_247 = arith.constant 7680 : i32
    %dma_start3A_248 = tpu.memref_slice %arg7[%dma_start3A_247] : memref<25600xi32, #tpu.memory_space<vmem>> -> memref<512xi32, #tpu.memory_space<vmem>>
    %dma_start3A_249 = tpu.memref_slice %arg3[%add3A_243] : memref<819200xi32, #tpu.memory_space<hbm>> -> memref<512xi32, #tpu.memory_space<hbm>>
    tpu.enqueue_dma source(%dma_start3A_249 : memref<512xi32, #tpu.memory_space<hbm>>) target(%dma_start3A_248 : memref<512xi32, #tpu.memory_space<vmem>>) target_semaphore(%arg12 : memref<!tpu.dma_semaphore, #tpu.memory_space<semaphore_mem>>)
    %add3A_250 = arith.constant 245760 : i32
    %add3A_251 = arith.addi %add3A_250, %mul3A_2 : i32
    %dma_start3A_252 = arith.constant 7680 : i32
    %dma_start3A_253 = tpu.memref_slice %arg8[%dma_start3A_252] : memref<25600xf32, #tpu.memory_space<vmem>> -> memref<512xf32, #tpu.memory_space<vmem>>
    %dma_start3A_254 = tpu.memref_slice %arg4[%add3A_251] : memref<819200xf32, #tpu.memory_space<hbm>> -> memref<512xf32, #tpu.memory_space<hbm>>
    %dma_start3A_255 = arith.constant 7680 : i32
    %dma_start3A_256 = tpu.memref_slice %arg8[%dma_start3A_255] : memref<25600xf32, #tpu.memory_space<vmem>> -> memref<512xf32, #tpu.memory_space<vmem>>
    %dma_start3A_257 = tpu.memref_slice %arg4[%add3A_251] : memref<819200xf32, #tpu.memory_space<hbm>> -> memref<512xf32, #tpu.memory_space<hbm>>
    tpu.enqueue_dma source(%dma_start3A_257 : memref<512xf32, #tpu.memory_space<hbm>>) target(%dma_start3A_256 : memref<512xf32, #tpu.memory_space<vmem>>) target_semaphore(%arg13 : memref<!tpu.dma_semaphore, #tpu.memory_space<semaphore_mem>>)
    %add3A_258 = arith.constant 262144 : i32
    %add3A_259 = arith.addi %add3A_258, %mul3A_2 : i32
    %dma_start3A_260 = arith.constant 8192 : i32
    %dma_start3A_261 = tpu.memref_slice %arg7[%dma_start3A_260] : memref<25600xi32, #tpu.memory_space<vmem>> -> memref<512xi32, #tpu.memory_space<vmem>>
    %dma_start3A_262 = tpu.memref_slice %arg3[%add3A_259] : memref<819200xi32, #tpu.memory_space<hbm>> -> memref<512xi32, #tpu.memory_space<hbm>>
    %dma_start3A_263 = arith.constant 8192 : i32
    %dma_start3A_264 = tpu.memref_slice %arg7[%dma_start3A_263] : memref<25600xi32, #tpu.memory_space<vmem>> -> memref<512xi32, #tpu.memory_space<vmem>>
    %dma_start3A_265 = tpu.memref_slice %arg3[%add3A_259] : memref<819200xi32, #tpu.memory_space<hbm>> -> memref<512xi32, #tpu.memory_space<hbm>>
    tpu.enqueue_dma source(%dma_start3A_265 : memref<512xi32, #tpu.memory_space<hbm>>) target(%dma_start3A_264 : memref<512xi32, #tpu.memory_space<vmem>>) target_semaphore(%arg12 : memref<!tpu.dma_semaphore, #tpu.memory_space<semaphore_mem>>)
    %add3A_266 = arith.constant 262144 : i32
    %add3A_267 = arith.addi %add3A_266, %mul3A_2 : i32
    %dma_start3A_268 = arith.constant 8192 : i32
    %dma_start3A_269 = tpu.memref_slice %arg8[%dma_start3A_268] : memref<25600xf32, #tpu.memory_space<vmem>> -> memref<512xf32, #tpu.memory_space<vmem>>
    %dma_start3A_270 = tpu.memref_slice %arg4[%add3A_267] : memref<819200xf32, #tpu.memory_space<hbm>> -> memref<512xf32, #tpu.memory_space<hbm>>
    %dma_start3A_271 = arith.constant 8192 : i32
    %dma_start3A_272 = tpu.memref_slice %arg8[%dma_start3A_271] : memref<25600xf32, #tpu.memory_space<vmem>> -> memref<512xf32, #tpu.memory_space<vmem>>
    %dma_start3A_273 = tpu.memref_slice %arg4[%add3A_267] : memref<819200xf32, #tpu.memory_space<hbm>> -> memref<512xf32, #tpu.memory_space<hbm>>
    tpu.enqueue_dma source(%dma_start3A_273 : memref<512xf32, #tpu.memory_space<hbm>>) target(%dma_start3A_272 : memref<512xf32, #tpu.memory_space<vmem>>) target_semaphore(%arg13 : memref<!tpu.dma_semaphore, #tpu.memory_space<semaphore_mem>>)
    %add3A_274 = arith.constant 278528 : i32
    %add3A_275 = arith.addi %add3A_274, %mul3A_2 : i32
    %dma_start3A_276 = arith.constant 8704 : i32
    %dma_start3A_277 = tpu.memref_slice %arg7[%dma_start3A_276] : memref<25600xi32, #tpu.memory_space<vmem>> -> memref<512xi32, #tpu.memory_space<vmem>>
    %dma_start3A_278 = tpu.memref_slice %arg3[%add3A_275] : memref<819200xi32, #tpu.memory_space<hbm>> -> memref<512xi32, #tpu.memory_space<hbm>>
    %dma_start3A_279 = arith.constant 8704 : i32
    %dma_start3A_280 = tpu.memref_slice %arg7[%dma_start3A_279] : memref<25600xi32, #tpu.memory_space<vmem>> -> memref<512xi32, #tpu.memory_space<vmem>>
    %dma_start3A_281 = tpu.memref_slice %arg3[%add3A_275] : memref<819200xi32, #tpu.memory_space<hbm>> -> memref<512xi32, #tpu.memory_space<hbm>>
    tpu.enqueue_dma source(%dma_start3A_281 : memref<512xi32, #tpu.memory_space<hbm>>) target(%dma_start3A_280 : memref<512xi32, #tpu.memory_space<vmem>>) target_semaphore(%arg12 : memref<!tpu.dma_semaphore, #tpu.memory_space<semaphore_mem>>)
    %add3A_282 = arith.constant 278528 : i32
    %add3A_283 = arith.addi %add3A_282, %mul3A_2 : i32
    %dma_start3A_284 = arith.constant 8704 : i32
    %dma_start3A_285 = tpu.memref_slice %arg8[%dma_start3A_284] : memref<25600xf32, #tpu.memory_space<vmem>> -> memref<512xf32, #tpu.memory_space<vmem>>
    %dma_start3A_286 = tpu.memref_slice %arg4[%add3A_283] : memref<819200xf32, #tpu.memory_space<hbm>> -> memref<512xf32, #tpu.memory_space<hbm>>
    %dma_start3A_287 = arith.constant 8704 : i32
    %dma_start3A_288 = tpu.memref_slice %arg8[%dma_start3A_287] : memref<25600xf32, #tpu.memory_space<vmem>> -> memref<512xf32, #tpu.memory_space<vmem>>
    %dma_start3A_289 = tpu.memref_slice %arg4[%add3A_283] : memref<819200xf32, #tpu.memory_space<hbm>> -> memref<512xf32, #tpu.memory_space<hbm>>
    tpu.enqueue_dma source(%dma_start3A_289 : memref<512xf32, #tpu.memory_space<hbm>>) target(%dma_start3A_288 : memref<512xf32, #tpu.memory_space<vmem>>) target_semaphore(%arg13 : memref<!tpu.dma_semaphore, #tpu.memory_space<semaphore_mem>>)
    %add3A_290 = arith.constant 294912 : i32
    %add3A_291 = arith.addi %add3A_290, %mul3A_2 : i32
    %dma_start3A_292 = arith.constant 9216 : i32
    %dma_start3A_293 = tpu.memref_slice %arg7[%dma_start3A_292] : memref<25600xi32, #tpu.memory_space<vmem>> -> memref<512xi32, #tpu.memory_space<vmem>>
    %dma_start3A_294 = tpu.memref_slice %arg3[%add3A_291] : memref<819200xi32, #tpu.memory_space<hbm>> -> memref<512xi32, #tpu.memory_space<hbm>>
    %dma_start3A_295 = arith.constant 9216 : i32
    %dma_start3A_296 = tpu.memref_slice %arg7[%dma_start3A_295] : memref<25600xi32, #tpu.memory_space<vmem>> -> memref<512xi32, #tpu.memory_space<vmem>>
    %dma_start3A_297 = tpu.memref_slice %arg3[%add3A_291] : memref<819200xi32, #tpu.memory_space<hbm>> -> memref<512xi32, #tpu.memory_space<hbm>>
    tpu.enqueue_dma source(%dma_start3A_297 : memref<512xi32, #tpu.memory_space<hbm>>) target(%dma_start3A_296 : memref<512xi32, #tpu.memory_space<vmem>>) target_semaphore(%arg12 : memref<!tpu.dma_semaphore, #tpu.memory_space<semaphore_mem>>)
    %add3A_298 = arith.constant 294912 : i32
    %add3A_299 = arith.addi %add3A_298, %mul3A_2 : i32
    %dma_start3A_300 = arith.constant 9216 : i32
    %dma_start3A_301 = tpu.memref_slice %arg8[%dma_start3A_300] : memref<25600xf32, #tpu.memory_space<vmem>> -> memref<512xf32, #tpu.memory_space<vmem>>
    %dma_start3A_302 = tpu.memref_slice %arg4[%add3A_299] : memref<819200xf32, #tpu.memory_space<hbm>> -> memref<512xf32, #tpu.memory_space<hbm>>
    %dma_start3A_303 = arith.constant 9216 : i32
    %dma_start3A_304 = tpu.memref_slice %arg8[%dma_start3A_303] : memref<25600xf32, #tpu.memory_space<vmem>> -> memref<512xf32, #tpu.memory_space<vmem>>
    %dma_start3A_305 = tpu.memref_slice %arg4[%add3A_299] : memref<819200xf32, #tpu.memory_space<hbm>> -> memref<512xf32, #tpu.memory_space<hbm>>
    tpu.enqueue_dma source(%dma_start3A_305 : memref<512xf32, #tpu.memory_space<hbm>>) target(%dma_start3A_304 : memref<512xf32, #tpu.memory_space<vmem>>) target_semaphore(%arg13 : memref<!tpu.dma_semaphore, #tpu.memory_space<semaphore_mem>>)
    %add3A_306 = arith.constant 311296 : i32
    %add3A_307 = arith.addi %add3A_306, %mul3A_2 : i32
    %dma_start3A_308 = arith.constant 9728 : i32
    %dma_start3A_309 = tpu.memref_slice %arg7[%dma_start3A_308] : memref<25600xi32, #tpu.memory_space<vmem>> -> memref<512xi32, #tpu.memory_space<vmem>>
    %dma_start3A_310 = tpu.memref_slice %arg3[%add3A_307] : memref<819200xi32, #tpu.memory_space<hbm>> -> memref<512xi32, #tpu.memory_space<hbm>>
    %dma_start3A_311 = arith.constant 9728 : i32
    %dma_start3A_312 = tpu.memref_slice %arg7[%dma_start3A_311] : memref<25600xi32, #tpu.memory_space<vmem>> -> memref<512xi32, #tpu.memory_space<vmem>>
    %dma_start3A_313 = tpu.memref_slice %arg3[%add3A_307] : memref<819200xi32, #tpu.memory_space<hbm>> -> memref<512xi32, #tpu.memory_space<hbm>>
    tpu.enqueue_dma source(%dma_start3A_313 : memref<512xi32, #tpu.memory_space<hbm>>) target(%dma_start3A_312 : memref<512xi32, #tpu.memory_space<vmem>>) target_semaphore(%arg12 : memref<!tpu.dma_semaphore, #tpu.memory_space<semaphore_mem>>)
    %add3A_314 = arith.constant 311296 : i32
    %add3A_315 = arith.addi %add3A_314, %mul3A_2 : i32
    %dma_start3A_316 = arith.constant 9728 : i32
    %dma_start3A_317 = tpu.memref_slice %arg8[%dma_start3A_316] : memref<25600xf32, #tpu.memory_space<vmem>> -> memref<512xf32, #tpu.memory_space<vmem>>
    %dma_start3A_318 = tpu.memref_slice %arg4[%add3A_315] : memref<819200xf32, #tpu.memory_space<hbm>> -> memref<512xf32, #tpu.memory_space<hbm>>
    %dma_start3A_319 = arith.constant 9728 : i32
    %dma_start3A_320 = tpu.memref_slice %arg8[%dma_start3A_319] : memref<25600xf32, #tpu.memory_space<vmem>> -> memref<512xf32, #tpu.memory_space<vmem>>
    %dma_start3A_321 = tpu.memref_slice %arg4[%add3A_315] : memref<819200xf32, #tpu.memory_space<hbm>> -> memref<512xf32, #tpu.memory_space<hbm>>
    tpu.enqueue_dma source(%dma_start3A_321 : memref<512xf32, #tpu.memory_space<hbm>>) target(%dma_start3A_320 : memref<512xf32, #tpu.memory_space<vmem>>) target_semaphore(%arg13 : memref<!tpu.dma_semaphore, #tpu.memory_space<semaphore_mem>>)
    %add3A_322 = arith.constant 327680 : i32
    %add3A_323 = arith.addi %add3A_322, %mul3A_2 : i32
    %dma_start3A_324 = arith.constant 10240 : i32
    %dma_start3A_325 = tpu.memref_slice %arg7[%dma_start3A_324] : memref<25600xi32, #tpu.memory_space<vmem>> -> memref<512xi32, #tpu.memory_space<vmem>>
    %dma_start3A_326 = tpu.memref_slice %arg3[%add3A_323] : memref<819200xi32, #tpu.memory_space<hbm>> -> memref<512xi32, #tpu.memory_space<hbm>>
    %dma_start3A_327 = arith.constant 10240 : i32
    %dma_start3A_328 = tpu.memref_slice %arg7[%dma_start3A_327] : memref<25600xi32, #tpu.memory_space<vmem>> -> memref<512xi32, #tpu.memory_space<vmem>>
    %dma_start3A_329 = tpu.memref_slice %arg3[%add3A_323] : memref<819200xi32, #tpu.memory_space<hbm>> -> memref<512xi32, #tpu.memory_space<hbm>>
    tpu.enqueue_dma source(%dma_start3A_329 : memref<512xi32, #tpu.memory_space<hbm>>) target(%dma_start3A_328 : memref<512xi32, #tpu.memory_space<vmem>>) target_semaphore(%arg12 : memref<!tpu.dma_semaphore, #tpu.memory_space<semaphore_mem>>)
    %add3A_330 = arith.constant 327680 : i32
    %add3A_331 = arith.addi %add3A_330, %mul3A_2 : i32
    %dma_start3A_332 = arith.constant 10240 : i32
    %dma_start3A_333 = tpu.memref_slice %arg8[%dma_start3A_332] : memref<25600xf32, #tpu.memory_space<vmem>> -> memref<512xf32, #tpu.memory_space<vmem>>
    %dma_start3A_334 = tpu.memref_slice %arg4[%add3A_331] : memref<819200xf32, #tpu.memory_space<hbm>> -> memref<512xf32, #tpu.memory_space<hbm>>
    %dma_start3A_335 = arith.constant 10240 : i32
    %dma_start3A_336 = tpu.memref_slice %arg8[%dma_start3A_335] : memref<25600xf32, #tpu.memory_space<vmem>> -> memref<512xf32, #tpu.memory_space<vmem>>
    %dma_start3A_337 = tpu.memref_slice %arg4[%add3A_331] : memref<819200xf32, #tpu.memory_space<hbm>> -> memref<512xf32, #tpu.memory_space<hbm>>
    tpu.enqueue_dma source(%dma_start3A_337 : memref<512xf32, #tpu.memory_space<hbm>>) target(%dma_start3A_336 : memref<512xf32, #tpu.memory_space<vmem>>) target_semaphore(%arg13 : memref<!tpu.dma_semaphore, #tpu.memory_space<semaphore_mem>>)
    %add3A_338 = arith.constant 344064 : i32
    %add3A_339 = arith.addi %add3A_338, %mul3A_2 : i32
    %dma_start3A_340 = arith.constant 10752 : i32
    %dma_start3A_341 = tpu.memref_slice %arg7[%dma_start3A_340] : memref<25600xi32, #tpu.memory_space<vmem>> -> memref<512xi32, #tpu.memory_space<vmem>>
    %dma_start3A_342 = tpu.memref_slice %arg3[%add3A_339] : memref<819200xi32, #tpu.memory_space<hbm>> -> memref<512xi32, #tpu.memory_space<hbm>>
    %dma_start3A_343 = arith.constant 10752 : i32
    %dma_start3A_344 = tpu.memref_slice %arg7[%dma_start3A_343] : memref<25600xi32, #tpu.memory_space<vmem>> -> memref<512xi32, #tpu.memory_space<vmem>>
    %dma_start3A_345 = tpu.memref_slice %arg3[%add3A_339] : memref<819200xi32, #tpu.memory_space<hbm>> -> memref<512xi32, #tpu.memory_space<hbm>>
    tpu.enqueue_dma source(%dma_start3A_345 : memref<512xi32, #tpu.memory_space<hbm>>) target(%dma_start3A_344 : memref<512xi32, #tpu.memory_space<vmem>>) target_semaphore(%arg12 : memref<!tpu.dma_semaphore, #tpu.memory_space<semaphore_mem>>)
    %add3A_346 = arith.constant 344064 : i32
    %add3A_347 = arith.addi %add3A_346, %mul3A_2 : i32
    %dma_start3A_348 = arith.constant 10752 : i32
    %dma_start3A_349 = tpu.memref_slice %arg8[%dma_start3A_348] : memref<25600xf32, #tpu.memory_space<vmem>> -> memref<512xf32, #tpu.memory_space<vmem>>
    %dma_start3A_350 = tpu.memref_slice %arg4[%add3A_347] : memref<819200xf32, #tpu.memory_space<hbm>> -> memref<512xf32, #tpu.memory_space<hbm>>
    %dma_start3A_351 = arith.constant 10752 : i32
    %dma_start3A_352 = tpu.memref_slice %arg8[%dma_start3A_351] : memref<25600xf32, #tpu.memory_space<vmem>> -> memref<512xf32, #tpu.memory_space<vmem>>
    %dma_start3A_353 = tpu.memref_slice %arg4[%add3A_347] : memref<819200xf32, #tpu.memory_space<hbm>> -> memref<512xf32, #tpu.memory_space<hbm>>
    tpu.enqueue_dma source(%dma_start3A_353 : memref<512xf32, #tpu.memory_space<hbm>>) target(%dma_start3A_352 : memref<512xf32, #tpu.memory_space<vmem>>) target_semaphore(%arg13 : memref<!tpu.dma_semaphore, #tpu.memory_space<semaphore_mem>>)
    %add3A_354 = arith.constant 360448 : i32
    %add3A_355 = arith.addi %add3A_354, %mul3A_2 : i32
    %dma_start3A_356 = arith.constant 11264 : i32
    %dma_start3A_357 = tpu.memref_slice %arg7[%dma_start3A_356] : memref<25600xi32, #tpu.memory_space<vmem>> -> memref<512xi32, #tpu.memory_space<vmem>>
    %dma_start3A_358 = tpu.memref_slice %arg3[%add3A_355] : memref<819200xi32, #tpu.memory_space<hbm>> -> memref<512xi32, #tpu.memory_space<hbm>>
    %dma_start3A_359 = arith.constant 11264 : i32
    %dma_start3A_360 = tpu.memref_slice %arg7[%dma_start3A_359] : memref<25600xi32, #tpu.memory_space<vmem>> -> memref<512xi32, #tpu.memory_space<vmem>>
    %dma_start3A_361 = tpu.memref_slice %arg3[%add3A_355] : memref<819200xi32, #tpu.memory_space<hbm>> -> memref<512xi32, #tpu.memory_space<hbm>>
    tpu.enqueue_dma source(%dma_start3A_361 : memref<512xi32, #tpu.memory_space<hbm>>) target(%dma_start3A_360 : memref<512xi32, #tpu.memory_space<vmem>>) target_semaphore(%arg12 : memref<!tpu.dma_semaphore, #tpu.memory_space<semaphore_mem>>)
    %add3A_362 = arith.constant 360448 : i32
    %add3A_363 = arith.addi %add3A_362, %mul3A_2 : i32
    %dma_start3A_364 = arith.constant 11264 : i32
    %dma_start3A_365 = tpu.memref_slice %arg8[%dma_start3A_364] : memref<25600xf32, #tpu.memory_space<vmem>> -> memref<512xf32, #tpu.memory_space<vmem>>
    %dma_start3A_366 = tpu.memref_slice %arg4[%add3A_363] : memref<819200xf32, #tpu.memory_space<hbm>> -> memref<512xf32, #tpu.memory_space<hbm>>
    %dma_start3A_367 = arith.constant 11264 : i32
    %dma_start3A_368 = tpu.memref_slice %arg8[%dma_start3A_367] : memref<25600xf32, #tpu.memory_space<vmem>> -> memref<512xf32, #tpu.memory_space<vmem>>
    %dma_start3A_369 = tpu.memref_slice %arg4[%add3A_363] : memref<819200xf32, #tpu.memory_space<hbm>> -> memref<512xf32, #tpu.memory_space<hbm>>
    tpu.enqueue_dma source(%dma_start3A_369 : memref<512xf32, #tpu.memory_space<hbm>>) target(%dma_start3A_368 : memref<512xf32, #tpu.memory_space<vmem>>) target_semaphore(%arg13 : memref<!tpu.dma_semaphore, #tpu.memory_space<semaphore_mem>>)
    %add3A_370 = arith.constant 376832 : i32
    %add3A_371 = arith.addi %add3A_370, %mul3A_2 : i32
    %dma_start3A_372 = arith.constant 11776 : i32
    %dma_start3A_373 = tpu.memref_slice %arg7[%dma_start3A_372] : memref<25600xi32, #tpu.memory_space<vmem>> -> memref<512xi32, #tpu.memory_space<vmem>>
    %dma_start3A_374 = tpu.memref_slice %arg3[%add3A_371] : memref<819200xi32, #tpu.memory_space<hbm>> -> memref<512xi32, #tpu.memory_space<hbm>>
    %dma_start3A_375 = arith.constant 11776 : i32
    %dma_start3A_376 = tpu.memref_slice %arg7[%dma_start3A_375] : memref<25600xi32, #tpu.memory_space<vmem>> -> memref<512xi32, #tpu.memory_space<vmem>>
    %dma_start3A_377 = tpu.memref_slice %arg3[%add3A_371] : memref<819200xi32, #tpu.memory_space<hbm>> -> memref<512xi32, #tpu.memory_space<hbm>>
    tpu.enqueue_dma source(%dma_start3A_377 : memref<512xi32, #tpu.memory_space<hbm>>) target(%dma_start3A_376 : memref<512xi32, #tpu.memory_space<vmem>>) target_semaphore(%arg12 : memref<!tpu.dma_semaphore, #tpu.memory_space<semaphore_mem>>)
    %add3A_378 = arith.constant 376832 : i32
    %add3A_379 = arith.addi %add3A_378, %mul3A_2 : i32
    %dma_start3A_380 = arith.constant 11776 : i32
    %dma_start3A_381 = tpu.memref_slice %arg8[%dma_start3A_380] : memref<25600xf32, #tpu.memory_space<vmem>> -> memref<512xf32, #tpu.memory_space<vmem>>
    %dma_start3A_382 = tpu.memref_slice %arg4[%add3A_379] : memref<819200xf32, #tpu.memory_space<hbm>> -> memref<512xf32, #tpu.memory_space<hbm>>
    %dma_start3A_383 = arith.constant 11776 : i32
    %dma_start3A_384 = tpu.memref_slice %arg8[%dma_start3A_383] : memref<25600xf32, #tpu.memory_space<vmem>> -> memref<512xf32, #tpu.memory_space<vmem>>
    %dma_start3A_385 = tpu.memref_slice %arg4[%add3A_379] : memref<819200xf32, #tpu.memory_space<hbm>> -> memref<512xf32, #tpu.memory_space<hbm>>
    tpu.enqueue_dma source(%dma_start3A_385 : memref<512xf32, #tpu.memory_space<hbm>>) target(%dma_start3A_384 : memref<512xf32, #tpu.memory_space<vmem>>) target_semaphore(%arg13 : memref<!tpu.dma_semaphore, #tpu.memory_space<semaphore_mem>>)
    %add3A_386 = arith.constant 393216 : i32
    %add3A_387 = arith.addi %add3A_386, %mul3A_2 : i32
    %dma_start3A_388 = arith.constant 12288 : i32
    %dma_start3A_389 = tpu.memref_slice %arg7[%dma_start3A_388] : memref<25600xi32, #tpu.memory_space<vmem>> -> memref<512xi32, #tpu.memory_space<vmem>>
    %dma_start3A_390 = tpu.memref_slice %arg3[%add3A_387] : memref<819200xi32, #tpu.memory_space<hbm>> -> memref<512xi32, #tpu.memory_space<hbm>>
    %dma_start3A_391 = arith.constant 12288 : i32
    %dma_start3A_392 = tpu.memref_slice %arg7[%dma_start3A_391] : memref<25600xi32, #tpu.memory_space<vmem>> -> memref<512xi32, #tpu.memory_space<vmem>>
    %dma_start3A_393 = tpu.memref_slice %arg3[%add3A_387] : memref<819200xi32, #tpu.memory_space<hbm>> -> memref<512xi32, #tpu.memory_space<hbm>>
    tpu.enqueue_dma source(%dma_start3A_393 : memref<512xi32, #tpu.memory_space<hbm>>) target(%dma_start3A_392 : memref<512xi32, #tpu.memory_space<vmem>>) target_semaphore(%arg12 : memref<!tpu.dma_semaphore, #tpu.memory_space<semaphore_mem>>)
    %add3A_394 = arith.constant 393216 : i32
    %add3A_395 = arith.addi %add3A_394, %mul3A_2 : i32
    %dma_start3A_396 = arith.constant 12288 : i32
    %dma_start3A_397 = tpu.memref_slice %arg8[%dma_start3A_396] : memref<25600xf32, #tpu.memory_space<vmem>> -> memref<512xf32, #tpu.memory_space<vmem>>
    %dma_start3A_398 = tpu.memref_slice %arg4[%add3A_395] : memref<819200xf32, #tpu.memory_space<hbm>> -> memref<512xf32, #tpu.memory_space<hbm>>
    %dma_start3A_399 = arith.constant 12288 : i32
    %dma_start3A_400 = tpu.memref_slice %arg8[%dma_start3A_399] : memref<25600xf32, #tpu.memory_space<vmem>> -> memref<512xf32, #tpu.memory_space<vmem>>
    %dma_start3A_401 = tpu.memref_slice %arg4[%add3A_395] : memref<819200xf32, #tpu.memory_space<hbm>> -> memref<512xf32, #tpu.memory_space<hbm>>
    tpu.enqueue_dma source(%dma_start3A_401 : memref<512xf32, #tpu.memory_space<hbm>>) target(%dma_start3A_400 : memref<512xf32, #tpu.memory_space<vmem>>) target_semaphore(%arg13 : memref<!tpu.dma_semaphore, #tpu.memory_space<semaphore_mem>>)
    %add3A_402 = arith.constant 409600 : i32
    %add3A_403 = arith.addi %add3A_402, %mul3A_2 : i32
    %dma_start3A_404 = arith.constant 12800 : i32
    %dma_start3A_405 = tpu.memref_slice %arg7[%dma_start3A_404] : memref<25600xi32, #tpu.memory_space<vmem>> -> memref<512xi32, #tpu.memory_space<vmem>>
    %dma_start3A_406 = tpu.memref_slice %arg3[%add3A_403] : memref<819200xi32, #tpu.memory_space<hbm>> -> memref<512xi32, #tpu.memory_space<hbm>>
    %dma_start3A_407 = arith.constant 12800 : i32
    %dma_start3A_408 = tpu.memref_slice %arg7[%dma_start3A_407] : memref<25600xi32, #tpu.memory_space<vmem>> -> memref<512xi32, #tpu.memory_space<vmem>>
    %dma_start3A_409 = tpu.memref_slice %arg3[%add3A_403] : memref<819200xi32, #tpu.memory_space<hbm>> -> memref<512xi32, #tpu.memory_space<hbm>>
    tpu.enqueue_dma source(%dma_start3A_409 : memref<512xi32, #tpu.memory_space<hbm>>) target(%dma_start3A_408 : memref<512xi32, #tpu.memory_space<vmem>>) target_semaphore(%arg12 : memref<!tpu.dma_semaphore, #tpu.memory_space<semaphore_mem>>)
    %add3A_410 = arith.constant 409600 : i32
    %add3A_411 = arith.addi %add3A_410, %mul3A_2 : i32
    %dma_start3A_412 = arith.constant 12800 : i32
    %dma_start3A_413 = tpu.memref_slice %arg8[%dma_start3A_412] : memref<25600xf32, #tpu.memory_space<vmem>> -> memref<512xf32, #tpu.memory_space<vmem>>
    %dma_start3A_414 = tpu.memref_slice %arg4[%add3A_411] : memref<819200xf32, #tpu.memory_space<hbm>> -> memref<512xf32, #tpu.memory_space<hbm>>
    %dma_start3A_415 = arith.constant 12800 : i32
    %dma_start3A_416 = tpu.memref_slice %arg8[%dma_start3A_415] : memref<25600xf32, #tpu.memory_space<vmem>> -> memref<512xf32, #tpu.memory_space<vmem>>
    %dma_start3A_417 = tpu.memref_slice %arg4[%add3A_411] : memref<819200xf32, #tpu.memory_space<hbm>> -> memref<512xf32, #tpu.memory_space<hbm>>
    tpu.enqueue_dma source(%dma_start3A_417 : memref<512xf32, #tpu.memory_space<hbm>>) target(%dma_start3A_416 : memref<512xf32, #tpu.memory_space<vmem>>) target_semaphore(%arg13 : memref<!tpu.dma_semaphore, #tpu.memory_space<semaphore_mem>>)
    %add3A_418 = arith.constant 425984 : i32
    %add3A_419 = arith.addi %add3A_418, %mul3A_2 : i32
    %dma_start3A_420 = arith.constant 13312 : i32
    %dma_start3A_421 = tpu.memref_slice %arg7[%dma_start3A_420] : memref<25600xi32, #tpu.memory_space<vmem>> -> memref<512xi32, #tpu.memory_space<vmem>>
    %dma_start3A_422 = tpu.memref_slice %arg3[%add3A_419] : memref<819200xi32, #tpu.memory_space<hbm>> -> memref<512xi32, #tpu.memory_space<hbm>>
    %dma_start3A_423 = arith.constant 13312 : i32
    %dma_start3A_424 = tpu.memref_slice %arg7[%dma_start3A_423] : memref<25600xi32, #tpu.memory_space<vmem>> -> memref<512xi32, #tpu.memory_space<vmem>>
    %dma_start3A_425 = tpu.memref_slice %arg3[%add3A_419] : memref<819200xi32, #tpu.memory_space<hbm>> -> memref<512xi32, #tpu.memory_space<hbm>>
    tpu.enqueue_dma source(%dma_start3A_425 : memref<512xi32, #tpu.memory_space<hbm>>) target(%dma_start3A_424 : memref<512xi32, #tpu.memory_space<vmem>>) target_semaphore(%arg12 : memref<!tpu.dma_semaphore, #tpu.memory_space<semaphore_mem>>)
    %add3A_426 = arith.constant 425984 : i32
    %add3A_427 = arith.addi %add3A_426, %mul3A_2 : i32
    %dma_start3A_428 = arith.constant 13312 : i32
    %dma_start3A_429 = tpu.memref_slice %arg8[%dma_start3A_428] : memref<25600xf32, #tpu.memory_space<vmem>> -> memref<512xf32, #tpu.memory_space<vmem>>
    %dma_start3A_430 = tpu.memref_slice %arg4[%add3A_427] : memref<819200xf32, #tpu.memory_space<hbm>> -> memref<512xf32, #tpu.memory_space<hbm>>
    %dma_start3A_431 = arith.constant 13312 : i32
    %dma_start3A_432 = tpu.memref_slice %arg8[%dma_start3A_431] : memref<25600xf32, #tpu.memory_space<vmem>> -> memref<512xf32, #tpu.memory_space<vmem>>
    %dma_start3A_433 = tpu.memref_slice %arg4[%add3A_427] : memref<819200xf32, #tpu.memory_space<hbm>> -> memref<512xf32, #tpu.memory_space<hbm>>
    tpu.enqueue_dma source(%dma_start3A_433 : memref<512xf32, #tpu.memory_space<hbm>>) target(%dma_start3A_432 : memref<512xf32, #tpu.memory_space<vmem>>) target_semaphore(%arg13 : memref<!tpu.dma_semaphore, #tpu.memory_space<semaphore_mem>>)
    %add3A_434 = arith.constant 442368 : i32
    %add3A_435 = arith.addi %add3A_434, %mul3A_2 : i32
    %dma_start3A_436 = arith.constant 13824 : i32
    %dma_start3A_437 = tpu.memref_slice %arg7[%dma_start3A_436] : memref<25600xi32, #tpu.memory_space<vmem>> -> memref<512xi32, #tpu.memory_space<vmem>>
    %dma_start3A_438 = tpu.memref_slice %arg3[%add3A_435] : memref<819200xi32, #tpu.memory_space<hbm>> -> memref<512xi32, #tpu.memory_space<hbm>>
    %dma_start3A_439 = arith.constant 13824 : i32
    %dma_start3A_440 = tpu.memref_slice %arg7[%dma_start3A_439] : memref<25600xi32, #tpu.memory_space<vmem>> -> memref<512xi32, #tpu.memory_space<vmem>>
    %dma_start3A_441 = tpu.memref_slice %arg3[%add3A_435] : memref<819200xi32, #tpu.memory_space<hbm>> -> memref<512xi32, #tpu.memory_space<hbm>>
    tpu.enqueue_dma source(%dma_start3A_441 : memref<512xi32, #tpu.memory_space<hbm>>) target(%dma_start3A_440 : memref<512xi32, #tpu.memory_space<vmem>>) target_semaphore(%arg12 : memref<!tpu.dma_semaphore, #tpu.memory_space<semaphore_mem>>)
    %add3A_442 = arith.constant 442368 : i32
    %add3A_443 = arith.addi %add3A_442, %mul3A_2 : i32
    %dma_start3A_444 = arith.constant 13824 : i32
    %dma_start3A_445 = tpu.memref_slice %arg8[%dma_start3A_444] : memref<25600xf32, #tpu.memory_space<vmem>> -> memref<512xf32, #tpu.memory_space<vmem>>
    %dma_start3A_446 = tpu.memref_slice %arg4[%add3A_443] : memref<819200xf32, #tpu.memory_space<hbm>> -> memref<512xf32, #tpu.memory_space<hbm>>
    %dma_start3A_447 = arith.constant 13824 : i32
    %dma_start3A_448 = tpu.memref_slice %arg8[%dma_start3A_447] : memref<25600xf32, #tpu.memory_space<vmem>> -> memref<512xf32, #tpu.memory_space<vmem>>
    %dma_start3A_449 = tpu.memref_slice %arg4[%add3A_443] : memref<819200xf32, #tpu.memory_space<hbm>> -> memref<512xf32, #tpu.memory_space<hbm>>
    tpu.enqueue_dma source(%dma_start3A_449 : memref<512xf32, #tpu.memory_space<hbm>>) target(%dma_start3A_448 : memref<512xf32, #tpu.memory_space<vmem>>) target_semaphore(%arg13 : memref<!tpu.dma_semaphore, #tpu.memory_space<semaphore_mem>>)
    %add3A_450 = arith.constant 458752 : i32
    %add3A_451 = arith.addi %add3A_450, %mul3A_2 : i32
    %dma_start3A_452 = arith.constant 14336 : i32
    %dma_start3A_453 = tpu.memref_slice %arg7[%dma_start3A_452] : memref<25600xi32, #tpu.memory_space<vmem>> -> memref<512xi32, #tpu.memory_space<vmem>>
    %dma_start3A_454 = tpu.memref_slice %arg3[%add3A_451] : memref<819200xi32, #tpu.memory_space<hbm>> -> memref<512xi32, #tpu.memory_space<hbm>>
    %dma_start3A_455 = arith.constant 14336 : i32
    %dma_start3A_456 = tpu.memref_slice %arg7[%dma_start3A_455] : memref<25600xi32, #tpu.memory_space<vmem>> -> memref<512xi32, #tpu.memory_space<vmem>>
    %dma_start3A_457 = tpu.memref_slice %arg3[%add3A_451] : memref<819200xi32, #tpu.memory_space<hbm>> -> memref<512xi32, #tpu.memory_space<hbm>>
    tpu.enqueue_dma source(%dma_start3A_457 : memref<512xi32, #tpu.memory_space<hbm>>) target(%dma_start3A_456 : memref<512xi32, #tpu.memory_space<vmem>>) target_semaphore(%arg12 : memref<!tpu.dma_semaphore, #tpu.memory_space<semaphore_mem>>)
    %add3A_458 = arith.constant 458752 : i32
    %add3A_459 = arith.addi %add3A_458, %mul3A_2 : i32
    %dma_start3A_460 = arith.constant 14336 : i32
    %dma_start3A_461 = tpu.memref_slice %arg8[%dma_start3A_460] : memref<25600xf32, #tpu.memory_space<vmem>> -> memref<512xf32, #tpu.memory_space<vmem>>
    %dma_start3A_462 = tpu.memref_slice %arg4[%add3A_459] : memref<819200xf32, #tpu.memory_space<hbm>> -> memref<512xf32, #tpu.memory_space<hbm>>
    %dma_start3A_463 = arith.constant 14336 : i32
    %dma_start3A_464 = tpu.memref_slice %arg8[%dma_start3A_463] : memref<25600xf32, #tpu.memory_space<vmem>> -> memref<512xf32, #tpu.memory_space<vmem>>
    %dma_start3A_465 = tpu.memref_slice %arg4[%add3A_459] : memref<819200xf32, #tpu.memory_space<hbm>> -> memref<512xf32, #tpu.memory_space<hbm>>
    tpu.enqueue_dma source(%dma_start3A_465 : memref<512xf32, #tpu.memory_space<hbm>>) target(%dma_start3A_464 : memref<512xf32, #tpu.memory_space<vmem>>) target_semaphore(%arg13 : memref<!tpu.dma_semaphore, #tpu.memory_space<semaphore_mem>>)
    %add3A_466 = arith.constant 475136 : i32
    %add3A_467 = arith.addi %add3A_466, %mul3A_2 : i32
    %dma_start3A_468 = arith.constant 14848 : i32
    %dma_start3A_469 = tpu.memref_slice %arg7[%dma_start3A_468] : memref<25600xi32, #tpu.memory_space<vmem>> -> memref<512xi32, #tpu.memory_space<vmem>>
    %dma_start3A_470 = tpu.memref_slice %arg3[%add3A_467] : memref<819200xi32, #tpu.memory_space<hbm>> -> memref<512xi32, #tpu.memory_space<hbm>>
    %dma_start3A_471 = arith.constant 14848 : i32
    %dma_start3A_472 = tpu.memref_slice %arg7[%dma_start3A_471] : memref<25600xi32, #tpu.memory_space<vmem>> -> memref<512xi32, #tpu.memory_space<vmem>>
    %dma_start3A_473 = tpu.memref_slice %arg3[%add3A_467] : memref<819200xi32, #tpu.memory_space<hbm>> -> memref<512xi32, #tpu.memory_space<hbm>>
    tpu.enqueue_dma source(%dma_start3A_473 : memref<512xi32, #tpu.memory_space<hbm>>) target(%dma_start3A_472 : memref<512xi32, #tpu.memory_space<vmem>>) target_semaphore(%arg12 : memref<!tpu.dma_semaphore, #tpu.memory_space<semaphore_mem>>)
    %add3A_474 = arith.constant 475136 : i32
    %add3A_475 = arith.addi %add3A_474, %mul3A_2 : i32
    %dma_start3A_476 = arith.constant 14848 : i32
    %dma_start3A_477 = tpu.memref_slice %arg8[%dma_start3A_476] : memref<25600xf32, #tpu.memory_space<vmem>> -> memref<512xf32, #tpu.memory_space<vmem>>
    %dma_start3A_478 = tpu.memref_slice %arg4[%add3A_475] : memref<819200xf32, #tpu.memory_space<hbm>> -> memref<512xf32, #tpu.memory_space<hbm>>
    %dma_start3A_479 = arith.constant 14848 : i32
    %dma_start3A_480 = tpu.memref_slice %arg8[%dma_start3A_479] : memref<25600xf32, #tpu.memory_space<vmem>> -> memref<512xf32, #tpu.memory_space<vmem>>
    %dma_start3A_481 = tpu.memref_slice %arg4[%add3A_475] : memref<819200xf32, #tpu.memory_space<hbm>> -> memref<512xf32, #tpu.memory_space<hbm>>
    tpu.enqueue_dma source(%dma_start3A_481 : memref<512xf32, #tpu.memory_space<hbm>>) target(%dma_start3A_480 : memref<512xf32, #tpu.memory_space<vmem>>) target_semaphore(%arg13 : memref<!tpu.dma_semaphore, #tpu.memory_space<semaphore_mem>>)
    %add3A_482 = arith.constant 491520 : i32
    %add3A_483 = arith.addi %add3A_482, %mul3A_2 : i32
    %dma_start3A_484 = arith.constant 15360 : i32
    %dma_start3A_485 = tpu.memref_slice %arg7[%dma_start3A_484] : memref<25600xi32, #tpu.memory_space<vmem>> -> memref<512xi32, #tpu.memory_space<vmem>>
    %dma_start3A_486 = tpu.memref_slice %arg3[%add3A_483] : memref<819200xi32, #tpu.memory_space<hbm>> -> memref<512xi32, #tpu.memory_space<hbm>>
    %dma_start3A_487 = arith.constant 15360 : i32
    %dma_start3A_488 = tpu.memref_slice %arg7[%dma_start3A_487] : memref<25600xi32, #tpu.memory_space<vmem>> -> memref<512xi32, #tpu.memory_space<vmem>>
    %dma_start3A_489 = tpu.memref_slice %arg3[%add3A_483] : memref<819200xi32, #tpu.memory_space<hbm>> -> memref<512xi32, #tpu.memory_space<hbm>>
    tpu.enqueue_dma source(%dma_start3A_489 : memref<512xi32, #tpu.memory_space<hbm>>) target(%dma_start3A_488 : memref<512xi32, #tpu.memory_space<vmem>>) target_semaphore(%arg12 : memref<!tpu.dma_semaphore, #tpu.memory_space<semaphore_mem>>)
    %add3A_490 = arith.constant 491520 : i32
    %add3A_491 = arith.addi %add3A_490, %mul3A_2 : i32
    %dma_start3A_492 = arith.constant 15360 : i32
    %dma_start3A_493 = tpu.memref_slice %arg8[%dma_start3A_492] : memref<25600xf32, #tpu.memory_space<vmem>> -> memref<512xf32, #tpu.memory_space<vmem>>
    %dma_start3A_494 = tpu.memref_slice %arg4[%add3A_491] : memref<819200xf32, #tpu.memory_space<hbm>> -> memref<512xf32, #tpu.memory_space<hbm>>
    %dma_start3A_495 = arith.constant 15360 : i32
    %dma_start3A_496 = tpu.memref_slice %arg8[%dma_start3A_495] : memref<25600xf32, #tpu.memory_space<vmem>> -> memref<512xf32, #tpu.memory_space<vmem>>
    %dma_start3A_497 = tpu.memref_slice %arg4[%add3A_491] : memref<819200xf32, #tpu.memory_space<hbm>> -> memref<512xf32, #tpu.memory_space<hbm>>
    tpu.enqueue_dma source(%dma_start3A_497 : memref<512xf32, #tpu.memory_space<hbm>>) target(%dma_start3A_496 : memref<512xf32, #tpu.memory_space<vmem>>) target_semaphore(%arg13 : memref<!tpu.dma_semaphore, #tpu.memory_space<semaphore_mem>>)
    %add3A_498 = arith.constant 507904 : i32
    %add3A_499 = arith.addi %add3A_498, %mul3A_2 : i32
    %dma_start3A_500 = arith.constant 15872 : i32
    %dma_start3A_501 = tpu.memref_slice %arg7[%dma_start3A_500] : memref<25600xi32, #tpu.memory_space<vmem>> -> memref<512xi32, #tpu.memory_space<vmem>>
    %dma_start3A_502 = tpu.memref_slice %arg3[%add3A_499] : memref<819200xi32, #tpu.memory_space<hbm>> -> memref<512xi32, #tpu.memory_space<hbm>>
    %dma_start3A_503 = arith.constant 15872 : i32
    %dma_start3A_504 = tpu.memref_slice %arg7[%dma_start3A_503] : memref<25600xi32, #tpu.memory_space<vmem>> -> memref<512xi32, #tpu.memory_space<vmem>>
    %dma_start3A_505 = tpu.memref_slice %arg3[%add3A_499] : memref<819200xi32, #tpu.memory_space<hbm>> -> memref<512xi32, #tpu.memory_space<hbm>>
    tpu.enqueue_dma source(%dma_start3A_505 : memref<512xi32, #tpu.memory_space<hbm>>) target(%dma_start3A_504 : memref<512xi32, #tpu.memory_space<vmem>>) target_semaphore(%arg12 : memref<!tpu.dma_semaphore, #tpu.memory_space<semaphore_mem>>)
    %add3A_506 = arith.constant 507904 : i32
    %add3A_507 = arith.addi %add3A_506, %mul3A_2 : i32
    %dma_start3A_508 = arith.constant 15872 : i32
    %dma_start3A_509 = tpu.memref_slice %arg8[%dma_start3A_508] : memref<25600xf32, #tpu.memory_space<vmem>> -> memref<512xf32, #tpu.memory_space<vmem>>
    %dma_start3A_510 = tpu.memref_slice %arg4[%add3A_507] : memref<819200xf32, #tpu.memory_space<hbm>> -> memref<512xf32, #tpu.memory_space<hbm>>
    %dma_start3A_511 = arith.constant 15872 : i32
    %dma_start3A_512 = tpu.memref_slice %arg8[%dma_start3A_511] : memref<25600xf32, #tpu.memory_space<vmem>> -> memref<512xf32, #tpu.memory_space<vmem>>
    %dma_start3A_513 = tpu.memref_slice %arg4[%add3A_507] : memref<819200xf32, #tpu.memory_space<hbm>> -> memref<512xf32, #tpu.memory_space<hbm>>
    tpu.enqueue_dma source(%dma_start3A_513 : memref<512xf32, #tpu.memory_space<hbm>>) target(%dma_start3A_512 : memref<512xf32, #tpu.memory_space<vmem>>) target_semaphore(%arg13 : memref<!tpu.dma_semaphore, #tpu.memory_space<semaphore_mem>>)
    %add3A_514 = arith.constant 524288 : i32
    %add3A_515 = arith.addi %add3A_514, %mul3A_2 : i32
    %dma_start3A_516 = arith.constant 16384 : i32
    %dma_start3A_517 = tpu.memref_slice %arg7[%dma_start3A_516] : memref<25600xi32, #tpu.memory_space<vmem>> -> memref<512xi32, #tpu.memory_space<vmem>>
    %dma_start3A_518 = tpu.memref_slice %arg3[%add3A_515] : memref<819200xi32, #tpu.memory_space<hbm>> -> memref<512xi32, #tpu.memory_space<hbm>>
    %dma_start3A_519 = arith.constant 16384 : i32
    %dma_start3A_520 = tpu.memref_slice %arg7[%dma_start3A_519] : memref<25600xi32, #tpu.memory_space<vmem>> -> memref<512xi32, #tpu.memory_space<vmem>>
    %dma_start3A_521 = tpu.memref_slice %arg3[%add3A_515] : memref<819200xi32, #tpu.memory_space<hbm>> -> memref<512xi32, #tpu.memory_space<hbm>>
    tpu.enqueue_dma source(%dma_start3A_521 : memref<512xi32, #tpu.memory_space<hbm>>) target(%dma_start3A_520 : memref<512xi32, #tpu.memory_space<vmem>>) target_semaphore(%arg12 : memref<!tpu.dma_semaphore, #tpu.memory_space<semaphore_mem>>)
    %add3A_522 = arith.constant 524288 : i32
    %add3A_523 = arith.addi %add3A_522, %mul3A_2 : i32
    %dma_start3A_524 = arith.constant 16384 : i32
    %dma_start3A_525 = tpu.memref_slice %arg8[%dma_start3A_524] : memref<25600xf32, #tpu.memory_space<vmem>> -> memref<512xf32, #tpu.memory_space<vmem>>
    %dma_start3A_526 = tpu.memref_slice %arg4[%add3A_523] : memref<819200xf32, #tpu.memory_space<hbm>> -> memref<512xf32, #tpu.memory_space<hbm>>
    %dma_start3A_527 = arith.constant 16384 : i32
    %dma_start3A_528 = tpu.memref_slice %arg8[%dma_start3A_527] : memref<25600xf32, #tpu.memory_space<vmem>> -> memref<512xf32, #tpu.memory_space<vmem>>
    %dma_start3A_529 = tpu.memref_slice %arg4[%add3A_523] : memref<819200xf32, #tpu.memory_space<hbm>> -> memref<512xf32, #tpu.memory_space<hbm>>
    tpu.enqueue_dma source(%dma_start3A_529 : memref<512xf32, #tpu.memory_space<hbm>>) target(%dma_start3A_528 : memref<512xf32, #tpu.memory_space<vmem>>) target_semaphore(%arg13 : memref<!tpu.dma_semaphore, #tpu.memory_space<semaphore_mem>>)
    %add3A_530 = arith.constant 540672 : i32
    %add3A_531 = arith.addi %add3A_530, %mul3A_2 : i32
    %dma_start3A_532 = arith.constant 16896 : i32
    %dma_start3A_533 = tpu.memref_slice %arg7[%dma_start3A_532] : memref<25600xi32, #tpu.memory_space<vmem>> -> memref<512xi32, #tpu.memory_space<vmem>>
    %dma_start3A_534 = tpu.memref_slice %arg3[%add3A_531] : memref<819200xi32, #tpu.memory_space<hbm>> -> memref<512xi32, #tpu.memory_space<hbm>>
    %dma_start3A_535 = arith.constant 16896 : i32
    %dma_start3A_536 = tpu.memref_slice %arg7[%dma_start3A_535] : memref<25600xi32, #tpu.memory_space<vmem>> -> memref<512xi32, #tpu.memory_space<vmem>>
    %dma_start3A_537 = tpu.memref_slice %arg3[%add3A_531] : memref<819200xi32, #tpu.memory_space<hbm>> -> memref<512xi32, #tpu.memory_space<hbm>>
    tpu.enqueue_dma source(%dma_start3A_537 : memref<512xi32, #tpu.memory_space<hbm>>) target(%dma_start3A_536 : memref<512xi32, #tpu.memory_space<vmem>>) target_semaphore(%arg12 : memref<!tpu.dma_semaphore, #tpu.memory_space<semaphore_mem>>)
    %add3A_538 = arith.constant 540672 : i32
    %add3A_539 = arith.addi %add3A_538, %mul3A_2 : i32
    %dma_start3A_540 = arith.constant 16896 : i32
    %dma_start3A_541 = tpu.memref_slice %arg8[%dma_start3A_540] : memref<25600xf32, #tpu.memory_space<vmem>> -> memref<512xf32, #tpu.memory_space<vmem>>
    %dma_start3A_542 = tpu.memref_slice %arg4[%add3A_539] : memref<819200xf32, #tpu.memory_space<hbm>> -> memref<512xf32, #tpu.memory_space<hbm>>
    %dma_start3A_543 = arith.constant 16896 : i32
    %dma_start3A_544 = tpu.memref_slice %arg8[%dma_start3A_543] : memref<25600xf32, #tpu.memory_space<vmem>> -> memref<512xf32, #tpu.memory_space<vmem>>
    %dma_start3A_545 = tpu.memref_slice %arg4[%add3A_539] : memref<819200xf32, #tpu.memory_space<hbm>> -> memref<512xf32, #tpu.memory_space<hbm>>
    tpu.enqueue_dma source(%dma_start3A_545 : memref<512xf32, #tpu.memory_space<hbm>>) target(%dma_start3A_544 : memref<512xf32, #tpu.memory_space<vmem>>) target_semaphore(%arg13 : memref<!tpu.dma_semaphore, #tpu.memory_space<semaphore_mem>>)
    %add3A_546 = arith.constant 557056 : i32
    %add3A_547 = arith.addi %add3A_546, %mul3A_2 : i32
    %dma_start3A_548 = arith.constant 17408 : i32
    %dma_start3A_549 = tpu.memref_slice %arg7[%dma_start3A_548] : memref<25600xi32, #tpu.memory_space<vmem>> -> memref<512xi32, #tpu.memory_space<vmem>>
    %dma_start3A_550 = tpu.memref_slice %arg3[%add3A_547] : memref<819200xi32, #tpu.memory_space<hbm>> -> memref<512xi32, #tpu.memory_space<hbm>>
    %dma_start3A_551 = arith.constant 17408 : i32
    %dma_start3A_552 = tpu.memref_slice %arg7[%dma_start3A_551] : memref<25600xi32, #tpu.memory_space<vmem>> -> memref<512xi32, #tpu.memory_space<vmem>>
    %dma_start3A_553 = tpu.memref_slice %arg3[%add3A_547] : memref<819200xi32, #tpu.memory_space<hbm>> -> memref<512xi32, #tpu.memory_space<hbm>>
    tpu.enqueue_dma source(%dma_start3A_553 : memref<512xi32, #tpu.memory_space<hbm>>) target(%dma_start3A_552 : memref<512xi32, #tpu.memory_space<vmem>>) target_semaphore(%arg12 : memref<!tpu.dma_semaphore, #tpu.memory_space<semaphore_mem>>)
    %add3A_554 = arith.constant 557056 : i32
    %add3A_555 = arith.addi %add3A_554, %mul3A_2 : i32
    %dma_start3A_556 = arith.constant 17408 : i32
    %dma_start3A_557 = tpu.memref_slice %arg8[%dma_start3A_556] : memref<25600xf32, #tpu.memory_space<vmem>> -> memref<512xf32, #tpu.memory_space<vmem>>
    %dma_start3A_558 = tpu.memref_slice %arg4[%add3A_555] : memref<819200xf32, #tpu.memory_space<hbm>> -> memref<512xf32, #tpu.memory_space<hbm>>
    %dma_start3A_559 = arith.constant 17408 : i32
    %dma_start3A_560 = tpu.memref_slice %arg8[%dma_start3A_559] : memref<25600xf32, #tpu.memory_space<vmem>> -> memref<512xf32, #tpu.memory_space<vmem>>
    %dma_start3A_561 = tpu.memref_slice %arg4[%add3A_555] : memref<819200xf32, #tpu.memory_space<hbm>> -> memref<512xf32, #tpu.memory_space<hbm>>
    tpu.enqueue_dma source(%dma_start3A_561 : memref<512xf32, #tpu.memory_space<hbm>>) target(%dma_start3A_560 : memref<512xf32, #tpu.memory_space<vmem>>) target_semaphore(%arg13 : memref<!tpu.dma_semaphore, #tpu.memory_space<semaphore_mem>>)
    %add3A_562 = arith.constant 573440 : i32
    %add3A_563 = arith.addi %add3A_562, %mul3A_2 : i32
    %dma_start3A_564 = arith.constant 17920 : i32
    %dma_start3A_565 = tpu.memref_slice %arg7[%dma_start3A_564] : memref<25600xi32, #tpu.memory_space<vmem>> -> memref<512xi32, #tpu.memory_space<vmem>>
    %dma_start3A_566 = tpu.memref_slice %arg3[%add3A_563] : memref<819200xi32, #tpu.memory_space<hbm>> -> memref<512xi32, #tpu.memory_space<hbm>>
    %dma_start3A_567 = arith.constant 17920 : i32
    %dma_start3A_568 = tpu.memref_slice %arg7[%dma_start3A_567] : memref<25600xi32, #tpu.memory_space<vmem>> -> memref<512xi32, #tpu.memory_space<vmem>>
    %dma_start3A_569 = tpu.memref_slice %arg3[%add3A_563] : memref<819200xi32, #tpu.memory_space<hbm>> -> memref<512xi32, #tpu.memory_space<hbm>>
    tpu.enqueue_dma source(%dma_start3A_569 : memref<512xi32, #tpu.memory_space<hbm>>) target(%dma_start3A_568 : memref<512xi32, #tpu.memory_space<vmem>>) target_semaphore(%arg12 : memref<!tpu.dma_semaphore, #tpu.memory_space<semaphore_mem>>)
    %add3A_570 = arith.constant 573440 : i32
    %add3A_571 = arith.addi %add3A_570, %mul3A_2 : i32
    %dma_start3A_572 = arith.constant 17920 : i32
    %dma_start3A_573 = tpu.memref_slice %arg8[%dma_start3A_572] : memref<25600xf32, #tpu.memory_space<vmem>> -> memref<512xf32, #tpu.memory_space<vmem>>
    %dma_start3A_574 = tpu.memref_slice %arg4[%add3A_571] : memref<819200xf32, #tpu.memory_space<hbm>> -> memref<512xf32, #tpu.memory_space<hbm>>
    %dma_start3A_575 = arith.constant 17920 : i32
    %dma_start3A_576 = tpu.memref_slice %arg8[%dma_start3A_575] : memref<25600xf32, #tpu.memory_space<vmem>> -> memref<512xf32, #tpu.memory_space<vmem>>
    %dma_start3A_577 = tpu.memref_slice %arg4[%add3A_571] : memref<819200xf32, #tpu.memory_space<hbm>> -> memref<512xf32, #tpu.memory_space<hbm>>
    tpu.enqueue_dma source(%dma_start3A_577 : memref<512xf32, #tpu.memory_space<hbm>>) target(%dma_start3A_576 : memref<512xf32, #tpu.memory_space<vmem>>) target_semaphore(%arg13 : memref<!tpu.dma_semaphore, #tpu.memory_space<semaphore_mem>>)
    %add3A_578 = arith.constant 589824 : i32
    %add3A_579 = arith.addi %add3A_578, %mul3A_2 : i32
    %dma_start3A_580 = arith.constant 18432 : i32
    %dma_start3A_581 = tpu.memref_slice %arg7[%dma_start3A_580] : memref<25600xi32, #tpu.memory_space<vmem>> -> memref<512xi32, #tpu.memory_space<vmem>>
    %dma_start3A_582 = tpu.memref_slice %arg3[%add3A_579] : memref<819200xi32, #tpu.memory_space<hbm>> -> memref<512xi32, #tpu.memory_space<hbm>>
    %dma_start3A_583 = arith.constant 18432 : i32
    %dma_start3A_584 = tpu.memref_slice %arg7[%dma_start3A_583] : memref<25600xi32, #tpu.memory_space<vmem>> -> memref<512xi32, #tpu.memory_space<vmem>>
    %dma_start3A_585 = tpu.memref_slice %arg3[%add3A_579] : memref<819200xi32, #tpu.memory_space<hbm>> -> memref<512xi32, #tpu.memory_space<hbm>>
    tpu.enqueue_dma source(%dma_start3A_585 : memref<512xi32, #tpu.memory_space<hbm>>) target(%dma_start3A_584 : memref<512xi32, #tpu.memory_space<vmem>>) target_semaphore(%arg12 : memref<!tpu.dma_semaphore, #tpu.memory_space<semaphore_mem>>)
    %add3A_586 = arith.constant 589824 : i32
    %add3A_587 = arith.addi %add3A_586, %mul3A_2 : i32
    %dma_start3A_588 = arith.constant 18432 : i32
    %dma_start3A_589 = tpu.memref_slice %arg8[%dma_start3A_588] : memref<25600xf32, #tpu.memory_space<vmem>> -> memref<512xf32, #tpu.memory_space<vmem>>
    %dma_start3A_590 = tpu.memref_slice %arg4[%add3A_587] : memref<819200xf32, #tpu.memory_space<hbm>> -> memref<512xf32, #tpu.memory_space<hbm>>
    %dma_start3A_591 = arith.constant 18432 : i32
    %dma_start3A_592 = tpu.memref_slice %arg8[%dma_start3A_591] : memref<25600xf32, #tpu.memory_space<vmem>> -> memref<512xf32, #tpu.memory_space<vmem>>
    %dma_start3A_593 = tpu.memref_slice %arg4[%add3A_587] : memref<819200xf32, #tpu.memory_space<hbm>> -> memref<512xf32, #tpu.memory_space<hbm>>
    tpu.enqueue_dma source(%dma_start3A_593 : memref<512xf32, #tpu.memory_space<hbm>>) target(%dma_start3A_592 : memref<512xf32, #tpu.memory_space<vmem>>) target_semaphore(%arg13 : memref<!tpu.dma_semaphore, #tpu.memory_space<semaphore_mem>>)
    %add3A_594 = arith.constant 606208 : i32
    %add3A_595 = arith.addi %add3A_594, %mul3A_2 : i32
    %dma_start3A_596 = arith.constant 18944 : i32
    %dma_start3A_597 = tpu.memref_slice %arg7[%dma_start3A_596] : memref<25600xi32, #tpu.memory_space<vmem>> -> memref<512xi32, #tpu.memory_space<vmem>>
    %dma_start3A_598 = tpu.memref_slice %arg3[%add3A_595] : memref<819200xi32, #tpu.memory_space<hbm>> -> memref<512xi32, #tpu.memory_space<hbm>>
    %dma_start3A_599 = arith.constant 18944 : i32
    %dma_start3A_600 = tpu.memref_slice %arg7[%dma_start3A_599] : memref<25600xi32, #tpu.memory_space<vmem>> -> memref<512xi32, #tpu.memory_space<vmem>>
    %dma_start3A_601 = tpu.memref_slice %arg3[%add3A_595] : memref<819200xi32, #tpu.memory_space<hbm>> -> memref<512xi32, #tpu.memory_space<hbm>>
    tpu.enqueue_dma source(%dma_start3A_601 : memref<512xi32, #tpu.memory_space<hbm>>) target(%dma_start3A_600 : memref<512xi32, #tpu.memory_space<vmem>>) target_semaphore(%arg12 : memref<!tpu.dma_semaphore, #tpu.memory_space<semaphore_mem>>)
    %add3A_602 = arith.constant 606208 : i32
    %add3A_603 = arith.addi %add3A_602, %mul3A_2 : i32
    %dma_start3A_604 = arith.constant 18944 : i32
    %dma_start3A_605 = tpu.memref_slice %arg8[%dma_start3A_604] : memref<25600xf32, #tpu.memory_space<vmem>> -> memref<512xf32, #tpu.memory_space<vmem>>
    %dma_start3A_606 = tpu.memref_slice %arg4[%add3A_603] : memref<819200xf32, #tpu.memory_space<hbm>> -> memref<512xf32, #tpu.memory_space<hbm>>
    %dma_start3A_607 = arith.constant 18944 : i32
    %dma_start3A_608 = tpu.memref_slice %arg8[%dma_start3A_607] : memref<25600xf32, #tpu.memory_space<vmem>> -> memref<512xf32, #tpu.memory_space<vmem>>
    %dma_start3A_609 = tpu.memref_slice %arg4[%add3A_603] : memref<819200xf32, #tpu.memory_space<hbm>> -> memref<512xf32, #tpu.memory_space<hbm>>
    tpu.enqueue_dma source(%dma_start3A_609 : memref<512xf32, #tpu.memory_space<hbm>>) target(%dma_start3A_608 : memref<512xf32, #tpu.memory_space<vmem>>) target_semaphore(%arg13 : memref<!tpu.dma_semaphore, #tpu.memory_space<semaphore_mem>>)
    %add3A_610 = arith.constant 622592 : i32
    %add3A_611 = arith.addi %add3A_610, %mul3A_2 : i32
    %dma_start3A_612 = arith.constant 19456 : i32
    %dma_start3A_613 = tpu.memref_slice %arg7[%dma_start3A_612] : memref<25600xi32, #tpu.memory_space<vmem>> -> memref<512xi32, #tpu.memory_space<vmem>>
    %dma_start3A_614 = tpu.memref_slice %arg3[%add3A_611] : memref<819200xi32, #tpu.memory_space<hbm>> -> memref<512xi32, #tpu.memory_space<hbm>>
    %dma_start3A_615 = arith.constant 19456 : i32
    %dma_start3A_616 = tpu.memref_slice %arg7[%dma_start3A_615] : memref<25600xi32, #tpu.memory_space<vmem>> -> memref<512xi32, #tpu.memory_space<vmem>>
    %dma_start3A_617 = tpu.memref_slice %arg3[%add3A_611] : memref<819200xi32, #tpu.memory_space<hbm>> -> memref<512xi32, #tpu.memory_space<hbm>>
    tpu.enqueue_dma source(%dma_start3A_617 : memref<512xi32, #tpu.memory_space<hbm>>) target(%dma_start3A_616 : memref<512xi32, #tpu.memory_space<vmem>>) target_semaphore(%arg12 : memref<!tpu.dma_semaphore, #tpu.memory_space<semaphore_mem>>)
    %add3A_618 = arith.constant 622592 : i32
    %add3A_619 = arith.addi %add3A_618, %mul3A_2 : i32
    %dma_start3A_620 = arith.constant 19456 : i32
    %dma_start3A_621 = tpu.memref_slice %arg8[%dma_start3A_620] : memref<25600xf32, #tpu.memory_space<vmem>> -> memref<512xf32, #tpu.memory_space<vmem>>
    %dma_start3A_622 = tpu.memref_slice %arg4[%add3A_619] : memref<819200xf32, #tpu.memory_space<hbm>> -> memref<512xf32, #tpu.memory_space<hbm>>
    %dma_start3A_623 = arith.constant 19456 : i32
    %dma_start3A_624 = tpu.memref_slice %arg8[%dma_start3A_623] : memref<25600xf32, #tpu.memory_space<vmem>> -> memref<512xf32, #tpu.memory_space<vmem>>
    %dma_start3A_625 = tpu.memref_slice %arg4[%add3A_619] : memref<819200xf32, #tpu.memory_space<hbm>> -> memref<512xf32, #tpu.memory_space<hbm>>
    tpu.enqueue_dma source(%dma_start3A_625 : memref<512xf32, #tpu.memory_space<hbm>>) target(%dma_start3A_624 : memref<512xf32, #tpu.memory_space<vmem>>) target_semaphore(%arg13 : memref<!tpu.dma_semaphore, #tpu.memory_space<semaphore_mem>>)
    %add3A_626 = arith.constant 638976 : i32
    %add3A_627 = arith.addi %add3A_626, %mul3A_2 : i32
    %dma_start3A_628 = arith.constant 19968 : i32
    %dma_start3A_629 = tpu.memref_slice %arg7[%dma_start3A_628] : memref<25600xi32, #tpu.memory_space<vmem>> -> memref<512xi32, #tpu.memory_space<vmem>>
    %dma_start3A_630 = tpu.memref_slice %arg3[%add3A_627] : memref<819200xi32, #tpu.memory_space<hbm>> -> memref<512xi32, #tpu.memory_space<hbm>>
    %dma_start3A_631 = arith.constant 19968 : i32
    %dma_start3A_632 = tpu.memref_slice %arg7[%dma_start3A_631] : memref<25600xi32, #tpu.memory_space<vmem>> -> memref<512xi32, #tpu.memory_space<vmem>>
    %dma_start3A_633 = tpu.memref_slice %arg3[%add3A_627] : memref<819200xi32, #tpu.memory_space<hbm>> -> memref<512xi32, #tpu.memory_space<hbm>>
    tpu.enqueue_dma source(%dma_start3A_633 : memref<512xi32, #tpu.memory_space<hbm>>) target(%dma_start3A_632 : memref<512xi32, #tpu.memory_space<vmem>>) target_semaphore(%arg12 : memref<!tpu.dma_semaphore, #tpu.memory_space<semaphore_mem>>)
    %add3A_634 = arith.constant 638976 : i32
    %add3A_635 = arith.addi %add3A_634, %mul3A_2 : i32
    %dma_start3A_636 = arith.constant 19968 : i32
    %dma_start3A_637 = tpu.memref_slice %arg8[%dma_start3A_636] : memref<25600xf32, #tpu.memory_space<vmem>> -> memref<512xf32, #tpu.memory_space<vmem>>
    %dma_start3A_638 = tpu.memref_slice %arg4[%add3A_635] : memref<819200xf32, #tpu.memory_space<hbm>> -> memref<512xf32, #tpu.memory_space<hbm>>
    %dma_start3A_639 = arith.constant 19968 : i32
    %dma_start3A_640 = tpu.memref_slice %arg8[%dma_start3A_639] : memref<25600xf32, #tpu.memory_space<vmem>> -> memref<512xf32, #tpu.memory_space<vmem>>
    %dma_start3A_641 = tpu.memref_slice %arg4[%add3A_635] : memref<819200xf32, #tpu.memory_space<hbm>> -> memref<512xf32, #tpu.memory_space<hbm>>
    tpu.enqueue_dma source(%dma_start3A_641 : memref<512xf32, #tpu.memory_space<hbm>>) target(%dma_start3A_640 : memref<512xf32, #tpu.memory_space<vmem>>) target_semaphore(%arg13 : memref<!tpu.dma_semaphore, #tpu.memory_space<semaphore_mem>>)
    %add3A_642 = arith.constant 655360 : i32
    %add3A_643 = arith.addi %add3A_642, %mul3A_2 : i32
    %dma_start3A_644 = arith.constant 20480 : i32
    %dma_start3A_645 = tpu.memref_slice %arg7[%dma_start3A_644] : memref<25600xi32, #tpu.memory_space<vmem>> -> memref<512xi32, #tpu.memory_space<vmem>>
    %dma_start3A_646 = tpu.memref_slice %arg3[%add3A_643] : memref<819200xi32, #tpu.memory_space<hbm>> -> memref<512xi32, #tpu.memory_space<hbm>>
    %dma_start3A_647 = arith.constant 20480 : i32
    %dma_start3A_648 = tpu.memref_slice %arg7[%dma_start3A_647] : memref<25600xi32, #tpu.memory_space<vmem>> -> memref<512xi32, #tpu.memory_space<vmem>>
    %dma_start3A_649 = tpu.memref_slice %arg3[%add3A_643] : memref<819200xi32, #tpu.memory_space<hbm>> -> memref<512xi32, #tpu.memory_space<hbm>>
    tpu.enqueue_dma source(%dma_start3A_649 : memref<512xi32, #tpu.memory_space<hbm>>) target(%dma_start3A_648 : memref<512xi32, #tpu.memory_space<vmem>>) target_semaphore(%arg12 : memref<!tpu.dma_semaphore, #tpu.memory_space<semaphore_mem>>)
    %add3A_650 = arith.constant 655360 : i32
    %add3A_651 = arith.addi %add3A_650, %mul3A_2 : i32
    %dma_start3A_652 = arith.constant 20480 : i32
    %dma_start3A_653 = tpu.memref_slice %arg8[%dma_start3A_652] : memref<25600xf32, #tpu.memory_space<vmem>> -> memref<512xf32, #tpu.memory_space<vmem>>
    %dma_start3A_654 = tpu.memref_slice %arg4[%add3A_651] : memref<819200xf32, #tpu.memory_space<hbm>> -> memref<512xf32, #tpu.memory_space<hbm>>
    %dma_start3A_655 = arith.constant 20480 : i32
    %dma_start3A_656 = tpu.memref_slice %arg8[%dma_start3A_655] : memref<25600xf32, #tpu.memory_space<vmem>> -> memref<512xf32, #tpu.memory_space<vmem>>
    %dma_start3A_657 = tpu.memref_slice %arg4[%add3A_651] : memref<819200xf32, #tpu.memory_space<hbm>> -> memref<512xf32, #tpu.memory_space<hbm>>
    tpu.enqueue_dma source(%dma_start3A_657 : memref<512xf32, #tpu.memory_space<hbm>>) target(%dma_start3A_656 : memref<512xf32, #tpu.memory_space<vmem>>) target_semaphore(%arg13 : memref<!tpu.dma_semaphore, #tpu.memory_space<semaphore_mem>>)
    %add3A_658 = arith.constant 671744 : i32
    %add3A_659 = arith.addi %add3A_658, %mul3A_2 : i32
    %dma_start3A_660 = arith.constant 20992 : i32
    %dma_start3A_661 = tpu.memref_slice %arg7[%dma_start3A_660] : memref<25600xi32, #tpu.memory_space<vmem>> -> memref<512xi32, #tpu.memory_space<vmem>>
    %dma_start3A_662 = tpu.memref_slice %arg3[%add3A_659] : memref<819200xi32, #tpu.memory_space<hbm>> -> memref<512xi32, #tpu.memory_space<hbm>>
    %dma_start3A_663 = arith.constant 20992 : i32
    %dma_start3A_664 = tpu.memref_slice %arg7[%dma_start3A_663] : memref<25600xi32, #tpu.memory_space<vmem>> -> memref<512xi32, #tpu.memory_space<vmem>>
    %dma_start3A_665 = tpu.memref_slice %arg3[%add3A_659] : memref<819200xi32, #tpu.memory_space<hbm>> -> memref<512xi32, #tpu.memory_space<hbm>>
    tpu.enqueue_dma source(%dma_start3A_665 : memref<512xi32, #tpu.memory_space<hbm>>) target(%dma_start3A_664 : memref<512xi32, #tpu.memory_space<vmem>>) target_semaphore(%arg12 : memref<!tpu.dma_semaphore, #tpu.memory_space<semaphore_mem>>)
    %add3A_666 = arith.constant 671744 : i32
    %add3A_667 = arith.addi %add3A_666, %mul3A_2 : i32
    %dma_start3A_668 = arith.constant 20992 : i32
    %dma_start3A_669 = tpu.memref_slice %arg8[%dma_start3A_668] : memref<25600xf32, #tpu.memory_space<vmem>> -> memref<512xf32, #tpu.memory_space<vmem>>
    %dma_start3A_670 = tpu.memref_slice %arg4[%add3A_667] : memref<819200xf32, #tpu.memory_space<hbm>> -> memref<512xf32, #tpu.memory_space<hbm>>
    %dma_start3A_671 = arith.constant 20992 : i32
    %dma_start3A_672 = tpu.memref_slice %arg8[%dma_start3A_671] : memref<25600xf32, #tpu.memory_space<vmem>> -> memref<512xf32, #tpu.memory_space<vmem>>
    %dma_start3A_673 = tpu.memref_slice %arg4[%add3A_667] : memref<819200xf32, #tpu.memory_space<hbm>> -> memref<512xf32, #tpu.memory_space<hbm>>
    tpu.enqueue_dma source(%dma_start3A_673 : memref<512xf32, #tpu.memory_space<hbm>>) target(%dma_start3A_672 : memref<512xf32, #tpu.memory_space<vmem>>) target_semaphore(%arg13 : memref<!tpu.dma_semaphore, #tpu.memory_space<semaphore_mem>>)
    %add3A_674 = arith.constant 688128 : i32
    %add3A_675 = arith.addi %add3A_674, %mul3A_2 : i32
    %dma_start3A_676 = arith.constant 21504 : i32
    %dma_start3A_677 = tpu.memref_slice %arg7[%dma_start3A_676] : memref<25600xi32, #tpu.memory_space<vmem>> -> memref<512xi32, #tpu.memory_space<vmem>>
    %dma_start3A_678 = tpu.memref_slice %arg3[%add3A_675] : memref<819200xi32, #tpu.memory_space<hbm>> -> memref<512xi32, #tpu.memory_space<hbm>>
    %dma_start3A_679 = arith.constant 21504 : i32
    %dma_start3A_680 = tpu.memref_slice %arg7[%dma_start3A_679] : memref<25600xi32, #tpu.memory_space<vmem>> -> memref<512xi32, #tpu.memory_space<vmem>>
    %dma_start3A_681 = tpu.memref_slice %arg3[%add3A_675] : memref<819200xi32, #tpu.memory_space<hbm>> -> memref<512xi32, #tpu.memory_space<hbm>>
    tpu.enqueue_dma source(%dma_start3A_681 : memref<512xi32, #tpu.memory_space<hbm>>) target(%dma_start3A_680 : memref<512xi32, #tpu.memory_space<vmem>>) target_semaphore(%arg12 : memref<!tpu.dma_semaphore, #tpu.memory_space<semaphore_mem>>)
    %add3A_682 = arith.constant 688128 : i32
    %add3A_683 = arith.addi %add3A_682, %mul3A_2 : i32
    %dma_start3A_684 = arith.constant 21504 : i32
    %dma_start3A_685 = tpu.memref_slice %arg8[%dma_start3A_684] : memref<25600xf32, #tpu.memory_space<vmem>> -> memref<512xf32, #tpu.memory_space<vmem>>
    %dma_start3A_686 = tpu.memref_slice %arg4[%add3A_683] : memref<819200xf32, #tpu.memory_space<hbm>> -> memref<512xf32, #tpu.memory_space<hbm>>
    %dma_start3A_687 = arith.constant 21504 : i32
    %dma_start3A_688 = tpu.memref_slice %arg8[%dma_start3A_687] : memref<25600xf32, #tpu.memory_space<vmem>> -> memref<512xf32, #tpu.memory_space<vmem>>
    %dma_start3A_689 = tpu.memref_slice %arg4[%add3A_683] : memref<819200xf32, #tpu.memory_space<hbm>> -> memref<512xf32, #tpu.memory_space<hbm>>
    tpu.enqueue_dma source(%dma_start3A_689 : memref<512xf32, #tpu.memory_space<hbm>>) target(%dma_start3A_688 : memref<512xf32, #tpu.memory_space<vmem>>) target_semaphore(%arg13 : memref<!tpu.dma_semaphore, #tpu.memory_space<semaphore_mem>>)
    %add3A_690 = arith.constant 704512 : i32
    %add3A_691 = arith.addi %add3A_690, %mul3A_2 : i32
    %dma_start3A_692 = arith.constant 22016 : i32
    %dma_start3A_693 = tpu.memref_slice %arg7[%dma_start3A_692] : memref<25600xi32, #tpu.memory_space<vmem>> -> memref<512xi32, #tpu.memory_space<vmem>>
    %dma_start3A_694 = tpu.memref_slice %arg3[%add3A_691] : memref<819200xi32, #tpu.memory_space<hbm>> -> memref<512xi32, #tpu.memory_space<hbm>>
    %dma_start3A_695 = arith.constant 22016 : i32
    %dma_start3A_696 = tpu.memref_slice %arg7[%dma_start3A_695] : memref<25600xi32, #tpu.memory_space<vmem>> -> memref<512xi32, #tpu.memory_space<vmem>>
    %dma_start3A_697 = tpu.memref_slice %arg3[%add3A_691] : memref<819200xi32, #tpu.memory_space<hbm>> -> memref<512xi32, #tpu.memory_space<hbm>>
    tpu.enqueue_dma source(%dma_start3A_697 : memref<512xi32, #tpu.memory_space<hbm>>) target(%dma_start3A_696 : memref<512xi32, #tpu.memory_space<vmem>>) target_semaphore(%arg12 : memref<!tpu.dma_semaphore, #tpu.memory_space<semaphore_mem>>)
    %add3A_698 = arith.constant 704512 : i32
    %add3A_699 = arith.addi %add3A_698, %mul3A_2 : i32
    %dma_start3A_700 = arith.constant 22016 : i32
    %dma_start3A_701 = tpu.memref_slice %arg8[%dma_start3A_700] : memref<25600xf32, #tpu.memory_space<vmem>> -> memref<512xf32, #tpu.memory_space<vmem>>
    %dma_start3A_702 = tpu.memref_slice %arg4[%add3A_699] : memref<819200xf32, #tpu.memory_space<hbm>> -> memref<512xf32, #tpu.memory_space<hbm>>
    %dma_start3A_703 = arith.constant 22016 : i32
    %dma_start3A_704 = tpu.memref_slice %arg8[%dma_start3A_703] : memref<25600xf32, #tpu.memory_space<vmem>> -> memref<512xf32, #tpu.memory_space<vmem>>
    %dma_start3A_705 = tpu.memref_slice %arg4[%add3A_699] : memref<819200xf32, #tpu.memory_space<hbm>> -> memref<512xf32, #tpu.memory_space<hbm>>
    tpu.enqueue_dma source(%dma_start3A_705 : memref<512xf32, #tpu.memory_space<hbm>>) target(%dma_start3A_704 : memref<512xf32, #tpu.memory_space<vmem>>) target_semaphore(%arg13 : memref<!tpu.dma_semaphore, #tpu.memory_space<semaphore_mem>>)
    %add3A_706 = arith.constant 720896 : i32
    %add3A_707 = arith.addi %add3A_706, %mul3A_2 : i32
    %dma_start3A_708 = arith.constant 22528 : i32
    %dma_start3A_709 = tpu.memref_slice %arg7[%dma_start3A_708] : memref<25600xi32, #tpu.memory_space<vmem>> -> memref<512xi32, #tpu.memory_space<vmem>>
    %dma_start3A_710 = tpu.memref_slice %arg3[%add3A_707] : memref<819200xi32, #tpu.memory_space<hbm>> -> memref<512xi32, #tpu.memory_space<hbm>>
    %dma_start3A_711 = arith.constant 22528 : i32
    %dma_start3A_712 = tpu.memref_slice %arg7[%dma_start3A_711] : memref<25600xi32, #tpu.memory_space<vmem>> -> memref<512xi32, #tpu.memory_space<vmem>>
    %dma_start3A_713 = tpu.memref_slice %arg3[%add3A_707] : memref<819200xi32, #tpu.memory_space<hbm>> -> memref<512xi32, #tpu.memory_space<hbm>>
    tpu.enqueue_dma source(%dma_start3A_713 : memref<512xi32, #tpu.memory_space<hbm>>) target(%dma_start3A_712 : memref<512xi32, #tpu.memory_space<vmem>>) target_semaphore(%arg12 : memref<!tpu.dma_semaphore, #tpu.memory_space<semaphore_mem>>)
    %add3A_714 = arith.constant 720896 : i32
    %add3A_715 = arith.addi %add3A_714, %mul3A_2 : i32
    %dma_start3A_716 = arith.constant 22528 : i32
    %dma_start3A_717 = tpu.memref_slice %arg8[%dma_start3A_716] : memref<25600xf32, #tpu.memory_space<vmem>> -> memref<512xf32, #tpu.memory_space<vmem>>
    %dma_start3A_718 = tpu.memref_slice %arg4[%add3A_715] : memref<819200xf32, #tpu.memory_space<hbm>> -> memref<512xf32, #tpu.memory_space<hbm>>
    %dma_start3A_719 = arith.constant 22528 : i32
    %dma_start3A_720 = tpu.memref_slice %arg8[%dma_start3A_719] : memref<25600xf32, #tpu.memory_space<vmem>> -> memref<512xf32, #tpu.memory_space<vmem>>
    %dma_start3A_721 = tpu.memref_slice %arg4[%add3A_715] : memref<819200xf32, #tpu.memory_space<hbm>> -> memref<512xf32, #tpu.memory_space<hbm>>
    tpu.enqueue_dma source(%dma_start3A_721 : memref<512xf32, #tpu.memory_space<hbm>>) target(%dma_start3A_720 : memref<512xf32, #tpu.memory_space<vmem>>) target_semaphore(%arg13 : memref<!tpu.dma_semaphore, #tpu.memory_space<semaphore_mem>>)
    %add3A_722 = arith.constant 737280 : i32
    %add3A_723 = arith.addi %add3A_722, %mul3A_2 : i32
    %dma_start3A_724 = arith.constant 23040 : i32
    %dma_start3A_725 = tpu.memref_slice %arg7[%dma_start3A_724] : memref<25600xi32, #tpu.memory_space<vmem>> -> memref<512xi32, #tpu.memory_space<vmem>>
    %dma_start3A_726 = tpu.memref_slice %arg3[%add3A_723] : memref<819200xi32, #tpu.memory_space<hbm>> -> memref<512xi32, #tpu.memory_space<hbm>>
    %dma_start3A_727 = arith.constant 23040 : i32
    %dma_start3A_728 = tpu.memref_slice %arg7[%dma_start3A_727] : memref<25600xi32, #tpu.memory_space<vmem>> -> memref<512xi32, #tpu.memory_space<vmem>>
    %dma_start3A_729 = tpu.memref_slice %arg3[%add3A_723] : memref<819200xi32, #tpu.memory_space<hbm>> -> memref<512xi32, #tpu.memory_space<hbm>>
    tpu.enqueue_dma source(%dma_start3A_729 : memref<512xi32, #tpu.memory_space<hbm>>) target(%dma_start3A_728 : memref<512xi32, #tpu.memory_space<vmem>>) target_semaphore(%arg12 : memref<!tpu.dma_semaphore, #tpu.memory_space<semaphore_mem>>)
    %add3A_730 = arith.constant 737280 : i32
    %add3A_731 = arith.addi %add3A_730, %mul3A_2 : i32
    %dma_start3A_732 = arith.constant 23040 : i32
    %dma_start3A_733 = tpu.memref_slice %arg8[%dma_start3A_732] : memref<25600xf32, #tpu.memory_space<vmem>> -> memref<512xf32, #tpu.memory_space<vmem>>
    %dma_start3A_734 = tpu.memref_slice %arg4[%add3A_731] : memref<819200xf32, #tpu.memory_space<hbm>> -> memref<512xf32, #tpu.memory_space<hbm>>
    %dma_start3A_735 = arith.constant 23040 : i32
    %dma_start3A_736 = tpu.memref_slice %arg8[%dma_start3A_735] : memref<25600xf32, #tpu.memory_space<vmem>> -> memref<512xf32, #tpu.memory_space<vmem>>
    %dma_start3A_737 = tpu.memref_slice %arg4[%add3A_731] : memref<819200xf32, #tpu.memory_space<hbm>> -> memref<512xf32, #tpu.memory_space<hbm>>
    tpu.enqueue_dma source(%dma_start3A_737 : memref<512xf32, #tpu.memory_space<hbm>>) target(%dma_start3A_736 : memref<512xf32, #tpu.memory_space<vmem>>) target_semaphore(%arg13 : memref<!tpu.dma_semaphore, #tpu.memory_space<semaphore_mem>>)
    %add3A_738 = arith.constant 753664 : i32
    %add3A_739 = arith.addi %add3A_738, %mul3A_2 : i32
    %dma_start3A_740 = arith.constant 23552 : i32
    %dma_start3A_741 = tpu.memref_slice %arg7[%dma_start3A_740] : memref<25600xi32, #tpu.memory_space<vmem>> -> memref<512xi32, #tpu.memory_space<vmem>>
    %dma_start3A_742 = tpu.memref_slice %arg3[%add3A_739] : memref<819200xi32, #tpu.memory_space<hbm>> -> memref<512xi32, #tpu.memory_space<hbm>>
    %dma_start3A_743 = arith.constant 23552 : i32
    %dma_start3A_744 = tpu.memref_slice %arg7[%dma_start3A_743] : memref<25600xi32, #tpu.memory_space<vmem>> -> memref<512xi32, #tpu.memory_space<vmem>>
    %dma_start3A_745 = tpu.memref_slice %arg3[%add3A_739] : memref<819200xi32, #tpu.memory_space<hbm>> -> memref<512xi32, #tpu.memory_space<hbm>>
    tpu.enqueue_dma source(%dma_start3A_745 : memref<512xi32, #tpu.memory_space<hbm>>) target(%dma_start3A_744 : memref<512xi32, #tpu.memory_space<vmem>>) target_semaphore(%arg12 : memref<!tpu.dma_semaphore, #tpu.memory_space<semaphore_mem>>)
    %add3A_746 = arith.constant 753664 : i32
    %add3A_747 = arith.addi %add3A_746, %mul3A_2 : i32
    %dma_start3A_748 = arith.constant 23552 : i32
    %dma_start3A_749 = tpu.memref_slice %arg8[%dma_start3A_748] : memref<25600xf32, #tpu.memory_space<vmem>> -> memref<512xf32, #tpu.memory_space<vmem>>
    %dma_start3A_750 = tpu.memref_slice %arg4[%add3A_747] : memref<819200xf32, #tpu.memory_space<hbm>> -> memref<512xf32, #tpu.memory_space<hbm>>
    %dma_start3A_751 = arith.constant 23552 : i32
    %dma_start3A_752 = tpu.memref_slice %arg8[%dma_start3A_751] : memref<25600xf32, #tpu.memory_space<vmem>> -> memref<512xf32, #tpu.memory_space<vmem>>
    %dma_start3A_753 = tpu.memref_slice %arg4[%add3A_747] : memref<819200xf32, #tpu.memory_space<hbm>> -> memref<512xf32, #tpu.memory_space<hbm>>
    tpu.enqueue_dma source(%dma_start3A_753 : memref<512xf32, #tpu.memory_space<hbm>>) target(%dma_start3A_752 : memref<512xf32, #tpu.memory_space<vmem>>) target_semaphore(%arg13 : memref<!tpu.dma_semaphore, #tpu.memory_space<semaphore_mem>>)
    %add3A_754 = arith.constant 770048 : i32
    %add3A_755 = arith.addi %add3A_754, %mul3A_2 : i32
    %dma_start3A_756 = arith.constant 24064 : i32
    %dma_start3A_757 = tpu.memref_slice %arg7[%dma_start3A_756] : memref<25600xi32, #tpu.memory_space<vmem>> -> memref<512xi32, #tpu.memory_space<vmem>>
    %dma_start3A_758 = tpu.memref_slice %arg3[%add3A_755] : memref<819200xi32, #tpu.memory_space<hbm>> -> memref<512xi32, #tpu.memory_space<hbm>>
    %dma_start3A_759 = arith.constant 24064 : i32
    %dma_start3A_760 = tpu.memref_slice %arg7[%dma_start3A_759] : memref<25600xi32, #tpu.memory_space<vmem>> -> memref<512xi32, #tpu.memory_space<vmem>>
    %dma_start3A_761 = tpu.memref_slice %arg3[%add3A_755] : memref<819200xi32, #tpu.memory_space<hbm>> -> memref<512xi32, #tpu.memory_space<hbm>>
    tpu.enqueue_dma source(%dma_start3A_761 : memref<512xi32, #tpu.memory_space<hbm>>) target(%dma_start3A_760 : memref<512xi32, #tpu.memory_space<vmem>>) target_semaphore(%arg12 : memref<!tpu.dma_semaphore, #tpu.memory_space<semaphore_mem>>)
    %add3A_762 = arith.constant 770048 : i32
    %add3A_763 = arith.addi %add3A_762, %mul3A_2 : i32
    %dma_start3A_764 = arith.constant 24064 : i32
    %dma_start3A_765 = tpu.memref_slice %arg8[%dma_start3A_764] : memref<25600xf32, #tpu.memory_space<vmem>> -> memref<512xf32, #tpu.memory_space<vmem>>
    %dma_start3A_766 = tpu.memref_slice %arg4[%add3A_763] : memref<819200xf32, #tpu.memory_space<hbm>> -> memref<512xf32, #tpu.memory_space<hbm>>
    %dma_start3A_767 = arith.constant 24064 : i32
    %dma_start3A_768 = tpu.memref_slice %arg8[%dma_start3A_767] : memref<25600xf32, #tpu.memory_space<vmem>> -> memref<512xf32, #tpu.memory_space<vmem>>
    %dma_start3A_769 = tpu.memref_slice %arg4[%add3A_763] : memref<819200xf32, #tpu.memory_space<hbm>> -> memref<512xf32, #tpu.memory_space<hbm>>
    tpu.enqueue_dma source(%dma_start3A_769 : memref<512xf32, #tpu.memory_space<hbm>>) target(%dma_start3A_768 : memref<512xf32, #tpu.memory_space<vmem>>) target_semaphore(%arg13 : memref<!tpu.dma_semaphore, #tpu.memory_space<semaphore_mem>>)
    %add3A_770 = arith.constant 786432 : i32
    %add3A_771 = arith.addi %add3A_770, %mul3A_2 : i32
    %dma_start3A_772 = arith.constant 24576 : i32
    %dma_start3A_773 = tpu.memref_slice %arg7[%dma_start3A_772] : memref<25600xi32, #tpu.memory_space<vmem>> -> memref<512xi32, #tpu.memory_space<vmem>>
    %dma_start3A_774 = tpu.memref_slice %arg3[%add3A_771] : memref<819200xi32, #tpu.memory_space<hbm>> -> memref<512xi32, #tpu.memory_space<hbm>>
    %dma_start3A_775 = arith.constant 24576 : i32
    %dma_start3A_776 = tpu.memref_slice %arg7[%dma_start3A_775] : memref<25600xi32, #tpu.memory_space<vmem>> -> memref<512xi32, #tpu.memory_space<vmem>>
    %dma_start3A_777 = tpu.memref_slice %arg3[%add3A_771] : memref<819200xi32, #tpu.memory_space<hbm>> -> memref<512xi32, #tpu.memory_space<hbm>>
    tpu.enqueue_dma source(%dma_start3A_777 : memref<512xi32, #tpu.memory_space<hbm>>) target(%dma_start3A_776 : memref<512xi32, #tpu.memory_space<vmem>>) target_semaphore(%arg12 : memref<!tpu.dma_semaphore, #tpu.memory_space<semaphore_mem>>)
    %add3A_778 = arith.constant 786432 : i32
    %add3A_779 = arith.addi %add3A_778, %mul3A_2 : i32
    %dma_start3A_780 = arith.constant 24576 : i32
    %dma_start3A_781 = tpu.memref_slice %arg8[%dma_start3A_780] : memref<25600xf32, #tpu.memory_space<vmem>> -> memref<512xf32, #tpu.memory_space<vmem>>
    %dma_start3A_782 = tpu.memref_slice %arg4[%add3A_779] : memref<819200xf32, #tpu.memory_space<hbm>> -> memref<512xf32, #tpu.memory_space<hbm>>
    %dma_start3A_783 = arith.constant 24576 : i32
    %dma_start3A_784 = tpu.memref_slice %arg8[%dma_start3A_783] : memref<25600xf32, #tpu.memory_space<vmem>> -> memref<512xf32, #tpu.memory_space<vmem>>
    %dma_start3A_785 = tpu.memref_slice %arg4[%add3A_779] : memref<819200xf32, #tpu.memory_space<hbm>> -> memref<512xf32, #tpu.memory_space<hbm>>
    tpu.enqueue_dma source(%dma_start3A_785 : memref<512xf32, #tpu.memory_space<hbm>>) target(%dma_start3A_784 : memref<512xf32, #tpu.memory_space<vmem>>) target_semaphore(%arg13 : memref<!tpu.dma_semaphore, #tpu.memory_space<semaphore_mem>>)
    %add3A_786 = arith.constant 802816 : i32
    %add3A_787 = arith.addi %add3A_786, %mul3A_2 : i32
    %dma_start3A_788 = arith.constant 25088 : i32
    %dma_start3A_789 = tpu.memref_slice %arg7[%dma_start3A_788] : memref<25600xi32, #tpu.memory_space<vmem>> -> memref<512xi32, #tpu.memory_space<vmem>>
    %dma_start3A_790 = tpu.memref_slice %arg3[%add3A_787] : memref<819200xi32, #tpu.memory_space<hbm>> -> memref<512xi32, #tpu.memory_space<hbm>>
    %dma_start3A_791 = arith.constant 25088 : i32
    %dma_start3A_792 = tpu.memref_slice %arg7[%dma_start3A_791] : memref<25600xi32, #tpu.memory_space<vmem>> -> memref<512xi32, #tpu.memory_space<vmem>>
    %dma_start3A_793 = tpu.memref_slice %arg3[%add3A_787] : memref<819200xi32, #tpu.memory_space<hbm>> -> memref<512xi32, #tpu.memory_space<hbm>>
    tpu.enqueue_dma source(%dma_start3A_793 : memref<512xi32, #tpu.memory_space<hbm>>) target(%dma_start3A_792 : memref<512xi32, #tpu.memory_space<vmem>>) target_semaphore(%arg12 : memref<!tpu.dma_semaphore, #tpu.memory_space<semaphore_mem>>)
    %add3A_794 = arith.constant 802816 : i32
    %add3A_795 = arith.addi %add3A_794, %mul3A_2 : i32
    %dma_start3A_796 = arith.constant 25088 : i32
    %dma_start3A_797 = tpu.memref_slice %arg8[%dma_start3A_796] : memref<25600xf32, #tpu.memory_space<vmem>> -> memref<512xf32, #tpu.memory_space<vmem>>
    %dma_start3A_798 = tpu.memref_slice %arg4[%add3A_795] : memref<819200xf32, #tpu.memory_space<hbm>> -> memref<512xf32, #tpu.memory_space<hbm>>
    %dma_start3A_799 = arith.constant 25088 : i32
    %dma_start3A_800 = tpu.memref_slice %arg8[%dma_start3A_799] : memref<25600xf32, #tpu.memory_space<vmem>> -> memref<512xf32, #tpu.memory_space<vmem>>
    %dma_start3A_801 = tpu.memref_slice %arg4[%add3A_795] : memref<819200xf32, #tpu.memory_space<hbm>> -> memref<512xf32, #tpu.memory_space<hbm>>
    tpu.enqueue_dma source(%dma_start3A_801 : memref<512xf32, #tpu.memory_space<hbm>>) target(%dma_start3A_800 : memref<512xf32, #tpu.memory_space<vmem>>) target_semaphore(%arg13 : memref<!tpu.dma_semaphore, #tpu.memory_space<semaphore_mem>>)
    "tpu.region"() ({
      %run_scoped3A = tpu.sem_alloc : memref<!tpu.dma_semaphore, #tpu.memory_space<semaphore_mem>>
      tpu.enqueue_dma source(%arg5 : memref<16xf32, #tpu.memory_space<hbm>>) target(%arg11 : memref<16xf32, #tpu.memory_space<vmem>>) target_semaphore(%run_scoped3A : memref<!tpu.dma_semaphore, #tpu.memory_space<semaphore_mem>>)
      tpu.wait_dma2 semaphore(%run_scoped3A : memref<!tpu.dma_semaphore, #tpu.memory_space<semaphore_mem>>) src(%arg5 : memref<16xf32, #tpu.memory_space<hbm>>) dst(%arg11 : memref<16xf32, #tpu.memory_space<vmem>>)
      tpu.yield
    }) : () -> ()
    %dma_wait3A = arith.constant 0 : i32
    %dma_wait3A_802 = tpu.memref_slice %arg7[%dma_wait3A] : memref<25600xi32, #tpu.memory_space<vmem>> -> memref<512xi32, #tpu.memory_space<vmem>>
    %dma_wait3A_803 = tpu.memref_slice %arg3[%add3A_4] : memref<819200xi32, #tpu.memory_space<hbm>> -> memref<512xi32, #tpu.memory_space<hbm>>
    %dma_wait3A_804 = arith.constant 0 : i32
    %dma_wait3A_805 = tpu.memref_slice %arg7[%dma_wait3A_804] : memref<25600xi32, #tpu.memory_space<vmem>> -> memref<512xi32, #tpu.memory_space<vmem>>
    %dma_wait3A_806 = tpu.memref_slice %arg3[%add3A_4] : memref<819200xi32, #tpu.memory_space<hbm>> -> memref<512xi32, #tpu.memory_space<hbm>>
    tpu.wait_dma2 semaphore(%arg12 : memref<!tpu.dma_semaphore, #tpu.memory_space<semaphore_mem>>) src(%dma_wait3A_806 : memref<512xi32, #tpu.memory_space<hbm>>) dst(%dma_wait3A_805 : memref<512xi32, #tpu.memory_space<vmem>>)
    %dma_wait3A_807 = arith.constant 512 : i32
    %dma_wait3A_808 = tpu.memref_slice %arg7[%dma_wait3A_807] : memref<25600xi32, #tpu.memory_space<vmem>> -> memref<512xi32, #tpu.memory_space<vmem>>
    %dma_wait3A_809 = tpu.memref_slice %arg3[%add3A_19] : memref<819200xi32, #tpu.memory_space<hbm>> -> memref<512xi32, #tpu.memory_space<hbm>>
    %dma_wait3A_810 = arith.constant 512 : i32
    %dma_wait3A_811 = tpu.memref_slice %arg7[%dma_wait3A_810] : memref<25600xi32, #tpu.memory_space<vmem>> -> memref<512xi32, #tpu.memory_space<vmem>>
    %dma_wait3A_812 = tpu.memref_slice %arg3[%add3A_19] : memref<819200xi32, #tpu.memory_space<hbm>> -> memref<512xi32, #tpu.memory_space<hbm>>
    tpu.wait_dma2 semaphore(%arg12 : memref<!tpu.dma_semaphore, #tpu.memory_space<semaphore_mem>>) src(%dma_wait3A_812 : memref<512xi32, #tpu.memory_space<hbm>>) dst(%dma_wait3A_811 : memref<512xi32, #tpu.memory_space<vmem>>)
    %dma_wait3A_813 = arith.constant 1024 : i32
    %dma_wait3A_814 = tpu.memref_slice %arg7[%dma_wait3A_813] : memref<25600xi32, #tpu.memory_space<vmem>> -> memref<512xi32, #tpu.memory_space<vmem>>
    %dma_wait3A_815 = tpu.memref_slice %arg3[%add3A_35] : memref<819200xi32, #tpu.memory_space<hbm>> -> memref<512xi32, #tpu.memory_space<hbm>>
    %dma_wait3A_816 = arith.constant 1024 : i32
    %dma_wait3A_817 = tpu.memref_slice %arg7[%dma_wait3A_816] : memref<25600xi32, #tpu.memory_space<vmem>> -> memref<512xi32, #tpu.memory_space<vmem>>
    %dma_wait3A_818 = tpu.memref_slice %arg3[%add3A_35] : memref<819200xi32, #tpu.memory_space<hbm>> -> memref<512xi32, #tpu.memory_space<hbm>>
    tpu.wait_dma2 semaphore(%arg12 : memref<!tpu.dma_semaphore, #tpu.memory_space<semaphore_mem>>) src(%dma_wait3A_818 : memref<512xi32, #tpu.memory_space<hbm>>) dst(%dma_wait3A_817 : memref<512xi32, #tpu.memory_space<vmem>>)
    %dma_wait3A_819 = arith.constant 1536 : i32
    %dma_wait3A_820 = tpu.memref_slice %arg7[%dma_wait3A_819] : memref<25600xi32, #tpu.memory_space<vmem>> -> memref<512xi32, #tpu.memory_space<vmem>>
    %dma_wait3A_821 = tpu.memref_slice %arg3[%add3A_51] : memref<819200xi32, #tpu.memory_space<hbm>> -> memref<512xi32, #tpu.memory_space<hbm>>
    %dma_wait3A_822 = arith.constant 1536 : i32
    %dma_wait3A_823 = tpu.memref_slice %arg7[%dma_wait3A_822] : memref<25600xi32, #tpu.memory_space<vmem>> -> memref<512xi32, #tpu.memory_space<vmem>>
    %dma_wait3A_824 = tpu.memref_slice %arg3[%add3A_51] : memref<819200xi32, #tpu.memory_space<hbm>> -> memref<512xi32, #tpu.memory_space<hbm>>
    tpu.wait_dma2 semaphore(%arg12 : memref<!tpu.dma_semaphore, #tpu.memory_space<semaphore_mem>>) src(%dma_wait3A_824 : memref<512xi32, #tpu.memory_space<hbm>>) dst(%dma_wait3A_823 : memref<512xi32, #tpu.memory_space<vmem>>)
    %dma_wait3A_825 = arith.constant 2048 : i32
    %dma_wait3A_826 = tpu.memref_slice %arg7[%dma_wait3A_825] : memref<25600xi32, #tpu.memory_space<vmem>> -> memref<512xi32, #tpu.memory_space<vmem>>
    %dma_wait3A_827 = tpu.memref_slice %arg3[%add3A_67] : memref<819200xi32, #tpu.memory_space<hbm>> -> memref<512xi32, #tpu.memory_space<hbm>>
    %dma_wait3A_828 = arith.constant 2048 : i32
    %dma_wait3A_829 = tpu.memref_slice %arg7[%dma_wait3A_828] : memref<25600xi32, #tpu.memory_space<vmem>> -> memref<512xi32, #tpu.memory_space<vmem>>
    %dma_wait3A_830 = tpu.memref_slice %arg3[%add3A_67] : memref<819200xi32, #tpu.memory_space<hbm>> -> memref<512xi32, #tpu.memory_space<hbm>>
    tpu.wait_dma2 semaphore(%arg12 : memref<!tpu.dma_semaphore, #tpu.memory_space<semaphore_mem>>) src(%dma_wait3A_830 : memref<512xi32, #tpu.memory_space<hbm>>) dst(%dma_wait3A_829 : memref<512xi32, #tpu.memory_space<vmem>>)
    %dma_wait3A_831 = arith.constant 2560 : i32
    %dma_wait3A_832 = tpu.memref_slice %arg7[%dma_wait3A_831] : memref<25600xi32, #tpu.memory_space<vmem>> -> memref<512xi32, #tpu.memory_space<vmem>>
    %dma_wait3A_833 = tpu.memref_slice %arg3[%add3A_83] : memref<819200xi32, #tpu.memory_space<hbm>> -> memref<512xi32, #tpu.memory_space<hbm>>
    %dma_wait3A_834 = arith.constant 2560 : i32
    %dma_wait3A_835 = tpu.memref_slice %arg7[%dma_wait3A_834] : memref<25600xi32, #tpu.memory_space<vmem>> -> memref<512xi32, #tpu.memory_space<vmem>>
    %dma_wait3A_836 = tpu.memref_slice %arg3[%add3A_83] : memref<819200xi32, #tpu.memory_space<hbm>> -> memref<512xi32, #tpu.memory_space<hbm>>
    tpu.wait_dma2 semaphore(%arg12 : memref<!tpu.dma_semaphore, #tpu.memory_space<semaphore_mem>>) src(%dma_wait3A_836 : memref<512xi32, #tpu.memory_space<hbm>>) dst(%dma_wait3A_835 : memref<512xi32, #tpu.memory_space<vmem>>)
    %dma_wait3A_837 = arith.constant 3072 : i32
    %dma_wait3A_838 = tpu.memref_slice %arg7[%dma_wait3A_837] : memref<25600xi32, #tpu.memory_space<vmem>> -> memref<512xi32, #tpu.memory_space<vmem>>
    %dma_wait3A_839 = tpu.memref_slice %arg3[%add3A_99] : memref<819200xi32, #tpu.memory_space<hbm>> -> memref<512xi32, #tpu.memory_space<hbm>>
    %dma_wait3A_840 = arith.constant 3072 : i32
    %dma_wait3A_841 = tpu.memref_slice %arg7[%dma_wait3A_840] : memref<25600xi32, #tpu.memory_space<vmem>> -> memref<512xi32, #tpu.memory_space<vmem>>
    %dma_wait3A_842 = tpu.memref_slice %arg3[%add3A_99] : memref<819200xi32, #tpu.memory_space<hbm>> -> memref<512xi32, #tpu.memory_space<hbm>>
    tpu.wait_dma2 semaphore(%arg12 : memref<!tpu.dma_semaphore, #tpu.memory_space<semaphore_mem>>) src(%dma_wait3A_842 : memref<512xi32, #tpu.memory_space<hbm>>) dst(%dma_wait3A_841 : memref<512xi32, #tpu.memory_space<vmem>>)
    %dma_wait3A_843 = arith.constant 3584 : i32
    %dma_wait3A_844 = tpu.memref_slice %arg7[%dma_wait3A_843] : memref<25600xi32, #tpu.memory_space<vmem>> -> memref<512xi32, #tpu.memory_space<vmem>>
    %dma_wait3A_845 = tpu.memref_slice %arg3[%add3A_115] : memref<819200xi32, #tpu.memory_space<hbm>> -> memref<512xi32, #tpu.memory_space<hbm>>
    %dma_wait3A_846 = arith.constant 3584 : i32
    %dma_wait3A_847 = tpu.memref_slice %arg7[%dma_wait3A_846] : memref<25600xi32, #tpu.memory_space<vmem>> -> memref<512xi32, #tpu.memory_space<vmem>>
    %dma_wait3A_848 = tpu.memref_slice %arg3[%add3A_115] : memref<819200xi32, #tpu.memory_space<hbm>> -> memref<512xi32, #tpu.memory_space<hbm>>
    tpu.wait_dma2 semaphore(%arg12 : memref<!tpu.dma_semaphore, #tpu.memory_space<semaphore_mem>>) src(%dma_wait3A_848 : memref<512xi32, #tpu.memory_space<hbm>>) dst(%dma_wait3A_847 : memref<512xi32, #tpu.memory_space<vmem>>)
    %dma_wait3A_849 = arith.constant 4096 : i32
    %dma_wait3A_850 = tpu.memref_slice %arg7[%dma_wait3A_849] : memref<25600xi32, #tpu.memory_space<vmem>> -> memref<512xi32, #tpu.memory_space<vmem>>
    %dma_wait3A_851 = tpu.memref_slice %arg3[%add3A_131] : memref<819200xi32, #tpu.memory_space<hbm>> -> memref<512xi32, #tpu.memory_space<hbm>>
    %dma_wait3A_852 = arith.constant 4096 : i32
    %dma_wait3A_853 = tpu.memref_slice %arg7[%dma_wait3A_852] : memref<25600xi32, #tpu.memory_space<vmem>> -> memref<512xi32, #tpu.memory_space<vmem>>
    %dma_wait3A_854 = tpu.memref_slice %arg3[%add3A_131] : memref<819200xi32, #tpu.memory_space<hbm>> -> memref<512xi32, #tpu.memory_space<hbm>>
    tpu.wait_dma2 semaphore(%arg12 : memref<!tpu.dma_semaphore, #tpu.memory_space<semaphore_mem>>) src(%dma_wait3A_854 : memref<512xi32, #tpu.memory_space<hbm>>) dst(%dma_wait3A_853 : memref<512xi32, #tpu.memory_space<vmem>>)
    %dma_wait3A_855 = arith.constant 4608 : i32
    %dma_wait3A_856 = tpu.memref_slice %arg7[%dma_wait3A_855] : memref<25600xi32, #tpu.memory_space<vmem>> -> memref<512xi32, #tpu.memory_space<vmem>>
    %dma_wait3A_857 = tpu.memref_slice %arg3[%add3A_147] : memref<819200xi32, #tpu.memory_space<hbm>> -> memref<512xi32, #tpu.memory_space<hbm>>
    %dma_wait3A_858 = arith.constant 4608 : i32
    %dma_wait3A_859 = tpu.memref_slice %arg7[%dma_wait3A_858] : memref<25600xi32, #tpu.memory_space<vmem>> -> memref<512xi32, #tpu.memory_space<vmem>>
    %dma_wait3A_860 = tpu.memref_slice %arg3[%add3A_147] : memref<819200xi32, #tpu.memory_space<hbm>> -> memref<512xi32, #tpu.memory_space<hbm>>
    tpu.wait_dma2 semaphore(%arg12 : memref<!tpu.dma_semaphore, #tpu.memory_space<semaphore_mem>>) src(%dma_wait3A_860 : memref<512xi32, #tpu.memory_space<hbm>>) dst(%dma_wait3A_859 : memref<512xi32, #tpu.memory_space<vmem>>)
    %dma_wait3A_861 = arith.constant 5120 : i32
    %dma_wait3A_862 = tpu.memref_slice %arg7[%dma_wait3A_861] : memref<25600xi32, #tpu.memory_space<vmem>> -> memref<512xi32, #tpu.memory_space<vmem>>
    %dma_wait3A_863 = tpu.memref_slice %arg3[%add3A_163] : memref<819200xi32, #tpu.memory_space<hbm>> -> memref<512xi32, #tpu.memory_space<hbm>>
    %dma_wait3A_864 = arith.constant 5120 : i32
    %dma_wait3A_865 = tpu.memref_slice %arg7[%dma_wait3A_864] : memref<25600xi32, #tpu.memory_space<vmem>> -> memref<512xi32, #tpu.memory_space<vmem>>
    %dma_wait3A_866 = tpu.memref_slice %arg3[%add3A_163] : memref<819200xi32, #tpu.memory_space<hbm>> -> memref<512xi32, #tpu.memory_space<hbm>>
    tpu.wait_dma2 semaphore(%arg12 : memref<!tpu.dma_semaphore, #tpu.memory_space<semaphore_mem>>) src(%dma_wait3A_866 : memref<512xi32, #tpu.memory_space<hbm>>) dst(%dma_wait3A_865 : memref<512xi32, #tpu.memory_space<vmem>>)
    %dma_wait3A_867 = arith.constant 5632 : i32
    %dma_wait3A_868 = tpu.memref_slice %arg7[%dma_wait3A_867] : memref<25600xi32, #tpu.memory_space<vmem>> -> memref<512xi32, #tpu.memory_space<vmem>>
    %dma_wait3A_869 = tpu.memref_slice %arg3[%add3A_179] : memref<819200xi32, #tpu.memory_space<hbm>> -> memref<512xi32, #tpu.memory_space<hbm>>
    %dma_wait3A_870 = arith.constant 5632 : i32
    %dma_wait3A_871 = tpu.memref_slice %arg7[%dma_wait3A_870] : memref<25600xi32, #tpu.memory_space<vmem>> -> memref<512xi32, #tpu.memory_space<vmem>>
    %dma_wait3A_872 = tpu.memref_slice %arg3[%add3A_179] : memref<819200xi32, #tpu.memory_space<hbm>> -> memref<512xi32, #tpu.memory_space<hbm>>
    tpu.wait_dma2 semaphore(%arg12 : memref<!tpu.dma_semaphore, #tpu.memory_space<semaphore_mem>>) src(%dma_wait3A_872 : memref<512xi32, #tpu.memory_space<hbm>>) dst(%dma_wait3A_871 : memref<512xi32, #tpu.memory_space<vmem>>)
    %dma_wait3A_873 = arith.constant 6144 : i32
    %dma_wait3A_874 = tpu.memref_slice %arg7[%dma_wait3A_873] : memref<25600xi32, #tpu.memory_space<vmem>> -> memref<512xi32, #tpu.memory_space<vmem>>
    %dma_wait3A_875 = tpu.memref_slice %arg3[%add3A_195] : memref<819200xi32, #tpu.memory_space<hbm>> -> memref<512xi32, #tpu.memory_space<hbm>>
    %dma_wait3A_876 = arith.constant 6144 : i32
    %dma_wait3A_877 = tpu.memref_slice %arg7[%dma_wait3A_876] : memref<25600xi32, #tpu.memory_space<vmem>> -> memref<512xi32, #tpu.memory_space<vmem>>
    %dma_wait3A_878 = tpu.memref_slice %arg3[%add3A_195] : memref<819200xi32, #tpu.memory_space<hbm>> -> memref<512xi32, #tpu.memory_space<hbm>>
    tpu.wait_dma2 semaphore(%arg12 : memref<!tpu.dma_semaphore, #tpu.memory_space<semaphore_mem>>) src(%dma_wait3A_878 : memref<512xi32, #tpu.memory_space<hbm>>) dst(%dma_wait3A_877 : memref<512xi32, #tpu.memory_space<vmem>>)
    %dma_wait3A_879 = arith.constant 6656 : i32
    %dma_wait3A_880 = tpu.memref_slice %arg7[%dma_wait3A_879] : memref<25600xi32, #tpu.memory_space<vmem>> -> memref<512xi32, #tpu.memory_space<vmem>>
    %dma_wait3A_881 = tpu.memref_slice %arg3[%add3A_211] : memref<819200xi32, #tpu.memory_space<hbm>> -> memref<512xi32, #tpu.memory_space<hbm>>
    %dma_wait3A_882 = arith.constant 6656 : i32
    %dma_wait3A_883 = tpu.memref_slice %arg7[%dma_wait3A_882] : memref<25600xi32, #tpu.memory_space<vmem>> -> memref<512xi32, #tpu.memory_space<vmem>>
    %dma_wait3A_884 = tpu.memref_slice %arg3[%add3A_211] : memref<819200xi32, #tpu.memory_space<hbm>> -> memref<512xi32, #tpu.memory_space<hbm>>
    tpu.wait_dma2 semaphore(%arg12 : memref<!tpu.dma_semaphore, #tpu.memory_space<semaphore_mem>>) src(%dma_wait3A_884 : memref<512xi32, #tpu.memory_space<hbm>>) dst(%dma_wait3A_883 : memref<512xi32, #tpu.memory_space<vmem>>)
    %dma_wait3A_885 = arith.constant 7168 : i32
    %dma_wait3A_886 = tpu.memref_slice %arg7[%dma_wait3A_885] : memref<25600xi32, #tpu.memory_space<vmem>> -> memref<512xi32, #tpu.memory_space<vmem>>
    %dma_wait3A_887 = tpu.memref_slice %arg3[%add3A_227] : memref<819200xi32, #tpu.memory_space<hbm>> -> memref<512xi32, #tpu.memory_space<hbm>>
    %dma_wait3A_888 = arith.constant 7168 : i32
    %dma_wait3A_889 = tpu.memref_slice %arg7[%dma_wait3A_888] : memref<25600xi32, #tpu.memory_space<vmem>> -> memref<512xi32, #tpu.memory_space<vmem>>
    %dma_wait3A_890 = tpu.memref_slice %arg3[%add3A_227] : memref<819200xi32, #tpu.memory_space<hbm>> -> memref<512xi32, #tpu.memory_space<hbm>>
    tpu.wait_dma2 semaphore(%arg12 : memref<!tpu.dma_semaphore, #tpu.memory_space<semaphore_mem>>) src(%dma_wait3A_890 : memref<512xi32, #tpu.memory_space<hbm>>) dst(%dma_wait3A_889 : memref<512xi32, #tpu.memory_space<vmem>>)
    %dma_wait3A_891 = arith.constant 7680 : i32
    %dma_wait3A_892 = tpu.memref_slice %arg7[%dma_wait3A_891] : memref<25600xi32, #tpu.memory_space<vmem>> -> memref<512xi32, #tpu.memory_space<vmem>>
    %dma_wait3A_893 = tpu.memref_slice %arg3[%add3A_243] : memref<819200xi32, #tpu.memory_space<hbm>> -> memref<512xi32, #tpu.memory_space<hbm>>
    %dma_wait3A_894 = arith.constant 7680 : i32
    %dma_wait3A_895 = tpu.memref_slice %arg7[%dma_wait3A_894] : memref<25600xi32, #tpu.memory_space<vmem>> -> memref<512xi32, #tpu.memory_space<vmem>>
    %dma_wait3A_896 = tpu.memref_slice %arg3[%add3A_243] : memref<819200xi32, #tpu.memory_space<hbm>> -> memref<512xi32, #tpu.memory_space<hbm>>
    tpu.wait_dma2 semaphore(%arg12 : memref<!tpu.dma_semaphore, #tpu.memory_space<semaphore_mem>>) src(%dma_wait3A_896 : memref<512xi32, #tpu.memory_space<hbm>>) dst(%dma_wait3A_895 : memref<512xi32, #tpu.memory_space<vmem>>)
    %dma_wait3A_897 = arith.constant 8192 : i32
    %dma_wait3A_898 = tpu.memref_slice %arg7[%dma_wait3A_897] : memref<25600xi32, #tpu.memory_space<vmem>> -> memref<512xi32, #tpu.memory_space<vmem>>
    %dma_wait3A_899 = tpu.memref_slice %arg3[%add3A_259] : memref<819200xi32, #tpu.memory_space<hbm>> -> memref<512xi32, #tpu.memory_space<hbm>>
    %dma_wait3A_900 = arith.constant 8192 : i32
    %dma_wait3A_901 = tpu.memref_slice %arg7[%dma_wait3A_900] : memref<25600xi32, #tpu.memory_space<vmem>> -> memref<512xi32, #tpu.memory_space<vmem>>
    %dma_wait3A_902 = tpu.memref_slice %arg3[%add3A_259] : memref<819200xi32, #tpu.memory_space<hbm>> -> memref<512xi32, #tpu.memory_space<hbm>>
    tpu.wait_dma2 semaphore(%arg12 : memref<!tpu.dma_semaphore, #tpu.memory_space<semaphore_mem>>) src(%dma_wait3A_902 : memref<512xi32, #tpu.memory_space<hbm>>) dst(%dma_wait3A_901 : memref<512xi32, #tpu.memory_space<vmem>>)
    %dma_wait3A_903 = arith.constant 8704 : i32
    %dma_wait3A_904 = tpu.memref_slice %arg7[%dma_wait3A_903] : memref<25600xi32, #tpu.memory_space<vmem>> -> memref<512xi32, #tpu.memory_space<vmem>>
    %dma_wait3A_905 = tpu.memref_slice %arg3[%add3A_275] : memref<819200xi32, #tpu.memory_space<hbm>> -> memref<512xi32, #tpu.memory_space<hbm>>
    %dma_wait3A_906 = arith.constant 8704 : i32
    %dma_wait3A_907 = tpu.memref_slice %arg7[%dma_wait3A_906] : memref<25600xi32, #tpu.memory_space<vmem>> -> memref<512xi32, #tpu.memory_space<vmem>>
    %dma_wait3A_908 = tpu.memref_slice %arg3[%add3A_275] : memref<819200xi32, #tpu.memory_space<hbm>> -> memref<512xi32, #tpu.memory_space<hbm>>
    tpu.wait_dma2 semaphore(%arg12 : memref<!tpu.dma_semaphore, #tpu.memory_space<semaphore_mem>>) src(%dma_wait3A_908 : memref<512xi32, #tpu.memory_space<hbm>>) dst(%dma_wait3A_907 : memref<512xi32, #tpu.memory_space<vmem>>)
    %dma_wait3A_909 = arith.constant 9216 : i32
    %dma_wait3A_910 = tpu.memref_slice %arg7[%dma_wait3A_909] : memref<25600xi32, #tpu.memory_space<vmem>> -> memref<512xi32, #tpu.memory_space<vmem>>
    %dma_wait3A_911 = tpu.memref_slice %arg3[%add3A_291] : memref<819200xi32, #tpu.memory_space<hbm>> -> memref<512xi32, #tpu.memory_space<hbm>>
    %dma_wait3A_912 = arith.constant 9216 : i32
    %dma_wait3A_913 = tpu.memref_slice %arg7[%dma_wait3A_912] : memref<25600xi32, #tpu.memory_space<vmem>> -> memref<512xi32, #tpu.memory_space<vmem>>
    %dma_wait3A_914 = tpu.memref_slice %arg3[%add3A_291] : memref<819200xi32, #tpu.memory_space<hbm>> -> memref<512xi32, #tpu.memory_space<hbm>>
    tpu.wait_dma2 semaphore(%arg12 : memref<!tpu.dma_semaphore, #tpu.memory_space<semaphore_mem>>) src(%dma_wait3A_914 : memref<512xi32, #tpu.memory_space<hbm>>) dst(%dma_wait3A_913 : memref<512xi32, #tpu.memory_space<vmem>>)
    %dma_wait3A_915 = arith.constant 9728 : i32
    %dma_wait3A_916 = tpu.memref_slice %arg7[%dma_wait3A_915] : memref<25600xi32, #tpu.memory_space<vmem>> -> memref<512xi32, #tpu.memory_space<vmem>>
    %dma_wait3A_917 = tpu.memref_slice %arg3[%add3A_307] : memref<819200xi32, #tpu.memory_space<hbm>> -> memref<512xi32, #tpu.memory_space<hbm>>
    %dma_wait3A_918 = arith.constant 9728 : i32
    %dma_wait3A_919 = tpu.memref_slice %arg7[%dma_wait3A_918] : memref<25600xi32, #tpu.memory_space<vmem>> -> memref<512xi32, #tpu.memory_space<vmem>>
    %dma_wait3A_920 = tpu.memref_slice %arg3[%add3A_307] : memref<819200xi32, #tpu.memory_space<hbm>> -> memref<512xi32, #tpu.memory_space<hbm>>
    tpu.wait_dma2 semaphore(%arg12 : memref<!tpu.dma_semaphore, #tpu.memory_space<semaphore_mem>>) src(%dma_wait3A_920 : memref<512xi32, #tpu.memory_space<hbm>>) dst(%dma_wait3A_919 : memref<512xi32, #tpu.memory_space<vmem>>)
    %dma_wait3A_921 = arith.constant 10240 : i32
    %dma_wait3A_922 = tpu.memref_slice %arg7[%dma_wait3A_921] : memref<25600xi32, #tpu.memory_space<vmem>> -> memref<512xi32, #tpu.memory_space<vmem>>
    %dma_wait3A_923 = tpu.memref_slice %arg3[%add3A_323] : memref<819200xi32, #tpu.memory_space<hbm>> -> memref<512xi32, #tpu.memory_space<hbm>>
    %dma_wait3A_924 = arith.constant 10240 : i32
    %dma_wait3A_925 = tpu.memref_slice %arg7[%dma_wait3A_924] : memref<25600xi32, #tpu.memory_space<vmem>> -> memref<512xi32, #tpu.memory_space<vmem>>
    %dma_wait3A_926 = tpu.memref_slice %arg3[%add3A_323] : memref<819200xi32, #tpu.memory_space<hbm>> -> memref<512xi32, #tpu.memory_space<hbm>>
    tpu.wait_dma2 semaphore(%arg12 : memref<!tpu.dma_semaphore, #tpu.memory_space<semaphore_mem>>) src(%dma_wait3A_926 : memref<512xi32, #tpu.memory_space<hbm>>) dst(%dma_wait3A_925 : memref<512xi32, #tpu.memory_space<vmem>>)
    %dma_wait3A_927 = arith.constant 10752 : i32
    %dma_wait3A_928 = tpu.memref_slice %arg7[%dma_wait3A_927] : memref<25600xi32, #tpu.memory_space<vmem>> -> memref<512xi32, #tpu.memory_space<vmem>>
    %dma_wait3A_929 = tpu.memref_slice %arg3[%add3A_339] : memref<819200xi32, #tpu.memory_space<hbm>> -> memref<512xi32, #tpu.memory_space<hbm>>
    %dma_wait3A_930 = arith.constant 10752 : i32
    %dma_wait3A_931 = tpu.memref_slice %arg7[%dma_wait3A_930] : memref<25600xi32, #tpu.memory_space<vmem>> -> memref<512xi32, #tpu.memory_space<vmem>>
    %dma_wait3A_932 = tpu.memref_slice %arg3[%add3A_339] : memref<819200xi32, #tpu.memory_space<hbm>> -> memref<512xi32, #tpu.memory_space<hbm>>
    tpu.wait_dma2 semaphore(%arg12 : memref<!tpu.dma_semaphore, #tpu.memory_space<semaphore_mem>>) src(%dma_wait3A_932 : memref<512xi32, #tpu.memory_space<hbm>>) dst(%dma_wait3A_931 : memref<512xi32, #tpu.memory_space<vmem>>)
    %dma_wait3A_933 = arith.constant 11264 : i32
    %dma_wait3A_934 = tpu.memref_slice %arg7[%dma_wait3A_933] : memref<25600xi32, #tpu.memory_space<vmem>> -> memref<512xi32, #tpu.memory_space<vmem>>
    %dma_wait3A_935 = tpu.memref_slice %arg3[%add3A_355] : memref<819200xi32, #tpu.memory_space<hbm>> -> memref<512xi32, #tpu.memory_space<hbm>>
    %dma_wait3A_936 = arith.constant 11264 : i32
    %dma_wait3A_937 = tpu.memref_slice %arg7[%dma_wait3A_936] : memref<25600xi32, #tpu.memory_space<vmem>> -> memref<512xi32, #tpu.memory_space<vmem>>
    %dma_wait3A_938 = tpu.memref_slice %arg3[%add3A_355] : memref<819200xi32, #tpu.memory_space<hbm>> -> memref<512xi32, #tpu.memory_space<hbm>>
    tpu.wait_dma2 semaphore(%arg12 : memref<!tpu.dma_semaphore, #tpu.memory_space<semaphore_mem>>) src(%dma_wait3A_938 : memref<512xi32, #tpu.memory_space<hbm>>) dst(%dma_wait3A_937 : memref<512xi32, #tpu.memory_space<vmem>>)
    %dma_wait3A_939 = arith.constant 11776 : i32
    %dma_wait3A_940 = tpu.memref_slice %arg7[%dma_wait3A_939] : memref<25600xi32, #tpu.memory_space<vmem>> -> memref<512xi32, #tpu.memory_space<vmem>>
    %dma_wait3A_941 = tpu.memref_slice %arg3[%add3A_371] : memref<819200xi32, #tpu.memory_space<hbm>> -> memref<512xi32, #tpu.memory_space<hbm>>
    %dma_wait3A_942 = arith.constant 11776 : i32
    %dma_wait3A_943 = tpu.memref_slice %arg7[%dma_wait3A_942] : memref<25600xi32, #tpu.memory_space<vmem>> -> memref<512xi32, #tpu.memory_space<vmem>>
    %dma_wait3A_944 = tpu.memref_slice %arg3[%add3A_371] : memref<819200xi32, #tpu.memory_space<hbm>> -> memref<512xi32, #tpu.memory_space<hbm>>
    tpu.wait_dma2 semaphore(%arg12 : memref<!tpu.dma_semaphore, #tpu.memory_space<semaphore_mem>>) src(%dma_wait3A_944 : memref<512xi32, #tpu.memory_space<hbm>>) dst(%dma_wait3A_943 : memref<512xi32, #tpu.memory_space<vmem>>)
    %dma_wait3A_945 = arith.constant 12288 : i32
    %dma_wait3A_946 = tpu.memref_slice %arg7[%dma_wait3A_945] : memref<25600xi32, #tpu.memory_space<vmem>> -> memref<512xi32, #tpu.memory_space<vmem>>
    %dma_wait3A_947 = tpu.memref_slice %arg3[%add3A_387] : memref<819200xi32, #tpu.memory_space<hbm>> -> memref<512xi32, #tpu.memory_space<hbm>>
    %dma_wait3A_948 = arith.constant 12288 : i32
    %dma_wait3A_949 = tpu.memref_slice %arg7[%dma_wait3A_948] : memref<25600xi32, #tpu.memory_space<vmem>> -> memref<512xi32, #tpu.memory_space<vmem>>
    %dma_wait3A_950 = tpu.memref_slice %arg3[%add3A_387] : memref<819200xi32, #tpu.memory_space<hbm>> -> memref<512xi32, #tpu.memory_space<hbm>>
    tpu.wait_dma2 semaphore(%arg12 : memref<!tpu.dma_semaphore, #tpu.memory_space<semaphore_mem>>) src(%dma_wait3A_950 : memref<512xi32, #tpu.memory_space<hbm>>) dst(%dma_wait3A_949 : memref<512xi32, #tpu.memory_space<vmem>>)
    %dma_wait3A_951 = arith.constant 12800 : i32
    %dma_wait3A_952 = tpu.memref_slice %arg7[%dma_wait3A_951] : memref<25600xi32, #tpu.memory_space<vmem>> -> memref<512xi32, #tpu.memory_space<vmem>>
    %dma_wait3A_953 = tpu.memref_slice %arg3[%add3A_403] : memref<819200xi32, #tpu.memory_space<hbm>> -> memref<512xi32, #tpu.memory_space<hbm>>
    %dma_wait3A_954 = arith.constant 12800 : i32
    %dma_wait3A_955 = tpu.memref_slice %arg7[%dma_wait3A_954] : memref<25600xi32, #tpu.memory_space<vmem>> -> memref<512xi32, #tpu.memory_space<vmem>>
    %dma_wait3A_956 = tpu.memref_slice %arg3[%add3A_403] : memref<819200xi32, #tpu.memory_space<hbm>> -> memref<512xi32, #tpu.memory_space<hbm>>
    tpu.wait_dma2 semaphore(%arg12 : memref<!tpu.dma_semaphore, #tpu.memory_space<semaphore_mem>>) src(%dma_wait3A_956 : memref<512xi32, #tpu.memory_space<hbm>>) dst(%dma_wait3A_955 : memref<512xi32, #tpu.memory_space<vmem>>)
    %dma_wait3A_957 = arith.constant 13312 : i32
    %dma_wait3A_958 = tpu.memref_slice %arg7[%dma_wait3A_957] : memref<25600xi32, #tpu.memory_space<vmem>> -> memref<512xi32, #tpu.memory_space<vmem>>
    %dma_wait3A_959 = tpu.memref_slice %arg3[%add3A_419] : memref<819200xi32, #tpu.memory_space<hbm>> -> memref<512xi32, #tpu.memory_space<hbm>>
    %dma_wait3A_960 = arith.constant 13312 : i32
    %dma_wait3A_961 = tpu.memref_slice %arg7[%dma_wait3A_960] : memref<25600xi32, #tpu.memory_space<vmem>> -> memref<512xi32, #tpu.memory_space<vmem>>
    %dma_wait3A_962 = tpu.memref_slice %arg3[%add3A_419] : memref<819200xi32, #tpu.memory_space<hbm>> -> memref<512xi32, #tpu.memory_space<hbm>>
    tpu.wait_dma2 semaphore(%arg12 : memref<!tpu.dma_semaphore, #tpu.memory_space<semaphore_mem>>) src(%dma_wait3A_962 : memref<512xi32, #tpu.memory_space<hbm>>) dst(%dma_wait3A_961 : memref<512xi32, #tpu.memory_space<vmem>>)
    %dma_wait3A_963 = arith.constant 13824 : i32
    %dma_wait3A_964 = tpu.memref_slice %arg7[%dma_wait3A_963] : memref<25600xi32, #tpu.memory_space<vmem>> -> memref<512xi32, #tpu.memory_space<vmem>>
    %dma_wait3A_965 = tpu.memref_slice %arg3[%add3A_435] : memref<819200xi32, #tpu.memory_space<hbm>> -> memref<512xi32, #tpu.memory_space<hbm>>
    %dma_wait3A_966 = arith.constant 13824 : i32
    %dma_wait3A_967 = tpu.memref_slice %arg7[%dma_wait3A_966] : memref<25600xi32, #tpu.memory_space<vmem>> -> memref<512xi32, #tpu.memory_space<vmem>>
    %dma_wait3A_968 = tpu.memref_slice %arg3[%add3A_435] : memref<819200xi32, #tpu.memory_space<hbm>> -> memref<512xi32, #tpu.memory_space<hbm>>
    tpu.wait_dma2 semaphore(%arg12 : memref<!tpu.dma_semaphore, #tpu.memory_space<semaphore_mem>>) src(%dma_wait3A_968 : memref<512xi32, #tpu.memory_space<hbm>>) dst(%dma_wait3A_967 : memref<512xi32, #tpu.memory_space<vmem>>)
    %dma_wait3A_969 = arith.constant 14336 : i32
    %dma_wait3A_970 = tpu.memref_slice %arg7[%dma_wait3A_969] : memref<25600xi32, #tpu.memory_space<vmem>> -> memref<512xi32, #tpu.memory_space<vmem>>
    %dma_wait3A_971 = tpu.memref_slice %arg3[%add3A_451] : memref<819200xi32, #tpu.memory_space<hbm>> -> memref<512xi32, #tpu.memory_space<hbm>>
    %dma_wait3A_972 = arith.constant 14336 : i32
    %dma_wait3A_973 = tpu.memref_slice %arg7[%dma_wait3A_972] : memref<25600xi32, #tpu.memory_space<vmem>> -> memref<512xi32, #tpu.memory_space<vmem>>
    %dma_wait3A_974 = tpu.memref_slice %arg3[%add3A_451] : memref<819200xi32, #tpu.memory_space<hbm>> -> memref<512xi32, #tpu.memory_space<hbm>>
    tpu.wait_dma2 semaphore(%arg12 : memref<!tpu.dma_semaphore, #tpu.memory_space<semaphore_mem>>) src(%dma_wait3A_974 : memref<512xi32, #tpu.memory_space<hbm>>) dst(%dma_wait3A_973 : memref<512xi32, #tpu.memory_space<vmem>>)
    %dma_wait3A_975 = arith.constant 14848 : i32
    %dma_wait3A_976 = tpu.memref_slice %arg7[%dma_wait3A_975] : memref<25600xi32, #tpu.memory_space<vmem>> -> memref<512xi32, #tpu.memory_space<vmem>>
    %dma_wait3A_977 = tpu.memref_slice %arg3[%add3A_467] : memref<819200xi32, #tpu.memory_space<hbm>> -> memref<512xi32, #tpu.memory_space<hbm>>
    %dma_wait3A_978 = arith.constant 14848 : i32
    %dma_wait3A_979 = tpu.memref_slice %arg7[%dma_wait3A_978] : memref<25600xi32, #tpu.memory_space<vmem>> -> memref<512xi32, #tpu.memory_space<vmem>>
    %dma_wait3A_980 = tpu.memref_slice %arg3[%add3A_467] : memref<819200xi32, #tpu.memory_space<hbm>> -> memref<512xi32, #tpu.memory_space<hbm>>
    tpu.wait_dma2 semaphore(%arg12 : memref<!tpu.dma_semaphore, #tpu.memory_space<semaphore_mem>>) src(%dma_wait3A_980 : memref<512xi32, #tpu.memory_space<hbm>>) dst(%dma_wait3A_979 : memref<512xi32, #tpu.memory_space<vmem>>)
    %dma_wait3A_981 = arith.constant 15360 : i32
    %dma_wait3A_982 = tpu.memref_slice %arg7[%dma_wait3A_981] : memref<25600xi32, #tpu.memory_space<vmem>> -> memref<512xi32, #tpu.memory_space<vmem>>
    %dma_wait3A_983 = tpu.memref_slice %arg3[%add3A_483] : memref<819200xi32, #tpu.memory_space<hbm>> -> memref<512xi32, #tpu.memory_space<hbm>>
    %dma_wait3A_984 = arith.constant 15360 : i32
    %dma_wait3A_985 = tpu.memref_slice %arg7[%dma_wait3A_984] : memref<25600xi32, #tpu.memory_space<vmem>> -> memref<512xi32, #tpu.memory_space<vmem>>
    %dma_wait3A_986 = tpu.memref_slice %arg3[%add3A_483] : memref<819200xi32, #tpu.memory_space<hbm>> -> memref<512xi32, #tpu.memory_space<hbm>>
    tpu.wait_dma2 semaphore(%arg12 : memref<!tpu.dma_semaphore, #tpu.memory_space<semaphore_mem>>) src(%dma_wait3A_986 : memref<512xi32, #tpu.memory_space<hbm>>) dst(%dma_wait3A_985 : memref<512xi32, #tpu.memory_space<vmem>>)
    %dma_wait3A_987 = arith.constant 15872 : i32
    %dma_wait3A_988 = tpu.memref_slice %arg7[%dma_wait3A_987] : memref<25600xi32, #tpu.memory_space<vmem>> -> memref<512xi32, #tpu.memory_space<vmem>>
    %dma_wait3A_989 = tpu.memref_slice %arg3[%add3A_499] : memref<819200xi32, #tpu.memory_space<hbm>> -> memref<512xi32, #tpu.memory_space<hbm>>
    %dma_wait3A_990 = arith.constant 15872 : i32
    %dma_wait3A_991 = tpu.memref_slice %arg7[%dma_wait3A_990] : memref<25600xi32, #tpu.memory_space<vmem>> -> memref<512xi32, #tpu.memory_space<vmem>>
    %dma_wait3A_992 = tpu.memref_slice %arg3[%add3A_499] : memref<819200xi32, #tpu.memory_space<hbm>> -> memref<512xi32, #tpu.memory_space<hbm>>
    tpu.wait_dma2 semaphore(%arg12 : memref<!tpu.dma_semaphore, #tpu.memory_space<semaphore_mem>>) src(%dma_wait3A_992 : memref<512xi32, #tpu.memory_space<hbm>>) dst(%dma_wait3A_991 : memref<512xi32, #tpu.memory_space<vmem>>)
    %dma_wait3A_993 = arith.constant 16384 : i32
    %dma_wait3A_994 = tpu.memref_slice %arg7[%dma_wait3A_993] : memref<25600xi32, #tpu.memory_space<vmem>> -> memref<512xi32, #tpu.memory_space<vmem>>
    %dma_wait3A_995 = tpu.memref_slice %arg3[%add3A_515] : memref<819200xi32, #tpu.memory_space<hbm>> -> memref<512xi32, #tpu.memory_space<hbm>>
    %dma_wait3A_996 = arith.constant 16384 : i32
    %dma_wait3A_997 = tpu.memref_slice %arg7[%dma_wait3A_996] : memref<25600xi32, #tpu.memory_space<vmem>> -> memref<512xi32, #tpu.memory_space<vmem>>
    %dma_wait3A_998 = tpu.memref_slice %arg3[%add3A_515] : memref<819200xi32, #tpu.memory_space<hbm>> -> memref<512xi32, #tpu.memory_space<hbm>>
    tpu.wait_dma2 semaphore(%arg12 : memref<!tpu.dma_semaphore, #tpu.memory_space<semaphore_mem>>) src(%dma_wait3A_998 : memref<512xi32, #tpu.memory_space<hbm>>) dst(%dma_wait3A_997 : memref<512xi32, #tpu.memory_space<vmem>>)
    %dma_wait3A_999 = arith.constant 16896 : i32
    %dma_wait3A_1000 = tpu.memref_slice %arg7[%dma_wait3A_999] : memref<25600xi32, #tpu.memory_space<vmem>> -> memref<512xi32, #tpu.memory_space<vmem>>
    %dma_wait3A_1001 = tpu.memref_slice %arg3[%add3A_531] : memref<819200xi32, #tpu.memory_space<hbm>> -> memref<512xi32, #tpu.memory_space<hbm>>
    %dma_wait3A_1002 = arith.constant 16896 : i32
    %dma_wait3A_1003 = tpu.memref_slice %arg7[%dma_wait3A_1002] : memref<25600xi32, #tpu.memory_space<vmem>> -> memref<512xi32, #tpu.memory_space<vmem>>
    %dma_wait3A_1004 = tpu.memref_slice %arg3[%add3A_531] : memref<819200xi32, #tpu.memory_space<hbm>> -> memref<512xi32, #tpu.memory_space<hbm>>
    tpu.wait_dma2 semaphore(%arg12 : memref<!tpu.dma_semaphore, #tpu.memory_space<semaphore_mem>>) src(%dma_wait3A_1004 : memref<512xi32, #tpu.memory_space<hbm>>) dst(%dma_wait3A_1003 : memref<512xi32, #tpu.memory_space<vmem>>)
    %dma_wait3A_1005 = arith.constant 17408 : i32
    %dma_wait3A_1006 = tpu.memref_slice %arg7[%dma_wait3A_1005] : memref<25600xi32, #tpu.memory_space<vmem>> -> memref<512xi32, #tpu.memory_space<vmem>>
    %dma_wait3A_1007 = tpu.memref_slice %arg3[%add3A_547] : memref<819200xi32, #tpu.memory_space<hbm>> -> memref<512xi32, #tpu.memory_space<hbm>>
    %dma_wait3A_1008 = arith.constant 17408 : i32
    %dma_wait3A_1009 = tpu.memref_slice %arg7[%dma_wait3A_1008] : memref<25600xi32, #tpu.memory_space<vmem>> -> memref<512xi32, #tpu.memory_space<vmem>>
    %dma_wait3A_1010 = tpu.memref_slice %arg3[%add3A_547] : memref<819200xi32, #tpu.memory_space<hbm>> -> memref<512xi32, #tpu.memory_space<hbm>>
    tpu.wait_dma2 semaphore(%arg12 : memref<!tpu.dma_semaphore, #tpu.memory_space<semaphore_mem>>) src(%dma_wait3A_1010 : memref<512xi32, #tpu.memory_space<hbm>>) dst(%dma_wait3A_1009 : memref<512xi32, #tpu.memory_space<vmem>>)
    %dma_wait3A_1011 = arith.constant 17920 : i32
    %dma_wait3A_1012 = tpu.memref_slice %arg7[%dma_wait3A_1011] : memref<25600xi32, #tpu.memory_space<vmem>> -> memref<512xi32, #tpu.memory_space<vmem>>
    %dma_wait3A_1013 = tpu.memref_slice %arg3[%add3A_563] : memref<819200xi32, #tpu.memory_space<hbm>> -> memref<512xi32, #tpu.memory_space<hbm>>
    %dma_wait3A_1014 = arith.constant 17920 : i32
    %dma_wait3A_1015 = tpu.memref_slice %arg7[%dma_wait3A_1014] : memref<25600xi32, #tpu.memory_space<vmem>> -> memref<512xi32, #tpu.memory_space<vmem>>
    %dma_wait3A_1016 = tpu.memref_slice %arg3[%add3A_563] : memref<819200xi32, #tpu.memory_space<hbm>> -> memref<512xi32, #tpu.memory_space<hbm>>
    tpu.wait_dma2 semaphore(%arg12 : memref<!tpu.dma_semaphore, #tpu.memory_space<semaphore_mem>>) src(%dma_wait3A_1016 : memref<512xi32, #tpu.memory_space<hbm>>) dst(%dma_wait3A_1015 : memref<512xi32, #tpu.memory_space<vmem>>)
    %dma_wait3A_1017 = arith.constant 18432 : i32
    %dma_wait3A_1018 = tpu.memref_slice %arg7[%dma_wait3A_1017] : memref<25600xi32, #tpu.memory_space<vmem>> -> memref<512xi32, #tpu.memory_space<vmem>>
    %dma_wait3A_1019 = tpu.memref_slice %arg3[%add3A_579] : memref<819200xi32, #tpu.memory_space<hbm>> -> memref<512xi32, #tpu.memory_space<hbm>>
    %dma_wait3A_1020 = arith.constant 18432 : i32
    %dma_wait3A_1021 = tpu.memref_slice %arg7[%dma_wait3A_1020] : memref<25600xi32, #tpu.memory_space<vmem>> -> memref<512xi32, #tpu.memory_space<vmem>>
    %dma_wait3A_1022 = tpu.memref_slice %arg3[%add3A_579] : memref<819200xi32, #tpu.memory_space<hbm>> -> memref<512xi32, #tpu.memory_space<hbm>>
    tpu.wait_dma2 semaphore(%arg12 : memref<!tpu.dma_semaphore, #tpu.memory_space<semaphore_mem>>) src(%dma_wait3A_1022 : memref<512xi32, #tpu.memory_space<hbm>>) dst(%dma_wait3A_1021 : memref<512xi32, #tpu.memory_space<vmem>>)
    %dma_wait3A_1023 = arith.constant 18944 : i32
    %dma_wait3A_1024 = tpu.memref_slice %arg7[%dma_wait3A_1023] : memref<25600xi32, #tpu.memory_space<vmem>> -> memref<512xi32, #tpu.memory_space<vmem>>
    %dma_wait3A_1025 = tpu.memref_slice %arg3[%add3A_595] : memref<819200xi32, #tpu.memory_space<hbm>> -> memref<512xi32, #tpu.memory_space<hbm>>
    %dma_wait3A_1026 = arith.constant 18944 : i32
    %dma_wait3A_1027 = tpu.memref_slice %arg7[%dma_wait3A_1026] : memref<25600xi32, #tpu.memory_space<vmem>> -> memref<512xi32, #tpu.memory_space<vmem>>
    %dma_wait3A_1028 = tpu.memref_slice %arg3[%add3A_595] : memref<819200xi32, #tpu.memory_space<hbm>> -> memref<512xi32, #tpu.memory_space<hbm>>
    tpu.wait_dma2 semaphore(%arg12 : memref<!tpu.dma_semaphore, #tpu.memory_space<semaphore_mem>>) src(%dma_wait3A_1028 : memref<512xi32, #tpu.memory_space<hbm>>) dst(%dma_wait3A_1027 : memref<512xi32, #tpu.memory_space<vmem>>)
    %dma_wait3A_1029 = arith.constant 19456 : i32
    %dma_wait3A_1030 = tpu.memref_slice %arg7[%dma_wait3A_1029] : memref<25600xi32, #tpu.memory_space<vmem>> -> memref<512xi32, #tpu.memory_space<vmem>>
    %dma_wait3A_1031 = tpu.memref_slice %arg3[%add3A_611] : memref<819200xi32, #tpu.memory_space<hbm>> -> memref<512xi32, #tpu.memory_space<hbm>>
    %dma_wait3A_1032 = arith.constant 19456 : i32
    %dma_wait3A_1033 = tpu.memref_slice %arg7[%dma_wait3A_1032] : memref<25600xi32, #tpu.memory_space<vmem>> -> memref<512xi32, #tpu.memory_space<vmem>>
    %dma_wait3A_1034 = tpu.memref_slice %arg3[%add3A_611] : memref<819200xi32, #tpu.memory_space<hbm>> -> memref<512xi32, #tpu.memory_space<hbm>>
    tpu.wait_dma2 semaphore(%arg12 : memref<!tpu.dma_semaphore, #tpu.memory_space<semaphore_mem>>) src(%dma_wait3A_1034 : memref<512xi32, #tpu.memory_space<hbm>>) dst(%dma_wait3A_1033 : memref<512xi32, #tpu.memory_space<vmem>>)
    %dma_wait3A_1035 = arith.constant 19968 : i32
    %dma_wait3A_1036 = tpu.memref_slice %arg7[%dma_wait3A_1035] : memref<25600xi32, #tpu.memory_space<vmem>> -> memref<512xi32, #tpu.memory_space<vmem>>
    %dma_wait3A_1037 = tpu.memref_slice %arg3[%add3A_627] : memref<819200xi32, #tpu.memory_space<hbm>> -> memref<512xi32, #tpu.memory_space<hbm>>
    %dma_wait3A_1038 = arith.constant 19968 : i32
    %dma_wait3A_1039 = tpu.memref_slice %arg7[%dma_wait3A_1038] : memref<25600xi32, #tpu.memory_space<vmem>> -> memref<512xi32, #tpu.memory_space<vmem>>
    %dma_wait3A_1040 = tpu.memref_slice %arg3[%add3A_627] : memref<819200xi32, #tpu.memory_space<hbm>> -> memref<512xi32, #tpu.memory_space<hbm>>
    tpu.wait_dma2 semaphore(%arg12 : memref<!tpu.dma_semaphore, #tpu.memory_space<semaphore_mem>>) src(%dma_wait3A_1040 : memref<512xi32, #tpu.memory_space<hbm>>) dst(%dma_wait3A_1039 : memref<512xi32, #tpu.memory_space<vmem>>)
    %dma_wait3A_1041 = arith.constant 20480 : i32
    %dma_wait3A_1042 = tpu.memref_slice %arg7[%dma_wait3A_1041] : memref<25600xi32, #tpu.memory_space<vmem>> -> memref<512xi32, #tpu.memory_space<vmem>>
    %dma_wait3A_1043 = tpu.memref_slice %arg3[%add3A_643] : memref<819200xi32, #tpu.memory_space<hbm>> -> memref<512xi32, #tpu.memory_space<hbm>>
    %dma_wait3A_1044 = arith.constant 20480 : i32
    %dma_wait3A_1045 = tpu.memref_slice %arg7[%dma_wait3A_1044] : memref<25600xi32, #tpu.memory_space<vmem>> -> memref<512xi32, #tpu.memory_space<vmem>>
    %dma_wait3A_1046 = tpu.memref_slice %arg3[%add3A_643] : memref<819200xi32, #tpu.memory_space<hbm>> -> memref<512xi32, #tpu.memory_space<hbm>>
    tpu.wait_dma2 semaphore(%arg12 : memref<!tpu.dma_semaphore, #tpu.memory_space<semaphore_mem>>) src(%dma_wait3A_1046 : memref<512xi32, #tpu.memory_space<hbm>>) dst(%dma_wait3A_1045 : memref<512xi32, #tpu.memory_space<vmem>>)
    %dma_wait3A_1047 = arith.constant 20992 : i32
    %dma_wait3A_1048 = tpu.memref_slice %arg7[%dma_wait3A_1047] : memref<25600xi32, #tpu.memory_space<vmem>> -> memref<512xi32, #tpu.memory_space<vmem>>
    %dma_wait3A_1049 = tpu.memref_slice %arg3[%add3A_659] : memref<819200xi32, #tpu.memory_space<hbm>> -> memref<512xi32, #tpu.memory_space<hbm>>
    %dma_wait3A_1050 = arith.constant 20992 : i32
    %dma_wait3A_1051 = tpu.memref_slice %arg7[%dma_wait3A_1050] : memref<25600xi32, #tpu.memory_space<vmem>> -> memref<512xi32, #tpu.memory_space<vmem>>
    %dma_wait3A_1052 = tpu.memref_slice %arg3[%add3A_659] : memref<819200xi32, #tpu.memory_space<hbm>> -> memref<512xi32, #tpu.memory_space<hbm>>
    tpu.wait_dma2 semaphore(%arg12 : memref<!tpu.dma_semaphore, #tpu.memory_space<semaphore_mem>>) src(%dma_wait3A_1052 : memref<512xi32, #tpu.memory_space<hbm>>) dst(%dma_wait3A_1051 : memref<512xi32, #tpu.memory_space<vmem>>)
    %dma_wait3A_1053 = arith.constant 21504 : i32
    %dma_wait3A_1054 = tpu.memref_slice %arg7[%dma_wait3A_1053] : memref<25600xi32, #tpu.memory_space<vmem>> -> memref<512xi32, #tpu.memory_space<vmem>>
    %dma_wait3A_1055 = tpu.memref_slice %arg3[%add3A_675] : memref<819200xi32, #tpu.memory_space<hbm>> -> memref<512xi32, #tpu.memory_space<hbm>>
    %dma_wait3A_1056 = arith.constant 21504 : i32
    %dma_wait3A_1057 = tpu.memref_slice %arg7[%dma_wait3A_1056] : memref<25600xi32, #tpu.memory_space<vmem>> -> memref<512xi32, #tpu.memory_space<vmem>>
    %dma_wait3A_1058 = tpu.memref_slice %arg3[%add3A_675] : memref<819200xi32, #tpu.memory_space<hbm>> -> memref<512xi32, #tpu.memory_space<hbm>>
    tpu.wait_dma2 semaphore(%arg12 : memref<!tpu.dma_semaphore, #tpu.memory_space<semaphore_mem>>) src(%dma_wait3A_1058 : memref<512xi32, #tpu.memory_space<hbm>>) dst(%dma_wait3A_1057 : memref<512xi32, #tpu.memory_space<vmem>>)
    %dma_wait3A_1059 = arith.constant 22016 : i32
    %dma_wait3A_1060 = tpu.memref_slice %arg7[%dma_wait3A_1059] : memref<25600xi32, #tpu.memory_space<vmem>> -> memref<512xi32, #tpu.memory_space<vmem>>
    %dma_wait3A_1061 = tpu.memref_slice %arg3[%add3A_691] : memref<819200xi32, #tpu.memory_space<hbm>> -> memref<512xi32, #tpu.memory_space<hbm>>
    %dma_wait3A_1062 = arith.constant 22016 : i32
    %dma_wait3A_1063 = tpu.memref_slice %arg7[%dma_wait3A_1062] : memref<25600xi32, #tpu.memory_space<vmem>> -> memref<512xi32, #tpu.memory_space<vmem>>
    %dma_wait3A_1064 = tpu.memref_slice %arg3[%add3A_691] : memref<819200xi32, #tpu.memory_space<hbm>> -> memref<512xi32, #tpu.memory_space<hbm>>
    tpu.wait_dma2 semaphore(%arg12 : memref<!tpu.dma_semaphore, #tpu.memory_space<semaphore_mem>>) src(%dma_wait3A_1064 : memref<512xi32, #tpu.memory_space<hbm>>) dst(%dma_wait3A_1063 : memref<512xi32, #tpu.memory_space<vmem>>)
    %dma_wait3A_1065 = arith.constant 22528 : i32
    %dma_wait3A_1066 = tpu.memref_slice %arg7[%dma_wait3A_1065] : memref<25600xi32, #tpu.memory_space<vmem>> -> memref<512xi32, #tpu.memory_space<vmem>>
    %dma_wait3A_1067 = tpu.memref_slice %arg3[%add3A_707] : memref<819200xi32, #tpu.memory_space<hbm>> -> memref<512xi32, #tpu.memory_space<hbm>>
    %dma_wait3A_1068 = arith.constant 22528 : i32
    %dma_wait3A_1069 = tpu.memref_slice %arg7[%dma_wait3A_1068] : memref<25600xi32, #tpu.memory_space<vmem>> -> memref<512xi32, #tpu.memory_space<vmem>>
    %dma_wait3A_1070 = tpu.memref_slice %arg3[%add3A_707] : memref<819200xi32, #tpu.memory_space<hbm>> -> memref<512xi32, #tpu.memory_space<hbm>>
    tpu.wait_dma2 semaphore(%arg12 : memref<!tpu.dma_semaphore, #tpu.memory_space<semaphore_mem>>) src(%dma_wait3A_1070 : memref<512xi32, #tpu.memory_space<hbm>>) dst(%dma_wait3A_1069 : memref<512xi32, #tpu.memory_space<vmem>>)
    %dma_wait3A_1071 = arith.constant 23040 : i32
    %dma_wait3A_1072 = tpu.memref_slice %arg7[%dma_wait3A_1071] : memref<25600xi32, #tpu.memory_space<vmem>> -> memref<512xi32, #tpu.memory_space<vmem>>
    %dma_wait3A_1073 = tpu.memref_slice %arg3[%add3A_723] : memref<819200xi32, #tpu.memory_space<hbm>> -> memref<512xi32, #tpu.memory_space<hbm>>
    %dma_wait3A_1074 = arith.constant 23040 : i32
    %dma_wait3A_1075 = tpu.memref_slice %arg7[%dma_wait3A_1074] : memref<25600xi32, #tpu.memory_space<vmem>> -> memref<512xi32, #tpu.memory_space<vmem>>
    %dma_wait3A_1076 = tpu.memref_slice %arg3[%add3A_723] : memref<819200xi32, #tpu.memory_space<hbm>> -> memref<512xi32, #tpu.memory_space<hbm>>
    tpu.wait_dma2 semaphore(%arg12 : memref<!tpu.dma_semaphore, #tpu.memory_space<semaphore_mem>>) src(%dma_wait3A_1076 : memref<512xi32, #tpu.memory_space<hbm>>) dst(%dma_wait3A_1075 : memref<512xi32, #tpu.memory_space<vmem>>)
    %dma_wait3A_1077 = arith.constant 23552 : i32
    %dma_wait3A_1078 = tpu.memref_slice %arg7[%dma_wait3A_1077] : memref<25600xi32, #tpu.memory_space<vmem>> -> memref<512xi32, #tpu.memory_space<vmem>>
    %dma_wait3A_1079 = tpu.memref_slice %arg3[%add3A_739] : memref<819200xi32, #tpu.memory_space<hbm>> -> memref<512xi32, #tpu.memory_space<hbm>>
    %dma_wait3A_1080 = arith.constant 23552 : i32
    %dma_wait3A_1081 = tpu.memref_slice %arg7[%dma_wait3A_1080] : memref<25600xi32, #tpu.memory_space<vmem>> -> memref<512xi32, #tpu.memory_space<vmem>>
    %dma_wait3A_1082 = tpu.memref_slice %arg3[%add3A_739] : memref<819200xi32, #tpu.memory_space<hbm>> -> memref<512xi32, #tpu.memory_space<hbm>>
    tpu.wait_dma2 semaphore(%arg12 : memref<!tpu.dma_semaphore, #tpu.memory_space<semaphore_mem>>) src(%dma_wait3A_1082 : memref<512xi32, #tpu.memory_space<hbm>>) dst(%dma_wait3A_1081 : memref<512xi32, #tpu.memory_space<vmem>>)
    %dma_wait3A_1083 = arith.constant 24064 : i32
    %dma_wait3A_1084 = tpu.memref_slice %arg7[%dma_wait3A_1083] : memref<25600xi32, #tpu.memory_space<vmem>> -> memref<512xi32, #tpu.memory_space<vmem>>
    %dma_wait3A_1085 = tpu.memref_slice %arg3[%add3A_755] : memref<819200xi32, #tpu.memory_space<hbm>> -> memref<512xi32, #tpu.memory_space<hbm>>
    %dma_wait3A_1086 = arith.constant 24064 : i32
    %dma_wait3A_1087 = tpu.memref_slice %arg7[%dma_wait3A_1086] : memref<25600xi32, #tpu.memory_space<vmem>> -> memref<512xi32, #tpu.memory_space<vmem>>
    %dma_wait3A_1088 = tpu.memref_slice %arg3[%add3A_755] : memref<819200xi32, #tpu.memory_space<hbm>> -> memref<512xi32, #tpu.memory_space<hbm>>
    tpu.wait_dma2 semaphore(%arg12 : memref<!tpu.dma_semaphore, #tpu.memory_space<semaphore_mem>>) src(%dma_wait3A_1088 : memref<512xi32, #tpu.memory_space<hbm>>) dst(%dma_wait3A_1087 : memref<512xi32, #tpu.memory_space<vmem>>)
    %dma_wait3A_1089 = arith.constant 24576 : i32
    %dma_wait3A_1090 = tpu.memref_slice %arg7[%dma_wait3A_1089] : memref<25600xi32, #tpu.memory_space<vmem>> -> memref<512xi32, #tpu.memory_space<vmem>>
    %dma_wait3A_1091 = tpu.memref_slice %arg3[%add3A_771] : memref<819200xi32, #tpu.memory_space<hbm>> -> memref<512xi32, #tpu.memory_space<hbm>>
    %dma_wait3A_1092 = arith.constant 24576 : i32
    %dma_wait3A_1093 = tpu.memref_slice %arg7[%dma_wait3A_1092] : memref<25600xi32, #tpu.memory_space<vmem>> -> memref<512xi32, #tpu.memory_space<vmem>>
    %dma_wait3A_1094 = tpu.memref_slice %arg3[%add3A_771] : memref<819200xi32, #tpu.memory_space<hbm>> -> memref<512xi32, #tpu.memory_space<hbm>>
    tpu.wait_dma2 semaphore(%arg12 : memref<!tpu.dma_semaphore, #tpu.memory_space<semaphore_mem>>) src(%dma_wait3A_1094 : memref<512xi32, #tpu.memory_space<hbm>>) dst(%dma_wait3A_1093 : memref<512xi32, #tpu.memory_space<vmem>>)
    %dma_wait3A_1095 = arith.constant 25088 : i32
    %dma_wait3A_1096 = tpu.memref_slice %arg7[%dma_wait3A_1095] : memref<25600xi32, #tpu.memory_space<vmem>> -> memref<512xi32, #tpu.memory_space<vmem>>
    %dma_wait3A_1097 = tpu.memref_slice %arg3[%add3A_787] : memref<819200xi32, #tpu.memory_space<hbm>> -> memref<512xi32, #tpu.memory_space<hbm>>
    %dma_wait3A_1098 = arith.constant 25088 : i32
    %dma_wait3A_1099 = tpu.memref_slice %arg7[%dma_wait3A_1098] : memref<25600xi32, #tpu.memory_space<vmem>> -> memref<512xi32, #tpu.memory_space<vmem>>
    %dma_wait3A_1100 = tpu.memref_slice %arg3[%add3A_787] : memref<819200xi32, #tpu.memory_space<hbm>> -> memref<512xi32, #tpu.memory_space<hbm>>
    tpu.wait_dma2 semaphore(%arg12 : memref<!tpu.dma_semaphore, #tpu.memory_space<semaphore_mem>>) src(%dma_wait3A_1100 : memref<512xi32, #tpu.memory_space<hbm>>) dst(%dma_wait3A_1099 : memref<512xi32, #tpu.memory_space<vmem>>)
    %dma_start3A_1101 = arith.constant 0 : i32
    %dma_start3A_1102 = tpu.memref_slice %arg9[%dma_start3A_1101] : memref<25600xf32, #tpu.memory_space<vmem>> -> memref<12800xf32, #tpu.memory_space<vmem>>
    %dma_start3A_1103 = arith.constant 0 : i32
    %dma_start3A_1104 = tpu.memref_slice %arg7[%dma_start3A_1103] : memref<25600xi32, #tpu.memory_space<vmem>> -> memref<12800xi32, #tpu.memory_space<vmem>>
    %dma_start3A_1105 = arith.constant 0 : i32
    %dma_start3A_1106 = tpu.memref_slice %arg2[%dma_start3A_1105] : memref<1000000xf32, #tpu.memory_space<hbm>> -> memref<1000000xf32, #tpu.memory_space<hbm>>
    tpu.enqueue_indirect_dma source(%dma_start3A_1106 : memref<1000000xf32, #tpu.memory_space<hbm>>) target(%dma_start3A_1102 : memref<12800xf32, #tpu.memory_space<vmem>>) offsets(%dma_start3A_1104 : memref<12800xi32, #tpu.memory_space<vmem>>) semaphore(%arg14 : memref<!tpu.dma_semaphore, #tpu.memory_space<semaphore_mem>>)
    %dma_start3A_1107 = arith.constant 12800 : i32
    %dma_start3A_1108 = tpu.memref_slice %arg9[%dma_start3A_1107] : memref<25600xf32, #tpu.memory_space<vmem>> -> memref<12800xf32, #tpu.memory_space<vmem>>
    %dma_start3A_1109 = arith.constant 12800 : i32
    %dma_start3A_1110 = tpu.memref_slice %arg7[%dma_start3A_1109] : memref<25600xi32, #tpu.memory_space<vmem>> -> memref<12800xi32, #tpu.memory_space<vmem>>
    %dma_start3A_1111 = arith.constant 0 : i32
    %dma_start3A_1112 = tpu.memref_slice %arg2[%dma_start3A_1111] : memref<1000000xf32, #tpu.memory_space<hbm>> -> memref<1000000xf32, #tpu.memory_space<hbm>>
    tpu.enqueue_indirect_dma source(%dma_start3A_1112 : memref<1000000xf32, #tpu.memory_space<hbm>>) target(%dma_start3A_1108 : memref<12800xf32, #tpu.memory_space<vmem>>) offsets(%dma_start3A_1110 : memref<12800xi32, #tpu.memory_space<vmem>>) semaphore(%arg15 : memref<!tpu.dma_semaphore, #tpu.memory_space<semaphore_mem>>)
    %dma_wait3A_1113 = arith.constant 0 : i32
    %dma_wait3A_1114 = tpu.memref_slice %arg8[%dma_wait3A_1113] : memref<25600xf32, #tpu.memory_space<vmem>> -> memref<512xf32, #tpu.memory_space<vmem>>
    %dma_wait3A_1115 = tpu.memref_slice %arg4[%add3A_11] : memref<819200xf32, #tpu.memory_space<hbm>> -> memref<512xf32, #tpu.memory_space<hbm>>
    %dma_wait3A_1116 = arith.constant 0 : i32
    %dma_wait3A_1117 = tpu.memref_slice %arg8[%dma_wait3A_1116] : memref<25600xf32, #tpu.memory_space<vmem>> -> memref<512xf32, #tpu.memory_space<vmem>>
    %dma_wait3A_1118 = tpu.memref_slice %arg4[%add3A_11] : memref<819200xf32, #tpu.memory_space<hbm>> -> memref<512xf32, #tpu.memory_space<hbm>>
    tpu.wait_dma2 semaphore(%arg13 : memref<!tpu.dma_semaphore, #tpu.memory_space<semaphore_mem>>) src(%dma_wait3A_1118 : memref<512xf32, #tpu.memory_space<hbm>>) dst(%dma_wait3A_1117 : memref<512xf32, #tpu.memory_space<vmem>>)
    %dma_wait3A_1119 = arith.constant 512 : i32
    %dma_wait3A_1120 = tpu.memref_slice %arg8[%dma_wait3A_1119] : memref<25600xf32, #tpu.memory_space<vmem>> -> memref<512xf32, #tpu.memory_space<vmem>>
    %dma_wait3A_1121 = tpu.memref_slice %arg4[%add3A_27] : memref<819200xf32, #tpu.memory_space<hbm>> -> memref<512xf32, #tpu.memory_space<hbm>>
    %dma_wait3A_1122 = arith.constant 512 : i32
    %dma_wait3A_1123 = tpu.memref_slice %arg8[%dma_wait3A_1122] : memref<25600xf32, #tpu.memory_space<vmem>> -> memref<512xf32, #tpu.memory_space<vmem>>
    %dma_wait3A_1124 = tpu.memref_slice %arg4[%add3A_27] : memref<819200xf32, #tpu.memory_space<hbm>> -> memref<512xf32, #tpu.memory_space<hbm>>
    tpu.wait_dma2 semaphore(%arg13 : memref<!tpu.dma_semaphore, #tpu.memory_space<semaphore_mem>>) src(%dma_wait3A_1124 : memref<512xf32, #tpu.memory_space<hbm>>) dst(%dma_wait3A_1123 : memref<512xf32, #tpu.memory_space<vmem>>)
    %dma_wait3A_1125 = arith.constant 1024 : i32
    %dma_wait3A_1126 = tpu.memref_slice %arg8[%dma_wait3A_1125] : memref<25600xf32, #tpu.memory_space<vmem>> -> memref<512xf32, #tpu.memory_space<vmem>>
    %dma_wait3A_1127 = tpu.memref_slice %arg4[%add3A_43] : memref<819200xf32, #tpu.memory_space<hbm>> -> memref<512xf32, #tpu.memory_space<hbm>>
    %dma_wait3A_1128 = arith.constant 1024 : i32
    %dma_wait3A_1129 = tpu.memref_slice %arg8[%dma_wait3A_1128] : memref<25600xf32, #tpu.memory_space<vmem>> -> memref<512xf32, #tpu.memory_space<vmem>>
    %dma_wait3A_1130 = tpu.memref_slice %arg4[%add3A_43] : memref<819200xf32, #tpu.memory_space<hbm>> -> memref<512xf32, #tpu.memory_space<hbm>>
    tpu.wait_dma2 semaphore(%arg13 : memref<!tpu.dma_semaphore, #tpu.memory_space<semaphore_mem>>) src(%dma_wait3A_1130 : memref<512xf32, #tpu.memory_space<hbm>>) dst(%dma_wait3A_1129 : memref<512xf32, #tpu.memory_space<vmem>>)
    %dma_wait3A_1131 = arith.constant 1536 : i32
    %dma_wait3A_1132 = tpu.memref_slice %arg8[%dma_wait3A_1131] : memref<25600xf32, #tpu.memory_space<vmem>> -> memref<512xf32, #tpu.memory_space<vmem>>
    %dma_wait3A_1133 = tpu.memref_slice %arg4[%add3A_59] : memref<819200xf32, #tpu.memory_space<hbm>> -> memref<512xf32, #tpu.memory_space<hbm>>
    %dma_wait3A_1134 = arith.constant 1536 : i32
    %dma_wait3A_1135 = tpu.memref_slice %arg8[%dma_wait3A_1134] : memref<25600xf32, #tpu.memory_space<vmem>> -> memref<512xf32, #tpu.memory_space<vmem>>
    %dma_wait3A_1136 = tpu.memref_slice %arg4[%add3A_59] : memref<819200xf32, #tpu.memory_space<hbm>> -> memref<512xf32, #tpu.memory_space<hbm>>
    tpu.wait_dma2 semaphore(%arg13 : memref<!tpu.dma_semaphore, #tpu.memory_space<semaphore_mem>>) src(%dma_wait3A_1136 : memref<512xf32, #tpu.memory_space<hbm>>) dst(%dma_wait3A_1135 : memref<512xf32, #tpu.memory_space<vmem>>)
    %dma_wait3A_1137 = arith.constant 2048 : i32
    %dma_wait3A_1138 = tpu.memref_slice %arg8[%dma_wait3A_1137] : memref<25600xf32, #tpu.memory_space<vmem>> -> memref<512xf32, #tpu.memory_space<vmem>>
    %dma_wait3A_1139 = tpu.memref_slice %arg4[%add3A_75] : memref<819200xf32, #tpu.memory_space<hbm>> -> memref<512xf32, #tpu.memory_space<hbm>>
    %dma_wait3A_1140 = arith.constant 2048 : i32
    %dma_wait3A_1141 = tpu.memref_slice %arg8[%dma_wait3A_1140] : memref<25600xf32, #tpu.memory_space<vmem>> -> memref<512xf32, #tpu.memory_space<vmem>>
    %dma_wait3A_1142 = tpu.memref_slice %arg4[%add3A_75] : memref<819200xf32, #tpu.memory_space<hbm>> -> memref<512xf32, #tpu.memory_space<hbm>>
    tpu.wait_dma2 semaphore(%arg13 : memref<!tpu.dma_semaphore, #tpu.memory_space<semaphore_mem>>) src(%dma_wait3A_1142 : memref<512xf32, #tpu.memory_space<hbm>>) dst(%dma_wait3A_1141 : memref<512xf32, #tpu.memory_space<vmem>>)
    %dma_wait3A_1143 = arith.constant 2560 : i32
    %dma_wait3A_1144 = tpu.memref_slice %arg8[%dma_wait3A_1143] : memref<25600xf32, #tpu.memory_space<vmem>> -> memref<512xf32, #tpu.memory_space<vmem>>
    %dma_wait3A_1145 = tpu.memref_slice %arg4[%add3A_91] : memref<819200xf32, #tpu.memory_space<hbm>> -> memref<512xf32, #tpu.memory_space<hbm>>
    %dma_wait3A_1146 = arith.constant 2560 : i32
    %dma_wait3A_1147 = tpu.memref_slice %arg8[%dma_wait3A_1146] : memref<25600xf32, #tpu.memory_space<vmem>> -> memref<512xf32, #tpu.memory_space<vmem>>
    %dma_wait3A_1148 = tpu.memref_slice %arg4[%add3A_91] : memref<819200xf32, #tpu.memory_space<hbm>> -> memref<512xf32, #tpu.memory_space<hbm>>
    tpu.wait_dma2 semaphore(%arg13 : memref<!tpu.dma_semaphore, #tpu.memory_space<semaphore_mem>>) src(%dma_wait3A_1148 : memref<512xf32, #tpu.memory_space<hbm>>) dst(%dma_wait3A_1147 : memref<512xf32, #tpu.memory_space<vmem>>)
    %dma_wait3A_1149 = arith.constant 3072 : i32
    %dma_wait3A_1150 = tpu.memref_slice %arg8[%dma_wait3A_1149] : memref<25600xf32, #tpu.memory_space<vmem>> -> memref<512xf32, #tpu.memory_space<vmem>>
    %dma_wait3A_1151 = tpu.memref_slice %arg4[%add3A_107] : memref<819200xf32, #tpu.memory_space<hbm>> -> memref<512xf32, #tpu.memory_space<hbm>>
    %dma_wait3A_1152 = arith.constant 3072 : i32
    %dma_wait3A_1153 = tpu.memref_slice %arg8[%dma_wait3A_1152] : memref<25600xf32, #tpu.memory_space<vmem>> -> memref<512xf32, #tpu.memory_space<vmem>>
    %dma_wait3A_1154 = tpu.memref_slice %arg4[%add3A_107] : memref<819200xf32, #tpu.memory_space<hbm>> -> memref<512xf32, #tpu.memory_space<hbm>>
    tpu.wait_dma2 semaphore(%arg13 : memref<!tpu.dma_semaphore, #tpu.memory_space<semaphore_mem>>) src(%dma_wait3A_1154 : memref<512xf32, #tpu.memory_space<hbm>>) dst(%dma_wait3A_1153 : memref<512xf32, #tpu.memory_space<vmem>>)
    %dma_wait3A_1155 = arith.constant 3584 : i32
    %dma_wait3A_1156 = tpu.memref_slice %arg8[%dma_wait3A_1155] : memref<25600xf32, #tpu.memory_space<vmem>> -> memref<512xf32, #tpu.memory_space<vmem>>
    %dma_wait3A_1157 = tpu.memref_slice %arg4[%add3A_123] : memref<819200xf32, #tpu.memory_space<hbm>> -> memref<512xf32, #tpu.memory_space<hbm>>
    %dma_wait3A_1158 = arith.constant 3584 : i32
    %dma_wait3A_1159 = tpu.memref_slice %arg8[%dma_wait3A_1158] : memref<25600xf32, #tpu.memory_space<vmem>> -> memref<512xf32, #tpu.memory_space<vmem>>
    %dma_wait3A_1160 = tpu.memref_slice %arg4[%add3A_123] : memref<819200xf32, #tpu.memory_space<hbm>> -> memref<512xf32, #tpu.memory_space<hbm>>
    tpu.wait_dma2 semaphore(%arg13 : memref<!tpu.dma_semaphore, #tpu.memory_space<semaphore_mem>>) src(%dma_wait3A_1160 : memref<512xf32, #tpu.memory_space<hbm>>) dst(%dma_wait3A_1159 : memref<512xf32, #tpu.memory_space<vmem>>)
    %dma_wait3A_1161 = arith.constant 4096 : i32
    %dma_wait3A_1162 = tpu.memref_slice %arg8[%dma_wait3A_1161] : memref<25600xf32, #tpu.memory_space<vmem>> -> memref<512xf32, #tpu.memory_space<vmem>>
    %dma_wait3A_1163 = tpu.memref_slice %arg4[%add3A_139] : memref<819200xf32, #tpu.memory_space<hbm>> -> memref<512xf32, #tpu.memory_space<hbm>>
    %dma_wait3A_1164 = arith.constant 4096 : i32
    %dma_wait3A_1165 = tpu.memref_slice %arg8[%dma_wait3A_1164] : memref<25600xf32, #tpu.memory_space<vmem>> -> memref<512xf32, #tpu.memory_space<vmem>>
    %dma_wait3A_1166 = tpu.memref_slice %arg4[%add3A_139] : memref<819200xf32, #tpu.memory_space<hbm>> -> memref<512xf32, #tpu.memory_space<hbm>>
    tpu.wait_dma2 semaphore(%arg13 : memref<!tpu.dma_semaphore, #tpu.memory_space<semaphore_mem>>) src(%dma_wait3A_1166 : memref<512xf32, #tpu.memory_space<hbm>>) dst(%dma_wait3A_1165 : memref<512xf32, #tpu.memory_space<vmem>>)
    %dma_wait3A_1167 = arith.constant 4608 : i32
    %dma_wait3A_1168 = tpu.memref_slice %arg8[%dma_wait3A_1167] : memref<25600xf32, #tpu.memory_space<vmem>> -> memref<512xf32, #tpu.memory_space<vmem>>
    %dma_wait3A_1169 = tpu.memref_slice %arg4[%add3A_155] : memref<819200xf32, #tpu.memory_space<hbm>> -> memref<512xf32, #tpu.memory_space<hbm>>
    %dma_wait3A_1170 = arith.constant 4608 : i32
    %dma_wait3A_1171 = tpu.memref_slice %arg8[%dma_wait3A_1170] : memref<25600xf32, #tpu.memory_space<vmem>> -> memref<512xf32, #tpu.memory_space<vmem>>
    %dma_wait3A_1172 = tpu.memref_slice %arg4[%add3A_155] : memref<819200xf32, #tpu.memory_space<hbm>> -> memref<512xf32, #tpu.memory_space<hbm>>
    tpu.wait_dma2 semaphore(%arg13 : memref<!tpu.dma_semaphore, #tpu.memory_space<semaphore_mem>>) src(%dma_wait3A_1172 : memref<512xf32, #tpu.memory_space<hbm>>) dst(%dma_wait3A_1171 : memref<512xf32, #tpu.memory_space<vmem>>)
    %dma_wait3A_1173 = arith.constant 5120 : i32
    %dma_wait3A_1174 = tpu.memref_slice %arg8[%dma_wait3A_1173] : memref<25600xf32, #tpu.memory_space<vmem>> -> memref<512xf32, #tpu.memory_space<vmem>>
    %dma_wait3A_1175 = tpu.memref_slice %arg4[%add3A_171] : memref<819200xf32, #tpu.memory_space<hbm>> -> memref<512xf32, #tpu.memory_space<hbm>>
    %dma_wait3A_1176 = arith.constant 5120 : i32
    %dma_wait3A_1177 = tpu.memref_slice %arg8[%dma_wait3A_1176] : memref<25600xf32, #tpu.memory_space<vmem>> -> memref<512xf32, #tpu.memory_space<vmem>>
    %dma_wait3A_1178 = tpu.memref_slice %arg4[%add3A_171] : memref<819200xf32, #tpu.memory_space<hbm>> -> memref<512xf32, #tpu.memory_space<hbm>>
    tpu.wait_dma2 semaphore(%arg13 : memref<!tpu.dma_semaphore, #tpu.memory_space<semaphore_mem>>) src(%dma_wait3A_1178 : memref<512xf32, #tpu.memory_space<hbm>>) dst(%dma_wait3A_1177 : memref<512xf32, #tpu.memory_space<vmem>>)
    %dma_wait3A_1179 = arith.constant 5632 : i32
    %dma_wait3A_1180 = tpu.memref_slice %arg8[%dma_wait3A_1179] : memref<25600xf32, #tpu.memory_space<vmem>> -> memref<512xf32, #tpu.memory_space<vmem>>
    %dma_wait3A_1181 = tpu.memref_slice %arg4[%add3A_187] : memref<819200xf32, #tpu.memory_space<hbm>> -> memref<512xf32, #tpu.memory_space<hbm>>
    %dma_wait3A_1182 = arith.constant 5632 : i32
    %dma_wait3A_1183 = tpu.memref_slice %arg8[%dma_wait3A_1182] : memref<25600xf32, #tpu.memory_space<vmem>> -> memref<512xf32, #tpu.memory_space<vmem>>
    %dma_wait3A_1184 = tpu.memref_slice %arg4[%add3A_187] : memref<819200xf32, #tpu.memory_space<hbm>> -> memref<512xf32, #tpu.memory_space<hbm>>
    tpu.wait_dma2 semaphore(%arg13 : memref<!tpu.dma_semaphore, #tpu.memory_space<semaphore_mem>>) src(%dma_wait3A_1184 : memref<512xf32, #tpu.memory_space<hbm>>) dst(%dma_wait3A_1183 : memref<512xf32, #tpu.memory_space<vmem>>)
    %dma_wait3A_1185 = arith.constant 6144 : i32
    %dma_wait3A_1186 = tpu.memref_slice %arg8[%dma_wait3A_1185] : memref<25600xf32, #tpu.memory_space<vmem>> -> memref<512xf32, #tpu.memory_space<vmem>>
    %dma_wait3A_1187 = tpu.memref_slice %arg4[%add3A_203] : memref<819200xf32, #tpu.memory_space<hbm>> -> memref<512xf32, #tpu.memory_space<hbm>>
    %dma_wait3A_1188 = arith.constant 6144 : i32
    %dma_wait3A_1189 = tpu.memref_slice %arg8[%dma_wait3A_1188] : memref<25600xf32, #tpu.memory_space<vmem>> -> memref<512xf32, #tpu.memory_space<vmem>>
    %dma_wait3A_1190 = tpu.memref_slice %arg4[%add3A_203] : memref<819200xf32, #tpu.memory_space<hbm>> -> memref<512xf32, #tpu.memory_space<hbm>>
    tpu.wait_dma2 semaphore(%arg13 : memref<!tpu.dma_semaphore, #tpu.memory_space<semaphore_mem>>) src(%dma_wait3A_1190 : memref<512xf32, #tpu.memory_space<hbm>>) dst(%dma_wait3A_1189 : memref<512xf32, #tpu.memory_space<vmem>>)
    %dma_wait3A_1191 = arith.constant 6656 : i32
    %dma_wait3A_1192 = tpu.memref_slice %arg8[%dma_wait3A_1191] : memref<25600xf32, #tpu.memory_space<vmem>> -> memref<512xf32, #tpu.memory_space<vmem>>
    %dma_wait3A_1193 = tpu.memref_slice %arg4[%add3A_219] : memref<819200xf32, #tpu.memory_space<hbm>> -> memref<512xf32, #tpu.memory_space<hbm>>
    %dma_wait3A_1194 = arith.constant 6656 : i32
    %dma_wait3A_1195 = tpu.memref_slice %arg8[%dma_wait3A_1194] : memref<25600xf32, #tpu.memory_space<vmem>> -> memref<512xf32, #tpu.memory_space<vmem>>
    %dma_wait3A_1196 = tpu.memref_slice %arg4[%add3A_219] : memref<819200xf32, #tpu.memory_space<hbm>> -> memref<512xf32, #tpu.memory_space<hbm>>
    tpu.wait_dma2 semaphore(%arg13 : memref<!tpu.dma_semaphore, #tpu.memory_space<semaphore_mem>>) src(%dma_wait3A_1196 : memref<512xf32, #tpu.memory_space<hbm>>) dst(%dma_wait3A_1195 : memref<512xf32, #tpu.memory_space<vmem>>)
    %dma_wait3A_1197 = arith.constant 7168 : i32
    %dma_wait3A_1198 = tpu.memref_slice %arg8[%dma_wait3A_1197] : memref<25600xf32, #tpu.memory_space<vmem>> -> memref<512xf32, #tpu.memory_space<vmem>>
    %dma_wait3A_1199 = tpu.memref_slice %arg4[%add3A_235] : memref<819200xf32, #tpu.memory_space<hbm>> -> memref<512xf32, #tpu.memory_space<hbm>>
    %dma_wait3A_1200 = arith.constant 7168 : i32
    %dma_wait3A_1201 = tpu.memref_slice %arg8[%dma_wait3A_1200] : memref<25600xf32, #tpu.memory_space<vmem>> -> memref<512xf32, #tpu.memory_space<vmem>>
    %dma_wait3A_1202 = tpu.memref_slice %arg4[%add3A_235] : memref<819200xf32, #tpu.memory_space<hbm>> -> memref<512xf32, #tpu.memory_space<hbm>>
    tpu.wait_dma2 semaphore(%arg13 : memref<!tpu.dma_semaphore, #tpu.memory_space<semaphore_mem>>) src(%dma_wait3A_1202 : memref<512xf32, #tpu.memory_space<hbm>>) dst(%dma_wait3A_1201 : memref<512xf32, #tpu.memory_space<vmem>>)
    %dma_wait3A_1203 = arith.constant 7680 : i32
    %dma_wait3A_1204 = tpu.memref_slice %arg8[%dma_wait3A_1203] : memref<25600xf32, #tpu.memory_space<vmem>> -> memref<512xf32, #tpu.memory_space<vmem>>
    %dma_wait3A_1205 = tpu.memref_slice %arg4[%add3A_251] : memref<819200xf32, #tpu.memory_space<hbm>> -> memref<512xf32, #tpu.memory_space<hbm>>
    %dma_wait3A_1206 = arith.constant 7680 : i32
    %dma_wait3A_1207 = tpu.memref_slice %arg8[%dma_wait3A_1206] : memref<25600xf32, #tpu.memory_space<vmem>> -> memref<512xf32, #tpu.memory_space<vmem>>
    %dma_wait3A_1208 = tpu.memref_slice %arg4[%add3A_251] : memref<819200xf32, #tpu.memory_space<hbm>> -> memref<512xf32, #tpu.memory_space<hbm>>
    tpu.wait_dma2 semaphore(%arg13 : memref<!tpu.dma_semaphore, #tpu.memory_space<semaphore_mem>>) src(%dma_wait3A_1208 : memref<512xf32, #tpu.memory_space<hbm>>) dst(%dma_wait3A_1207 : memref<512xf32, #tpu.memory_space<vmem>>)
    %dma_wait3A_1209 = arith.constant 8192 : i32
    %dma_wait3A_1210 = tpu.memref_slice %arg8[%dma_wait3A_1209] : memref<25600xf32, #tpu.memory_space<vmem>> -> memref<512xf32, #tpu.memory_space<vmem>>
    %dma_wait3A_1211 = tpu.memref_slice %arg4[%add3A_267] : memref<819200xf32, #tpu.memory_space<hbm>> -> memref<512xf32, #tpu.memory_space<hbm>>
    %dma_wait3A_1212 = arith.constant 8192 : i32
    %dma_wait3A_1213 = tpu.memref_slice %arg8[%dma_wait3A_1212] : memref<25600xf32, #tpu.memory_space<vmem>> -> memref<512xf32, #tpu.memory_space<vmem>>
    %dma_wait3A_1214 = tpu.memref_slice %arg4[%add3A_267] : memref<819200xf32, #tpu.memory_space<hbm>> -> memref<512xf32, #tpu.memory_space<hbm>>
    tpu.wait_dma2 semaphore(%arg13 : memref<!tpu.dma_semaphore, #tpu.memory_space<semaphore_mem>>) src(%dma_wait3A_1214 : memref<512xf32, #tpu.memory_space<hbm>>) dst(%dma_wait3A_1213 : memref<512xf32, #tpu.memory_space<vmem>>)
    %dma_wait3A_1215 = arith.constant 8704 : i32
    %dma_wait3A_1216 = tpu.memref_slice %arg8[%dma_wait3A_1215] : memref<25600xf32, #tpu.memory_space<vmem>> -> memref<512xf32, #tpu.memory_space<vmem>>
    %dma_wait3A_1217 = tpu.memref_slice %arg4[%add3A_283] : memref<819200xf32, #tpu.memory_space<hbm>> -> memref<512xf32, #tpu.memory_space<hbm>>
    %dma_wait3A_1218 = arith.constant 8704 : i32
    %dma_wait3A_1219 = tpu.memref_slice %arg8[%dma_wait3A_1218] : memref<25600xf32, #tpu.memory_space<vmem>> -> memref<512xf32, #tpu.memory_space<vmem>>
    %dma_wait3A_1220 = tpu.memref_slice %arg4[%add3A_283] : memref<819200xf32, #tpu.memory_space<hbm>> -> memref<512xf32, #tpu.memory_space<hbm>>
    tpu.wait_dma2 semaphore(%arg13 : memref<!tpu.dma_semaphore, #tpu.memory_space<semaphore_mem>>) src(%dma_wait3A_1220 : memref<512xf32, #tpu.memory_space<hbm>>) dst(%dma_wait3A_1219 : memref<512xf32, #tpu.memory_space<vmem>>)
    %dma_wait3A_1221 = arith.constant 9216 : i32
    %dma_wait3A_1222 = tpu.memref_slice %arg8[%dma_wait3A_1221] : memref<25600xf32, #tpu.memory_space<vmem>> -> memref<512xf32, #tpu.memory_space<vmem>>
    %dma_wait3A_1223 = tpu.memref_slice %arg4[%add3A_299] : memref<819200xf32, #tpu.memory_space<hbm>> -> memref<512xf32, #tpu.memory_space<hbm>>
    %dma_wait3A_1224 = arith.constant 9216 : i32
    %dma_wait3A_1225 = tpu.memref_slice %arg8[%dma_wait3A_1224] : memref<25600xf32, #tpu.memory_space<vmem>> -> memref<512xf32, #tpu.memory_space<vmem>>
    %dma_wait3A_1226 = tpu.memref_slice %arg4[%add3A_299] : memref<819200xf32, #tpu.memory_space<hbm>> -> memref<512xf32, #tpu.memory_space<hbm>>
    tpu.wait_dma2 semaphore(%arg13 : memref<!tpu.dma_semaphore, #tpu.memory_space<semaphore_mem>>) src(%dma_wait3A_1226 : memref<512xf32, #tpu.memory_space<hbm>>) dst(%dma_wait3A_1225 : memref<512xf32, #tpu.memory_space<vmem>>)
    %dma_wait3A_1227 = arith.constant 9728 : i32
    %dma_wait3A_1228 = tpu.memref_slice %arg8[%dma_wait3A_1227] : memref<25600xf32, #tpu.memory_space<vmem>> -> memref<512xf32, #tpu.memory_space<vmem>>
    %dma_wait3A_1229 = tpu.memref_slice %arg4[%add3A_315] : memref<819200xf32, #tpu.memory_space<hbm>> -> memref<512xf32, #tpu.memory_space<hbm>>
    %dma_wait3A_1230 = arith.constant 9728 : i32
    %dma_wait3A_1231 = tpu.memref_slice %arg8[%dma_wait3A_1230] : memref<25600xf32, #tpu.memory_space<vmem>> -> memref<512xf32, #tpu.memory_space<vmem>>
    %dma_wait3A_1232 = tpu.memref_slice %arg4[%add3A_315] : memref<819200xf32, #tpu.memory_space<hbm>> -> memref<512xf32, #tpu.memory_space<hbm>>
    tpu.wait_dma2 semaphore(%arg13 : memref<!tpu.dma_semaphore, #tpu.memory_space<semaphore_mem>>) src(%dma_wait3A_1232 : memref<512xf32, #tpu.memory_space<hbm>>) dst(%dma_wait3A_1231 : memref<512xf32, #tpu.memory_space<vmem>>)
    %dma_wait3A_1233 = arith.constant 10240 : i32
    %dma_wait3A_1234 = tpu.memref_slice %arg8[%dma_wait3A_1233] : memref<25600xf32, #tpu.memory_space<vmem>> -> memref<512xf32, #tpu.memory_space<vmem>>
    %dma_wait3A_1235 = tpu.memref_slice %arg4[%add3A_331] : memref<819200xf32, #tpu.memory_space<hbm>> -> memref<512xf32, #tpu.memory_space<hbm>>
    %dma_wait3A_1236 = arith.constant 10240 : i32
    %dma_wait3A_1237 = tpu.memref_slice %arg8[%dma_wait3A_1236] : memref<25600xf32, #tpu.memory_space<vmem>> -> memref<512xf32, #tpu.memory_space<vmem>>
    %dma_wait3A_1238 = tpu.memref_slice %arg4[%add3A_331] : memref<819200xf32, #tpu.memory_space<hbm>> -> memref<512xf32, #tpu.memory_space<hbm>>
    tpu.wait_dma2 semaphore(%arg13 : memref<!tpu.dma_semaphore, #tpu.memory_space<semaphore_mem>>) src(%dma_wait3A_1238 : memref<512xf32, #tpu.memory_space<hbm>>) dst(%dma_wait3A_1237 : memref<512xf32, #tpu.memory_space<vmem>>)
    %dma_wait3A_1239 = arith.constant 10752 : i32
    %dma_wait3A_1240 = tpu.memref_slice %arg8[%dma_wait3A_1239] : memref<25600xf32, #tpu.memory_space<vmem>> -> memref<512xf32, #tpu.memory_space<vmem>>
    %dma_wait3A_1241 = tpu.memref_slice %arg4[%add3A_347] : memref<819200xf32, #tpu.memory_space<hbm>> -> memref<512xf32, #tpu.memory_space<hbm>>
    %dma_wait3A_1242 = arith.constant 10752 : i32
    %dma_wait3A_1243 = tpu.memref_slice %arg8[%dma_wait3A_1242] : memref<25600xf32, #tpu.memory_space<vmem>> -> memref<512xf32, #tpu.memory_space<vmem>>
    %dma_wait3A_1244 = tpu.memref_slice %arg4[%add3A_347] : memref<819200xf32, #tpu.memory_space<hbm>> -> memref<512xf32, #tpu.memory_space<hbm>>
    tpu.wait_dma2 semaphore(%arg13 : memref<!tpu.dma_semaphore, #tpu.memory_space<semaphore_mem>>) src(%dma_wait3A_1244 : memref<512xf32, #tpu.memory_space<hbm>>) dst(%dma_wait3A_1243 : memref<512xf32, #tpu.memory_space<vmem>>)
    %dma_wait3A_1245 = arith.constant 11264 : i32
    %dma_wait3A_1246 = tpu.memref_slice %arg8[%dma_wait3A_1245] : memref<25600xf32, #tpu.memory_space<vmem>> -> memref<512xf32, #tpu.memory_space<vmem>>
    %dma_wait3A_1247 = tpu.memref_slice %arg4[%add3A_363] : memref<819200xf32, #tpu.memory_space<hbm>> -> memref<512xf32, #tpu.memory_space<hbm>>
    %dma_wait3A_1248 = arith.constant 11264 : i32
    %dma_wait3A_1249 = tpu.memref_slice %arg8[%dma_wait3A_1248] : memref<25600xf32, #tpu.memory_space<vmem>> -> memref<512xf32, #tpu.memory_space<vmem>>
    %dma_wait3A_1250 = tpu.memref_slice %arg4[%add3A_363] : memref<819200xf32, #tpu.memory_space<hbm>> -> memref<512xf32, #tpu.memory_space<hbm>>
    tpu.wait_dma2 semaphore(%arg13 : memref<!tpu.dma_semaphore, #tpu.memory_space<semaphore_mem>>) src(%dma_wait3A_1250 : memref<512xf32, #tpu.memory_space<hbm>>) dst(%dma_wait3A_1249 : memref<512xf32, #tpu.memory_space<vmem>>)
    %dma_wait3A_1251 = arith.constant 11776 : i32
    %dma_wait3A_1252 = tpu.memref_slice %arg8[%dma_wait3A_1251] : memref<25600xf32, #tpu.memory_space<vmem>> -> memref<512xf32, #tpu.memory_space<vmem>>
    %dma_wait3A_1253 = tpu.memref_slice %arg4[%add3A_379] : memref<819200xf32, #tpu.memory_space<hbm>> -> memref<512xf32, #tpu.memory_space<hbm>>
    %dma_wait3A_1254 = arith.constant 11776 : i32
    %dma_wait3A_1255 = tpu.memref_slice %arg8[%dma_wait3A_1254] : memref<25600xf32, #tpu.memory_space<vmem>> -> memref<512xf32, #tpu.memory_space<vmem>>
    %dma_wait3A_1256 = tpu.memref_slice %arg4[%add3A_379] : memref<819200xf32, #tpu.memory_space<hbm>> -> memref<512xf32, #tpu.memory_space<hbm>>
    tpu.wait_dma2 semaphore(%arg13 : memref<!tpu.dma_semaphore, #tpu.memory_space<semaphore_mem>>) src(%dma_wait3A_1256 : memref<512xf32, #tpu.memory_space<hbm>>) dst(%dma_wait3A_1255 : memref<512xf32, #tpu.memory_space<vmem>>)
    %dma_wait3A_1257 = arith.constant 12288 : i32
    %dma_wait3A_1258 = tpu.memref_slice %arg8[%dma_wait3A_1257] : memref<25600xf32, #tpu.memory_space<vmem>> -> memref<512xf32, #tpu.memory_space<vmem>>
    %dma_wait3A_1259 = tpu.memref_slice %arg4[%add3A_395] : memref<819200xf32, #tpu.memory_space<hbm>> -> memref<512xf32, #tpu.memory_space<hbm>>
    %dma_wait3A_1260 = arith.constant 12288 : i32
    %dma_wait3A_1261 = tpu.memref_slice %arg8[%dma_wait3A_1260] : memref<25600xf32, #tpu.memory_space<vmem>> -> memref<512xf32, #tpu.memory_space<vmem>>
    %dma_wait3A_1262 = tpu.memref_slice %arg4[%add3A_395] : memref<819200xf32, #tpu.memory_space<hbm>> -> memref<512xf32, #tpu.memory_space<hbm>>
    tpu.wait_dma2 semaphore(%arg13 : memref<!tpu.dma_semaphore, #tpu.memory_space<semaphore_mem>>) src(%dma_wait3A_1262 : memref<512xf32, #tpu.memory_space<hbm>>) dst(%dma_wait3A_1261 : memref<512xf32, #tpu.memory_space<vmem>>)
    %dma_wait3A_1263 = arith.constant 12800 : i32
    %dma_wait3A_1264 = tpu.memref_slice %arg8[%dma_wait3A_1263] : memref<25600xf32, #tpu.memory_space<vmem>> -> memref<512xf32, #tpu.memory_space<vmem>>
    %dma_wait3A_1265 = tpu.memref_slice %arg4[%add3A_411] : memref<819200xf32, #tpu.memory_space<hbm>> -> memref<512xf32, #tpu.memory_space<hbm>>
    %dma_wait3A_1266 = arith.constant 12800 : i32
    %dma_wait3A_1267 = tpu.memref_slice %arg8[%dma_wait3A_1266] : memref<25600xf32, #tpu.memory_space<vmem>> -> memref<512xf32, #tpu.memory_space<vmem>>
    %dma_wait3A_1268 = tpu.memref_slice %arg4[%add3A_411] : memref<819200xf32, #tpu.memory_space<hbm>> -> memref<512xf32, #tpu.memory_space<hbm>>
    tpu.wait_dma2 semaphore(%arg13 : memref<!tpu.dma_semaphore, #tpu.memory_space<semaphore_mem>>) src(%dma_wait3A_1268 : memref<512xf32, #tpu.memory_space<hbm>>) dst(%dma_wait3A_1267 : memref<512xf32, #tpu.memory_space<vmem>>)
    %dma_wait3A_1269 = arith.constant 13312 : i32
    %dma_wait3A_1270 = tpu.memref_slice %arg8[%dma_wait3A_1269] : memref<25600xf32, #tpu.memory_space<vmem>> -> memref<512xf32, #tpu.memory_space<vmem>>
    %dma_wait3A_1271 = tpu.memref_slice %arg4[%add3A_427] : memref<819200xf32, #tpu.memory_space<hbm>> -> memref<512xf32, #tpu.memory_space<hbm>>
    %dma_wait3A_1272 = arith.constant 13312 : i32
    %dma_wait3A_1273 = tpu.memref_slice %arg8[%dma_wait3A_1272] : memref<25600xf32, #tpu.memory_space<vmem>> -> memref<512xf32, #tpu.memory_space<vmem>>
    %dma_wait3A_1274 = tpu.memref_slice %arg4[%add3A_427] : memref<819200xf32, #tpu.memory_space<hbm>> -> memref<512xf32, #tpu.memory_space<hbm>>
    tpu.wait_dma2 semaphore(%arg13 : memref<!tpu.dma_semaphore, #tpu.memory_space<semaphore_mem>>) src(%dma_wait3A_1274 : memref<512xf32, #tpu.memory_space<hbm>>) dst(%dma_wait3A_1273 : memref<512xf32, #tpu.memory_space<vmem>>)
    %dma_wait3A_1275 = arith.constant 13824 : i32
    %dma_wait3A_1276 = tpu.memref_slice %arg8[%dma_wait3A_1275] : memref<25600xf32, #tpu.memory_space<vmem>> -> memref<512xf32, #tpu.memory_space<vmem>>
    %dma_wait3A_1277 = tpu.memref_slice %arg4[%add3A_443] : memref<819200xf32, #tpu.memory_space<hbm>> -> memref<512xf32, #tpu.memory_space<hbm>>
    %dma_wait3A_1278 = arith.constant 13824 : i32
    %dma_wait3A_1279 = tpu.memref_slice %arg8[%dma_wait3A_1278] : memref<25600xf32, #tpu.memory_space<vmem>> -> memref<512xf32, #tpu.memory_space<vmem>>
    %dma_wait3A_1280 = tpu.memref_slice %arg4[%add3A_443] : memref<819200xf32, #tpu.memory_space<hbm>> -> memref<512xf32, #tpu.memory_space<hbm>>
    tpu.wait_dma2 semaphore(%arg13 : memref<!tpu.dma_semaphore, #tpu.memory_space<semaphore_mem>>) src(%dma_wait3A_1280 : memref<512xf32, #tpu.memory_space<hbm>>) dst(%dma_wait3A_1279 : memref<512xf32, #tpu.memory_space<vmem>>)
    %dma_wait3A_1281 = arith.constant 14336 : i32
    %dma_wait3A_1282 = tpu.memref_slice %arg8[%dma_wait3A_1281] : memref<25600xf32, #tpu.memory_space<vmem>> -> memref<512xf32, #tpu.memory_space<vmem>>
    %dma_wait3A_1283 = tpu.memref_slice %arg4[%add3A_459] : memref<819200xf32, #tpu.memory_space<hbm>> -> memref<512xf32, #tpu.memory_space<hbm>>
    %dma_wait3A_1284 = arith.constant 14336 : i32
    %dma_wait3A_1285 = tpu.memref_slice %arg8[%dma_wait3A_1284] : memref<25600xf32, #tpu.memory_space<vmem>> -> memref<512xf32, #tpu.memory_space<vmem>>
    %dma_wait3A_1286 = tpu.memref_slice %arg4[%add3A_459] : memref<819200xf32, #tpu.memory_space<hbm>> -> memref<512xf32, #tpu.memory_space<hbm>>
    tpu.wait_dma2 semaphore(%arg13 : memref<!tpu.dma_semaphore, #tpu.memory_space<semaphore_mem>>) src(%dma_wait3A_1286 : memref<512xf32, #tpu.memory_space<hbm>>) dst(%dma_wait3A_1285 : memref<512xf32, #tpu.memory_space<vmem>>)
    %dma_wait3A_1287 = arith.constant 14848 : i32
    %dma_wait3A_1288 = tpu.memref_slice %arg8[%dma_wait3A_1287] : memref<25600xf32, #tpu.memory_space<vmem>> -> memref<512xf32, #tpu.memory_space<vmem>>
    %dma_wait3A_1289 = tpu.memref_slice %arg4[%add3A_475] : memref<819200xf32, #tpu.memory_space<hbm>> -> memref<512xf32, #tpu.memory_space<hbm>>
    %dma_wait3A_1290 = arith.constant 14848 : i32
    %dma_wait3A_1291 = tpu.memref_slice %arg8[%dma_wait3A_1290] : memref<25600xf32, #tpu.memory_space<vmem>> -> memref<512xf32, #tpu.memory_space<vmem>>
    %dma_wait3A_1292 = tpu.memref_slice %arg4[%add3A_475] : memref<819200xf32, #tpu.memory_space<hbm>> -> memref<512xf32, #tpu.memory_space<hbm>>
    tpu.wait_dma2 semaphore(%arg13 : memref<!tpu.dma_semaphore, #tpu.memory_space<semaphore_mem>>) src(%dma_wait3A_1292 : memref<512xf32, #tpu.memory_space<hbm>>) dst(%dma_wait3A_1291 : memref<512xf32, #tpu.memory_space<vmem>>)
    %dma_wait3A_1293 = arith.constant 15360 : i32
    %dma_wait3A_1294 = tpu.memref_slice %arg8[%dma_wait3A_1293] : memref<25600xf32, #tpu.memory_space<vmem>> -> memref<512xf32, #tpu.memory_space<vmem>>
    %dma_wait3A_1295 = tpu.memref_slice %arg4[%add3A_491] : memref<819200xf32, #tpu.memory_space<hbm>> -> memref<512xf32, #tpu.memory_space<hbm>>
    %dma_wait3A_1296 = arith.constant 15360 : i32
    %dma_wait3A_1297 = tpu.memref_slice %arg8[%dma_wait3A_1296] : memref<25600xf32, #tpu.memory_space<vmem>> -> memref<512xf32, #tpu.memory_space<vmem>>
    %dma_wait3A_1298 = tpu.memref_slice %arg4[%add3A_491] : memref<819200xf32, #tpu.memory_space<hbm>> -> memref<512xf32, #tpu.memory_space<hbm>>
    tpu.wait_dma2 semaphore(%arg13 : memref<!tpu.dma_semaphore, #tpu.memory_space<semaphore_mem>>) src(%dma_wait3A_1298 : memref<512xf32, #tpu.memory_space<hbm>>) dst(%dma_wait3A_1297 : memref<512xf32, #tpu.memory_space<vmem>>)
    %dma_wait3A_1299 = arith.constant 15872 : i32
    %dma_wait3A_1300 = tpu.memref_slice %arg8[%dma_wait3A_1299] : memref<25600xf32, #tpu.memory_space<vmem>> -> memref<512xf32, #tpu.memory_space<vmem>>
    %dma_wait3A_1301 = tpu.memref_slice %arg4[%add3A_507] : memref<819200xf32, #tpu.memory_space<hbm>> -> memref<512xf32, #tpu.memory_space<hbm>>
    %dma_wait3A_1302 = arith.constant 15872 : i32
    %dma_wait3A_1303 = tpu.memref_slice %arg8[%dma_wait3A_1302] : memref<25600xf32, #tpu.memory_space<vmem>> -> memref<512xf32, #tpu.memory_space<vmem>>
    %dma_wait3A_1304 = tpu.memref_slice %arg4[%add3A_507] : memref<819200xf32, #tpu.memory_space<hbm>> -> memref<512xf32, #tpu.memory_space<hbm>>
    tpu.wait_dma2 semaphore(%arg13 : memref<!tpu.dma_semaphore, #tpu.memory_space<semaphore_mem>>) src(%dma_wait3A_1304 : memref<512xf32, #tpu.memory_space<hbm>>) dst(%dma_wait3A_1303 : memref<512xf32, #tpu.memory_space<vmem>>)
    %dma_wait3A_1305 = arith.constant 16384 : i32
    %dma_wait3A_1306 = tpu.memref_slice %arg8[%dma_wait3A_1305] : memref<25600xf32, #tpu.memory_space<vmem>> -> memref<512xf32, #tpu.memory_space<vmem>>
    %dma_wait3A_1307 = tpu.memref_slice %arg4[%add3A_523] : memref<819200xf32, #tpu.memory_space<hbm>> -> memref<512xf32, #tpu.memory_space<hbm>>
    %dma_wait3A_1308 = arith.constant 16384 : i32
    %dma_wait3A_1309 = tpu.memref_slice %arg8[%dma_wait3A_1308] : memref<25600xf32, #tpu.memory_space<vmem>> -> memref<512xf32, #tpu.memory_space<vmem>>
    %dma_wait3A_1310 = tpu.memref_slice %arg4[%add3A_523] : memref<819200xf32, #tpu.memory_space<hbm>> -> memref<512xf32, #tpu.memory_space<hbm>>
    tpu.wait_dma2 semaphore(%arg13 : memref<!tpu.dma_semaphore, #tpu.memory_space<semaphore_mem>>) src(%dma_wait3A_1310 : memref<512xf32, #tpu.memory_space<hbm>>) dst(%dma_wait3A_1309 : memref<512xf32, #tpu.memory_space<vmem>>)
    %dma_wait3A_1311 = arith.constant 16896 : i32
    %dma_wait3A_1312 = tpu.memref_slice %arg8[%dma_wait3A_1311] : memref<25600xf32, #tpu.memory_space<vmem>> -> memref<512xf32, #tpu.memory_space<vmem>>
    %dma_wait3A_1313 = tpu.memref_slice %arg4[%add3A_539] : memref<819200xf32, #tpu.memory_space<hbm>> -> memref<512xf32, #tpu.memory_space<hbm>>
    %dma_wait3A_1314 = arith.constant 16896 : i32
    %dma_wait3A_1315 = tpu.memref_slice %arg8[%dma_wait3A_1314] : memref<25600xf32, #tpu.memory_space<vmem>> -> memref<512xf32, #tpu.memory_space<vmem>>
    %dma_wait3A_1316 = tpu.memref_slice %arg4[%add3A_539] : memref<819200xf32, #tpu.memory_space<hbm>> -> memref<512xf32, #tpu.memory_space<hbm>>
    tpu.wait_dma2 semaphore(%arg13 : memref<!tpu.dma_semaphore, #tpu.memory_space<semaphore_mem>>) src(%dma_wait3A_1316 : memref<512xf32, #tpu.memory_space<hbm>>) dst(%dma_wait3A_1315 : memref<512xf32, #tpu.memory_space<vmem>>)
    %dma_wait3A_1317 = arith.constant 17408 : i32
    %dma_wait3A_1318 = tpu.memref_slice %arg8[%dma_wait3A_1317] : memref<25600xf32, #tpu.memory_space<vmem>> -> memref<512xf32, #tpu.memory_space<vmem>>
    %dma_wait3A_1319 = tpu.memref_slice %arg4[%add3A_555] : memref<819200xf32, #tpu.memory_space<hbm>> -> memref<512xf32, #tpu.memory_space<hbm>>
    %dma_wait3A_1320 = arith.constant 17408 : i32
    %dma_wait3A_1321 = tpu.memref_slice %arg8[%dma_wait3A_1320] : memref<25600xf32, #tpu.memory_space<vmem>> -> memref<512xf32, #tpu.memory_space<vmem>>
    %dma_wait3A_1322 = tpu.memref_slice %arg4[%add3A_555] : memref<819200xf32, #tpu.memory_space<hbm>> -> memref<512xf32, #tpu.memory_space<hbm>>
    tpu.wait_dma2 semaphore(%arg13 : memref<!tpu.dma_semaphore, #tpu.memory_space<semaphore_mem>>) src(%dma_wait3A_1322 : memref<512xf32, #tpu.memory_space<hbm>>) dst(%dma_wait3A_1321 : memref<512xf32, #tpu.memory_space<vmem>>)
    %dma_wait3A_1323 = arith.constant 17920 : i32
    %dma_wait3A_1324 = tpu.memref_slice %arg8[%dma_wait3A_1323] : memref<25600xf32, #tpu.memory_space<vmem>> -> memref<512xf32, #tpu.memory_space<vmem>>
    %dma_wait3A_1325 = tpu.memref_slice %arg4[%add3A_571] : memref<819200xf32, #tpu.memory_space<hbm>> -> memref<512xf32, #tpu.memory_space<hbm>>
    %dma_wait3A_1326 = arith.constant 17920 : i32
    %dma_wait3A_1327 = tpu.memref_slice %arg8[%dma_wait3A_1326] : memref<25600xf32, #tpu.memory_space<vmem>> -> memref<512xf32, #tpu.memory_space<vmem>>
    %dma_wait3A_1328 = tpu.memref_slice %arg4[%add3A_571] : memref<819200xf32, #tpu.memory_space<hbm>> -> memref<512xf32, #tpu.memory_space<hbm>>
    tpu.wait_dma2 semaphore(%arg13 : memref<!tpu.dma_semaphore, #tpu.memory_space<semaphore_mem>>) src(%dma_wait3A_1328 : memref<512xf32, #tpu.memory_space<hbm>>) dst(%dma_wait3A_1327 : memref<512xf32, #tpu.memory_space<vmem>>)
    %dma_wait3A_1329 = arith.constant 18432 : i32
    %dma_wait3A_1330 = tpu.memref_slice %arg8[%dma_wait3A_1329] : memref<25600xf32, #tpu.memory_space<vmem>> -> memref<512xf32, #tpu.memory_space<vmem>>
    %dma_wait3A_1331 = tpu.memref_slice %arg4[%add3A_587] : memref<819200xf32, #tpu.memory_space<hbm>> -> memref<512xf32, #tpu.memory_space<hbm>>
    %dma_wait3A_1332 = arith.constant 18432 : i32
    %dma_wait3A_1333 = tpu.memref_slice %arg8[%dma_wait3A_1332] : memref<25600xf32, #tpu.memory_space<vmem>> -> memref<512xf32, #tpu.memory_space<vmem>>
    %dma_wait3A_1334 = tpu.memref_slice %arg4[%add3A_587] : memref<819200xf32, #tpu.memory_space<hbm>> -> memref<512xf32, #tpu.memory_space<hbm>>
    tpu.wait_dma2 semaphore(%arg13 : memref<!tpu.dma_semaphore, #tpu.memory_space<semaphore_mem>>) src(%dma_wait3A_1334 : memref<512xf32, #tpu.memory_space<hbm>>) dst(%dma_wait3A_1333 : memref<512xf32, #tpu.memory_space<vmem>>)
    %dma_wait3A_1335 = arith.constant 18944 : i32
    %dma_wait3A_1336 = tpu.memref_slice %arg8[%dma_wait3A_1335] : memref<25600xf32, #tpu.memory_space<vmem>> -> memref<512xf32, #tpu.memory_space<vmem>>
    %dma_wait3A_1337 = tpu.memref_slice %arg4[%add3A_603] : memref<819200xf32, #tpu.memory_space<hbm>> -> memref<512xf32, #tpu.memory_space<hbm>>
    %dma_wait3A_1338 = arith.constant 18944 : i32
    %dma_wait3A_1339 = tpu.memref_slice %arg8[%dma_wait3A_1338] : memref<25600xf32, #tpu.memory_space<vmem>> -> memref<512xf32, #tpu.memory_space<vmem>>
    %dma_wait3A_1340 = tpu.memref_slice %arg4[%add3A_603] : memref<819200xf32, #tpu.memory_space<hbm>> -> memref<512xf32, #tpu.memory_space<hbm>>
    tpu.wait_dma2 semaphore(%arg13 : memref<!tpu.dma_semaphore, #tpu.memory_space<semaphore_mem>>) src(%dma_wait3A_1340 : memref<512xf32, #tpu.memory_space<hbm>>) dst(%dma_wait3A_1339 : memref<512xf32, #tpu.memory_space<vmem>>)
    %dma_wait3A_1341 = arith.constant 19456 : i32
    %dma_wait3A_1342 = tpu.memref_slice %arg8[%dma_wait3A_1341] : memref<25600xf32, #tpu.memory_space<vmem>> -> memref<512xf32, #tpu.memory_space<vmem>>
    %dma_wait3A_1343 = tpu.memref_slice %arg4[%add3A_619] : memref<819200xf32, #tpu.memory_space<hbm>> -> memref<512xf32, #tpu.memory_space<hbm>>
    %dma_wait3A_1344 = arith.constant 19456 : i32
    %dma_wait3A_1345 = tpu.memref_slice %arg8[%dma_wait3A_1344] : memref<25600xf32, #tpu.memory_space<vmem>> -> memref<512xf32, #tpu.memory_space<vmem>>
    %dma_wait3A_1346 = tpu.memref_slice %arg4[%add3A_619] : memref<819200xf32, #tpu.memory_space<hbm>> -> memref<512xf32, #tpu.memory_space<hbm>>
    tpu.wait_dma2 semaphore(%arg13 : memref<!tpu.dma_semaphore, #tpu.memory_space<semaphore_mem>>) src(%dma_wait3A_1346 : memref<512xf32, #tpu.memory_space<hbm>>) dst(%dma_wait3A_1345 : memref<512xf32, #tpu.memory_space<vmem>>)
    %dma_wait3A_1347 = arith.constant 19968 : i32
    %dma_wait3A_1348 = tpu.memref_slice %arg8[%dma_wait3A_1347] : memref<25600xf32, #tpu.memory_space<vmem>> -> memref<512xf32, #tpu.memory_space<vmem>>
    %dma_wait3A_1349 = tpu.memref_slice %arg4[%add3A_635] : memref<819200xf32, #tpu.memory_space<hbm>> -> memref<512xf32, #tpu.memory_space<hbm>>
    %dma_wait3A_1350 = arith.constant 19968 : i32
    %dma_wait3A_1351 = tpu.memref_slice %arg8[%dma_wait3A_1350] : memref<25600xf32, #tpu.memory_space<vmem>> -> memref<512xf32, #tpu.memory_space<vmem>>
    %dma_wait3A_1352 = tpu.memref_slice %arg4[%add3A_635] : memref<819200xf32, #tpu.memory_space<hbm>> -> memref<512xf32, #tpu.memory_space<hbm>>
    tpu.wait_dma2 semaphore(%arg13 : memref<!tpu.dma_semaphore, #tpu.memory_space<semaphore_mem>>) src(%dma_wait3A_1352 : memref<512xf32, #tpu.memory_space<hbm>>) dst(%dma_wait3A_1351 : memref<512xf32, #tpu.memory_space<vmem>>)
    %dma_wait3A_1353 = arith.constant 20480 : i32
    %dma_wait3A_1354 = tpu.memref_slice %arg8[%dma_wait3A_1353] : memref<25600xf32, #tpu.memory_space<vmem>> -> memref<512xf32, #tpu.memory_space<vmem>>
    %dma_wait3A_1355 = tpu.memref_slice %arg4[%add3A_651] : memref<819200xf32, #tpu.memory_space<hbm>> -> memref<512xf32, #tpu.memory_space<hbm>>
    %dma_wait3A_1356 = arith.constant 20480 : i32
    %dma_wait3A_1357 = tpu.memref_slice %arg8[%dma_wait3A_1356] : memref<25600xf32, #tpu.memory_space<vmem>> -> memref<512xf32, #tpu.memory_space<vmem>>
    %dma_wait3A_1358 = tpu.memref_slice %arg4[%add3A_651] : memref<819200xf32, #tpu.memory_space<hbm>> -> memref<512xf32, #tpu.memory_space<hbm>>
    tpu.wait_dma2 semaphore(%arg13 : memref<!tpu.dma_semaphore, #tpu.memory_space<semaphore_mem>>) src(%dma_wait3A_1358 : memref<512xf32, #tpu.memory_space<hbm>>) dst(%dma_wait3A_1357 : memref<512xf32, #tpu.memory_space<vmem>>)
    %dma_wait3A_1359 = arith.constant 20992 : i32
    %dma_wait3A_1360 = tpu.memref_slice %arg8[%dma_wait3A_1359] : memref<25600xf32, #tpu.memory_space<vmem>> -> memref<512xf32, #tpu.memory_space<vmem>>
    %dma_wait3A_1361 = tpu.memref_slice %arg4[%add3A_667] : memref<819200xf32, #tpu.memory_space<hbm>> -> memref<512xf32, #tpu.memory_space<hbm>>
    %dma_wait3A_1362 = arith.constant 20992 : i32
    %dma_wait3A_1363 = tpu.memref_slice %arg8[%dma_wait3A_1362] : memref<25600xf32, #tpu.memory_space<vmem>> -> memref<512xf32, #tpu.memory_space<vmem>>
    %dma_wait3A_1364 = tpu.memref_slice %arg4[%add3A_667] : memref<819200xf32, #tpu.memory_space<hbm>> -> memref<512xf32, #tpu.memory_space<hbm>>
    tpu.wait_dma2 semaphore(%arg13 : memref<!tpu.dma_semaphore, #tpu.memory_space<semaphore_mem>>) src(%dma_wait3A_1364 : memref<512xf32, #tpu.memory_space<hbm>>) dst(%dma_wait3A_1363 : memref<512xf32, #tpu.memory_space<vmem>>)
    %dma_wait3A_1365 = arith.constant 21504 : i32
    %dma_wait3A_1366 = tpu.memref_slice %arg8[%dma_wait3A_1365] : memref<25600xf32, #tpu.memory_space<vmem>> -> memref<512xf32, #tpu.memory_space<vmem>>
    %dma_wait3A_1367 = tpu.memref_slice %arg4[%add3A_683] : memref<819200xf32, #tpu.memory_space<hbm>> -> memref<512xf32, #tpu.memory_space<hbm>>
    %dma_wait3A_1368 = arith.constant 21504 : i32
    %dma_wait3A_1369 = tpu.memref_slice %arg8[%dma_wait3A_1368] : memref<25600xf32, #tpu.memory_space<vmem>> -> memref<512xf32, #tpu.memory_space<vmem>>
    %dma_wait3A_1370 = tpu.memref_slice %arg4[%add3A_683] : memref<819200xf32, #tpu.memory_space<hbm>> -> memref<512xf32, #tpu.memory_space<hbm>>
    tpu.wait_dma2 semaphore(%arg13 : memref<!tpu.dma_semaphore, #tpu.memory_space<semaphore_mem>>) src(%dma_wait3A_1370 : memref<512xf32, #tpu.memory_space<hbm>>) dst(%dma_wait3A_1369 : memref<512xf32, #tpu.memory_space<vmem>>)
    %dma_wait3A_1371 = arith.constant 22016 : i32
    %dma_wait3A_1372 = tpu.memref_slice %arg8[%dma_wait3A_1371] : memref<25600xf32, #tpu.memory_space<vmem>> -> memref<512xf32, #tpu.memory_space<vmem>>
    %dma_wait3A_1373 = tpu.memref_slice %arg4[%add3A_699] : memref<819200xf32, #tpu.memory_space<hbm>> -> memref<512xf32, #tpu.memory_space<hbm>>
    %dma_wait3A_1374 = arith.constant 22016 : i32
    %dma_wait3A_1375 = tpu.memref_slice %arg8[%dma_wait3A_1374] : memref<25600xf32, #tpu.memory_space<vmem>> -> memref<512xf32, #tpu.memory_space<vmem>>
    %dma_wait3A_1376 = tpu.memref_slice %arg4[%add3A_699] : memref<819200xf32, #tpu.memory_space<hbm>> -> memref<512xf32, #tpu.memory_space<hbm>>
    tpu.wait_dma2 semaphore(%arg13 : memref<!tpu.dma_semaphore, #tpu.memory_space<semaphore_mem>>) src(%dma_wait3A_1376 : memref<512xf32, #tpu.memory_space<hbm>>) dst(%dma_wait3A_1375 : memref<512xf32, #tpu.memory_space<vmem>>)
    %dma_wait3A_1377 = arith.constant 22528 : i32
    %dma_wait3A_1378 = tpu.memref_slice %arg8[%dma_wait3A_1377] : memref<25600xf32, #tpu.memory_space<vmem>> -> memref<512xf32, #tpu.memory_space<vmem>>
    %dma_wait3A_1379 = tpu.memref_slice %arg4[%add3A_715] : memref<819200xf32, #tpu.memory_space<hbm>> -> memref<512xf32, #tpu.memory_space<hbm>>
    %dma_wait3A_1380 = arith.constant 22528 : i32
    %dma_wait3A_1381 = tpu.memref_slice %arg8[%dma_wait3A_1380] : memref<25600xf32, #tpu.memory_space<vmem>> -> memref<512xf32, #tpu.memory_space<vmem>>
    %dma_wait3A_1382 = tpu.memref_slice %arg4[%add3A_715] : memref<819200xf32, #tpu.memory_space<hbm>> -> memref<512xf32, #tpu.memory_space<hbm>>
    tpu.wait_dma2 semaphore(%arg13 : memref<!tpu.dma_semaphore, #tpu.memory_space<semaphore_mem>>) src(%dma_wait3A_1382 : memref<512xf32, #tpu.memory_space<hbm>>) dst(%dma_wait3A_1381 : memref<512xf32, #tpu.memory_space<vmem>>)
    %dma_wait3A_1383 = arith.constant 23040 : i32
    %dma_wait3A_1384 = tpu.memref_slice %arg8[%dma_wait3A_1383] : memref<25600xf32, #tpu.memory_space<vmem>> -> memref<512xf32, #tpu.memory_space<vmem>>
    %dma_wait3A_1385 = tpu.memref_slice %arg4[%add3A_731] : memref<819200xf32, #tpu.memory_space<hbm>> -> memref<512xf32, #tpu.memory_space<hbm>>
    %dma_wait3A_1386 = arith.constant 23040 : i32
    %dma_wait3A_1387 = tpu.memref_slice %arg8[%dma_wait3A_1386] : memref<25600xf32, #tpu.memory_space<vmem>> -> memref<512xf32, #tpu.memory_space<vmem>>
    %dma_wait3A_1388 = tpu.memref_slice %arg4[%add3A_731] : memref<819200xf32, #tpu.memory_space<hbm>> -> memref<512xf32, #tpu.memory_space<hbm>>
    tpu.wait_dma2 semaphore(%arg13 : memref<!tpu.dma_semaphore, #tpu.memory_space<semaphore_mem>>) src(%dma_wait3A_1388 : memref<512xf32, #tpu.memory_space<hbm>>) dst(%dma_wait3A_1387 : memref<512xf32, #tpu.memory_space<vmem>>)
    %dma_wait3A_1389 = arith.constant 23552 : i32
    %dma_wait3A_1390 = tpu.memref_slice %arg8[%dma_wait3A_1389] : memref<25600xf32, #tpu.memory_space<vmem>> -> memref<512xf32, #tpu.memory_space<vmem>>
    %dma_wait3A_1391 = tpu.memref_slice %arg4[%add3A_747] : memref<819200xf32, #tpu.memory_space<hbm>> -> memref<512xf32, #tpu.memory_space<hbm>>
    %dma_wait3A_1392 = arith.constant 23552 : i32
    %dma_wait3A_1393 = tpu.memref_slice %arg8[%dma_wait3A_1392] : memref<25600xf32, #tpu.memory_space<vmem>> -> memref<512xf32, #tpu.memory_space<vmem>>
    %dma_wait3A_1394 = tpu.memref_slice %arg4[%add3A_747] : memref<819200xf32, #tpu.memory_space<hbm>> -> memref<512xf32, #tpu.memory_space<hbm>>
    tpu.wait_dma2 semaphore(%arg13 : memref<!tpu.dma_semaphore, #tpu.memory_space<semaphore_mem>>) src(%dma_wait3A_1394 : memref<512xf32, #tpu.memory_space<hbm>>) dst(%dma_wait3A_1393 : memref<512xf32, #tpu.memory_space<vmem>>)
    %dma_wait3A_1395 = arith.constant 24064 : i32
    %dma_wait3A_1396 = tpu.memref_slice %arg8[%dma_wait3A_1395] : memref<25600xf32, #tpu.memory_space<vmem>> -> memref<512xf32, #tpu.memory_space<vmem>>
    %dma_wait3A_1397 = tpu.memref_slice %arg4[%add3A_763] : memref<819200xf32, #tpu.memory_space<hbm>> -> memref<512xf32, #tpu.memory_space<hbm>>
    %dma_wait3A_1398 = arith.constant 24064 : i32
    %dma_wait3A_1399 = tpu.memref_slice %arg8[%dma_wait3A_1398] : memref<25600xf32, #tpu.memory_space<vmem>> -> memref<512xf32, #tpu.memory_space<vmem>>
    %dma_wait3A_1400 = tpu.memref_slice %arg4[%add3A_763] : memref<819200xf32, #tpu.memory_space<hbm>> -> memref<512xf32, #tpu.memory_space<hbm>>
    tpu.wait_dma2 semaphore(%arg13 : memref<!tpu.dma_semaphore, #tpu.memory_space<semaphore_mem>>) src(%dma_wait3A_1400 : memref<512xf32, #tpu.memory_space<hbm>>) dst(%dma_wait3A_1399 : memref<512xf32, #tpu.memory_space<vmem>>)
    %dma_wait3A_1401 = arith.constant 24576 : i32
    %dma_wait3A_1402 = tpu.memref_slice %arg8[%dma_wait3A_1401] : memref<25600xf32, #tpu.memory_space<vmem>> -> memref<512xf32, #tpu.memory_space<vmem>>
    %dma_wait3A_1403 = tpu.memref_slice %arg4[%add3A_779] : memref<819200xf32, #tpu.memory_space<hbm>> -> memref<512xf32, #tpu.memory_space<hbm>>
    %dma_wait3A_1404 = arith.constant 24576 : i32
    %dma_wait3A_1405 = tpu.memref_slice %arg8[%dma_wait3A_1404] : memref<25600xf32, #tpu.memory_space<vmem>> -> memref<512xf32, #tpu.memory_space<vmem>>
    %dma_wait3A_1406 = tpu.memref_slice %arg4[%add3A_779] : memref<819200xf32, #tpu.memory_space<hbm>> -> memref<512xf32, #tpu.memory_space<hbm>>
    tpu.wait_dma2 semaphore(%arg13 : memref<!tpu.dma_semaphore, #tpu.memory_space<semaphore_mem>>) src(%dma_wait3A_1406 : memref<512xf32, #tpu.memory_space<hbm>>) dst(%dma_wait3A_1405 : memref<512xf32, #tpu.memory_space<vmem>>)
    %dma_wait3A_1407 = arith.constant 25088 : i32
    %dma_wait3A_1408 = tpu.memref_slice %arg8[%dma_wait3A_1407] : memref<25600xf32, #tpu.memory_space<vmem>> -> memref<512xf32, #tpu.memory_space<vmem>>
    %dma_wait3A_1409 = tpu.memref_slice %arg4[%add3A_795] : memref<819200xf32, #tpu.memory_space<hbm>> -> memref<512xf32, #tpu.memory_space<hbm>>
    %dma_wait3A_1410 = arith.constant 25088 : i32
    %dma_wait3A_1411 = tpu.memref_slice %arg8[%dma_wait3A_1410] : memref<25600xf32, #tpu.memory_space<vmem>> -> memref<512xf32, #tpu.memory_space<vmem>>
    %dma_wait3A_1412 = tpu.memref_slice %arg4[%add3A_795] : memref<819200xf32, #tpu.memory_space<hbm>> -> memref<512xf32, #tpu.memory_space<hbm>>
    tpu.wait_dma2 semaphore(%arg13 : memref<!tpu.dma_semaphore, #tpu.memory_space<semaphore_mem>>) src(%dma_wait3A_1412 : memref<512xf32, #tpu.memory_space<hbm>>) dst(%dma_wait3A_1411 : memref<512xf32, #tpu.memory_space<vmem>>)
    %get3A = arith.constant 0 : index
    %get3A_1413 = tpu.vector_load %arg11[%get3A] {strides = array<i32>} : memref<16xf32, #tpu.memory_space<vmem>>, vector<16xf32>,
    %broadcast_in_dim3A = arith.constant 0.000000e+00 : f32
    %broadcast_in_dim3A_1414 = vector.broadcast %broadcast_in_dim3A : f32 to vector<16xf32>
    %dma_wait3A_1415 = arith.constant 0 : i32
    %dma_wait3A_1416 = tpu.memref_slice %arg9[%dma_wait3A_1415] : memref<25600xf32, #tpu.memory_space<vmem>> -> memref<12800xf32, #tpu.memory_space<vmem>>
    %dma_wait3A_1417 = arith.constant 0 : i32
    %dma_wait3A_1418 = tpu.memref_slice %arg7[%dma_wait3A_1417] : memref<25600xi32, #tpu.memory_space<vmem>> -> memref<12800xi32, #tpu.memory_space<vmem>>
    %dma_wait3A_1419 = arith.constant 0 : i32
    %dma_wait3A_1420 = tpu.memref_slice %arg2[%dma_wait3A_1419] : memref<1000000xf32, #tpu.memory_space<hbm>> -> memref<1000000xf32, #tpu.memory_space<hbm>>
    tpu.wait_indirect_dma semaphore(%arg14 : memref<!tpu.dma_semaphore, #tpu.memory_space<semaphore_mem>>) src(%dma_wait3A_1420 : memref<1000000xf32, #tpu.memory_space<hbm>>) dst(%dma_wait3A_1416 : memref<12800xf32, #tpu.memory_space<vmem>>)
    %scan3A = arith.constant 0 : i32
    %scan3A_1421 = arith.constant 25 : i32
    %scan3A_1422 = arith.addi %scan3A, %scan3A_1421 : i32
    %scan3A_1423 = arith.constant 1 : i32
    %scan3A_1424:2 = scf.for %scan3A_2034 = %scan3A to %scan3A_1422 step %scan3A_1423 iter_args(%scan3A_2035 = %broadcast_in_dim3A_1414, %scan3A_2036 = %broadcast_in_dim3A_1414) -> (vector<16xf32>, vector<16xf32>)  : i32 {
      %mul3A_2037 = arith.constant 512 : i32
      %mul3A_2038 = arith.muli %scan3A_2034, %mul3A_2037 : i32
      %add3A_2039 = arith.constant 0 : i32
      %add3A_2040 = arith.addi %mul3A_2038, %add3A_2039 : i32
      %get3A_2041 = arith.index_cast %add3A_2040 : i32 to index
      %get3A_2042 = tpu.vector_load %arg9[%get3A_2041] {strides = array<i32>} : memref<25600xf32, #tpu.memory_space<vmem>>, vector<16xf32>,
      %get3A_2043 = arith.index_cast %add3A_2040 : i32 to index
      %get3A_2044 = tpu.vector_load %arg8[%get3A_2043] {strides = array<i32>} : memref<25600xf32, #tpu.memory_space<vmem>>, vector<16xf32>,
      %mul3A_2045 = arith.mulf %get3A_2042, %get3A_2044 : vector<16xf32>
      %add3A_2046 = arith.addf %scan3A_2035, %mul3A_2045 : vector<16xf32>
      %add3A_2047 = arith.addf %scan3A_2036, %get3A_2044 : vector<16xf32>
      scf.yield %add3A_2046, %add3A_2047 : vector<16xf32>, vector<16xf32>
    }
    %scan3A_1425 = arith.constant 25 : i32
    %scan3A_1426 = arith.constant 0 : i32
    %scan3A_1427 = arith.constant 25 : i32
    %scan3A_1428 = arith.addi %scan3A_1426, %scan3A_1427 : i32
    %scan3A_1429 = arith.constant 1 : i32
    %scan3A_1430:2 = scf.for %scan3A_2034 = %scan3A_1426 to %scan3A_1428 step %scan3A_1429 iter_args(%scan3A_2035 = %broadcast_in_dim3A_1414, %scan3A_2036 = %broadcast_in_dim3A_1414) -> (vector<16xf32>, vector<16xf32>)  : i32 {
      %mul3A_2037 = arith.constant 512 : i32
      %mul3A_2038 = arith.muli %scan3A_2034, %mul3A_2037 : i32
      %add3A_2039 = arith.constant 16 : i32
      %add3A_2040 = arith.addi %mul3A_2038, %add3A_2039 : i32
      %get3A_2041 = arith.index_cast %add3A_2040 : i32 to index
      %get3A_2042 = tpu.vector_load %arg9[%get3A_2041] {strides = array<i32>} : memref<25600xf32, #tpu.memory_space<vmem>>, vector<16xf32>,
      %get3A_2043 = arith.index_cast %add3A_2040 : i32 to index
      %get3A_2044 = tpu.vector_load %arg8[%get3A_2043] {strides = array<i32>} : memref<25600xf32, #tpu.memory_space<vmem>>, vector<16xf32>,
      %mul3A_2045 = arith.mulf %get3A_2042, %get3A_2044 : vector<16xf32>
      %add3A_2046 = arith.addf %scan3A_2035, %mul3A_2045 : vector<16xf32>
      %add3A_2047 = arith.addf %scan3A_2036, %get3A_2044 : vector<16xf32>
      scf.yield %add3A_2046, %add3A_2047 : vector<16xf32>, vector<16xf32>
    }
    %scan3A_1431 = arith.constant 25 : i32
    %scan3A_1432 = arith.constant 0 : i32
    %scan3A_1433 = arith.constant 25 : i32
    %scan3A_1434 = arith.addi %scan3A_1432, %scan3A_1433 : i32
    %scan3A_1435 = arith.constant 1 : i32
    %scan3A_1436:2 = scf.for %scan3A_2034 = %scan3A_1432 to %scan3A_1434 step %scan3A_1435 iter_args(%scan3A_2035 = %broadcast_in_dim3A_1414, %scan3A_2036 = %broadcast_in_dim3A_1414) -> (vector<16xf32>, vector<16xf32>)  : i32 {
      %mul3A_2037 = arith.constant 512 : i32
      %mul3A_2038 = arith.muli %scan3A_2034, %mul3A_2037 : i32
      %add3A_2039 = arith.constant 32 : i32
      %add3A_2040 = arith.addi %mul3A_2038, %add3A_2039 : i32
      %get3A_2041 = arith.index_cast %add3A_2040 : i32 to index
      %get3A_2042 = tpu.vector_load %arg9[%get3A_2041] {strides = array<i32>} : memref<25600xf32, #tpu.memory_space<vmem>>, vector<16xf32>,
      %get3A_2043 = arith.index_cast %add3A_2040 : i32 to index
      %get3A_2044 = tpu.vector_load %arg8[%get3A_2043] {strides = array<i32>} : memref<25600xf32, #tpu.memory_space<vmem>>, vector<16xf32>,
      %mul3A_2045 = arith.mulf %get3A_2042, %get3A_2044 : vector<16xf32>
      %add3A_2046 = arith.addf %scan3A_2035, %mul3A_2045 : vector<16xf32>
      %add3A_2047 = arith.addf %scan3A_2036, %get3A_2044 : vector<16xf32>
      scf.yield %add3A_2046, %add3A_2047 : vector<16xf32>, vector<16xf32>
    }
    %scan3A_1437 = arith.constant 25 : i32
    %scan3A_1438 = arith.constant 0 : i32
    %scan3A_1439 = arith.constant 25 : i32
    %scan3A_1440 = arith.addi %scan3A_1438, %scan3A_1439 : i32
    %scan3A_1441 = arith.constant 1 : i32
    %scan3A_1442:2 = scf.for %scan3A_2034 = %scan3A_1438 to %scan3A_1440 step %scan3A_1441 iter_args(%scan3A_2035 = %broadcast_in_dim3A_1414, %scan3A_2036 = %broadcast_in_dim3A_1414) -> (vector<16xf32>, vector<16xf32>)  : i32 {
      %mul3A_2037 = arith.constant 512 : i32
      %mul3A_2038 = arith.muli %scan3A_2034, %mul3A_2037 : i32
      %add3A_2039 = arith.constant 48 : i32
      %add3A_2040 = arith.addi %mul3A_2038, %add3A_2039 : i32
      %get3A_2041 = arith.index_cast %add3A_2040 : i32 to index
      %get3A_2042 = tpu.vector_load %arg9[%get3A_2041] {strides = array<i32>} : memref<25600xf32, #tpu.memory_space<vmem>>, vector<16xf32>,
      %get3A_2043 = arith.index_cast %add3A_2040 : i32 to index
      %get3A_2044 = tpu.vector_load %arg8[%get3A_2043] {strides = array<i32>} : memref<25600xf32, #tpu.memory_space<vmem>>, vector<16xf32>,
      %mul3A_2045 = arith.mulf %get3A_2042, %get3A_2044 : vector<16xf32>
      %add3A_2046 = arith.addf %scan3A_2035, %mul3A_2045 : vector<16xf32>
      %add3A_2047 = arith.addf %scan3A_2036, %get3A_2044 : vector<16xf32>
      scf.yield %add3A_2046, %add3A_2047 : vector<16xf32>, vector<16xf32>
    }
    %scan3A_1443 = arith.constant 25 : i32
    %scan3A_1444 = arith.constant 0 : i32
    %scan3A_1445 = arith.constant 25 : i32
    %scan3A_1446 = arith.addi %scan3A_1444, %scan3A_1445 : i32
    %scan3A_1447 = arith.constant 1 : i32
    %scan3A_1448:2 = scf.for %scan3A_2034 = %scan3A_1444 to %scan3A_1446 step %scan3A_1447 iter_args(%scan3A_2035 = %broadcast_in_dim3A_1414, %scan3A_2036 = %broadcast_in_dim3A_1414) -> (vector<16xf32>, vector<16xf32>)  : i32 {
      %mul3A_2037 = arith.constant 512 : i32
      %mul3A_2038 = arith.muli %scan3A_2034, %mul3A_2037 : i32
      %add3A_2039 = arith.constant 64 : i32
      %add3A_2040 = arith.addi %mul3A_2038, %add3A_2039 : i32
      %get3A_2041 = arith.index_cast %add3A_2040 : i32 to index
      %get3A_2042 = tpu.vector_load %arg9[%get3A_2041] {strides = array<i32>} : memref<25600xf32, #tpu.memory_space<vmem>>, vector<16xf32>,
      %get3A_2043 = arith.index_cast %add3A_2040 : i32 to index
      %get3A_2044 = tpu.vector_load %arg8[%get3A_2043] {strides = array<i32>} : memref<25600xf32, #tpu.memory_space<vmem>>, vector<16xf32>,
      %mul3A_2045 = arith.mulf %get3A_2042, %get3A_2044 : vector<16xf32>
      %add3A_2046 = arith.addf %scan3A_2035, %mul3A_2045 : vector<16xf32>
      %add3A_2047 = arith.addf %scan3A_2036, %get3A_2044 : vector<16xf32>
      scf.yield %add3A_2046, %add3A_2047 : vector<16xf32>, vector<16xf32>
    }
    %scan3A_1449 = arith.constant 25 : i32
    %scan3A_1450 = arith.constant 0 : i32
    %scan3A_1451 = arith.constant 25 : i32
    %scan3A_1452 = arith.addi %scan3A_1450, %scan3A_1451 : i32
    %scan3A_1453 = arith.constant 1 : i32
    %scan3A_1454:2 = scf.for %scan3A_2034 = %scan3A_1450 to %scan3A_1452 step %scan3A_1453 iter_args(%scan3A_2035 = %broadcast_in_dim3A_1414, %scan3A_2036 = %broadcast_in_dim3A_1414) -> (vector<16xf32>, vector<16xf32>)  : i32 {
      %mul3A_2037 = arith.constant 512 : i32
      %mul3A_2038 = arith.muli %scan3A_2034, %mul3A_2037 : i32
      %add3A_2039 = arith.constant 80 : i32
      %add3A_2040 = arith.addi %mul3A_2038, %add3A_2039 : i32
      %get3A_2041 = arith.index_cast %add3A_2040 : i32 to index
      %get3A_2042 = tpu.vector_load %arg9[%get3A_2041] {strides = array<i32>} : memref<25600xf32, #tpu.memory_space<vmem>>, vector<16xf32>,
      %get3A_2043 = arith.index_cast %add3A_2040 : i32 to index
      %get3A_2044 = tpu.vector_load %arg8[%get3A_2043] {strides = array<i32>} : memref<25600xf32, #tpu.memory_space<vmem>>, vector<16xf32>,
      %mul3A_2045 = arith.mulf %get3A_2042, %get3A_2044 : vector<16xf32>
      %add3A_2046 = arith.addf %scan3A_2035, %mul3A_2045 : vector<16xf32>
      %add3A_2047 = arith.addf %scan3A_2036, %get3A_2044 : vector<16xf32>
      scf.yield %add3A_2046, %add3A_2047 : vector<16xf32>, vector<16xf32>
    }
    %scan3A_1455 = arith.constant 25 : i32
    %scan3A_1456 = arith.constant 0 : i32
    %scan3A_1457 = arith.constant 25 : i32
    %scan3A_1458 = arith.addi %scan3A_1456, %scan3A_1457 : i32
    %scan3A_1459 = arith.constant 1 : i32
    %scan3A_1460:2 = scf.for %scan3A_2034 = %scan3A_1456 to %scan3A_1458 step %scan3A_1459 iter_args(%scan3A_2035 = %broadcast_in_dim3A_1414, %scan3A_2036 = %broadcast_in_dim3A_1414) -> (vector<16xf32>, vector<16xf32>)  : i32 {
      %mul3A_2037 = arith.constant 512 : i32
      %mul3A_2038 = arith.muli %scan3A_2034, %mul3A_2037 : i32
      %add3A_2039 = arith.constant 96 : i32
      %add3A_2040 = arith.addi %mul3A_2038, %add3A_2039 : i32
      %get3A_2041 = arith.index_cast %add3A_2040 : i32 to index
      %get3A_2042 = tpu.vector_load %arg9[%get3A_2041] {strides = array<i32>} : memref<25600xf32, #tpu.memory_space<vmem>>, vector<16xf32>,
      %get3A_2043 = arith.index_cast %add3A_2040 : i32 to index
      %get3A_2044 = tpu.vector_load %arg8[%get3A_2043] {strides = array<i32>} : memref<25600xf32, #tpu.memory_space<vmem>>, vector<16xf32>,
      %mul3A_2045 = arith.mulf %get3A_2042, %get3A_2044 : vector<16xf32>
      %add3A_2046 = arith.addf %scan3A_2035, %mul3A_2045 : vector<16xf32>
      %add3A_2047 = arith.addf %scan3A_2036, %get3A_2044 : vector<16xf32>
      scf.yield %add3A_2046, %add3A_2047 : vector<16xf32>, vector<16xf32>
    }
    %scan3A_1461 = arith.constant 25 : i32
    %scan3A_1462 = arith.constant 0 : i32
    %scan3A_1463 = arith.constant 25 : i32
    %scan3A_1464 = arith.addi %scan3A_1462, %scan3A_1463 : i32
    %scan3A_1465 = arith.constant 1 : i32
    %scan3A_1466:2 = scf.for %scan3A_2034 = %scan3A_1462 to %scan3A_1464 step %scan3A_1465 iter_args(%scan3A_2035 = %broadcast_in_dim3A_1414, %scan3A_2036 = %broadcast_in_dim3A_1414) -> (vector<16xf32>, vector<16xf32>)  : i32 {
      %mul3A_2037 = arith.constant 512 : i32
      %mul3A_2038 = arith.muli %scan3A_2034, %mul3A_2037 : i32
      %add3A_2039 = arith.constant 112 : i32
      %add3A_2040 = arith.addi %mul3A_2038, %add3A_2039 : i32
      %get3A_2041 = arith.index_cast %add3A_2040 : i32 to index
      %get3A_2042 = tpu.vector_load %arg9[%get3A_2041] {strides = array<i32>} : memref<25600xf32, #tpu.memory_space<vmem>>, vector<16xf32>,
      %get3A_2043 = arith.index_cast %add3A_2040 : i32 to index
      %get3A_2044 = tpu.vector_load %arg8[%get3A_2043] {strides = array<i32>} : memref<25600xf32, #tpu.memory_space<vmem>>, vector<16xf32>,
      %mul3A_2045 = arith.mulf %get3A_2042, %get3A_2044 : vector<16xf32>
      %add3A_2046 = arith.addf %scan3A_2035, %mul3A_2045 : vector<16xf32>
      %add3A_2047 = arith.addf %scan3A_2036, %get3A_2044 : vector<16xf32>
      scf.yield %add3A_2046, %add3A_2047 : vector<16xf32>, vector<16xf32>
    }
    %scan3A_1467 = arith.constant 25 : i32
    %scan3A_1468 = arith.constant 0 : i32
    %scan3A_1469 = arith.constant 25 : i32
    %scan3A_1470 = arith.addi %scan3A_1468, %scan3A_1469 : i32
    %scan3A_1471 = arith.constant 1 : i32
    %scan3A_1472:2 = scf.for %scan3A_2034 = %scan3A_1468 to %scan3A_1470 step %scan3A_1471 iter_args(%scan3A_2035 = %broadcast_in_dim3A_1414, %scan3A_2036 = %broadcast_in_dim3A_1414) -> (vector<16xf32>, vector<16xf32>)  : i32 {
      %mul3A_2037 = arith.constant 512 : i32
      %mul3A_2038 = arith.muli %scan3A_2034, %mul3A_2037 : i32
      %add3A_2039 = arith.constant 128 : i32
      %add3A_2040 = arith.addi %mul3A_2038, %add3A_2039 : i32
      %get3A_2041 = arith.index_cast %add3A_2040 : i32 to index
      %get3A_2042 = tpu.vector_load %arg9[%get3A_2041] {strides = array<i32>} : memref<25600xf32, #tpu.memory_space<vmem>>, vector<16xf32>,
      %get3A_2043 = arith.index_cast %add3A_2040 : i32 to index
      %get3A_2044 = tpu.vector_load %arg8[%get3A_2043] {strides = array<i32>} : memref<25600xf32, #tpu.memory_space<vmem>>, vector<16xf32>,
      %mul3A_2045 = arith.mulf %get3A_2042, %get3A_2044 : vector<16xf32>
      %add3A_2046 = arith.addf %scan3A_2035, %mul3A_2045 : vector<16xf32>
      %add3A_2047 = arith.addf %scan3A_2036, %get3A_2044 : vector<16xf32>
      scf.yield %add3A_2046, %add3A_2047 : vector<16xf32>, vector<16xf32>
    }
    %scan3A_1473 = arith.constant 25 : i32
    %scan3A_1474 = arith.constant 0 : i32
    %scan3A_1475 = arith.constant 25 : i32
    %scan3A_1476 = arith.addi %scan3A_1474, %scan3A_1475 : i32
    %scan3A_1477 = arith.constant 1 : i32
    %scan3A_1478:2 = scf.for %scan3A_2034 = %scan3A_1474 to %scan3A_1476 step %scan3A_1477 iter_args(%scan3A_2035 = %broadcast_in_dim3A_1414, %scan3A_2036 = %broadcast_in_dim3A_1414) -> (vector<16xf32>, vector<16xf32>)  : i32 {
      %mul3A_2037 = arith.constant 512 : i32
      %mul3A_2038 = arith.muli %scan3A_2034, %mul3A_2037 : i32
      %add3A_2039 = arith.constant 144 : i32
      %add3A_2040 = arith.addi %mul3A_2038, %add3A_2039 : i32
      %get3A_2041 = arith.index_cast %add3A_2040 : i32 to index
      %get3A_2042 = tpu.vector_load %arg9[%get3A_2041] {strides = array<i32>} : memref<25600xf32, #tpu.memory_space<vmem>>, vector<16xf32>,
      %get3A_2043 = arith.index_cast %add3A_2040 : i32 to index
      %get3A_2044 = tpu.vector_load %arg8[%get3A_2043] {strides = array<i32>} : memref<25600xf32, #tpu.memory_space<vmem>>, vector<16xf32>,
      %mul3A_2045 = arith.mulf %get3A_2042, %get3A_2044 : vector<16xf32>
      %add3A_2046 = arith.addf %scan3A_2035, %mul3A_2045 : vector<16xf32>
      %add3A_2047 = arith.addf %scan3A_2036, %get3A_2044 : vector<16xf32>
      scf.yield %add3A_2046, %add3A_2047 : vector<16xf32>, vector<16xf32>
    }
    %scan3A_1479 = arith.constant 25 : i32
    %scan3A_1480 = arith.constant 0 : i32
    %scan3A_1481 = arith.constant 25 : i32
    %scan3A_1482 = arith.addi %scan3A_1480, %scan3A_1481 : i32
    %scan3A_1483 = arith.constant 1 : i32
    %scan3A_1484:2 = scf.for %scan3A_2034 = %scan3A_1480 to %scan3A_1482 step %scan3A_1483 iter_args(%scan3A_2035 = %broadcast_in_dim3A_1414, %scan3A_2036 = %broadcast_in_dim3A_1414) -> (vector<16xf32>, vector<16xf32>)  : i32 {
      %mul3A_2037 = arith.constant 512 : i32
      %mul3A_2038 = arith.muli %scan3A_2034, %mul3A_2037 : i32
      %add3A_2039 = arith.constant 160 : i32
      %add3A_2040 = arith.addi %mul3A_2038, %add3A_2039 : i32
      %get3A_2041 = arith.index_cast %add3A_2040 : i32 to index
      %get3A_2042 = tpu.vector_load %arg9[%get3A_2041] {strides = array<i32>} : memref<25600xf32, #tpu.memory_space<vmem>>, vector<16xf32>,
      %get3A_2043 = arith.index_cast %add3A_2040 : i32 to index
      %get3A_2044 = tpu.vector_load %arg8[%get3A_2043] {strides = array<i32>} : memref<25600xf32, #tpu.memory_space<vmem>>, vector<16xf32>,
      %mul3A_2045 = arith.mulf %get3A_2042, %get3A_2044 : vector<16xf32>
      %add3A_2046 = arith.addf %scan3A_2035, %mul3A_2045 : vector<16xf32>
      %add3A_2047 = arith.addf %scan3A_2036, %get3A_2044 : vector<16xf32>
      scf.yield %add3A_2046, %add3A_2047 : vector<16xf32>, vector<16xf32>
    }
    %scan3A_1485 = arith.constant 25 : i32
    %scan3A_1486 = arith.constant 0 : i32
    %scan3A_1487 = arith.constant 25 : i32
    %scan3A_1488 = arith.addi %scan3A_1486, %scan3A_1487 : i32
    %scan3A_1489 = arith.constant 1 : i32
    %scan3A_1490:2 = scf.for %scan3A_2034 = %scan3A_1486 to %scan3A_1488 step %scan3A_1489 iter_args(%scan3A_2035 = %broadcast_in_dim3A_1414, %scan3A_2036 = %broadcast_in_dim3A_1414) -> (vector<16xf32>, vector<16xf32>)  : i32 {
      %mul3A_2037 = arith.constant 512 : i32
      %mul3A_2038 = arith.muli %scan3A_2034, %mul3A_2037 : i32
      %add3A_2039 = arith.constant 176 : i32
      %add3A_2040 = arith.addi %mul3A_2038, %add3A_2039 : i32
      %get3A_2041 = arith.index_cast %add3A_2040 : i32 to index
      %get3A_2042 = tpu.vector_load %arg9[%get3A_2041] {strides = array<i32>} : memref<25600xf32, #tpu.memory_space<vmem>>, vector<16xf32>,
      %get3A_2043 = arith.index_cast %add3A_2040 : i32 to index
      %get3A_2044 = tpu.vector_load %arg8[%get3A_2043] {strides = array<i32>} : memref<25600xf32, #tpu.memory_space<vmem>>, vector<16xf32>,
      %mul3A_2045 = arith.mulf %get3A_2042, %get3A_2044 : vector<16xf32>
      %add3A_2046 = arith.addf %scan3A_2035, %mul3A_2045 : vector<16xf32>
      %add3A_2047 = arith.addf %scan3A_2036, %get3A_2044 : vector<16xf32>
      scf.yield %add3A_2046, %add3A_2047 : vector<16xf32>, vector<16xf32>
    }
    %scan3A_1491 = arith.constant 25 : i32
    %scan3A_1492 = arith.constant 0 : i32
    %scan3A_1493 = arith.constant 25 : i32
    %scan3A_1494 = arith.addi %scan3A_1492, %scan3A_1493 : i32
    %scan3A_1495 = arith.constant 1 : i32
    %scan3A_1496:2 = scf.for %scan3A_2034 = %scan3A_1492 to %scan3A_1494 step %scan3A_1495 iter_args(%scan3A_2035 = %broadcast_in_dim3A_1414, %scan3A_2036 = %broadcast_in_dim3A_1414) -> (vector<16xf32>, vector<16xf32>)  : i32 {
      %mul3A_2037 = arith.constant 512 : i32
      %mul3A_2038 = arith.muli %scan3A_2034, %mul3A_2037 : i32
      %add3A_2039 = arith.constant 192 : i32
      %add3A_2040 = arith.addi %mul3A_2038, %add3A_2039 : i32
      %get3A_2041 = arith.index_cast %add3A_2040 : i32 to index
      %get3A_2042 = tpu.vector_load %arg9[%get3A_2041] {strides = array<i32>} : memref<25600xf32, #tpu.memory_space<vmem>>, vector<16xf32>,
      %get3A_2043 = arith.index_cast %add3A_2040 : i32 to index
      %get3A_2044 = tpu.vector_load %arg8[%get3A_2043] {strides = array<i32>} : memref<25600xf32, #tpu.memory_space<vmem>>, vector<16xf32>,
      %mul3A_2045 = arith.mulf %get3A_2042, %get3A_2044 : vector<16xf32>
      %add3A_2046 = arith.addf %scan3A_2035, %mul3A_2045 : vector<16xf32>
      %add3A_2047 = arith.addf %scan3A_2036, %get3A_2044 : vector<16xf32>
      scf.yield %add3A_2046, %add3A_2047 : vector<16xf32>, vector<16xf32>
    }
    %scan3A_1497 = arith.constant 25 : i32
    %scan3A_1498 = arith.constant 0 : i32
    %scan3A_1499 = arith.constant 25 : i32
    %scan3A_1500 = arith.addi %scan3A_1498, %scan3A_1499 : i32
    %scan3A_1501 = arith.constant 1 : i32
    %scan3A_1502:2 = scf.for %scan3A_2034 = %scan3A_1498 to %scan3A_1500 step %scan3A_1501 iter_args(%scan3A_2035 = %broadcast_in_dim3A_1414, %scan3A_2036 = %broadcast_in_dim3A_1414) -> (vector<16xf32>, vector<16xf32>)  : i32 {
      %mul3A_2037 = arith.constant 512 : i32
      %mul3A_2038 = arith.muli %scan3A_2034, %mul3A_2037 : i32
      %add3A_2039 = arith.constant 208 : i32
      %add3A_2040 = arith.addi %mul3A_2038, %add3A_2039 : i32
      %get3A_2041 = arith.index_cast %add3A_2040 : i32 to index
      %get3A_2042 = tpu.vector_load %arg9[%get3A_2041] {strides = array<i32>} : memref<25600xf32, #tpu.memory_space<vmem>>, vector<16xf32>,
      %get3A_2043 = arith.index_cast %add3A_2040 : i32 to index
      %get3A_2044 = tpu.vector_load %arg8[%get3A_2043] {strides = array<i32>} : memref<25600xf32, #tpu.memory_space<vmem>>, vector<16xf32>,
      %mul3A_2045 = arith.mulf %get3A_2042, %get3A_2044 : vector<16xf32>
      %add3A_2046 = arith.addf %scan3A_2035, %mul3A_2045 : vector<16xf32>
      %add3A_2047 = arith.addf %scan3A_2036, %get3A_2044 : vector<16xf32>
      scf.yield %add3A_2046, %add3A_2047 : vector<16xf32>, vector<16xf32>
    }
    %scan3A_1503 = arith.constant 25 : i32
    %scan3A_1504 = arith.constant 0 : i32
    %scan3A_1505 = arith.constant 25 : i32
    %scan3A_1506 = arith.addi %scan3A_1504, %scan3A_1505 : i32
    %scan3A_1507 = arith.constant 1 : i32
    %scan3A_1508:2 = scf.for %scan3A_2034 = %scan3A_1504 to %scan3A_1506 step %scan3A_1507 iter_args(%scan3A_2035 = %broadcast_in_dim3A_1414, %scan3A_2036 = %broadcast_in_dim3A_1414) -> (vector<16xf32>, vector<16xf32>)  : i32 {
      %mul3A_2037 = arith.constant 512 : i32
      %mul3A_2038 = arith.muli %scan3A_2034, %mul3A_2037 : i32
      %add3A_2039 = arith.constant 224 : i32
      %add3A_2040 = arith.addi %mul3A_2038, %add3A_2039 : i32
      %get3A_2041 = arith.index_cast %add3A_2040 : i32 to index
      %get3A_2042 = tpu.vector_load %arg9[%get3A_2041] {strides = array<i32>} : memref<25600xf32, #tpu.memory_space<vmem>>, vector<16xf32>,
      %get3A_2043 = arith.index_cast %add3A_2040 : i32 to index
      %get3A_2044 = tpu.vector_load %arg8[%get3A_2043] {strides = array<i32>} : memref<25600xf32, #tpu.memory_space<vmem>>, vector<16xf32>,
      %mul3A_2045 = arith.mulf %get3A_2042, %get3A_2044 : vector<16xf32>
      %add3A_2046 = arith.addf %scan3A_2035, %mul3A_2045 : vector<16xf32>
      %add3A_2047 = arith.addf %scan3A_2036, %get3A_2044 : vector<16xf32>
      scf.yield %add3A_2046, %add3A_2047 : vector<16xf32>, vector<16xf32>
    }
    %scan3A_1509 = arith.constant 25 : i32
    %scan3A_1510 = arith.constant 0 : i32
    %scan3A_1511 = arith.constant 25 : i32
    %scan3A_1512 = arith.addi %scan3A_1510, %scan3A_1511 : i32
    %scan3A_1513 = arith.constant 1 : i32
    %scan3A_1514:2 = scf.for %scan3A_2034 = %scan3A_1510 to %scan3A_1512 step %scan3A_1513 iter_args(%scan3A_2035 = %broadcast_in_dim3A_1414, %scan3A_2036 = %broadcast_in_dim3A_1414) -> (vector<16xf32>, vector<16xf32>)  : i32 {
      %mul3A_2037 = arith.constant 512 : i32
      %mul3A_2038 = arith.muli %scan3A_2034, %mul3A_2037 : i32
      %add3A_2039 = arith.constant 240 : i32
      %add3A_2040 = arith.addi %mul3A_2038, %add3A_2039 : i32
      %get3A_2041 = arith.index_cast %add3A_2040 : i32 to index
      %get3A_2042 = tpu.vector_load %arg9[%get3A_2041] {strides = array<i32>} : memref<25600xf32, #tpu.memory_space<vmem>>, vector<16xf32>,
      %get3A_2043 = arith.index_cast %add3A_2040 : i32 to index
      %get3A_2044 = tpu.vector_load %arg8[%get3A_2043] {strides = array<i32>} : memref<25600xf32, #tpu.memory_space<vmem>>, vector<16xf32>,
      %mul3A_2045 = arith.mulf %get3A_2042, %get3A_2044 : vector<16xf32>
      %add3A_2046 = arith.addf %scan3A_2035, %mul3A_2045 : vector<16xf32>
      %add3A_2047 = arith.addf %scan3A_2036, %get3A_2044 : vector<16xf32>
      scf.yield %add3A_2046, %add3A_2047 : vector<16xf32>, vector<16xf32>
    }
    %scan3A_1515 = arith.constant 25 : i32
    %scan3A_1516 = arith.constant 0 : i32
    %scan3A_1517 = arith.constant 25 : i32
    %scan3A_1518 = arith.addi %scan3A_1516, %scan3A_1517 : i32
    %scan3A_1519 = arith.constant 1 : i32
    %scan3A_1520:2 = scf.for %scan3A_2034 = %scan3A_1516 to %scan3A_1518 step %scan3A_1519 iter_args(%scan3A_2035 = %broadcast_in_dim3A_1414, %scan3A_2036 = %broadcast_in_dim3A_1414) -> (vector<16xf32>, vector<16xf32>)  : i32 {
      %mul3A_2037 = arith.constant 512 : i32
      %mul3A_2038 = arith.muli %scan3A_2034, %mul3A_2037 : i32
      %add3A_2039 = arith.constant 256 : i32
      %add3A_2040 = arith.addi %mul3A_2038, %add3A_2039 : i32
      %get3A_2041 = arith.index_cast %add3A_2040 : i32 to index
      %get3A_2042 = tpu.vector_load %arg9[%get3A_2041] {strides = array<i32>} : memref<25600xf32, #tpu.memory_space<vmem>>, vector<16xf32>,
      %get3A_2043 = arith.index_cast %add3A_2040 : i32 to index
      %get3A_2044 = tpu.vector_load %arg8[%get3A_2043] {strides = array<i32>} : memref<25600xf32, #tpu.memory_space<vmem>>, vector<16xf32>,
      %mul3A_2045 = arith.mulf %get3A_2042, %get3A_2044 : vector<16xf32>
      %add3A_2046 = arith.addf %scan3A_2035, %mul3A_2045 : vector<16xf32>
      %add3A_2047 = arith.addf %scan3A_2036, %get3A_2044 : vector<16xf32>
      scf.yield %add3A_2046, %add3A_2047 : vector<16xf32>, vector<16xf32>
    }
    %scan3A_1521 = arith.constant 25 : i32
    %scan3A_1522 = arith.constant 0 : i32
    %scan3A_1523 = arith.constant 25 : i32
    %scan3A_1524 = arith.addi %scan3A_1522, %scan3A_1523 : i32
    %scan3A_1525 = arith.constant 1 : i32
    %scan3A_1526:2 = scf.for %scan3A_2034 = %scan3A_1522 to %scan3A_1524 step %scan3A_1525 iter_args(%scan3A_2035 = %broadcast_in_dim3A_1414, %scan3A_2036 = %broadcast_in_dim3A_1414) -> (vector<16xf32>, vector<16xf32>)  : i32 {
      %mul3A_2037 = arith.constant 512 : i32
      %mul3A_2038 = arith.muli %scan3A_2034, %mul3A_2037 : i32
      %add3A_2039 = arith.constant 272 : i32
      %add3A_2040 = arith.addi %mul3A_2038, %add3A_2039 : i32
      %get3A_2041 = arith.index_cast %add3A_2040 : i32 to index
      %get3A_2042 = tpu.vector_load %arg9[%get3A_2041] {strides = array<i32>} : memref<25600xf32, #tpu.memory_space<vmem>>, vector<16xf32>,
      %get3A_2043 = arith.index_cast %add3A_2040 : i32 to index
      %get3A_2044 = tpu.vector_load %arg8[%get3A_2043] {strides = array<i32>} : memref<25600xf32, #tpu.memory_space<vmem>>, vector<16xf32>,
      %mul3A_2045 = arith.mulf %get3A_2042, %get3A_2044 : vector<16xf32>
      %add3A_2046 = arith.addf %scan3A_2035, %mul3A_2045 : vector<16xf32>
      %add3A_2047 = arith.addf %scan3A_2036, %get3A_2044 : vector<16xf32>
      scf.yield %add3A_2046, %add3A_2047 : vector<16xf32>, vector<16xf32>
    }
    %scan3A_1527 = arith.constant 25 : i32
    %scan3A_1528 = arith.constant 0 : i32
    %scan3A_1529 = arith.constant 25 : i32
    %scan3A_1530 = arith.addi %scan3A_1528, %scan3A_1529 : i32
    %scan3A_1531 = arith.constant 1 : i32
    %scan3A_1532:2 = scf.for %scan3A_2034 = %scan3A_1528 to %scan3A_1530 step %scan3A_1531 iter_args(%scan3A_2035 = %broadcast_in_dim3A_1414, %scan3A_2036 = %broadcast_in_dim3A_1414) -> (vector<16xf32>, vector<16xf32>)  : i32 {
      %mul3A_2037 = arith.constant 512 : i32
      %mul3A_2038 = arith.muli %scan3A_2034, %mul3A_2037 : i32
      %add3A_2039 = arith.constant 288 : i32
      %add3A_2040 = arith.addi %mul3A_2038, %add3A_2039 : i32
      %get3A_2041 = arith.index_cast %add3A_2040 : i32 to index
      %get3A_2042 = tpu.vector_load %arg9[%get3A_2041] {strides = array<i32>} : memref<25600xf32, #tpu.memory_space<vmem>>, vector<16xf32>,
      %get3A_2043 = arith.index_cast %add3A_2040 : i32 to index
      %get3A_2044 = tpu.vector_load %arg8[%get3A_2043] {strides = array<i32>} : memref<25600xf32, #tpu.memory_space<vmem>>, vector<16xf32>,
      %mul3A_2045 = arith.mulf %get3A_2042, %get3A_2044 : vector<16xf32>
      %add3A_2046 = arith.addf %scan3A_2035, %mul3A_2045 : vector<16xf32>
      %add3A_2047 = arith.addf %scan3A_2036, %get3A_2044 : vector<16xf32>
      scf.yield %add3A_2046, %add3A_2047 : vector<16xf32>, vector<16xf32>
    }
    %scan3A_1533 = arith.constant 25 : i32
    %scan3A_1534 = arith.constant 0 : i32
    %scan3A_1535 = arith.constant 25 : i32
    %scan3A_1536 = arith.addi %scan3A_1534, %scan3A_1535 : i32
    %scan3A_1537 = arith.constant 1 : i32
    %scan3A_1538:2 = scf.for %scan3A_2034 = %scan3A_1534 to %scan3A_1536 step %scan3A_1537 iter_args(%scan3A_2035 = %broadcast_in_dim3A_1414, %scan3A_2036 = %broadcast_in_dim3A_1414) -> (vector<16xf32>, vector<16xf32>)  : i32 {
      %mul3A_2037 = arith.constant 512 : i32
      %mul3A_2038 = arith.muli %scan3A_2034, %mul3A_2037 : i32
      %add3A_2039 = arith.constant 304 : i32
      %add3A_2040 = arith.addi %mul3A_2038, %add3A_2039 : i32
      %get3A_2041 = arith.index_cast %add3A_2040 : i32 to index
      %get3A_2042 = tpu.vector_load %arg9[%get3A_2041] {strides = array<i32>} : memref<25600xf32, #tpu.memory_space<vmem>>, vector<16xf32>,
      %get3A_2043 = arith.index_cast %add3A_2040 : i32 to index
      %get3A_2044 = tpu.vector_load %arg8[%get3A_2043] {strides = array<i32>} : memref<25600xf32, #tpu.memory_space<vmem>>, vector<16xf32>,
      %mul3A_2045 = arith.mulf %get3A_2042, %get3A_2044 : vector<16xf32>
      %add3A_2046 = arith.addf %scan3A_2035, %mul3A_2045 : vector<16xf32>
      %add3A_2047 = arith.addf %scan3A_2036, %get3A_2044 : vector<16xf32>
      scf.yield %add3A_2046, %add3A_2047 : vector<16xf32>, vector<16xf32>
    }
    %scan3A_1539 = arith.constant 25 : i32
    %scan3A_1540 = arith.constant 0 : i32
    %scan3A_1541 = arith.constant 25 : i32
    %scan3A_1542 = arith.addi %scan3A_1540, %scan3A_1541 : i32
    %scan3A_1543 = arith.constant 1 : i32
    %scan3A_1544:2 = scf.for %scan3A_2034 = %scan3A_1540 to %scan3A_1542 step %scan3A_1543 iter_args(%scan3A_2035 = %broadcast_in_dim3A_1414, %scan3A_2036 = %broadcast_in_dim3A_1414) -> (vector<16xf32>, vector<16xf32>)  : i32 {
      %mul3A_2037 = arith.constant 512 : i32
      %mul3A_2038 = arith.muli %scan3A_2034, %mul3A_2037 : i32
      %add3A_2039 = arith.constant 320 : i32
      %add3A_2040 = arith.addi %mul3A_2038, %add3A_2039 : i32
      %get3A_2041 = arith.index_cast %add3A_2040 : i32 to index
      %get3A_2042 = tpu.vector_load %arg9[%get3A_2041] {strides = array<i32>} : memref<25600xf32, #tpu.memory_space<vmem>>, vector<16xf32>,
      %get3A_2043 = arith.index_cast %add3A_2040 : i32 to index
      %get3A_2044 = tpu.vector_load %arg8[%get3A_2043] {strides = array<i32>} : memref<25600xf32, #tpu.memory_space<vmem>>, vector<16xf32>,
      %mul3A_2045 = arith.mulf %get3A_2042, %get3A_2044 : vector<16xf32>
      %add3A_2046 = arith.addf %scan3A_2035, %mul3A_2045 : vector<16xf32>
      %add3A_2047 = arith.addf %scan3A_2036, %get3A_2044 : vector<16xf32>
      scf.yield %add3A_2046, %add3A_2047 : vector<16xf32>, vector<16xf32>
    }
    %scan3A_1545 = arith.constant 25 : i32
    %scan3A_1546 = arith.constant 0 : i32
    %scan3A_1547 = arith.constant 25 : i32
    %scan3A_1548 = arith.addi %scan3A_1546, %scan3A_1547 : i32
    %scan3A_1549 = arith.constant 1 : i32
    %scan3A_1550:2 = scf.for %scan3A_2034 = %scan3A_1546 to %scan3A_1548 step %scan3A_1549 iter_args(%scan3A_2035 = %broadcast_in_dim3A_1414, %scan3A_2036 = %broadcast_in_dim3A_1414) -> (vector<16xf32>, vector<16xf32>)  : i32 {
      %mul3A_2037 = arith.constant 512 : i32
      %mul3A_2038 = arith.muli %scan3A_2034, %mul3A_2037 : i32
      %add3A_2039 = arith.constant 336 : i32
      %add3A_2040 = arith.addi %mul3A_2038, %add3A_2039 : i32
      %get3A_2041 = arith.index_cast %add3A_2040 : i32 to index
      %get3A_2042 = tpu.vector_load %arg9[%get3A_2041] {strides = array<i32>} : memref<25600xf32, #tpu.memory_space<vmem>>, vector<16xf32>,
      %get3A_2043 = arith.index_cast %add3A_2040 : i32 to index
      %get3A_2044 = tpu.vector_load %arg8[%get3A_2043] {strides = array<i32>} : memref<25600xf32, #tpu.memory_space<vmem>>, vector<16xf32>,
      %mul3A_2045 = arith.mulf %get3A_2042, %get3A_2044 : vector<16xf32>
      %add3A_2046 = arith.addf %scan3A_2035, %mul3A_2045 : vector<16xf32>
      %add3A_2047 = arith.addf %scan3A_2036, %get3A_2044 : vector<16xf32>
      scf.yield %add3A_2046, %add3A_2047 : vector<16xf32>, vector<16xf32>
    }
    %scan3A_1551 = arith.constant 25 : i32
    %scan3A_1552 = arith.constant 0 : i32
    %scan3A_1553 = arith.constant 25 : i32
    %scan3A_1554 = arith.addi %scan3A_1552, %scan3A_1553 : i32
    %scan3A_1555 = arith.constant 1 : i32
    %scan3A_1556:2 = scf.for %scan3A_2034 = %scan3A_1552 to %scan3A_1554 step %scan3A_1555 iter_args(%scan3A_2035 = %broadcast_in_dim3A_1414, %scan3A_2036 = %broadcast_in_dim3A_1414) -> (vector<16xf32>, vector<16xf32>)  : i32 {
      %mul3A_2037 = arith.constant 512 : i32
      %mul3A_2038 = arith.muli %scan3A_2034, %mul3A_2037 : i32
      %add3A_2039 = arith.constant 352 : i32
      %add3A_2040 = arith.addi %mul3A_2038, %add3A_2039 : i32
      %get3A_2041 = arith.index_cast %add3A_2040 : i32 to index
      %get3A_2042 = tpu.vector_load %arg9[%get3A_2041] {strides = array<i32>} : memref<25600xf32, #tpu.memory_space<vmem>>, vector<16xf32>,
      %get3A_2043 = arith.index_cast %add3A_2040 : i32 to index
      %get3A_2044 = tpu.vector_load %arg8[%get3A_2043] {strides = array<i32>} : memref<25600xf32, #tpu.memory_space<vmem>>, vector<16xf32>,
      %mul3A_2045 = arith.mulf %get3A_2042, %get3A_2044 : vector<16xf32>
      %add3A_2046 = arith.addf %scan3A_2035, %mul3A_2045 : vector<16xf32>
      %add3A_2047 = arith.addf %scan3A_2036, %get3A_2044 : vector<16xf32>
      scf.yield %add3A_2046, %add3A_2047 : vector<16xf32>, vector<16xf32>
    }
    %scan3A_1557 = arith.constant 25 : i32
    %scan3A_1558 = arith.constant 0 : i32
    %scan3A_1559 = arith.constant 25 : i32
    %scan3A_1560 = arith.addi %scan3A_1558, %scan3A_1559 : i32
    %scan3A_1561 = arith.constant 1 : i32
    %scan3A_1562:2 = scf.for %scan3A_2034 = %scan3A_1558 to %scan3A_1560 step %scan3A_1561 iter_args(%scan3A_2035 = %broadcast_in_dim3A_1414, %scan3A_2036 = %broadcast_in_dim3A_1414) -> (vector<16xf32>, vector<16xf32>)  : i32 {
      %mul3A_2037 = arith.constant 512 : i32
      %mul3A_2038 = arith.muli %scan3A_2034, %mul3A_2037 : i32
      %add3A_2039 = arith.constant 368 : i32
      %add3A_2040 = arith.addi %mul3A_2038, %add3A_2039 : i32
      %get3A_2041 = arith.index_cast %add3A_2040 : i32 to index
      %get3A_2042 = tpu.vector_load %arg9[%get3A_2041] {strides = array<i32>} : memref<25600xf32, #tpu.memory_space<vmem>>, vector<16xf32>,
      %get3A_2043 = arith.index_cast %add3A_2040 : i32 to index
      %get3A_2044 = tpu.vector_load %arg8[%get3A_2043] {strides = array<i32>} : memref<25600xf32, #tpu.memory_space<vmem>>, vector<16xf32>,
      %mul3A_2045 = arith.mulf %get3A_2042, %get3A_2044 : vector<16xf32>
      %add3A_2046 = arith.addf %scan3A_2035, %mul3A_2045 : vector<16xf32>
      %add3A_2047 = arith.addf %scan3A_2036, %get3A_2044 : vector<16xf32>
      scf.yield %add3A_2046, %add3A_2047 : vector<16xf32>, vector<16xf32>
    }
    %scan3A_1563 = arith.constant 25 : i32
    %scan3A_1564 = arith.constant 0 : i32
    %scan3A_1565 = arith.constant 25 : i32
    %scan3A_1566 = arith.addi %scan3A_1564, %scan3A_1565 : i32
    %scan3A_1567 = arith.constant 1 : i32
    %scan3A_1568:2 = scf.for %scan3A_2034 = %scan3A_1564 to %scan3A_1566 step %scan3A_1567 iter_args(%scan3A_2035 = %broadcast_in_dim3A_1414, %scan3A_2036 = %broadcast_in_dim3A_1414) -> (vector<16xf32>, vector<16xf32>)  : i32 {
      %mul3A_2037 = arith.constant 512 : i32
      %mul3A_2038 = arith.muli %scan3A_2034, %mul3A_2037 : i32
      %add3A_2039 = arith.constant 384 : i32
      %add3A_2040 = arith.addi %mul3A_2038, %add3A_2039 : i32
      %get3A_2041 = arith.index_cast %add3A_2040 : i32 to index
      %get3A_2042 = tpu.vector_load %arg9[%get3A_2041] {strides = array<i32>} : memref<25600xf32, #tpu.memory_space<vmem>>, vector<16xf32>,
      %get3A_2043 = arith.index_cast %add3A_2040 : i32 to index
      %get3A_2044 = tpu.vector_load %arg8[%get3A_2043] {strides = array<i32>} : memref<25600xf32, #tpu.memory_space<vmem>>, vector<16xf32>,
      %mul3A_2045 = arith.mulf %get3A_2042, %get3A_2044 : vector<16xf32>
      %add3A_2046 = arith.addf %scan3A_2035, %mul3A_2045 : vector<16xf32>
      %add3A_2047 = arith.addf %scan3A_2036, %get3A_2044 : vector<16xf32>
      scf.yield %add3A_2046, %add3A_2047 : vector<16xf32>, vector<16xf32>
    }
    %scan3A_1569 = arith.constant 25 : i32
    %scan3A_1570 = arith.constant 0 : i32
    %scan3A_1571 = arith.constant 25 : i32
    %scan3A_1572 = arith.addi %scan3A_1570, %scan3A_1571 : i32
    %scan3A_1573 = arith.constant 1 : i32
    %scan3A_1574:2 = scf.for %scan3A_2034 = %scan3A_1570 to %scan3A_1572 step %scan3A_1573 iter_args(%scan3A_2035 = %broadcast_in_dim3A_1414, %scan3A_2036 = %broadcast_in_dim3A_1414) -> (vector<16xf32>, vector<16xf32>)  : i32 {
      %mul3A_2037 = arith.constant 512 : i32
      %mul3A_2038 = arith.muli %scan3A_2034, %mul3A_2037 : i32
      %add3A_2039 = arith.constant 400 : i32
      %add3A_2040 = arith.addi %mul3A_2038, %add3A_2039 : i32
      %get3A_2041 = arith.index_cast %add3A_2040 : i32 to index
      %get3A_2042 = tpu.vector_load %arg9[%get3A_2041] {strides = array<i32>} : memref<25600xf32, #tpu.memory_space<vmem>>, vector<16xf32>,
      %get3A_2043 = arith.index_cast %add3A_2040 : i32 to index
      %get3A_2044 = tpu.vector_load %arg8[%get3A_2043] {strides = array<i32>} : memref<25600xf32, #tpu.memory_space<vmem>>, vector<16xf32>,
      %mul3A_2045 = arith.mulf %get3A_2042, %get3A_2044 : vector<16xf32>
      %add3A_2046 = arith.addf %scan3A_2035, %mul3A_2045 : vector<16xf32>
      %add3A_2047 = arith.addf %scan3A_2036, %get3A_2044 : vector<16xf32>
      scf.yield %add3A_2046, %add3A_2047 : vector<16xf32>, vector<16xf32>
    }
    %scan3A_1575 = arith.constant 25 : i32
    %scan3A_1576 = arith.constant 0 : i32
    %scan3A_1577 = arith.constant 25 : i32
    %scan3A_1578 = arith.addi %scan3A_1576, %scan3A_1577 : i32
    %scan3A_1579 = arith.constant 1 : i32
    %scan3A_1580:2 = scf.for %scan3A_2034 = %scan3A_1576 to %scan3A_1578 step %scan3A_1579 iter_args(%scan3A_2035 = %broadcast_in_dim3A_1414, %scan3A_2036 = %broadcast_in_dim3A_1414) -> (vector<16xf32>, vector<16xf32>)  : i32 {
      %mul3A_2037 = arith.constant 512 : i32
      %mul3A_2038 = arith.muli %scan3A_2034, %mul3A_2037 : i32
      %add3A_2039 = arith.constant 416 : i32
      %add3A_2040 = arith.addi %mul3A_2038, %add3A_2039 : i32
      %get3A_2041 = arith.index_cast %add3A_2040 : i32 to index
      %get3A_2042 = tpu.vector_load %arg9[%get3A_2041] {strides = array<i32>} : memref<25600xf32, #tpu.memory_space<vmem>>, vector<16xf32>,
      %get3A_2043 = arith.index_cast %add3A_2040 : i32 to index
      %get3A_2044 = tpu.vector_load %arg8[%get3A_2043] {strides = array<i32>} : memref<25600xf32, #tpu.memory_space<vmem>>, vector<16xf32>,
      %mul3A_2045 = arith.mulf %get3A_2042, %get3A_2044 : vector<16xf32>
      %add3A_2046 = arith.addf %scan3A_2035, %mul3A_2045 : vector<16xf32>
      %add3A_2047 = arith.addf %scan3A_2036, %get3A_2044 : vector<16xf32>
      scf.yield %add3A_2046, %add3A_2047 : vector<16xf32>, vector<16xf32>
    }
    %scan3A_1581 = arith.constant 25 : i32
    %scan3A_1582 = arith.constant 0 : i32
    %scan3A_1583 = arith.constant 25 : i32
    %scan3A_1584 = arith.addi %scan3A_1582, %scan3A_1583 : i32
    %scan3A_1585 = arith.constant 1 : i32
    %scan3A_1586:2 = scf.for %scan3A_2034 = %scan3A_1582 to %scan3A_1584 step %scan3A_1585 iter_args(%scan3A_2035 = %broadcast_in_dim3A_1414, %scan3A_2036 = %broadcast_in_dim3A_1414) -> (vector<16xf32>, vector<16xf32>)  : i32 {
      %mul3A_2037 = arith.constant 512 : i32
      %mul3A_2038 = arith.muli %scan3A_2034, %mul3A_2037 : i32
      %add3A_2039 = arith.constant 432 : i32
      %add3A_2040 = arith.addi %mul3A_2038, %add3A_2039 : i32
      %get3A_2041 = arith.index_cast %add3A_2040 : i32 to index
      %get3A_2042 = tpu.vector_load %arg9[%get3A_2041] {strides = array<i32>} : memref<25600xf32, #tpu.memory_space<vmem>>, vector<16xf32>,
      %get3A_2043 = arith.index_cast %add3A_2040 : i32 to index
      %get3A_2044 = tpu.vector_load %arg8[%get3A_2043] {strides = array<i32>} : memref<25600xf32, #tpu.memory_space<vmem>>, vector<16xf32>,
      %mul3A_2045 = arith.mulf %get3A_2042, %get3A_2044 : vector<16xf32>
      %add3A_2046 = arith.addf %scan3A_2035, %mul3A_2045 : vector<16xf32>
      %add3A_2047 = arith.addf %scan3A_2036, %get3A_2044 : vector<16xf32>
      scf.yield %add3A_2046, %add3A_2047 : vector<16xf32>, vector<16xf32>
    }
    %scan3A_1587 = arith.constant 25 : i32
    %scan3A_1588 = arith.constant 0 : i32
    %scan3A_1589 = arith.constant 25 : i32
    %scan3A_1590 = arith.addi %scan3A_1588, %scan3A_1589 : i32
    %scan3A_1591 = arith.constant 1 : i32
    %scan3A_1592:2 = scf.for %scan3A_2034 = %scan3A_1588 to %scan3A_1590 step %scan3A_1591 iter_args(%scan3A_2035 = %broadcast_in_dim3A_1414, %scan3A_2036 = %broadcast_in_dim3A_1414) -> (vector<16xf32>, vector<16xf32>)  : i32 {
      %mul3A_2037 = arith.constant 512 : i32
      %mul3A_2038 = arith.muli %scan3A_2034, %mul3A_2037 : i32
      %add3A_2039 = arith.constant 448 : i32
      %add3A_2040 = arith.addi %mul3A_2038, %add3A_2039 : i32
      %get3A_2041 = arith.index_cast %add3A_2040 : i32 to index
      %get3A_2042 = tpu.vector_load %arg9[%get3A_2041] {strides = array<i32>} : memref<25600xf32, #tpu.memory_space<vmem>>, vector<16xf32>,
      %get3A_2043 = arith.index_cast %add3A_2040 : i32 to index
      %get3A_2044 = tpu.vector_load %arg8[%get3A_2043] {strides = array<i32>} : memref<25600xf32, #tpu.memory_space<vmem>>, vector<16xf32>,
      %mul3A_2045 = arith.mulf %get3A_2042, %get3A_2044 : vector<16xf32>
      %add3A_2046 = arith.addf %scan3A_2035, %mul3A_2045 : vector<16xf32>
      %add3A_2047 = arith.addf %scan3A_2036, %get3A_2044 : vector<16xf32>
      scf.yield %add3A_2046, %add3A_2047 : vector<16xf32>, vector<16xf32>
    }
    %scan3A_1593 = arith.constant 25 : i32
    %scan3A_1594 = arith.constant 0 : i32
    %scan3A_1595 = arith.constant 25 : i32
    %scan3A_1596 = arith.addi %scan3A_1594, %scan3A_1595 : i32
    %scan3A_1597 = arith.constant 1 : i32
    %scan3A_1598:2 = scf.for %scan3A_2034 = %scan3A_1594 to %scan3A_1596 step %scan3A_1597 iter_args(%scan3A_2035 = %broadcast_in_dim3A_1414, %scan3A_2036 = %broadcast_in_dim3A_1414) -> (vector<16xf32>, vector<16xf32>)  : i32 {
      %mul3A_2037 = arith.constant 512 : i32
      %mul3A_2038 = arith.muli %scan3A_2034, %mul3A_2037 : i32
      %add3A_2039 = arith.constant 464 : i32
      %add3A_2040 = arith.addi %mul3A_2038, %add3A_2039 : i32
      %get3A_2041 = arith.index_cast %add3A_2040 : i32 to index
      %get3A_2042 = tpu.vector_load %arg9[%get3A_2041] {strides = array<i32>} : memref<25600xf32, #tpu.memory_space<vmem>>, vector<16xf32>,
      %get3A_2043 = arith.index_cast %add3A_2040 : i32 to index
      %get3A_2044 = tpu.vector_load %arg8[%get3A_2043] {strides = array<i32>} : memref<25600xf32, #tpu.memory_space<vmem>>, vector<16xf32>,
      %mul3A_2045 = arith.mulf %get3A_2042, %get3A_2044 : vector<16xf32>
      %add3A_2046 = arith.addf %scan3A_2035, %mul3A_2045 : vector<16xf32>
      %add3A_2047 = arith.addf %scan3A_2036, %get3A_2044 : vector<16xf32>
      scf.yield %add3A_2046, %add3A_2047 : vector<16xf32>, vector<16xf32>
    }
    %scan3A_1599 = arith.constant 25 : i32
    %scan3A_1600 = arith.constant 0 : i32
    %scan3A_1601 = arith.constant 25 : i32
    %scan3A_1602 = arith.addi %scan3A_1600, %scan3A_1601 : i32
    %scan3A_1603 = arith.constant 1 : i32
    %scan3A_1604:2 = scf.for %scan3A_2034 = %scan3A_1600 to %scan3A_1602 step %scan3A_1603 iter_args(%scan3A_2035 = %broadcast_in_dim3A_1414, %scan3A_2036 = %broadcast_in_dim3A_1414) -> (vector<16xf32>, vector<16xf32>)  : i32 {
      %mul3A_2037 = arith.constant 512 : i32
      %mul3A_2038 = arith.muli %scan3A_2034, %mul3A_2037 : i32
      %add3A_2039 = arith.constant 480 : i32
      %add3A_2040 = arith.addi %mul3A_2038, %add3A_2039 : i32
      %get3A_2041 = arith.index_cast %add3A_2040 : i32 to index
      %get3A_2042 = tpu.vector_load %arg9[%get3A_2041] {strides = array<i32>} : memref<25600xf32, #tpu.memory_space<vmem>>, vector<16xf32>,
      %get3A_2043 = arith.index_cast %add3A_2040 : i32 to index
      %get3A_2044 = tpu.vector_load %arg8[%get3A_2043] {strides = array<i32>} : memref<25600xf32, #tpu.memory_space<vmem>>, vector<16xf32>,
      %mul3A_2045 = arith.mulf %get3A_2042, %get3A_2044 : vector<16xf32>
      %add3A_2046 = arith.addf %scan3A_2035, %mul3A_2045 : vector<16xf32>
      %add3A_2047 = arith.addf %scan3A_2036, %get3A_2044 : vector<16xf32>
      scf.yield %add3A_2046, %add3A_2047 : vector<16xf32>, vector<16xf32>
    }
    %scan3A_1605 = arith.constant 25 : i32
    %scan3A_1606 = arith.constant 0 : i32
    %scan3A_1607 = arith.constant 25 : i32
    %scan3A_1608 = arith.addi %scan3A_1606, %scan3A_1607 : i32
    %scan3A_1609 = arith.constant 1 : i32
    %scan3A_1610:2 = scf.for %scan3A_2034 = %scan3A_1606 to %scan3A_1608 step %scan3A_1609 iter_args(%scan3A_2035 = %broadcast_in_dim3A_1414, %scan3A_2036 = %broadcast_in_dim3A_1414) -> (vector<16xf32>, vector<16xf32>)  : i32 {
      %mul3A_2037 = arith.constant 512 : i32
      %mul3A_2038 = arith.muli %scan3A_2034, %mul3A_2037 : i32
      %add3A_2039 = arith.constant 496 : i32
      %add3A_2040 = arith.addi %mul3A_2038, %add3A_2039 : i32
      %get3A_2041 = arith.index_cast %add3A_2040 : i32 to index
      %get3A_2042 = tpu.vector_load %arg9[%get3A_2041] {strides = array<i32>} : memref<25600xf32, #tpu.memory_space<vmem>>, vector<16xf32>,
      %get3A_2043 = arith.index_cast %add3A_2040 : i32 to index
      %get3A_2044 = tpu.vector_load %arg8[%get3A_2043] {strides = array<i32>} : memref<25600xf32, #tpu.memory_space<vmem>>, vector<16xf32>,
      %mul3A_2045 = arith.mulf %get3A_2042, %get3A_2044 : vector<16xf32>
      %add3A_2046 = arith.addf %scan3A_2035, %mul3A_2045 : vector<16xf32>
      %add3A_2047 = arith.addf %scan3A_2036, %get3A_2044 : vector<16xf32>
      scf.yield %add3A_2046, %add3A_2047 : vector<16xf32>, vector<16xf32>
    }
    %scan3A_1611 = arith.constant 25 : i32
    %dma_wait3A_1612 = arith.constant 12800 : i32
    %dma_wait3A_1613 = tpu.memref_slice %arg9[%dma_wait3A_1612] : memref<25600xf32, #tpu.memory_space<vmem>> -> memref<12800xf32, #tpu.memory_space<vmem>>
    %dma_wait3A_1614 = arith.constant 12800 : i32
    %dma_wait3A_1615 = tpu.memref_slice %arg7[%dma_wait3A_1614] : memref<25600xi32, #tpu.memory_space<vmem>> -> memref<12800xi32, #tpu.memory_space<vmem>>
    %dma_wait3A_1616 = arith.constant 0 : i32
    %dma_wait3A_1617 = tpu.memref_slice %arg2[%dma_wait3A_1616] : memref<1000000xf32, #tpu.memory_space<hbm>> -> memref<1000000xf32, #tpu.memory_space<hbm>>
    tpu.wait_indirect_dma semaphore(%arg15 : memref<!tpu.dma_semaphore, #tpu.memory_space<semaphore_mem>>) src(%dma_wait3A_1617 : memref<1000000xf32, #tpu.memory_space<hbm>>) dst(%dma_wait3A_1613 : memref<12800xf32, #tpu.memory_space<vmem>>)
    %scan3A_1618 = arith.constant 25 : i32
    %scan3A_1619 = arith.constant 25 : i32
    %scan3A_1620 = arith.addi %scan3A_1618, %scan3A_1619 : i32
    %scan3A_1621 = arith.constant 1 : i32
    %scan3A_1622:2 = scf.for %scan3A_2034 = %scan3A_1618 to %scan3A_1620 step %scan3A_1621 iter_args(%scan3A_2035 = %scan3A_1424#0, %scan3A_2036 = %scan3A_1424#1) -> (vector<16xf32>, vector<16xf32>)  : i32 {
      %mul3A_2037 = arith.constant 512 : i32
      %mul3A_2038 = arith.muli %scan3A_2034, %mul3A_2037 : i32
      %add3A_2039 = arith.constant 0 : i32
      %add3A_2040 = arith.addi %mul3A_2038, %add3A_2039 : i32
      %get3A_2041 = arith.index_cast %add3A_2040 : i32 to index
      %get3A_2042 = tpu.vector_load %arg9[%get3A_2041] {strides = array<i32>} : memref<25600xf32, #tpu.memory_space<vmem>>, vector<16xf32>,
      %get3A_2043 = arith.index_cast %add3A_2040 : i32 to index
      %get3A_2044 = tpu.vector_load %arg8[%get3A_2043] {strides = array<i32>} : memref<25600xf32, #tpu.memory_space<vmem>>, vector<16xf32>,
      %mul3A_2045 = arith.mulf %get3A_2042, %get3A_2044 : vector<16xf32>
      %add3A_2046 = arith.addf %scan3A_2035, %mul3A_2045 : vector<16xf32>
      %add3A_2047 = arith.addf %scan3A_2036, %get3A_2044 : vector<16xf32>
      scf.yield %add3A_2046, %add3A_2047 : vector<16xf32>, vector<16xf32>
    }
    %scan3A_1623 = arith.constant 25 : i32
    %scan3A_1624 = arith.constant 25 : i32
    %scan3A_1625 = arith.constant 25 : i32
    %scan3A_1626 = arith.addi %scan3A_1624, %scan3A_1625 : i32
    %scan3A_1627 = arith.constant 1 : i32
    %scan3A_1628:2 = scf.for %scan3A_2034 = %scan3A_1624 to %scan3A_1626 step %scan3A_1627 iter_args(%scan3A_2035 = %scan3A_1430#0, %scan3A_2036 = %scan3A_1430#1) -> (vector<16xf32>, vector<16xf32>)  : i32 {
      %mul3A_2037 = arith.constant 512 : i32
      %mul3A_2038 = arith.muli %scan3A_2034, %mul3A_2037 : i32
      %add3A_2039 = arith.constant 16 : i32
      %add3A_2040 = arith.addi %mul3A_2038, %add3A_2039 : i32
      %get3A_2041 = arith.index_cast %add3A_2040 : i32 to index
      %get3A_2042 = tpu.vector_load %arg9[%get3A_2041] {strides = array<i32>} : memref<25600xf32, #tpu.memory_space<vmem>>, vector<16xf32>,
      %get3A_2043 = arith.index_cast %add3A_2040 : i32 to index
      %get3A_2044 = tpu.vector_load %arg8[%get3A_2043] {strides = array<i32>} : memref<25600xf32, #tpu.memory_space<vmem>>, vector<16xf32>,
      %mul3A_2045 = arith.mulf %get3A_2042, %get3A_2044 : vector<16xf32>
      %add3A_2046 = arith.addf %scan3A_2035, %mul3A_2045 : vector<16xf32>
      %add3A_2047 = arith.addf %scan3A_2036, %get3A_2044 : vector<16xf32>
      scf.yield %add3A_2046, %add3A_2047 : vector<16xf32>, vector<16xf32>
    }
    %scan3A_1629 = arith.constant 25 : i32
    %scan3A_1630 = arith.constant 25 : i32
    %scan3A_1631 = arith.constant 25 : i32
    %scan3A_1632 = arith.addi %scan3A_1630, %scan3A_1631 : i32
    %scan3A_1633 = arith.constant 1 : i32
    %scan3A_1634:2 = scf.for %scan3A_2034 = %scan3A_1630 to %scan3A_1632 step %scan3A_1633 iter_args(%scan3A_2035 = %scan3A_1436#0, %scan3A_2036 = %scan3A_1436#1) -> (vector<16xf32>, vector<16xf32>)  : i32 {
      %mul3A_2037 = arith.constant 512 : i32
      %mul3A_2038 = arith.muli %scan3A_2034, %mul3A_2037 : i32
      %add3A_2039 = arith.constant 32 : i32
      %add3A_2040 = arith.addi %mul3A_2038, %add3A_2039 : i32
      %get3A_2041 = arith.index_cast %add3A_2040 : i32 to index
      %get3A_2042 = tpu.vector_load %arg9[%get3A_2041] {strides = array<i32>} : memref<25600xf32, #tpu.memory_space<vmem>>, vector<16xf32>,
      %get3A_2043 = arith.index_cast %add3A_2040 : i32 to index
      %get3A_2044 = tpu.vector_load %arg8[%get3A_2043] {strides = array<i32>} : memref<25600xf32, #tpu.memory_space<vmem>>, vector<16xf32>,
      %mul3A_2045 = arith.mulf %get3A_2042, %get3A_2044 : vector<16xf32>
      %add3A_2046 = arith.addf %scan3A_2035, %mul3A_2045 : vector<16xf32>
      %add3A_2047 = arith.addf %scan3A_2036, %get3A_2044 : vector<16xf32>
      scf.yield %add3A_2046, %add3A_2047 : vector<16xf32>, vector<16xf32>
    }
    %scan3A_1635 = arith.constant 25 : i32
    %scan3A_1636 = arith.constant 25 : i32
    %scan3A_1637 = arith.constant 25 : i32
    %scan3A_1638 = arith.addi %scan3A_1636, %scan3A_1637 : i32
    %scan3A_1639 = arith.constant 1 : i32
    %scan3A_1640:2 = scf.for %scan3A_2034 = %scan3A_1636 to %scan3A_1638 step %scan3A_1639 iter_args(%scan3A_2035 = %scan3A_1442#0, %scan3A_2036 = %scan3A_1442#1) -> (vector<16xf32>, vector<16xf32>)  : i32 {
      %mul3A_2037 = arith.constant 512 : i32
      %mul3A_2038 = arith.muli %scan3A_2034, %mul3A_2037 : i32
      %add3A_2039 = arith.constant 48 : i32
      %add3A_2040 = arith.addi %mul3A_2038, %add3A_2039 : i32
      %get3A_2041 = arith.index_cast %add3A_2040 : i32 to index
      %get3A_2042 = tpu.vector_load %arg9[%get3A_2041] {strides = array<i32>} : memref<25600xf32, #tpu.memory_space<vmem>>, vector<16xf32>,
      %get3A_2043 = arith.index_cast %add3A_2040 : i32 to index
      %get3A_2044 = tpu.vector_load %arg8[%get3A_2043] {strides = array<i32>} : memref<25600xf32, #tpu.memory_space<vmem>>, vector<16xf32>,
      %mul3A_2045 = arith.mulf %get3A_2042, %get3A_2044 : vector<16xf32>
      %add3A_2046 = arith.addf %scan3A_2035, %mul3A_2045 : vector<16xf32>
      %add3A_2047 = arith.addf %scan3A_2036, %get3A_2044 : vector<16xf32>
      scf.yield %add3A_2046, %add3A_2047 : vector<16xf32>, vector<16xf32>
    }
    %scan3A_1641 = arith.constant 25 : i32
    %scan3A_1642 = arith.constant 25 : i32
    %scan3A_1643 = arith.constant 25 : i32
    %scan3A_1644 = arith.addi %scan3A_1642, %scan3A_1643 : i32
    %scan3A_1645 = arith.constant 1 : i32
    %scan3A_1646:2 = scf.for %scan3A_2034 = %scan3A_1642 to %scan3A_1644 step %scan3A_1645 iter_args(%scan3A_2035 = %scan3A_1448#0, %scan3A_2036 = %scan3A_1448#1) -> (vector<16xf32>, vector<16xf32>)  : i32 {
      %mul3A_2037 = arith.constant 512 : i32
      %mul3A_2038 = arith.muli %scan3A_2034, %mul3A_2037 : i32
      %add3A_2039 = arith.constant 64 : i32
      %add3A_2040 = arith.addi %mul3A_2038, %add3A_2039 : i32
      %get3A_2041 = arith.index_cast %add3A_2040 : i32 to index
      %get3A_2042 = tpu.vector_load %arg9[%get3A_2041] {strides = array<i32>} : memref<25600xf32, #tpu.memory_space<vmem>>, vector<16xf32>,
      %get3A_2043 = arith.index_cast %add3A_2040 : i32 to index
      %get3A_2044 = tpu.vector_load %arg8[%get3A_2043] {strides = array<i32>} : memref<25600xf32, #tpu.memory_space<vmem>>, vector<16xf32>,
      %mul3A_2045 = arith.mulf %get3A_2042, %get3A_2044 : vector<16xf32>
      %add3A_2046 = arith.addf %scan3A_2035, %mul3A_2045 : vector<16xf32>
      %add3A_2047 = arith.addf %scan3A_2036, %get3A_2044 : vector<16xf32>
      scf.yield %add3A_2046, %add3A_2047 : vector<16xf32>, vector<16xf32>
    }
    %scan3A_1647 = arith.constant 25 : i32
    %scan3A_1648 = arith.constant 25 : i32
    %scan3A_1649 = arith.constant 25 : i32
    %scan3A_1650 = arith.addi %scan3A_1648, %scan3A_1649 : i32
    %scan3A_1651 = arith.constant 1 : i32
    %scan3A_1652:2 = scf.for %scan3A_2034 = %scan3A_1648 to %scan3A_1650 step %scan3A_1651 iter_args(%scan3A_2035 = %scan3A_1454#0, %scan3A_2036 = %scan3A_1454#1) -> (vector<16xf32>, vector<16xf32>)  : i32 {
      %mul3A_2037 = arith.constant 512 : i32
      %mul3A_2038 = arith.muli %scan3A_2034, %mul3A_2037 : i32
      %add3A_2039 = arith.constant 80 : i32
      %add3A_2040 = arith.addi %mul3A_2038, %add3A_2039 : i32
      %get3A_2041 = arith.index_cast %add3A_2040 : i32 to index
      %get3A_2042 = tpu.vector_load %arg9[%get3A_2041] {strides = array<i32>} : memref<25600xf32, #tpu.memory_space<vmem>>, vector<16xf32>,
      %get3A_2043 = arith.index_cast %add3A_2040 : i32 to index
      %get3A_2044 = tpu.vector_load %arg8[%get3A_2043] {strides = array<i32>} : memref<25600xf32, #tpu.memory_space<vmem>>, vector<16xf32>,
      %mul3A_2045 = arith.mulf %get3A_2042, %get3A_2044 : vector<16xf32>
      %add3A_2046 = arith.addf %scan3A_2035, %mul3A_2045 : vector<16xf32>
      %add3A_2047 = arith.addf %scan3A_2036, %get3A_2044 : vector<16xf32>
      scf.yield %add3A_2046, %add3A_2047 : vector<16xf32>, vector<16xf32>
    }
    %scan3A_1653 = arith.constant 25 : i32
    %scan3A_1654 = arith.constant 25 : i32
    %scan3A_1655 = arith.constant 25 : i32
    %scan3A_1656 = arith.addi %scan3A_1654, %scan3A_1655 : i32
    %scan3A_1657 = arith.constant 1 : i32
    %scan3A_1658:2 = scf.for %scan3A_2034 = %scan3A_1654 to %scan3A_1656 step %scan3A_1657 iter_args(%scan3A_2035 = %scan3A_1460#0, %scan3A_2036 = %scan3A_1460#1) -> (vector<16xf32>, vector<16xf32>)  : i32 {
      %mul3A_2037 = arith.constant 512 : i32
      %mul3A_2038 = arith.muli %scan3A_2034, %mul3A_2037 : i32
      %add3A_2039 = arith.constant 96 : i32
      %add3A_2040 = arith.addi %mul3A_2038, %add3A_2039 : i32
      %get3A_2041 = arith.index_cast %add3A_2040 : i32 to index
      %get3A_2042 = tpu.vector_load %arg9[%get3A_2041] {strides = array<i32>} : memref<25600xf32, #tpu.memory_space<vmem>>, vector<16xf32>,
      %get3A_2043 = arith.index_cast %add3A_2040 : i32 to index
      %get3A_2044 = tpu.vector_load %arg8[%get3A_2043] {strides = array<i32>} : memref<25600xf32, #tpu.memory_space<vmem>>, vector<16xf32>,
      %mul3A_2045 = arith.mulf %get3A_2042, %get3A_2044 : vector<16xf32>
      %add3A_2046 = arith.addf %scan3A_2035, %mul3A_2045 : vector<16xf32>
      %add3A_2047 = arith.addf %scan3A_2036, %get3A_2044 : vector<16xf32>
      scf.yield %add3A_2046, %add3A_2047 : vector<16xf32>, vector<16xf32>
    }
    %scan3A_1659 = arith.constant 25 : i32
    %scan3A_1660 = arith.constant 25 : i32
    %scan3A_1661 = arith.constant 25 : i32
    %scan3A_1662 = arith.addi %scan3A_1660, %scan3A_1661 : i32
    %scan3A_1663 = arith.constant 1 : i32
    %scan3A_1664:2 = scf.for %scan3A_2034 = %scan3A_1660 to %scan3A_1662 step %scan3A_1663 iter_args(%scan3A_2035 = %scan3A_1466#0, %scan3A_2036 = %scan3A_1466#1) -> (vector<16xf32>, vector<16xf32>)  : i32 {
      %mul3A_2037 = arith.constant 512 : i32
      %mul3A_2038 = arith.muli %scan3A_2034, %mul3A_2037 : i32
      %add3A_2039 = arith.constant 112 : i32
      %add3A_2040 = arith.addi %mul3A_2038, %add3A_2039 : i32
      %get3A_2041 = arith.index_cast %add3A_2040 : i32 to index
      %get3A_2042 = tpu.vector_load %arg9[%get3A_2041] {strides = array<i32>} : memref<25600xf32, #tpu.memory_space<vmem>>, vector<16xf32>,
      %get3A_2043 = arith.index_cast %add3A_2040 : i32 to index
      %get3A_2044 = tpu.vector_load %arg8[%get3A_2043] {strides = array<i32>} : memref<25600xf32, #tpu.memory_space<vmem>>, vector<16xf32>,
      %mul3A_2045 = arith.mulf %get3A_2042, %get3A_2044 : vector<16xf32>
      %add3A_2046 = arith.addf %scan3A_2035, %mul3A_2045 : vector<16xf32>
      %add3A_2047 = arith.addf %scan3A_2036, %get3A_2044 : vector<16xf32>
      scf.yield %add3A_2046, %add3A_2047 : vector<16xf32>, vector<16xf32>
    }
    %scan3A_1665 = arith.constant 25 : i32
    %scan3A_1666 = arith.constant 25 : i32
    %scan3A_1667 = arith.constant 25 : i32
    %scan3A_1668 = arith.addi %scan3A_1666, %scan3A_1667 : i32
    %scan3A_1669 = arith.constant 1 : i32
    %scan3A_1670:2 = scf.for %scan3A_2034 = %scan3A_1666 to %scan3A_1668 step %scan3A_1669 iter_args(%scan3A_2035 = %scan3A_1472#0, %scan3A_2036 = %scan3A_1472#1) -> (vector<16xf32>, vector<16xf32>)  : i32 {
      %mul3A_2037 = arith.constant 512 : i32
      %mul3A_2038 = arith.muli %scan3A_2034, %mul3A_2037 : i32
      %add3A_2039 = arith.constant 128 : i32
      %add3A_2040 = arith.addi %mul3A_2038, %add3A_2039 : i32
      %get3A_2041 = arith.index_cast %add3A_2040 : i32 to index
      %get3A_2042 = tpu.vector_load %arg9[%get3A_2041] {strides = array<i32>} : memref<25600xf32, #tpu.memory_space<vmem>>, vector<16xf32>,
      %get3A_2043 = arith.index_cast %add3A_2040 : i32 to index
      %get3A_2044 = tpu.vector_load %arg8[%get3A_2043] {strides = array<i32>} : memref<25600xf32, #tpu.memory_space<vmem>>, vector<16xf32>,
      %mul3A_2045 = arith.mulf %get3A_2042, %get3A_2044 : vector<16xf32>
      %add3A_2046 = arith.addf %scan3A_2035, %mul3A_2045 : vector<16xf32>
      %add3A_2047 = arith.addf %scan3A_2036, %get3A_2044 : vector<16xf32>
      scf.yield %add3A_2046, %add3A_2047 : vector<16xf32>, vector<16xf32>
    }
    %scan3A_1671 = arith.constant 25 : i32
    %scan3A_1672 = arith.constant 25 : i32
    %scan3A_1673 = arith.constant 25 : i32
    %scan3A_1674 = arith.addi %scan3A_1672, %scan3A_1673 : i32
    %scan3A_1675 = arith.constant 1 : i32
    %scan3A_1676:2 = scf.for %scan3A_2034 = %scan3A_1672 to %scan3A_1674 step %scan3A_1675 iter_args(%scan3A_2035 = %scan3A_1478#0, %scan3A_2036 = %scan3A_1478#1) -> (vector<16xf32>, vector<16xf32>)  : i32 {
      %mul3A_2037 = arith.constant 512 : i32
      %mul3A_2038 = arith.muli %scan3A_2034, %mul3A_2037 : i32
      %add3A_2039 = arith.constant 144 : i32
      %add3A_2040 = arith.addi %mul3A_2038, %add3A_2039 : i32
      %get3A_2041 = arith.index_cast %add3A_2040 : i32 to index
      %get3A_2042 = tpu.vector_load %arg9[%get3A_2041] {strides = array<i32>} : memref<25600xf32, #tpu.memory_space<vmem>>, vector<16xf32>,
      %get3A_2043 = arith.index_cast %add3A_2040 : i32 to index
      %get3A_2044 = tpu.vector_load %arg8[%get3A_2043] {strides = array<i32>} : memref<25600xf32, #tpu.memory_space<vmem>>, vector<16xf32>,
      %mul3A_2045 = arith.mulf %get3A_2042, %get3A_2044 : vector<16xf32>
      %add3A_2046 = arith.addf %scan3A_2035, %mul3A_2045 : vector<16xf32>
      %add3A_2047 = arith.addf %scan3A_2036, %get3A_2044 : vector<16xf32>
      scf.yield %add3A_2046, %add3A_2047 : vector<16xf32>, vector<16xf32>
    }
    %scan3A_1677 = arith.constant 25 : i32
    %scan3A_1678 = arith.constant 25 : i32
    %scan3A_1679 = arith.constant 25 : i32
    %scan3A_1680 = arith.addi %scan3A_1678, %scan3A_1679 : i32
    %scan3A_1681 = arith.constant 1 : i32
    %scan3A_1682:2 = scf.for %scan3A_2034 = %scan3A_1678 to %scan3A_1680 step %scan3A_1681 iter_args(%scan3A_2035 = %scan3A_1484#0, %scan3A_2036 = %scan3A_1484#1) -> (vector<16xf32>, vector<16xf32>)  : i32 {
      %mul3A_2037 = arith.constant 512 : i32
      %mul3A_2038 = arith.muli %scan3A_2034, %mul3A_2037 : i32
      %add3A_2039 = arith.constant 160 : i32
      %add3A_2040 = arith.addi %mul3A_2038, %add3A_2039 : i32
      %get3A_2041 = arith.index_cast %add3A_2040 : i32 to index
      %get3A_2042 = tpu.vector_load %arg9[%get3A_2041] {strides = array<i32>} : memref<25600xf32, #tpu.memory_space<vmem>>, vector<16xf32>,
      %get3A_2043 = arith.index_cast %add3A_2040 : i32 to index
      %get3A_2044 = tpu.vector_load %arg8[%get3A_2043] {strides = array<i32>} : memref<25600xf32, #tpu.memory_space<vmem>>, vector<16xf32>,
      %mul3A_2045 = arith.mulf %get3A_2042, %get3A_2044 : vector<16xf32>
      %add3A_2046 = arith.addf %scan3A_2035, %mul3A_2045 : vector<16xf32>
      %add3A_2047 = arith.addf %scan3A_2036, %get3A_2044 : vector<16xf32>
      scf.yield %add3A_2046, %add3A_2047 : vector<16xf32>, vector<16xf32>
    }
    %scan3A_1683 = arith.constant 25 : i32
    %scan3A_1684 = arith.constant 25 : i32
    %scan3A_1685 = arith.constant 25 : i32
    %scan3A_1686 = arith.addi %scan3A_1684, %scan3A_1685 : i32
    %scan3A_1687 = arith.constant 1 : i32
    %scan3A_1688:2 = scf.for %scan3A_2034 = %scan3A_1684 to %scan3A_1686 step %scan3A_1687 iter_args(%scan3A_2035 = %scan3A_1490#0, %scan3A_2036 = %scan3A_1490#1) -> (vector<16xf32>, vector<16xf32>)  : i32 {
      %mul3A_2037 = arith.constant 512 : i32
      %mul3A_2038 = arith.muli %scan3A_2034, %mul3A_2037 : i32
      %add3A_2039 = arith.constant 176 : i32
      %add3A_2040 = arith.addi %mul3A_2038, %add3A_2039 : i32
      %get3A_2041 = arith.index_cast %add3A_2040 : i32 to index
      %get3A_2042 = tpu.vector_load %arg9[%get3A_2041] {strides = array<i32>} : memref<25600xf32, #tpu.memory_space<vmem>>, vector<16xf32>,
      %get3A_2043 = arith.index_cast %add3A_2040 : i32 to index
      %get3A_2044 = tpu.vector_load %arg8[%get3A_2043] {strides = array<i32>} : memref<25600xf32, #tpu.memory_space<vmem>>, vector<16xf32>,
      %mul3A_2045 = arith.mulf %get3A_2042, %get3A_2044 : vector<16xf32>
      %add3A_2046 = arith.addf %scan3A_2035, %mul3A_2045 : vector<16xf32>
      %add3A_2047 = arith.addf %scan3A_2036, %get3A_2044 : vector<16xf32>
      scf.yield %add3A_2046, %add3A_2047 : vector<16xf32>, vector<16xf32>
    }
    %scan3A_1689 = arith.constant 25 : i32
    %scan3A_1690 = arith.constant 25 : i32
    %scan3A_1691 = arith.constant 25 : i32
    %scan3A_1692 = arith.addi %scan3A_1690, %scan3A_1691 : i32
    %scan3A_1693 = arith.constant 1 : i32
    %scan3A_1694:2 = scf.for %scan3A_2034 = %scan3A_1690 to %scan3A_1692 step %scan3A_1693 iter_args(%scan3A_2035 = %scan3A_1496#0, %scan3A_2036 = %scan3A_1496#1) -> (vector<16xf32>, vector<16xf32>)  : i32 {
      %mul3A_2037 = arith.constant 512 : i32
      %mul3A_2038 = arith.muli %scan3A_2034, %mul3A_2037 : i32
      %add3A_2039 = arith.constant 192 : i32
      %add3A_2040 = arith.addi %mul3A_2038, %add3A_2039 : i32
      %get3A_2041 = arith.index_cast %add3A_2040 : i32 to index
      %get3A_2042 = tpu.vector_load %arg9[%get3A_2041] {strides = array<i32>} : memref<25600xf32, #tpu.memory_space<vmem>>, vector<16xf32>,
      %get3A_2043 = arith.index_cast %add3A_2040 : i32 to index
      %get3A_2044 = tpu.vector_load %arg8[%get3A_2043] {strides = array<i32>} : memref<25600xf32, #tpu.memory_space<vmem>>, vector<16xf32>,
      %mul3A_2045 = arith.mulf %get3A_2042, %get3A_2044 : vector<16xf32>
      %add3A_2046 = arith.addf %scan3A_2035, %mul3A_2045 : vector<16xf32>
      %add3A_2047 = arith.addf %scan3A_2036, %get3A_2044 : vector<16xf32>
      scf.yield %add3A_2046, %add3A_2047 : vector<16xf32>, vector<16xf32>
    }
    %scan3A_1695 = arith.constant 25 : i32
    %scan3A_1696 = arith.constant 25 : i32
    %scan3A_1697 = arith.constant 25 : i32
    %scan3A_1698 = arith.addi %scan3A_1696, %scan3A_1697 : i32
    %scan3A_1699 = arith.constant 1 : i32
    %scan3A_1700:2 = scf.for %scan3A_2034 = %scan3A_1696 to %scan3A_1698 step %scan3A_1699 iter_args(%scan3A_2035 = %scan3A_1502#0, %scan3A_2036 = %scan3A_1502#1) -> (vector<16xf32>, vector<16xf32>)  : i32 {
      %mul3A_2037 = arith.constant 512 : i32
      %mul3A_2038 = arith.muli %scan3A_2034, %mul3A_2037 : i32
      %add3A_2039 = arith.constant 208 : i32
      %add3A_2040 = arith.addi %mul3A_2038, %add3A_2039 : i32
      %get3A_2041 = arith.index_cast %add3A_2040 : i32 to index
      %get3A_2042 = tpu.vector_load %arg9[%get3A_2041] {strides = array<i32>} : memref<25600xf32, #tpu.memory_space<vmem>>, vector<16xf32>,
      %get3A_2043 = arith.index_cast %add3A_2040 : i32 to index
      %get3A_2044 = tpu.vector_load %arg8[%get3A_2043] {strides = array<i32>} : memref<25600xf32, #tpu.memory_space<vmem>>, vector<16xf32>,
      %mul3A_2045 = arith.mulf %get3A_2042, %get3A_2044 : vector<16xf32>
      %add3A_2046 = arith.addf %scan3A_2035, %mul3A_2045 : vector<16xf32>
      %add3A_2047 = arith.addf %scan3A_2036, %get3A_2044 : vector<16xf32>
      scf.yield %add3A_2046, %add3A_2047 : vector<16xf32>, vector<16xf32>
    }
    %scan3A_1701 = arith.constant 25 : i32
    %scan3A_1702 = arith.constant 25 : i32
    %scan3A_1703 = arith.constant 25 : i32
    %scan3A_1704 = arith.addi %scan3A_1702, %scan3A_1703 : i32
    %scan3A_1705 = arith.constant 1 : i32
    %scan3A_1706:2 = scf.for %scan3A_2034 = %scan3A_1702 to %scan3A_1704 step %scan3A_1705 iter_args(%scan3A_2035 = %scan3A_1508#0, %scan3A_2036 = %scan3A_1508#1) -> (vector<16xf32>, vector<16xf32>)  : i32 {
      %mul3A_2037 = arith.constant 512 : i32
      %mul3A_2038 = arith.muli %scan3A_2034, %mul3A_2037 : i32
      %add3A_2039 = arith.constant 224 : i32
      %add3A_2040 = arith.addi %mul3A_2038, %add3A_2039 : i32
      %get3A_2041 = arith.index_cast %add3A_2040 : i32 to index
      %get3A_2042 = tpu.vector_load %arg9[%get3A_2041] {strides = array<i32>} : memref<25600xf32, #tpu.memory_space<vmem>>, vector<16xf32>,
      %get3A_2043 = arith.index_cast %add3A_2040 : i32 to index
      %get3A_2044 = tpu.vector_load %arg8[%get3A_2043] {strides = array<i32>} : memref<25600xf32, #tpu.memory_space<vmem>>, vector<16xf32>,
      %mul3A_2045 = arith.mulf %get3A_2042, %get3A_2044 : vector<16xf32>
      %add3A_2046 = arith.addf %scan3A_2035, %mul3A_2045 : vector<16xf32>
      %add3A_2047 = arith.addf %scan3A_2036, %get3A_2044 : vector<16xf32>
      scf.yield %add3A_2046, %add3A_2047 : vector<16xf32>, vector<16xf32>
    }
    %scan3A_1707 = arith.constant 25 : i32
    %scan3A_1708 = arith.constant 25 : i32
    %scan3A_1709 = arith.constant 25 : i32
    %scan3A_1710 = arith.addi %scan3A_1708, %scan3A_1709 : i32
    %scan3A_1711 = arith.constant 1 : i32
    %scan3A_1712:2 = scf.for %scan3A_2034 = %scan3A_1708 to %scan3A_1710 step %scan3A_1711 iter_args(%scan3A_2035 = %scan3A_1514#0, %scan3A_2036 = %scan3A_1514#1) -> (vector<16xf32>, vector<16xf32>)  : i32 {
      %mul3A_2037 = arith.constant 512 : i32
      %mul3A_2038 = arith.muli %scan3A_2034, %mul3A_2037 : i32
      %add3A_2039 = arith.constant 240 : i32
      %add3A_2040 = arith.addi %mul3A_2038, %add3A_2039 : i32
      %get3A_2041 = arith.index_cast %add3A_2040 : i32 to index
      %get3A_2042 = tpu.vector_load %arg9[%get3A_2041] {strides = array<i32>} : memref<25600xf32, #tpu.memory_space<vmem>>, vector<16xf32>,
      %get3A_2043 = arith.index_cast %add3A_2040 : i32 to index
      %get3A_2044 = tpu.vector_load %arg8[%get3A_2043] {strides = array<i32>} : memref<25600xf32, #tpu.memory_space<vmem>>, vector<16xf32>,
      %mul3A_2045 = arith.mulf %get3A_2042, %get3A_2044 : vector<16xf32>
      %add3A_2046 = arith.addf %scan3A_2035, %mul3A_2045 : vector<16xf32>
      %add3A_2047 = arith.addf %scan3A_2036, %get3A_2044 : vector<16xf32>
      scf.yield %add3A_2046, %add3A_2047 : vector<16xf32>, vector<16xf32>
    }
    %scan3A_1713 = arith.constant 25 : i32
    %scan3A_1714 = arith.constant 25 : i32
    %scan3A_1715 = arith.constant 25 : i32
    %scan3A_1716 = arith.addi %scan3A_1714, %scan3A_1715 : i32
    %scan3A_1717 = arith.constant 1 : i32
    %scan3A_1718:2 = scf.for %scan3A_2034 = %scan3A_1714 to %scan3A_1716 step %scan3A_1717 iter_args(%scan3A_2035 = %scan3A_1520#0, %scan3A_2036 = %scan3A_1520#1) -> (vector<16xf32>, vector<16xf32>)  : i32 {
      %mul3A_2037 = arith.constant 512 : i32
      %mul3A_2038 = arith.muli %scan3A_2034, %mul3A_2037 : i32
      %add3A_2039 = arith.constant 256 : i32
      %add3A_2040 = arith.addi %mul3A_2038, %add3A_2039 : i32
      %get3A_2041 = arith.index_cast %add3A_2040 : i32 to index
      %get3A_2042 = tpu.vector_load %arg9[%get3A_2041] {strides = array<i32>} : memref<25600xf32, #tpu.memory_space<vmem>>, vector<16xf32>,
      %get3A_2043 = arith.index_cast %add3A_2040 : i32 to index
      %get3A_2044 = tpu.vector_load %arg8[%get3A_2043] {strides = array<i32>} : memref<25600xf32, #tpu.memory_space<vmem>>, vector<16xf32>,
      %mul3A_2045 = arith.mulf %get3A_2042, %get3A_2044 : vector<16xf32>
      %add3A_2046 = arith.addf %scan3A_2035, %mul3A_2045 : vector<16xf32>
      %add3A_2047 = arith.addf %scan3A_2036, %get3A_2044 : vector<16xf32>
      scf.yield %add3A_2046, %add3A_2047 : vector<16xf32>, vector<16xf32>
    }
    %scan3A_1719 = arith.constant 25 : i32
    %scan3A_1720 = arith.constant 25 : i32
    %scan3A_1721 = arith.constant 25 : i32
    %scan3A_1722 = arith.addi %scan3A_1720, %scan3A_1721 : i32
    %scan3A_1723 = arith.constant 1 : i32
    %scan3A_1724:2 = scf.for %scan3A_2034 = %scan3A_1720 to %scan3A_1722 step %scan3A_1723 iter_args(%scan3A_2035 = %scan3A_1526#0, %scan3A_2036 = %scan3A_1526#1) -> (vector<16xf32>, vector<16xf32>)  : i32 {
      %mul3A_2037 = arith.constant 512 : i32
      %mul3A_2038 = arith.muli %scan3A_2034, %mul3A_2037 : i32
      %add3A_2039 = arith.constant 272 : i32
      %add3A_2040 = arith.addi %mul3A_2038, %add3A_2039 : i32
      %get3A_2041 = arith.index_cast %add3A_2040 : i32 to index
      %get3A_2042 = tpu.vector_load %arg9[%get3A_2041] {strides = array<i32>} : memref<25600xf32, #tpu.memory_space<vmem>>, vector<16xf32>,
      %get3A_2043 = arith.index_cast %add3A_2040 : i32 to index
      %get3A_2044 = tpu.vector_load %arg8[%get3A_2043] {strides = array<i32>} : memref<25600xf32, #tpu.memory_space<vmem>>, vector<16xf32>,
      %mul3A_2045 = arith.mulf %get3A_2042, %get3A_2044 : vector<16xf32>
      %add3A_2046 = arith.addf %scan3A_2035, %mul3A_2045 : vector<16xf32>
      %add3A_2047 = arith.addf %scan3A_2036, %get3A_2044 : vector<16xf32>
      scf.yield %add3A_2046, %add3A_2047 : vector<16xf32>, vector<16xf32>
    }
    %scan3A_1725 = arith.constant 25 : i32
    %scan3A_1726 = arith.constant 25 : i32
    %scan3A_1727 = arith.constant 25 : i32
    %scan3A_1728 = arith.addi %scan3A_1726, %scan3A_1727 : i32
    %scan3A_1729 = arith.constant 1 : i32
    %scan3A_1730:2 = scf.for %scan3A_2034 = %scan3A_1726 to %scan3A_1728 step %scan3A_1729 iter_args(%scan3A_2035 = %scan3A_1532#0, %scan3A_2036 = %scan3A_1532#1) -> (vector<16xf32>, vector<16xf32>)  : i32 {
      %mul3A_2037 = arith.constant 512 : i32
      %mul3A_2038 = arith.muli %scan3A_2034, %mul3A_2037 : i32
      %add3A_2039 = arith.constant 288 : i32
      %add3A_2040 = arith.addi %mul3A_2038, %add3A_2039 : i32
      %get3A_2041 = arith.index_cast %add3A_2040 : i32 to index
      %get3A_2042 = tpu.vector_load %arg9[%get3A_2041] {strides = array<i32>} : memref<25600xf32, #tpu.memory_space<vmem>>, vector<16xf32>,
      %get3A_2043 = arith.index_cast %add3A_2040 : i32 to index
      %get3A_2044 = tpu.vector_load %arg8[%get3A_2043] {strides = array<i32>} : memref<25600xf32, #tpu.memory_space<vmem>>, vector<16xf32>,
      %mul3A_2045 = arith.mulf %get3A_2042, %get3A_2044 : vector<16xf32>
      %add3A_2046 = arith.addf %scan3A_2035, %mul3A_2045 : vector<16xf32>
      %add3A_2047 = arith.addf %scan3A_2036, %get3A_2044 : vector<16xf32>
      scf.yield %add3A_2046, %add3A_2047 : vector<16xf32>, vector<16xf32>
    }
    %scan3A_1731 = arith.constant 25 : i32
    %scan3A_1732 = arith.constant 25 : i32
    %scan3A_1733 = arith.constant 25 : i32
    %scan3A_1734 = arith.addi %scan3A_1732, %scan3A_1733 : i32
    %scan3A_1735 = arith.constant 1 : i32
    %scan3A_1736:2 = scf.for %scan3A_2034 = %scan3A_1732 to %scan3A_1734 step %scan3A_1735 iter_args(%scan3A_2035 = %scan3A_1538#0, %scan3A_2036 = %scan3A_1538#1) -> (vector<16xf32>, vector<16xf32>)  : i32 {
      %mul3A_2037 = arith.constant 512 : i32
      %mul3A_2038 = arith.muli %scan3A_2034, %mul3A_2037 : i32
      %add3A_2039 = arith.constant 304 : i32
      %add3A_2040 = arith.addi %mul3A_2038, %add3A_2039 : i32
      %get3A_2041 = arith.index_cast %add3A_2040 : i32 to index
      %get3A_2042 = tpu.vector_load %arg9[%get3A_2041] {strides = array<i32>} : memref<25600xf32, #tpu.memory_space<vmem>>, vector<16xf32>,
      %get3A_2043 = arith.index_cast %add3A_2040 : i32 to index
      %get3A_2044 = tpu.vector_load %arg8[%get3A_2043] {strides = array<i32>} : memref<25600xf32, #tpu.memory_space<vmem>>, vector<16xf32>,
      %mul3A_2045 = arith.mulf %get3A_2042, %get3A_2044 : vector<16xf32>
      %add3A_2046 = arith.addf %scan3A_2035, %mul3A_2045 : vector<16xf32>
      %add3A_2047 = arith.addf %scan3A_2036, %get3A_2044 : vector<16xf32>
      scf.yield %add3A_2046, %add3A_2047 : vector<16xf32>, vector<16xf32>
    }
    %scan3A_1737 = arith.constant 25 : i32
    %scan3A_1738 = arith.constant 25 : i32
    %scan3A_1739 = arith.constant 25 : i32
    %scan3A_1740 = arith.addi %scan3A_1738, %scan3A_1739 : i32
    %scan3A_1741 = arith.constant 1 : i32
    %scan3A_1742:2 = scf.for %scan3A_2034 = %scan3A_1738 to %scan3A_1740 step %scan3A_1741 iter_args(%scan3A_2035 = %scan3A_1544#0, %scan3A_2036 = %scan3A_1544#1) -> (vector<16xf32>, vector<16xf32>)  : i32 {
      %mul3A_2037 = arith.constant 512 : i32
      %mul3A_2038 = arith.muli %scan3A_2034, %mul3A_2037 : i32
      %add3A_2039 = arith.constant 320 : i32
      %add3A_2040 = arith.addi %mul3A_2038, %add3A_2039 : i32
      %get3A_2041 = arith.index_cast %add3A_2040 : i32 to index
      %get3A_2042 = tpu.vector_load %arg9[%get3A_2041] {strides = array<i32>} : memref<25600xf32, #tpu.memory_space<vmem>>, vector<16xf32>,
      %get3A_2043 = arith.index_cast %add3A_2040 : i32 to index
      %get3A_2044 = tpu.vector_load %arg8[%get3A_2043] {strides = array<i32>} : memref<25600xf32, #tpu.memory_space<vmem>>, vector<16xf32>,
      %mul3A_2045 = arith.mulf %get3A_2042, %get3A_2044 : vector<16xf32>
      %add3A_2046 = arith.addf %scan3A_2035, %mul3A_2045 : vector<16xf32>
      %add3A_2047 = arith.addf %scan3A_2036, %get3A_2044 : vector<16xf32>
      scf.yield %add3A_2046, %add3A_2047 : vector<16xf32>, vector<16xf32>
    }
    %scan3A_1743 = arith.constant 25 : i32
    %scan3A_1744 = arith.constant 25 : i32
    %scan3A_1745 = arith.constant 25 : i32
    %scan3A_1746 = arith.addi %scan3A_1744, %scan3A_1745 : i32
    %scan3A_1747 = arith.constant 1 : i32
    %scan3A_1748:2 = scf.for %scan3A_2034 = %scan3A_1744 to %scan3A_1746 step %scan3A_1747 iter_args(%scan3A_2035 = %scan3A_1550#0, %scan3A_2036 = %scan3A_1550#1) -> (vector<16xf32>, vector<16xf32>)  : i32 {
      %mul3A_2037 = arith.constant 512 : i32
      %mul3A_2038 = arith.muli %scan3A_2034, %mul3A_2037 : i32
      %add3A_2039 = arith.constant 336 : i32
      %add3A_2040 = arith.addi %mul3A_2038, %add3A_2039 : i32
      %get3A_2041 = arith.index_cast %add3A_2040 : i32 to index
      %get3A_2042 = tpu.vector_load %arg9[%get3A_2041] {strides = array<i32>} : memref<25600xf32, #tpu.memory_space<vmem>>, vector<16xf32>,
      %get3A_2043 = arith.index_cast %add3A_2040 : i32 to index
      %get3A_2044 = tpu.vector_load %arg8[%get3A_2043] {strides = array<i32>} : memref<25600xf32, #tpu.memory_space<vmem>>, vector<16xf32>,
      %mul3A_2045 = arith.mulf %get3A_2042, %get3A_2044 : vector<16xf32>
      %add3A_2046 = arith.addf %scan3A_2035, %mul3A_2045 : vector<16xf32>
      %add3A_2047 = arith.addf %scan3A_2036, %get3A_2044 : vector<16xf32>
      scf.yield %add3A_2046, %add3A_2047 : vector<16xf32>, vector<16xf32>
    }
    %scan3A_1749 = arith.constant 25 : i32
    %scan3A_1750 = arith.constant 25 : i32
    %scan3A_1751 = arith.constant 25 : i32
    %scan3A_1752 = arith.addi %scan3A_1750, %scan3A_1751 : i32
    %scan3A_1753 = arith.constant 1 : i32
    %scan3A_1754:2 = scf.for %scan3A_2034 = %scan3A_1750 to %scan3A_1752 step %scan3A_1753 iter_args(%scan3A_2035 = %scan3A_1556#0, %scan3A_2036 = %scan3A_1556#1) -> (vector<16xf32>, vector<16xf32>)  : i32 {
      %mul3A_2037 = arith.constant 512 : i32
      %mul3A_2038 = arith.muli %scan3A_2034, %mul3A_2037 : i32
      %add3A_2039 = arith.constant 352 : i32
      %add3A_2040 = arith.addi %mul3A_2038, %add3A_2039 : i32
      %get3A_2041 = arith.index_cast %add3A_2040 : i32 to index
      %get3A_2042 = tpu.vector_load %arg9[%get3A_2041] {strides = array<i32>} : memref<25600xf32, #tpu.memory_space<vmem>>, vector<16xf32>,
      %get3A_2043 = arith.index_cast %add3A_2040 : i32 to index
      %get3A_2044 = tpu.vector_load %arg8[%get3A_2043] {strides = array<i32>} : memref<25600xf32, #tpu.memory_space<vmem>>, vector<16xf32>,
      %mul3A_2045 = arith.mulf %get3A_2042, %get3A_2044 : vector<16xf32>
      %add3A_2046 = arith.addf %scan3A_2035, %mul3A_2045 : vector<16xf32>
      %add3A_2047 = arith.addf %scan3A_2036, %get3A_2044 : vector<16xf32>
      scf.yield %add3A_2046, %add3A_2047 : vector<16xf32>, vector<16xf32>
    }
    %scan3A_1755 = arith.constant 25 : i32
    %scan3A_1756 = arith.constant 25 : i32
    %scan3A_1757 = arith.constant 25 : i32
    %scan3A_1758 = arith.addi %scan3A_1756, %scan3A_1757 : i32
    %scan3A_1759 = arith.constant 1 : i32
    %scan3A_1760:2 = scf.for %scan3A_2034 = %scan3A_1756 to %scan3A_1758 step %scan3A_1759 iter_args(%scan3A_2035 = %scan3A_1562#0, %scan3A_2036 = %scan3A_1562#1) -> (vector<16xf32>, vector<16xf32>)  : i32 {
      %mul3A_2037 = arith.constant 512 : i32
      %mul3A_2038 = arith.muli %scan3A_2034, %mul3A_2037 : i32
      %add3A_2039 = arith.constant 368 : i32
      %add3A_2040 = arith.addi %mul3A_2038, %add3A_2039 : i32
      %get3A_2041 = arith.index_cast %add3A_2040 : i32 to index
      %get3A_2042 = tpu.vector_load %arg9[%get3A_2041] {strides = array<i32>} : memref<25600xf32, #tpu.memory_space<vmem>>, vector<16xf32>,
      %get3A_2043 = arith.index_cast %add3A_2040 : i32 to index
      %get3A_2044 = tpu.vector_load %arg8[%get3A_2043] {strides = array<i32>} : memref<25600xf32, #tpu.memory_space<vmem>>, vector<16xf32>,
      %mul3A_2045 = arith.mulf %get3A_2042, %get3A_2044 : vector<16xf32>
      %add3A_2046 = arith.addf %scan3A_2035, %mul3A_2045 : vector<16xf32>
      %add3A_2047 = arith.addf %scan3A_2036, %get3A_2044 : vector<16xf32>
      scf.yield %add3A_2046, %add3A_2047 : vector<16xf32>, vector<16xf32>
    }
    %scan3A_1761 = arith.constant 25 : i32
    %scan3A_1762 = arith.constant 25 : i32
    %scan3A_1763 = arith.constant 25 : i32
    %scan3A_1764 = arith.addi %scan3A_1762, %scan3A_1763 : i32
    %scan3A_1765 = arith.constant 1 : i32
    %scan3A_1766:2 = scf.for %scan3A_2034 = %scan3A_1762 to %scan3A_1764 step %scan3A_1765 iter_args(%scan3A_2035 = %scan3A_1568#0, %scan3A_2036 = %scan3A_1568#1) -> (vector<16xf32>, vector<16xf32>)  : i32 {
      %mul3A_2037 = arith.constant 512 : i32
      %mul3A_2038 = arith.muli %scan3A_2034, %mul3A_2037 : i32
      %add3A_2039 = arith.constant 384 : i32
      %add3A_2040 = arith.addi %mul3A_2038, %add3A_2039 : i32
      %get3A_2041 = arith.index_cast %add3A_2040 : i32 to index
      %get3A_2042 = tpu.vector_load %arg9[%get3A_2041] {strides = array<i32>} : memref<25600xf32, #tpu.memory_space<vmem>>, vector<16xf32>,
      %get3A_2043 = arith.index_cast %add3A_2040 : i32 to index
      %get3A_2044 = tpu.vector_load %arg8[%get3A_2043] {strides = array<i32>} : memref<25600xf32, #tpu.memory_space<vmem>>, vector<16xf32>,
      %mul3A_2045 = arith.mulf %get3A_2042, %get3A_2044 : vector<16xf32>
      %add3A_2046 = arith.addf %scan3A_2035, %mul3A_2045 : vector<16xf32>
      %add3A_2047 = arith.addf %scan3A_2036, %get3A_2044 : vector<16xf32>
      scf.yield %add3A_2046, %add3A_2047 : vector<16xf32>, vector<16xf32>
    }
    %scan3A_1767 = arith.constant 25 : i32
    %scan3A_1768 = arith.constant 25 : i32
    %scan3A_1769 = arith.constant 25 : i32
    %scan3A_1770 = arith.addi %scan3A_1768, %scan3A_1769 : i32
    %scan3A_1771 = arith.constant 1 : i32
    %scan3A_1772:2 = scf.for %scan3A_2034 = %scan3A_1768 to %scan3A_1770 step %scan3A_1771 iter_args(%scan3A_2035 = %scan3A_1574#0, %scan3A_2036 = %scan3A_1574#1) -> (vector<16xf32>, vector<16xf32>)  : i32 {
      %mul3A_2037 = arith.constant 512 : i32
      %mul3A_2038 = arith.muli %scan3A_2034, %mul3A_2037 : i32
      %add3A_2039 = arith.constant 400 : i32
      %add3A_2040 = arith.addi %mul3A_2038, %add3A_2039 : i32
      %get3A_2041 = arith.index_cast %add3A_2040 : i32 to index
      %get3A_2042 = tpu.vector_load %arg9[%get3A_2041] {strides = array<i32>} : memref<25600xf32, #tpu.memory_space<vmem>>, vector<16xf32>,
      %get3A_2043 = arith.index_cast %add3A_2040 : i32 to index
      %get3A_2044 = tpu.vector_load %arg8[%get3A_2043] {strides = array<i32>} : memref<25600xf32, #tpu.memory_space<vmem>>, vector<16xf32>,
      %mul3A_2045 = arith.mulf %get3A_2042, %get3A_2044 : vector<16xf32>
      %add3A_2046 = arith.addf %scan3A_2035, %mul3A_2045 : vector<16xf32>
      %add3A_2047 = arith.addf %scan3A_2036, %get3A_2044 : vector<16xf32>
      scf.yield %add3A_2046, %add3A_2047 : vector<16xf32>, vector<16xf32>
    }
    %scan3A_1773 = arith.constant 25 : i32
    %scan3A_1774 = arith.constant 25 : i32
    %scan3A_1775 = arith.constant 25 : i32
    %scan3A_1776 = arith.addi %scan3A_1774, %scan3A_1775 : i32
    %scan3A_1777 = arith.constant 1 : i32
    %scan3A_1778:2 = scf.for %scan3A_2034 = %scan3A_1774 to %scan3A_1776 step %scan3A_1777 iter_args(%scan3A_2035 = %scan3A_1580#0, %scan3A_2036 = %scan3A_1580#1) -> (vector<16xf32>, vector<16xf32>)  : i32 {
      %mul3A_2037 = arith.constant 512 : i32
      %mul3A_2038 = arith.muli %scan3A_2034, %mul3A_2037 : i32
      %add3A_2039 = arith.constant 416 : i32
      %add3A_2040 = arith.addi %mul3A_2038, %add3A_2039 : i32
      %get3A_2041 = arith.index_cast %add3A_2040 : i32 to index
      %get3A_2042 = tpu.vector_load %arg9[%get3A_2041] {strides = array<i32>} : memref<25600xf32, #tpu.memory_space<vmem>>, vector<16xf32>,
      %get3A_2043 = arith.index_cast %add3A_2040 : i32 to index
      %get3A_2044 = tpu.vector_load %arg8[%get3A_2043] {strides = array<i32>} : memref<25600xf32, #tpu.memory_space<vmem>>, vector<16xf32>,
      %mul3A_2045 = arith.mulf %get3A_2042, %get3A_2044 : vector<16xf32>
      %add3A_2046 = arith.addf %scan3A_2035, %mul3A_2045 : vector<16xf32>
      %add3A_2047 = arith.addf %scan3A_2036, %get3A_2044 : vector<16xf32>
      scf.yield %add3A_2046, %add3A_2047 : vector<16xf32>, vector<16xf32>
    }
    %scan3A_1779 = arith.constant 25 : i32
    %scan3A_1780 = arith.constant 25 : i32
    %scan3A_1781 = arith.constant 25 : i32
    %scan3A_1782 = arith.addi %scan3A_1780, %scan3A_1781 : i32
    %scan3A_1783 = arith.constant 1 : i32
    %scan3A_1784:2 = scf.for %scan3A_2034 = %scan3A_1780 to %scan3A_1782 step %scan3A_1783 iter_args(%scan3A_2035 = %scan3A_1586#0, %scan3A_2036 = %scan3A_1586#1) -> (vector<16xf32>, vector<16xf32>)  : i32 {
      %mul3A_2037 = arith.constant 512 : i32
      %mul3A_2038 = arith.muli %scan3A_2034, %mul3A_2037 : i32
      %add3A_2039 = arith.constant 432 : i32
      %add3A_2040 = arith.addi %mul3A_2038, %add3A_2039 : i32
      %get3A_2041 = arith.index_cast %add3A_2040 : i32 to index
      %get3A_2042 = tpu.vector_load %arg9[%get3A_2041] {strides = array<i32>} : memref<25600xf32, #tpu.memory_space<vmem>>, vector<16xf32>,
      %get3A_2043 = arith.index_cast %add3A_2040 : i32 to index
      %get3A_2044 = tpu.vector_load %arg8[%get3A_2043] {strides = array<i32>} : memref<25600xf32, #tpu.memory_space<vmem>>, vector<16xf32>,
      %mul3A_2045 = arith.mulf %get3A_2042, %get3A_2044 : vector<16xf32>
      %add3A_2046 = arith.addf %scan3A_2035, %mul3A_2045 : vector<16xf32>
      %add3A_2047 = arith.addf %scan3A_2036, %get3A_2044 : vector<16xf32>
      scf.yield %add3A_2046, %add3A_2047 : vector<16xf32>, vector<16xf32>
    }
    %scan3A_1785 = arith.constant 25 : i32
    %scan3A_1786 = arith.constant 25 : i32
    %scan3A_1787 = arith.constant 25 : i32
    %scan3A_1788 = arith.addi %scan3A_1786, %scan3A_1787 : i32
    %scan3A_1789 = arith.constant 1 : i32
    %scan3A_1790:2 = scf.for %scan3A_2034 = %scan3A_1786 to %scan3A_1788 step %scan3A_1789 iter_args(%scan3A_2035 = %scan3A_1592#0, %scan3A_2036 = %scan3A_1592#1) -> (vector<16xf32>, vector<16xf32>)  : i32 {
      %mul3A_2037 = arith.constant 512 : i32
      %mul3A_2038 = arith.muli %scan3A_2034, %mul3A_2037 : i32
      %add3A_2039 = arith.constant 448 : i32
      %add3A_2040 = arith.addi %mul3A_2038, %add3A_2039 : i32
      %get3A_2041 = arith.index_cast %add3A_2040 : i32 to index
      %get3A_2042 = tpu.vector_load %arg9[%get3A_2041] {strides = array<i32>} : memref<25600xf32, #tpu.memory_space<vmem>>, vector<16xf32>,
      %get3A_2043 = arith.index_cast %add3A_2040 : i32 to index
      %get3A_2044 = tpu.vector_load %arg8[%get3A_2043] {strides = array<i32>} : memref<25600xf32, #tpu.memory_space<vmem>>, vector<16xf32>,
      %mul3A_2045 = arith.mulf %get3A_2042, %get3A_2044 : vector<16xf32>
      %add3A_2046 = arith.addf %scan3A_2035, %mul3A_2045 : vector<16xf32>
      %add3A_2047 = arith.addf %scan3A_2036, %get3A_2044 : vector<16xf32>
      scf.yield %add3A_2046, %add3A_2047 : vector<16xf32>, vector<16xf32>
    }
    %scan3A_1791 = arith.constant 25 : i32
    %scan3A_1792 = arith.constant 25 : i32
    %scan3A_1793 = arith.constant 25 : i32
    %scan3A_1794 = arith.addi %scan3A_1792, %scan3A_1793 : i32
    %scan3A_1795 = arith.constant 1 : i32
    %scan3A_1796:2 = scf.for %scan3A_2034 = %scan3A_1792 to %scan3A_1794 step %scan3A_1795 iter_args(%scan3A_2035 = %scan3A_1598#0, %scan3A_2036 = %scan3A_1598#1) -> (vector<16xf32>, vector<16xf32>)  : i32 {
      %mul3A_2037 = arith.constant 512 : i32
      %mul3A_2038 = arith.muli %scan3A_2034, %mul3A_2037 : i32
      %add3A_2039 = arith.constant 464 : i32
      %add3A_2040 = arith.addi %mul3A_2038, %add3A_2039 : i32
      %get3A_2041 = arith.index_cast %add3A_2040 : i32 to index
      %get3A_2042 = tpu.vector_load %arg9[%get3A_2041] {strides = array<i32>} : memref<25600xf32, #tpu.memory_space<vmem>>, vector<16xf32>,
      %get3A_2043 = arith.index_cast %add3A_2040 : i32 to index
      %get3A_2044 = tpu.vector_load %arg8[%get3A_2043] {strides = array<i32>} : memref<25600xf32, #tpu.memory_space<vmem>>, vector<16xf32>,
      %mul3A_2045 = arith.mulf %get3A_2042, %get3A_2044 : vector<16xf32>
      %add3A_2046 = arith.addf %scan3A_2035, %mul3A_2045 : vector<16xf32>
      %add3A_2047 = arith.addf %scan3A_2036, %get3A_2044 : vector<16xf32>
      scf.yield %add3A_2046, %add3A_2047 : vector<16xf32>, vector<16xf32>
    }
    %scan3A_1797 = arith.constant 25 : i32
    %scan3A_1798 = arith.constant 25 : i32
    %scan3A_1799 = arith.constant 25 : i32
    %scan3A_1800 = arith.addi %scan3A_1798, %scan3A_1799 : i32
    %scan3A_1801 = arith.constant 1 : i32
    %scan3A_1802:2 = scf.for %scan3A_2034 = %scan3A_1798 to %scan3A_1800 step %scan3A_1801 iter_args(%scan3A_2035 = %scan3A_1604#0, %scan3A_2036 = %scan3A_1604#1) -> (vector<16xf32>, vector<16xf32>)  : i32 {
      %mul3A_2037 = arith.constant 512 : i32
      %mul3A_2038 = arith.muli %scan3A_2034, %mul3A_2037 : i32
      %add3A_2039 = arith.constant 480 : i32
      %add3A_2040 = arith.addi %mul3A_2038, %add3A_2039 : i32
      %get3A_2041 = arith.index_cast %add3A_2040 : i32 to index
      %get3A_2042 = tpu.vector_load %arg9[%get3A_2041] {strides = array<i32>} : memref<25600xf32, #tpu.memory_space<vmem>>, vector<16xf32>,
      %get3A_2043 = arith.index_cast %add3A_2040 : i32 to index
      %get3A_2044 = tpu.vector_load %arg8[%get3A_2043] {strides = array<i32>} : memref<25600xf32, #tpu.memory_space<vmem>>, vector<16xf32>,
      %mul3A_2045 = arith.mulf %get3A_2042, %get3A_2044 : vector<16xf32>
      %add3A_2046 = arith.addf %scan3A_2035, %mul3A_2045 : vector<16xf32>
      %add3A_2047 = arith.addf %scan3A_2036, %get3A_2044 : vector<16xf32>
      scf.yield %add3A_2046, %add3A_2047 : vector<16xf32>, vector<16xf32>
    }
    %scan3A_1803 = arith.constant 25 : i32
    %scan3A_1804 = arith.constant 25 : i32
    %scan3A_1805 = arith.constant 25 : i32
    %scan3A_1806 = arith.addi %scan3A_1804, %scan3A_1805 : i32
    %scan3A_1807 = arith.constant 1 : i32
    %scan3A_1808:2 = scf.for %scan3A_2034 = %scan3A_1804 to %scan3A_1806 step %scan3A_1807 iter_args(%scan3A_2035 = %scan3A_1610#0, %scan3A_2036 = %scan3A_1610#1) -> (vector<16xf32>, vector<16xf32>)  : i32 {
      %mul3A_2037 = arith.constant 512 : i32
      %mul3A_2038 = arith.muli %scan3A_2034, %mul3A_2037 : i32
      %add3A_2039 = arith.constant 496 : i32
      %add3A_2040 = arith.addi %mul3A_2038, %add3A_2039 : i32
      %get3A_2041 = arith.index_cast %add3A_2040 : i32 to index
      %get3A_2042 = tpu.vector_load %arg9[%get3A_2041] {strides = array<i32>} : memref<25600xf32, #tpu.memory_space<vmem>>, vector<16xf32>,
      %get3A_2043 = arith.index_cast %add3A_2040 : i32 to index
      %get3A_2044 = tpu.vector_load %arg8[%get3A_2043] {strides = array<i32>} : memref<25600xf32, #tpu.memory_space<vmem>>, vector<16xf32>,
      %mul3A_2045 = arith.mulf %get3A_2042, %get3A_2044 : vector<16xf32>
      %add3A_2046 = arith.addf %scan3A_2035, %mul3A_2045 : vector<16xf32>
      %add3A_2047 = arith.addf %scan3A_2036, %get3A_2044 : vector<16xf32>
      scf.yield %add3A_2046, %add3A_2047 : vector<16xf32>, vector<16xf32>
    }
    %scan3A_1809 = arith.constant 25 : i32
    %add3A_1810 = arith.constant 9.99999971E-10 : f32
    %add3A_1811 = vector.broadcast %add3A_1810 : f32 to vector<16xf32>
    %add3A_1812 = arith.addf %scan3A_1622#1, %add3A_1811 : vector<16xf32>
    %div3A = arith.divf %scan3A_1622#0, %add3A_1812 : vector<16xf32>
    %add3A_1813 = arith.addf %div3A, %get3A_1413 : vector<16xf32>
    %swap3A = arith.constant 0 : index
    %swap3A_1814 = tpu.vector_load %arg10[%swap3A] {strides = array<i32>} : memref<512xf32, #tpu.memory_space<vmem>>, vector<16xf32>,
    tpu.vector_store %arg10[%swap3A], %add3A_1813 {strides = array<i32>} : memref<512xf32, #tpu.memory_space<vmem>>, vector<16xf32>,
    %add3A_1815 = arith.constant 9.99999971E-10 : f32
    %add3A_1816 = vector.broadcast %add3A_1815 : f32 to vector<16xf32>
    %add3A_1817 = arith.addf %scan3A_1628#1, %add3A_1816 : vector<16xf32>
    %div3A_1818 = arith.divf %scan3A_1628#0, %add3A_1817 : vector<16xf32>
    %add3A_1819 = arith.addf %div3A_1818, %get3A_1413 : vector<16xf32>
    %swap3A_1820 = arith.constant 16 : index
    %swap3A_1821 = tpu.vector_load %arg10[%swap3A_1820] {strides = array<i32>} : memref<512xf32, #tpu.memory_space<vmem>>, vector<16xf32>,
    tpu.vector_store %arg10[%swap3A_1820], %add3A_1819 {strides = array<i32>} : memref<512xf32, #tpu.memory_space<vmem>>, vector<16xf32>,
    %add3A_1822 = arith.constant 9.99999971E-10 : f32
    %add3A_1823 = vector.broadcast %add3A_1822 : f32 to vector<16xf32>
    %add3A_1824 = arith.addf %scan3A_1634#1, %add3A_1823 : vector<16xf32>
    %div3A_1825 = arith.divf %scan3A_1634#0, %add3A_1824 : vector<16xf32>
    %add3A_1826 = arith.addf %div3A_1825, %get3A_1413 : vector<16xf32>
    %swap3A_1827 = arith.constant 32 : index
    %swap3A_1828 = tpu.vector_load %arg10[%swap3A_1827] {strides = array<i32>} : memref<512xf32, #tpu.memory_space<vmem>>, vector<16xf32>,
    tpu.vector_store %arg10[%swap3A_1827], %add3A_1826 {strides = array<i32>} : memref<512xf32, #tpu.memory_space<vmem>>, vector<16xf32>,
    %add3A_1829 = arith.constant 9.99999971E-10 : f32
    %add3A_1830 = vector.broadcast %add3A_1829 : f32 to vector<16xf32>
    %add3A_1831 = arith.addf %scan3A_1640#1, %add3A_1830 : vector<16xf32>
    %div3A_1832 = arith.divf %scan3A_1640#0, %add3A_1831 : vector<16xf32>
    %add3A_1833 = arith.addf %div3A_1832, %get3A_1413 : vector<16xf32>
    %swap3A_1834 = arith.constant 48 : index
    %swap3A_1835 = tpu.vector_load %arg10[%swap3A_1834] {strides = array<i32>} : memref<512xf32, #tpu.memory_space<vmem>>, vector<16xf32>,
    tpu.vector_store %arg10[%swap3A_1834], %add3A_1833 {strides = array<i32>} : memref<512xf32, #tpu.memory_space<vmem>>, vector<16xf32>,
    %add3A_1836 = arith.constant 9.99999971E-10 : f32
    %add3A_1837 = vector.broadcast %add3A_1836 : f32 to vector<16xf32>
    %add3A_1838 = arith.addf %scan3A_1646#1, %add3A_1837 : vector<16xf32>
    %div3A_1839 = arith.divf %scan3A_1646#0, %add3A_1838 : vector<16xf32>
    %add3A_1840 = arith.addf %div3A_1839, %get3A_1413 : vector<16xf32>
    %swap3A_1841 = arith.constant 64 : index
    %swap3A_1842 = tpu.vector_load %arg10[%swap3A_1841] {strides = array<i32>} : memref<512xf32, #tpu.memory_space<vmem>>, vector<16xf32>,
    tpu.vector_store %arg10[%swap3A_1841], %add3A_1840 {strides = array<i32>} : memref<512xf32, #tpu.memory_space<vmem>>, vector<16xf32>,
    %add3A_1843 = arith.constant 9.99999971E-10 : f32
    %add3A_1844 = vector.broadcast %add3A_1843 : f32 to vector<16xf32>
    %add3A_1845 = arith.addf %scan3A_1652#1, %add3A_1844 : vector<16xf32>
    %div3A_1846 = arith.divf %scan3A_1652#0, %add3A_1845 : vector<16xf32>
    %add3A_1847 = arith.addf %div3A_1846, %get3A_1413 : vector<16xf32>
    %swap3A_1848 = arith.constant 80 : index
    %swap3A_1849 = tpu.vector_load %arg10[%swap3A_1848] {strides = array<i32>} : memref<512xf32, #tpu.memory_space<vmem>>, vector<16xf32>,
    tpu.vector_store %arg10[%swap3A_1848], %add3A_1847 {strides = array<i32>} : memref<512xf32, #tpu.memory_space<vmem>>, vector<16xf32>,
    %add3A_1850 = arith.constant 9.99999971E-10 : f32
    %add3A_1851 = vector.broadcast %add3A_1850 : f32 to vector<16xf32>
    %add3A_1852 = arith.addf %scan3A_1658#1, %add3A_1851 : vector<16xf32>
    %div3A_1853 = arith.divf %scan3A_1658#0, %add3A_1852 : vector<16xf32>
    %add3A_1854 = arith.addf %div3A_1853, %get3A_1413 : vector<16xf32>
    %swap3A_1855 = arith.constant 96 : index
    %swap3A_1856 = tpu.vector_load %arg10[%swap3A_1855] {strides = array<i32>} : memref<512xf32, #tpu.memory_space<vmem>>, vector<16xf32>,
    tpu.vector_store %arg10[%swap3A_1855], %add3A_1854 {strides = array<i32>} : memref<512xf32, #tpu.memory_space<vmem>>, vector<16xf32>,
    %add3A_1857 = arith.constant 9.99999971E-10 : f32
    %add3A_1858 = vector.broadcast %add3A_1857 : f32 to vector<16xf32>
    %add3A_1859 = arith.addf %scan3A_1664#1, %add3A_1858 : vector<16xf32>
    %div3A_1860 = arith.divf %scan3A_1664#0, %add3A_1859 : vector<16xf32>
    %add3A_1861 = arith.addf %div3A_1860, %get3A_1413 : vector<16xf32>
    %swap3A_1862 = arith.constant 112 : index
    %swap3A_1863 = tpu.vector_load %arg10[%swap3A_1862] {strides = array<i32>} : memref<512xf32, #tpu.memory_space<vmem>>, vector<16xf32>,
    tpu.vector_store %arg10[%swap3A_1862], %add3A_1861 {strides = array<i32>} : memref<512xf32, #tpu.memory_space<vmem>>, vector<16xf32>,
    %add3A_1864 = arith.constant 9.99999971E-10 : f32
    %add3A_1865 = vector.broadcast %add3A_1864 : f32 to vector<16xf32>
    %add3A_1866 = arith.addf %scan3A_1670#1, %add3A_1865 : vector<16xf32>
    %div3A_1867 = arith.divf %scan3A_1670#0, %add3A_1866 : vector<16xf32>
    %add3A_1868 = arith.addf %div3A_1867, %get3A_1413 : vector<16xf32>
    %swap3A_1869 = arith.constant 128 : index
    %swap3A_1870 = tpu.vector_load %arg10[%swap3A_1869] {strides = array<i32>} : memref<512xf32, #tpu.memory_space<vmem>>, vector<16xf32>,
    tpu.vector_store %arg10[%swap3A_1869], %add3A_1868 {strides = array<i32>} : memref<512xf32, #tpu.memory_space<vmem>>, vector<16xf32>,
    %add3A_1871 = arith.constant 9.99999971E-10 : f32
    %add3A_1872 = vector.broadcast %add3A_1871 : f32 to vector<16xf32>
    %add3A_1873 = arith.addf %scan3A_1676#1, %add3A_1872 : vector<16xf32>
    %div3A_1874 = arith.divf %scan3A_1676#0, %add3A_1873 : vector<16xf32>
    %add3A_1875 = arith.addf %div3A_1874, %get3A_1413 : vector<16xf32>
    %swap3A_1876 = arith.constant 144 : index
    %swap3A_1877 = tpu.vector_load %arg10[%swap3A_1876] {strides = array<i32>} : memref<512xf32, #tpu.memory_space<vmem>>, vector<16xf32>,
    tpu.vector_store %arg10[%swap3A_1876], %add3A_1875 {strides = array<i32>} : memref<512xf32, #tpu.memory_space<vmem>>, vector<16xf32>,
    %add3A_1878 = arith.constant 9.99999971E-10 : f32
    %add3A_1879 = vector.broadcast %add3A_1878 : f32 to vector<16xf32>
    %add3A_1880 = arith.addf %scan3A_1682#1, %add3A_1879 : vector<16xf32>
    %div3A_1881 = arith.divf %scan3A_1682#0, %add3A_1880 : vector<16xf32>
    %add3A_1882 = arith.addf %div3A_1881, %get3A_1413 : vector<16xf32>
    %swap3A_1883 = arith.constant 160 : index
    %swap3A_1884 = tpu.vector_load %arg10[%swap3A_1883] {strides = array<i32>} : memref<512xf32, #tpu.memory_space<vmem>>, vector<16xf32>,
    tpu.vector_store %arg10[%swap3A_1883], %add3A_1882 {strides = array<i32>} : memref<512xf32, #tpu.memory_space<vmem>>, vector<16xf32>,
    %add3A_1885 = arith.constant 9.99999971E-10 : f32
    %add3A_1886 = vector.broadcast %add3A_1885 : f32 to vector<16xf32>
    %add3A_1887 = arith.addf %scan3A_1688#1, %add3A_1886 : vector<16xf32>
    %div3A_1888 = arith.divf %scan3A_1688#0, %add3A_1887 : vector<16xf32>
    %add3A_1889 = arith.addf %div3A_1888, %get3A_1413 : vector<16xf32>
    %swap3A_1890 = arith.constant 176 : index
    %swap3A_1891 = tpu.vector_load %arg10[%swap3A_1890] {strides = array<i32>} : memref<512xf32, #tpu.memory_space<vmem>>, vector<16xf32>,
    tpu.vector_store %arg10[%swap3A_1890], %add3A_1889 {strides = array<i32>} : memref<512xf32, #tpu.memory_space<vmem>>, vector<16xf32>,
    %add3A_1892 = arith.constant 9.99999971E-10 : f32
    %add3A_1893 = vector.broadcast %add3A_1892 : f32 to vector<16xf32>
    %add3A_1894 = arith.addf %scan3A_1694#1, %add3A_1893 : vector<16xf32>
    %div3A_1895 = arith.divf %scan3A_1694#0, %add3A_1894 : vector<16xf32>
    %add3A_1896 = arith.addf %div3A_1895, %get3A_1413 : vector<16xf32>
    %swap3A_1897 = arith.constant 192 : index
    %swap3A_1898 = tpu.vector_load %arg10[%swap3A_1897] {strides = array<i32>} : memref<512xf32, #tpu.memory_space<vmem>>, vector<16xf32>,
    tpu.vector_store %arg10[%swap3A_1897], %add3A_1896 {strides = array<i32>} : memref<512xf32, #tpu.memory_space<vmem>>, vector<16xf32>,
    %add3A_1899 = arith.constant 9.99999971E-10 : f32
    %add3A_1900 = vector.broadcast %add3A_1899 : f32 to vector<16xf32>
    %add3A_1901 = arith.addf %scan3A_1700#1, %add3A_1900 : vector<16xf32>
    %div3A_1902 = arith.divf %scan3A_1700#0, %add3A_1901 : vector<16xf32>
    %add3A_1903 = arith.addf %div3A_1902, %get3A_1413 : vector<16xf32>
    %swap3A_1904 = arith.constant 208 : index
    %swap3A_1905 = tpu.vector_load %arg10[%swap3A_1904] {strides = array<i32>} : memref<512xf32, #tpu.memory_space<vmem>>, vector<16xf32>,
    tpu.vector_store %arg10[%swap3A_1904], %add3A_1903 {strides = array<i32>} : memref<512xf32, #tpu.memory_space<vmem>>, vector<16xf32>,
    %add3A_1906 = arith.constant 9.99999971E-10 : f32
    %add3A_1907 = vector.broadcast %add3A_1906 : f32 to vector<16xf32>
    %add3A_1908 = arith.addf %scan3A_1706#1, %add3A_1907 : vector<16xf32>
    %div3A_1909 = arith.divf %scan3A_1706#0, %add3A_1908 : vector<16xf32>
    %add3A_1910 = arith.addf %div3A_1909, %get3A_1413 : vector<16xf32>
    %swap3A_1911 = arith.constant 224 : index
    %swap3A_1912 = tpu.vector_load %arg10[%swap3A_1911] {strides = array<i32>} : memref<512xf32, #tpu.memory_space<vmem>>, vector<16xf32>,
    tpu.vector_store %arg10[%swap3A_1911], %add3A_1910 {strides = array<i32>} : memref<512xf32, #tpu.memory_space<vmem>>, vector<16xf32>,
    %add3A_1913 = arith.constant 9.99999971E-10 : f32
    %add3A_1914 = vector.broadcast %add3A_1913 : f32 to vector<16xf32>
    %add3A_1915 = arith.addf %scan3A_1712#1, %add3A_1914 : vector<16xf32>
    %div3A_1916 = arith.divf %scan3A_1712#0, %add3A_1915 : vector<16xf32>
    %add3A_1917 = arith.addf %div3A_1916, %get3A_1413 : vector<16xf32>
    %swap3A_1918 = arith.constant 240 : index
    %swap3A_1919 = tpu.vector_load %arg10[%swap3A_1918] {strides = array<i32>} : memref<512xf32, #tpu.memory_space<vmem>>, vector<16xf32>,
    tpu.vector_store %arg10[%swap3A_1918], %add3A_1917 {strides = array<i32>} : memref<512xf32, #tpu.memory_space<vmem>>, vector<16xf32>,
    %add3A_1920 = arith.constant 9.99999971E-10 : f32
    %add3A_1921 = vector.broadcast %add3A_1920 : f32 to vector<16xf32>
    %add3A_1922 = arith.addf %scan3A_1718#1, %add3A_1921 : vector<16xf32>
    %div3A_1923 = arith.divf %scan3A_1718#0, %add3A_1922 : vector<16xf32>
    %add3A_1924 = arith.addf %div3A_1923, %get3A_1413 : vector<16xf32>
    %swap3A_1925 = arith.constant 256 : index
    %swap3A_1926 = tpu.vector_load %arg10[%swap3A_1925] {strides = array<i32>} : memref<512xf32, #tpu.memory_space<vmem>>, vector<16xf32>,
    tpu.vector_store %arg10[%swap3A_1925], %add3A_1924 {strides = array<i32>} : memref<512xf32, #tpu.memory_space<vmem>>, vector<16xf32>,
    %add3A_1927 = arith.constant 9.99999971E-10 : f32
    %add3A_1928 = vector.broadcast %add3A_1927 : f32 to vector<16xf32>
    %add3A_1929 = arith.addf %scan3A_1724#1, %add3A_1928 : vector<16xf32>
    %div3A_1930 = arith.divf %scan3A_1724#0, %add3A_1929 : vector<16xf32>
    %add3A_1931 = arith.addf %div3A_1930, %get3A_1413 : vector<16xf32>
    %swap3A_1932 = arith.constant 272 : index
    %swap3A_1933 = tpu.vector_load %arg10[%swap3A_1932] {strides = array<i32>} : memref<512xf32, #tpu.memory_space<vmem>>, vector<16xf32>,
    tpu.vector_store %arg10[%swap3A_1932], %add3A_1931 {strides = array<i32>} : memref<512xf32, #tpu.memory_space<vmem>>, vector<16xf32>,
    %add3A_1934 = arith.constant 9.99999971E-10 : f32
    %add3A_1935 = vector.broadcast %add3A_1934 : f32 to vector<16xf32>
    %add3A_1936 = arith.addf %scan3A_1730#1, %add3A_1935 : vector<16xf32>
    %div3A_1937 = arith.divf %scan3A_1730#0, %add3A_1936 : vector<16xf32>
    %add3A_1938 = arith.addf %div3A_1937, %get3A_1413 : vector<16xf32>
    %swap3A_1939 = arith.constant 288 : index
    %swap3A_1940 = tpu.vector_load %arg10[%swap3A_1939] {strides = array<i32>} : memref<512xf32, #tpu.memory_space<vmem>>, vector<16xf32>,
    tpu.vector_store %arg10[%swap3A_1939], %add3A_1938 {strides = array<i32>} : memref<512xf32, #tpu.memory_space<vmem>>, vector<16xf32>,
    %add3A_1941 = arith.constant 9.99999971E-10 : f32
    %add3A_1942 = vector.broadcast %add3A_1941 : f32 to vector<16xf32>
    %add3A_1943 = arith.addf %scan3A_1736#1, %add3A_1942 : vector<16xf32>
    %div3A_1944 = arith.divf %scan3A_1736#0, %add3A_1943 : vector<16xf32>
    %add3A_1945 = arith.addf %div3A_1944, %get3A_1413 : vector<16xf32>
    %swap3A_1946 = arith.constant 304 : index
    %swap3A_1947 = tpu.vector_load %arg10[%swap3A_1946] {strides = array<i32>} : memref<512xf32, #tpu.memory_space<vmem>>, vector<16xf32>,
    tpu.vector_store %arg10[%swap3A_1946], %add3A_1945 {strides = array<i32>} : memref<512xf32, #tpu.memory_space<vmem>>, vector<16xf32>,
    %add3A_1948 = arith.constant 9.99999971E-10 : f32
    %add3A_1949 = vector.broadcast %add3A_1948 : f32 to vector<16xf32>
    %add3A_1950 = arith.addf %scan3A_1742#1, %add3A_1949 : vector<16xf32>
    %div3A_1951 = arith.divf %scan3A_1742#0, %add3A_1950 : vector<16xf32>
    %add3A_1952 = arith.addf %div3A_1951, %get3A_1413 : vector<16xf32>
    %swap3A_1953 = arith.constant 320 : index
    %swap3A_1954 = tpu.vector_load %arg10[%swap3A_1953] {strides = array<i32>} : memref<512xf32, #tpu.memory_space<vmem>>, vector<16xf32>,
    tpu.vector_store %arg10[%swap3A_1953], %add3A_1952 {strides = array<i32>} : memref<512xf32, #tpu.memory_space<vmem>>, vector<16xf32>,
    %add3A_1955 = arith.constant 9.99999971E-10 : f32
    %add3A_1956 = vector.broadcast %add3A_1955 : f32 to vector<16xf32>
    %add3A_1957 = arith.addf %scan3A_1748#1, %add3A_1956 : vector<16xf32>
    %div3A_1958 = arith.divf %scan3A_1748#0, %add3A_1957 : vector<16xf32>
    %add3A_1959 = arith.addf %div3A_1958, %get3A_1413 : vector<16xf32>
    %swap3A_1960 = arith.constant 336 : index
    %swap3A_1961 = tpu.vector_load %arg10[%swap3A_1960] {strides = array<i32>} : memref<512xf32, #tpu.memory_space<vmem>>, vector<16xf32>,
    tpu.vector_store %arg10[%swap3A_1960], %add3A_1959 {strides = array<i32>} : memref<512xf32, #tpu.memory_space<vmem>>, vector<16xf32>,
    %add3A_1962 = arith.constant 9.99999971E-10 : f32
    %add3A_1963 = vector.broadcast %add3A_1962 : f32 to vector<16xf32>
    %add3A_1964 = arith.addf %scan3A_1754#1, %add3A_1963 : vector<16xf32>
    %div3A_1965 = arith.divf %scan3A_1754#0, %add3A_1964 : vector<16xf32>
    %add3A_1966 = arith.addf %div3A_1965, %get3A_1413 : vector<16xf32>
    %swap3A_1967 = arith.constant 352 : index
    %swap3A_1968 = tpu.vector_load %arg10[%swap3A_1967] {strides = array<i32>} : memref<512xf32, #tpu.memory_space<vmem>>, vector<16xf32>,
    tpu.vector_store %arg10[%swap3A_1967], %add3A_1966 {strides = array<i32>} : memref<512xf32, #tpu.memory_space<vmem>>, vector<16xf32>,
    %add3A_1969 = arith.constant 9.99999971E-10 : f32
    %add3A_1970 = vector.broadcast %add3A_1969 : f32 to vector<16xf32>
    %add3A_1971 = arith.addf %scan3A_1760#1, %add3A_1970 : vector<16xf32>
    %div3A_1972 = arith.divf %scan3A_1760#0, %add3A_1971 : vector<16xf32>
    %add3A_1973 = arith.addf %div3A_1972, %get3A_1413 : vector<16xf32>
    %swap3A_1974 = arith.constant 368 : index
    %swap3A_1975 = tpu.vector_load %arg10[%swap3A_1974] {strides = array<i32>} : memref<512xf32, #tpu.memory_space<vmem>>, vector<16xf32>,
    tpu.vector_store %arg10[%swap3A_1974], %add3A_1973 {strides = array<i32>} : memref<512xf32, #tpu.memory_space<vmem>>, vector<16xf32>,
    %add3A_1976 = arith.constant 9.99999971E-10 : f32
    %add3A_1977 = vector.broadcast %add3A_1976 : f32 to vector<16xf32>
    %add3A_1978 = arith.addf %scan3A_1766#1, %add3A_1977 : vector<16xf32>
    %div3A_1979 = arith.divf %scan3A_1766#0, %add3A_1978 : vector<16xf32>
    %add3A_1980 = arith.addf %div3A_1979, %get3A_1413 : vector<16xf32>
    %swap3A_1981 = arith.constant 384 : index
    %swap3A_1982 = tpu.vector_load %arg10[%swap3A_1981] {strides = array<i32>} : memref<512xf32, #tpu.memory_space<vmem>>, vector<16xf32>,
    tpu.vector_store %arg10[%swap3A_1981], %add3A_1980 {strides = array<i32>} : memref<512xf32, #tpu.memory_space<vmem>>, vector<16xf32>,
    %add3A_1983 = arith.constant 9.99999971E-10 : f32
    %add3A_1984 = vector.broadcast %add3A_1983 : f32 to vector<16xf32>
    %add3A_1985 = arith.addf %scan3A_1772#1, %add3A_1984 : vector<16xf32>
    %div3A_1986 = arith.divf %scan3A_1772#0, %add3A_1985 : vector<16xf32>
    %add3A_1987 = arith.addf %div3A_1986, %get3A_1413 : vector<16xf32>
    %swap3A_1988 = arith.constant 400 : index
    %swap3A_1989 = tpu.vector_load %arg10[%swap3A_1988] {strides = array<i32>} : memref<512xf32, #tpu.memory_space<vmem>>, vector<16xf32>,
    tpu.vector_store %arg10[%swap3A_1988], %add3A_1987 {strides = array<i32>} : memref<512xf32, #tpu.memory_space<vmem>>, vector<16xf32>,
    %add3A_1990 = arith.constant 9.99999971E-10 : f32
    %add3A_1991 = vector.broadcast %add3A_1990 : f32 to vector<16xf32>
    %add3A_1992 = arith.addf %scan3A_1778#1, %add3A_1991 : vector<16xf32>
    %div3A_1993 = arith.divf %scan3A_1778#0, %add3A_1992 : vector<16xf32>
    %add3A_1994 = arith.addf %div3A_1993, %get3A_1413 : vector<16xf32>
    %swap3A_1995 = arith.constant 416 : index
    %swap3A_1996 = tpu.vector_load %arg10[%swap3A_1995] {strides = array<i32>} : memref<512xf32, #tpu.memory_space<vmem>>, vector<16xf32>,
    tpu.vector_store %arg10[%swap3A_1995], %add3A_1994 {strides = array<i32>} : memref<512xf32, #tpu.memory_space<vmem>>, vector<16xf32>,
    %add3A_1997 = arith.constant 9.99999971E-10 : f32
    %add3A_1998 = vector.broadcast %add3A_1997 : f32 to vector<16xf32>
    %add3A_1999 = arith.addf %scan3A_1784#1, %add3A_1998 : vector<16xf32>
    %div3A_2000 = arith.divf %scan3A_1784#0, %add3A_1999 : vector<16xf32>
    %add3A_2001 = arith.addf %div3A_2000, %get3A_1413 : vector<16xf32>
    %swap3A_2002 = arith.constant 432 : index
    %swap3A_2003 = tpu.vector_load %arg10[%swap3A_2002] {strides = array<i32>} : memref<512xf32, #tpu.memory_space<vmem>>, vector<16xf32>,
    tpu.vector_store %arg10[%swap3A_2002], %add3A_2001 {strides = array<i32>} : memref<512xf32, #tpu.memory_space<vmem>>, vector<16xf32>,
    %add3A_2004 = arith.constant 9.99999971E-10 : f32
    %add3A_2005 = vector.broadcast %add3A_2004 : f32 to vector<16xf32>
    %add3A_2006 = arith.addf %scan3A_1790#1, %add3A_2005 : vector<16xf32>
    %div3A_2007 = arith.divf %scan3A_1790#0, %add3A_2006 : vector<16xf32>
    %add3A_2008 = arith.addf %div3A_2007, %get3A_1413 : vector<16xf32>
    %swap3A_2009 = arith.constant 448 : index
    %swap3A_2010 = tpu.vector_load %arg10[%swap3A_2009] {strides = array<i32>} : memref<512xf32, #tpu.memory_space<vmem>>, vector<16xf32>,
    tpu.vector_store %arg10[%swap3A_2009], %add3A_2008 {strides = array<i32>} : memref<512xf32, #tpu.memory_space<vmem>>, vector<16xf32>,
    %add3A_2011 = arith.constant 9.99999971E-10 : f32
    %add3A_2012 = vector.broadcast %add3A_2011 : f32 to vector<16xf32>
    %add3A_2013 = arith.addf %scan3A_1796#1, %add3A_2012 : vector<16xf32>
    %div3A_2014 = arith.divf %scan3A_1796#0, %add3A_2013 : vector<16xf32>
    %add3A_2015 = arith.addf %div3A_2014, %get3A_1413 : vector<16xf32>
    %swap3A_2016 = arith.constant 464 : index
    %swap3A_2017 = tpu.vector_load %arg10[%swap3A_2016] {strides = array<i32>} : memref<512xf32, #tpu.memory_space<vmem>>, vector<16xf32>,
    tpu.vector_store %arg10[%swap3A_2016], %add3A_2015 {strides = array<i32>} : memref<512xf32, #tpu.memory_space<vmem>>, vector<16xf32>,
    %add3A_2018 = arith.constant 9.99999971E-10 : f32
    %add3A_2019 = vector.broadcast %add3A_2018 : f32 to vector<16xf32>
    %add3A_2020 = arith.addf %scan3A_1802#1, %add3A_2019 : vector<16xf32>
    %div3A_2021 = arith.divf %scan3A_1802#0, %add3A_2020 : vector<16xf32>
    %add3A_2022 = arith.addf %div3A_2021, %get3A_1413 : vector<16xf32>
    %swap3A_2023 = arith.constant 480 : index
    %swap3A_2024 = tpu.vector_load %arg10[%swap3A_2023] {strides = array<i32>} : memref<512xf32, #tpu.memory_space<vmem>>, vector<16xf32>,
    tpu.vector_store %arg10[%swap3A_2023], %add3A_2022 {strides = array<i32>} : memref<512xf32, #tpu.memory_space<vmem>>, vector<16xf32>,
    %add3A_2025 = arith.constant 9.99999971E-10 : f32
    %add3A_2026 = vector.broadcast %add3A_2025 : f32 to vector<16xf32>
    %add3A_2027 = arith.addf %scan3A_1808#1, %add3A_2026 : vector<16xf32>
    %div3A_2028 = arith.divf %scan3A_1808#0, %add3A_2027 : vector<16xf32>
    %add3A_2029 = arith.addf %div3A_2028, %get3A_1413 : vector<16xf32>
    %swap3A_2030 = arith.constant 496 : index
    %swap3A_2031 = tpu.vector_load %arg10[%swap3A_2030] {strides = array<i32>} : memref<512xf32, #tpu.memory_space<vmem>>, vector<16xf32>,
    tpu.vector_store %arg10[%swap3A_2030], %add3A_2029 {strides = array<i32>} : memref<512xf32, #tpu.memory_space<vmem>>, vector<16xf32>,
    %mul3A_2032 = arith.constant 512 : i32
    %mul3A_2033 = arith.muli %add3A, %mul3A_2032 : i32
    "tpu.region"() ({
      %run_scoped3A = tpu.sem_alloc : memref<!tpu.dma_semaphore, #tpu.memory_space<semaphore_mem>>
      %dma_start3A_2034 = tpu.memref_slice %arg6[%mul3A_2033] : memref<16384xf32, #tpu.memory_space<hbm>> -> memref<512xf32, #tpu.memory_space<hbm>>
      %dma_start3A_2035 = tpu.memref_slice %arg6[%mul3A_2033] : memref<16384xf32, #tpu.memory_space<hbm>> -> memref<512xf32, #tpu.memory_space<hbm>>
      tpu.enqueue_dma source(%arg10 : memref<512xf32, #tpu.memory_space<vmem>>) target(%dma_start3A_2035 : memref<512xf32, #tpu.memory_space<hbm>>) target_semaphore(%run_scoped3A : memref<!tpu.dma_semaphore, #tpu.memory_space<semaphore_mem>>)
      %dma_wait3A_2036 = tpu.memref_slice %arg6[%mul3A_2033] : memref<16384xf32, #tpu.memory_space<hbm>> -> memref<512xf32, #tpu.memory_space<hbm>>
      %dma_wait3A_2037 = tpu.memref_slice %arg6[%mul3A_2033] : memref<16384xf32, #tpu.memory_space<hbm>> -> memref<512xf32, #tpu.memory_space<hbm>>
      tpu.wait_dma2 semaphore(%run_scoped3A : memref<!tpu.dma_semaphore, #tpu.memory_space<semaphore_mem>>) src(%arg10 : memref<512xf32, #tpu.memory_space<vmem>>) dst(%dma_wait3A_2037 : memref<512xf32, #tpu.memory_space<hbm>>)
      tpu.yield
    }) : () -> ()
    return
  }
}

module attributes {stable_mosaic.version = 14 : i64} {
  func.func @_dot_body(%arg0: i32, %arg1: memref<32x65536xf32, #tpu.memory_space<vmem>>, %arg2: memref<32x1xf32, #tpu.memory_space<vmem>>, %arg3: memref<65536xf32, #tpu.memory_space<vmem>>) attributes {dimension_semantics = [#tpu.dimension_semantics<arbitrary>], iteration_bounds = array<i64: 16>, scalar_prefetch = 0 : i64, scratch_operands = 0 : i64, tpu.core_type = #tpu.core_type<tc>, window_params = [{transform_indices = @transform_0, window_bounds = array<i64: 32, 65536>}, {pipeline_mode = #tpu.pipeline_mode<synchronous>, transform_indices = @transform_1, window_bounds = array<i64: 32, 1>}, {transform_indices = @transform_2, window_bounds = array<i64: 65536>}]} {
    %get3A = arith.constant 0 : index
    %get3A_0 = arith.constant 0 : index
    %get3A_1 = vector.load %arg1[%get3A, %get3A_0] : memref<32x65536xf32, #tpu.memory_space<vmem>>, vector<32x65536xf32>
    %get3A_2 = arith.constant 0 : index
    %get3A_3 = arith.constant 0 : index
    %get3A_4 = vector.load %arg2[%get3A_2, %get3A_3] : memref<32x1xf32, #tpu.memory_space<vmem>>, vector<32x1xf32>
    %mul3A = vector.broadcast %get3A_4 : vector<32x1xf32> to vector<32x65536xf32>
    %mul3A_5 = arith.mulf %get3A_1, %mul3A : vector<32x65536xf32>
    %reduce_sum3A = arith.constant dense<0.000000e+00> : vector<65536xf32>
    %reduce_sum3A_6 = vector.multi_reduction <add>, %mul3A_5, %reduce_sum3A [0] : vector<32x65536xf32> to vector<65536xf32>
    %swap3A = arith.constant 0 : index
    %swap3A_7 = vector.load %arg3[%swap3A] : memref<65536xf32, #tpu.memory_space<vmem>>, vector<65536xf32>
    tpu.vector_store %arg3[%swap3A], %reduce_sum3A_6 {strides = array<i32>} : memref<65536xf32, #tpu.memory_space<vmem>>, vector<65536xf32>,
    return
  }
  func.func @transform_0(%arg0: i32) -> (i32, i32) {
    %c0_i32 = arith.constant 0 : i32
    %c0_i32_0 = arith.constant 0 : i32
    return %c0_i32, %arg0 : i32, i32
  }
  func.func @transform_1(%arg0: i32) -> (i32, i32) {
    %c0_i32 = arith.constant 0 : i32
    %c0_i32_0 = arith.constant 0 : i32
    %c0_i32_1 = arith.constant 0 : i32
    return %c0_i32, %c0_i32_0 : i32, i32
  }
  func.func @transform_2(%arg0: i32) -> i32 {
    %c0_i32 = arith.constant 0 : i32
    return %arg0 : i32
  }
}

</mosaic_0001>

<sc_bundles>
// kernel: kernel.4.cloned.1.call-start
scs
__scs_entry_jumppad:
0x0: {  	(pc) =	sbr.rel $0x88, $3  }
0x1: {  	(tag) =	ssettag $0x0;
	lr =	simm.s32 $0x1  }
0x2: {  	[smem:$0x3F9C] =	sst lr;
	_ =	strace $0xD0000000  }
0x3: {  	_ = 	snop  }
0x4: {  	_ = 	snop  }
0x5: {  	_ = 	snop  }
0x6: {  	_ = 	snop  }
0x7: {  	_ = 	snop  }
__scs_overlays_trampoline_lowered:
0x8: {  	[smem:$0x3FAB] =	sst s0  }
0x9: {  	[smem:$0x3FAC] =	sst s1  }
0xa: {  	[smem:$0x3FAD] =	sst s2  }
0xb: {  	[smem:$0x3FAE] =	sst s3  }
0xc: {  	[smem:$0x3FAF] =	sst s4  }
0xd: {  	[smem:$0x3FB0] =	sst s5  }
0xe: {  	[smem:$0x3FB1] =	sst s6  }
0xf: {  	[smem:$0x3FB2] =	sst s7  }
0x10: {  	[smem:$0x3FB3] =	sst s8  }
0x11: {  	[smem:$0x3FB4] =	sst s9;
	s0 =	simm.s32 @!p0 $0x0  }
0x12: {  	s1 =	sld [smem:$0x3F9A];
	s0 =	simm.s32 @p0 $0x1  }
0x13: {  	[smem:$0x3FB5] =	sst s0;
	s0 =	simm.s32 @!p1 $0x0  }
0x14: {  	s2 =	sld [smem:$0x3F99];
	s0 =	simm.s32 @p1 $0x1  }
0x15: {  	[smem:$0x3FB6] =	sst s0;
	s0 =	simm.s32 @!p2 $0x0  }
0x16: {  	s3 =	sld [smem:$0x3FDB];
	s0 =	simm.s32 @p2 $0x1  }
0x17: {  	s4 =	simm.s32 $0x1BF5;
	[smem:$0x3FB8] =	sst s0  }
0x18: {  	s0 =	sld [smem:$0x3F9B];
	_ =	swait.ge [sflag:s4], $0x0  }
0x19: {  	s7 =	sld [smem:$0x3F9C]  }
0x1a: {  	s8 =	sadd.s32 $0xFFFFE003, lr  }
0x1b: {  	s9 =	sadd.s32 $0xFFFFFEF7, lr;
	s5 =	simm.s32 $0xFFFFFFFF;
	p2 =	slt.u32 s8, $0xFFFFF086  }
0x1c: {  	p1 =	slt.u32 s9, $0xF7A;
	s5 =	simm.s32 @!p2 $0x0  }
0x1d: {  	s5 =	simm.s32 @p1 $0x1;
	p0 =	seq.s32 s7, s2  }
0x1e: {  	s7 =	smul.u32 @!p0 $0xF7A, s2;
	p2 =	seq.s32 @!p0 s5, $0x0  }
0x1f: {  	s9 =	smul.u32 $0xF7A, s1;
	s8 =	simm.s32 @!p0 $0x1BF5;
	p2 =	por !p2, p0  }
0x20: {  	[sflag:s8] =	ssyncset.s32 @!p0 $0xFFFFF086;
	s6 =	sadd.s32 @!p0 s3, s7;
	s7 =	simm.s32 @!p0 $0x108  }
0x21: {  	s3 =	sadd.s32 s3, s9;
	s6 =	sadd.s32 @!p0 $0x88, s6;
	s7 =	simm.s32 @p2 $0x1082  }
0x22: {  	[simem:s7], [sflag:s8] =	dma.local @!p0 [hbm:s6], $0xF7A  }
0x23: {  	s9 =	sor.u32 $0xD0000000, s2;
	s6 =	simm.s32 $0x108;
	_ =	swait.ge @!p0 [sflag:s8], $0x0  }
0x24: {  	s3 =	sadd.s32 $0x88, s3;
	s6 =	simm.s32 @!p1 $0x1082;
	[sflag:s4] =	ssyncset.s32 $0xFFFFF086  }
0x25: {  	[simem:s6], [sflag:s4] =	dma.local [hbm:s3], $0xF7A  }
0x26: {  	[smem:$0x3F9C] =	sst s1;
	(tag) =	ssettag s2;
	_ =	strace s9  }
0x27: {  	s1 =	sld [smem:$0x3FAC]  }
0x28: {  	s2 =	sld [smem:$0x3FAD]  }
0x29: {  	s4 =	sld [smem:$0x3FAF]  }
0x2a: {  	p0 =	seq.s32 s5, $0x0;
	s5 =	sld [smem:$0x3FB0]  }
0x2b: {  	s6 =	sld [smem:$0x3FB1]  }
0x2c: {  	s7 =	sld [smem:$0x3FB2]  }
0x2d: {  	s3 =	simm.s32 $0x108;
	s8 =	sld [smem:$0x3FB3]  }
0x2e: {  	s3 =	simm.s32 @!p0 $0x1082;
	s9 =	sld [smem:$0x3FB4]  }
0x2f: {  	lr =	sadd.s32 s0, s3;
	s0 =	sld [smem:$0x3FAB]  }
0x30: {  	s3 =	sld [smem:$0x3FAE]  }
0x31: {  	[smem:$0x3FB7] =	sst s10  }
0x32: {  	s10 =	sld [smem:$0x3FB5];
	_ =	sdelay $0x3  }
0x33: {  	p0 =	seq.s32 s10, $0x1;
	s10 =	sld [smem:$0x3FB7];
	_ =	sdelay $0x3  }
0x34: {  	[smem:$0x3FB7] =	sst s10  }
0x35: {  	s10 =	sld [smem:$0x3FB6];
	_ =	sdelay $0x3  }
0x36: {  	p1 =	seq.s32 s10, $0x1;
	s10 =	sld [smem:$0x3FB7];
	_ =	sdelay $0x3  }
0x37: {  	[smem:$0x3FB7] =	sst s10  }
0x38: {  	s10 =	sld [smem:$0x3FB8]  }
0x39: {  	_ = 	snop;
	(pc) =	sbr.ind lr, $3  }
0x3a: {  	_ = 	snop  }
0x3b: {  	_ = 	snop  }
0x3c: {  	p2 =	seq.s32 s10, $0x1;
	s10 =	sld [smem:$0x3FB7]  }
0x3d: {  	_ =	shalt  }
0x3e: {  	_ =	shalt  }
0x3f: {  	_ =	shalt  }
0x40: {  	_ =	shalt  }
0x41: {  	_ =	shalt  }
0x42: {  	_ =	shalt  }
0x43: {  	_ =	shalt  }
0x44: {  	_ =	shalt  }
0x45: {  	_ =	shalt  }
0x46: {  	_ =	shalt  }
0x47: {  	_ =	shalt  }
0x48: {  	_ =	shalt  }
0x49: {  	_ =	shalt  }
0x4a: {  	_ =	shalt  }
0x4b: {  	_ =	shalt  }
0x4c: {  	_ =	shalt  }
0x4d: {  	_ =	shalt  }
0x4e: {  	_ =	shalt  }
0x4f: {  	_ =	shalt  }
0x50: {  	_ =	shalt  }
0x51: {  	_ =	shalt  }
0x52: {  	_ =	shalt  }
0x53: {  	_ =	shalt  }
0x54: {  	_ =	shalt  }
0x55: {  	_ =	shalt  }
0x56: {  	_ =	shalt  }
0x57: {  	_ =	shalt  }
0x58: {  	_ =	shalt  }
0x59: {  	_ =	shalt  }
0x5a: {  	_ =	shalt  }
0x5b: {  	_ =	shalt  }
0x5c: {  	_ =	shalt  }
0x5d: {  	_ =	shalt  }
0x5e: {  	_ =	shalt  }
0x5f: {  	_ =	shalt  }
0x60: {  	_ =	shalt  }
0x61: {  	_ =	shalt  }
0x62: {  	_ =	shalt  }
0x63: {  	_ =	shalt  }
0x64: {  	_ =	shalt  }
0x65: {  	_ =	shalt  }
0x66: {  	_ =	shalt  }
0x67: {  	_ =	shalt  }
0x68: {  	_ =	shalt  }
0x69: {  	_ =	shalt  }
0x6a: {  	_ =	shalt  }
0x6b: {  	_ =	shalt  }
0x6c: {  	_ =	shalt  }
0x6d: {  	_ =	shalt  }
0x6e: {  	_ =	shalt  }
0x6f: {  	_ =	shalt  }
0x70: {  	_ =	shalt  }
0x71: {  	_ =	shalt  }
0x72: {  	_ =	shalt  }
0x73: {  	_ =	shalt  }
0x74: {  	_ =	shalt  }
0x75: {  	_ =	shalt  }
0x76: {  	_ =	shalt  }
0x77: {  	_ =	shalt  }
0x78: {  	_ =	shalt  }
0x79: {  	_ =	shalt  }
0x7a: {  	_ =	shalt  }
0x7b: {  	_ =	shalt  }
0x7c: {  	_ =	shalt  }
0x7d: {  	_ =	shalt  }
0x7e: {  	_ =	shalt  }
0x7f: {  	_ =	shalt  }
0x80: {  	_ =	shalt  }
0x81: {  	_ =	shalt  }
0x82: {  	_ =	shalt  }
0x83: {  	_ =	shalt  }
0x84: {  	_ =	shalt  }
0x85: {  	_ =	shalt  }
0x86: {  	_ =	shalt  }
0x87: {  	_ =	shalt  }
.Lfunc_end0:
.L_simem_size_0:
called_computation_lowered:
.L_overlay_start_0:
0x88: {  	s2 =	sld [smem:$0x3FD9]  }
0x89: {  	s3 =	sld [smem:$0x3FFE];
	_ =	sdelay $0x1  }
0x8a: {  	s1 =	srdreg.scid  }
0x8b: {  	s0 =	sand.u32 $0x1, s1  }
0x8c: {  	s17 =	sshll.u32 s0, $0xA;
	s2 =	sadd.s32 s3, s2  }
0x8d: {  	s2 =	sadd.s32 s2, s17  }
0x8e: {  	[smem:$0x3FC3] =	sst s2  }
0x8f: {  	_ = 	snop  }
0x90: {  	s2 =	sld [smem:$0x3FD0];
	(tm) =	ssettm $0x1  }
0x91: {  	s18 =	sld [smem:$0x3FFB];
	_ =	sdelay $0x3  }
0x92: {  	_ =	strace s18  }
0x93: {  	s3 =	sld [smem:$0x3FFC];
	_ =	sdelay $0x3  }
0x94: {  	_ =	strace s3  }
0x95: {  	s3 =	sld [smem:$0x3FFD];
	_ =	sdelay $0x3  }
0x96: {  	_ =	strace s3  }
0x97: {  	_ =	strace $0x8FFFFFFF  }
0x98: {  	s19 =	sld [smem:$0x3FDB];
	_ =	sdelay $0x1  }
0x99: {  	s4 =	simm.s32 $_scs_section_size  }
0x9a: {  	s5 =	simm.s32 $_size__tile_overlayer_lowered;
	s6 =	simm.s32 $_tile_overlayer_lowered  }
0x9b: {  	s22 =	simm.s32 $0x1BFF;
	s21 =	sshll.u32 s6, $0x1;
	s3 =	sadd.s32 s4, s19  }
0x9c: {  	s7 =	simm.s32 $0x0;
	s20 =	sshll.u32 s5, $0x1;
	s5 =	sadd.s32 s21, s3  }
0x9d: {  	[timem:s7], [sflag:s22] =	dma.local [hbm:s5], s20  }
0x9e: {  	_ =	swait.ge [sflag:s22], s20  }
0x9f: {  	s4 =	ssub.s32 $0x0, s20;
	[sflag:s22] =	ssyncset.done $0x0  }
0xa0: {  	[sflag:s22] =	ssyncadd.s32 s4;
	_ =	sdelay $0x1  }
0xa1: {  	s23 =	simm.s32 $0x1B8B  }
0xa2: {  	_ =	swait.ge [sflag:s23], $0x1  }
0xa3: {  	[sflag:s23] =	ssyncset.done $0x0  }
0xa4: {  	s25 =	simm.s32 $0x1B8E;
	s24 =	sld [smem:$0x3FFE];
	[sflag:s23] =	ssyncadd.s32 $0xFFFFFFFF  }
0xa5: {  	s26 =	simm.s32 $execute0_lowered;
	[smem:$0x3FD2] =	sst s25  }
0xa6: {  	s5 =	sshll.u32 s26, $0x1;
	_ =	strace $0x80000046;
	[dreg:$0x1] =	wrdreg $0xFFFFFFFF  }
0xa7: {  	s28 =	simm.s32 $_size_execute0_lowered;
	s3 =	sadd.s32 s3, s5;
	[dreg:$0x0] =	wrdreg $0x0  }
0xa8: {  	s5 =	sshll.u32 s28, $0x1;
	[dreg:$0x2] =	wrdreg s3  }
0xa9: {  	[dreg:$0x3] =	wrdreg s5  }
0xaa: {  	[dreg:$0x4] =	wrdreg $0xC0  }
0xab: {  	_ =	task [dreg:s7], $0x5FFFF  }
0xac: {  	[dreg:$0x1] =	wrdreg $0xFFFFFFFF  }
0xad: {  	[dreg:$0x0] =	wrdreg $0x60  }
0xae: {  	[dreg:$0x2] =	wrdreg s24  }
0xaf: {  	[dreg:$0x3] =	wrdreg s2  }
0xb0: {  	[dreg:$0x4] =	wrdreg $0x9  }
0xb1: {  	_ =	task.clear_ibuf [dreg:s7], $0x5FFFF;
	_ =	strace $0x90000046  }
0xb2: {  	s29 =	simm.s32 $0x9;
	_ =	strace $0x80000048  }
0xb3: {  	_ =	swait.ge [sflag:s29], $0x1  }
0xb4: {  	[sflag:s29] =	ssyncadd.s32 $0xFFFFFFFF  }
0xb5: {  	_ =	strace $0x90000048  }
0xb6: {  	_ =	sfence  }
0xb7: {  	s30 =	sld [smem:$0x0];
	_ =	sdelay $0x2  }
0xb8: {  	s31 =	sshll.u32 s1, $0xD;
	s1 =	sshrl.u32 s1, $0x2  }
0xb9: {  	s3 =	sand.u32 $0x4000, s31;
	s1 =	sadd.s32 s1, s30  }
0xba: {  	s0 =	sor.u32 s3, s0;
	s1 =	sshll.u32 s1, $0x11  }
0xbb: {  	s0 =	sor.u32 s1, s0  }
0xbc: {  	s0 =	sadd.s32 $0x8F2B, s0  }
0xbd: {  	[sflag:s0] =	ssyncadd.remote.s32 $0x1  }
0xbe: {  	_ =	sfence.sel $0xFFFF  }
0xbf: {  	[dreg:$0x0] =	wrdreg $0xFFFFFFFF;
	(pc) =	sbr.abs _section_cstart, $3  }
0xc0: {  	[dreg:$0x1] =	wrdreg $0xFFFFFFFF  }
0xc1: {  	_ =	task.clear_ibuf [dreg:s7], $0x2FFFF;
	_ =	strace $0x9FFFFFFF  }
0xc2: {  	(tm) =	ssettm $0x7FFFFFFF  }
0xc3: {  	_ =	shalt  }
tec
execute0_lowered:
.L_overlay_start_1:
0x0: {  	(tag) =	ssettag $0x1  }
0x1: {  	s14 =	rddreg [dreg:$0x0];
	s0 =	srdreg.scid  }
0x2: {  	s1 =	simm.s32 $0x0;
	s3 =	stileid.u32;
	s0 =	sand.u32 $0x1, s0  }
0x3: {  	s3 =	sshll.u32 s3, $0x7;
	s2 =	ssub.s32 $0x2, s0;
	s0 =	sshll.u32 s0, $0x6  }
0x4: {  	[smem:$0x7FF] =	sst s1;
	s12 =	sor.u32 s0, s3  }
0x5: {  	s9 =	sadd.s32 $0x800, s14;
	s4 =	sshrl.u32 s2, $0x1;
	s0 =	sor.u32 $0x800, s12  }
0x6: {  	s11 =	sadd.s32 $0x19800, s14;
	s15 =	ssub.s32 s2, s4;
	s16 =	sadd.s32 s9, s0  }
0x7: {  	s17 =	sor.u32 $0x1000, s12;
	s0 =	sadd.s32 s11, s0;
	[dreg:$0x3] =	wrdreg s16  }
0x8: {  	s19 =	sor.u32 $0x1800, s12;
	s18 =	sadd.s32 s9, s17;
	[dreg:$0x4] =	wrdreg s0  }
0x9: {  	s21 =	sor.u32 $0x2000, s12;
	s20 =	sadd.s32 s9, s19;
	[dreg:$0x5] =	wrdreg s18  }
0xa: {  	s23 =	sor.u32 $0x2800, s12;
	s22 =	sadd.s32 s9, s21;
	[dreg:$0x7] =	wrdreg s20  }
0xb: {  	s25 =	sor.u32 $0x3000, s12;
	s24 =	sadd.s32 s9, s23;
	[dreg:$0x9] =	wrdreg s22  }
0xc: {  	s3 =	sor.u32 $0x3800, s12;
	s26 =	sadd.s32 s9, s25;
	[dreg:$0xb] =	wrdreg s24  }
0xd: {  	s5 =	sor.u32 $0x4000, s12;
	s4 =	sadd.s32 s9, s3;
	[dreg:$0xd] =	wrdreg s26  }
0xe: {  	s7 =	sor.u32 $0x4800, s12;
	s6 =	sadd.s32 s9, s5;
	[dreg:$0xf] =	wrdreg s4  }
0xf: {  	s10 =	sor.u32 $0x5000, s12;
	s8 =	sadd.s32 s9, s7;
	[dreg:$0x11] =	wrdreg s6  }
0x10: {  	s13 =	sadd.s32 s9, s10;
	[dreg:$0x13] =	wrdreg s8  }
0x11: {  	s0 =	sadd.s32 s11, s17;
	[dreg:$0x15] =	wrdreg s13  }
0x12: {  	s16 =	sor.u32 $0x5800, s12;
	[dreg:$0x6] =	wrdreg s0;
	s0 =	sadd.s32 s11, s19  }
0x13: {  	s18 =	sor.u32 $0x6000, s12;
	s17 =	sadd.s32 s9, s16;
	[dreg:$0x8] =	wrdreg s0  }
0x14: {  	s19 =	sadd.s32 s9, s18;
	[dreg:$0x17] =	wrdreg s17  }
0x15: {  	s20 =	sor.u32 $0x6800, s12;
	s0 =	sadd.s32 s11, s21;
	[dreg:$0x19] =	wrdreg s19  }
0x16: {  	s21 =	sadd.s32 s9, s20;
	[dreg:$0xa] =	wrdreg s0  }
0x17: {  	s22 =	sor.u32 $0x7000, s12;
	s0 =	sadd.s32 s11, s23;
	[dreg:$0x1b] =	wrdreg s21  }
0x18: {  	s23 =	sadd.s32 s9, s22;
	[dreg:$0xc] =	wrdreg s0  }
0x19: {  	s24 =	sor.u32 $0x7800, s12;
	s0 =	sadd.s32 s11, s25;
	[dreg:$0x1d] =	wrdreg s23  }
0x1a: {  	s25 =	sadd.s32 s9, s24;
	[dreg:$0xe] =	wrdreg s0  }
0x1b: {  	s26 =	sor.u32 $0x8000, s12;
	s0 =	sadd.s32 s11, s3;
	[dreg:$0x1f] =	wrdreg s25  }
0x1c: {  	s3 =	sadd.s32 s9, s26;
	[dreg:$0x10] =	wrdreg s0  }
0x1d: {  	s4 =	sor.u32 $0x8800, s12;
	s0 =	sadd.s32 s11, s5;
	[smem:$0x7C8] =	sst s3  }
0x1e: {  	s5 =	sadd.s32 s9, s4;
	[dreg:$0x12] =	wrdreg s0  }
0x1f: {  	s6 =	sor.u32 $0x9000, s12;
	s0 =	sadd.s32 s11, s7;
	[smem:$0x7CA] =	sst s5  }
0x20: {  	s7 =	sadd.s32 s9, s6;
	[dreg:$0x14] =	wrdreg s0  }
0x21: {  	s8 =	sor.u32 $0x9800, s12;
	s0 =	sadd.s32 s11, s10;
	[smem:$0x7CC] =	sst s7  }
0x22: {  	s10 =	sadd.s32 s9, s8;
	[dreg:$0x16] =	wrdreg s0  }
0x23: {  	s13 =	sor.u32 $0xA000, s12;
	s0 =	sadd.s32 s11, s16;
	[smem:$0x7CE] =	sst s10  }
0x24: {  	s16 =	sadd.s32 s9, s13;
	[dreg:$0x18] =	wrdreg s0  }
0x25: {  	s17 =	sor.u32 $0xA800, s12;
	s0 =	sadd.s32 s11, s18;
	[smem:$0x7D0] =	sst s16  }
0x26: {  	s18 =	sadd.s32 s9, s17;
	[dreg:$0x1a] =	wrdreg s0  }
0x27: {  	s19 =	sor.u32 $0xB000, s12;
	s0 =	sadd.s32 s11, s20;
	[smem:$0x7D2] =	sst s18  }
0x28: {  	s20 =	sadd.s32 s9, s19;
	[dreg:$0x1c] =	wrdreg s0  }
0x29: {  	s21 =	sor.u32 $0xB800, s12;
	s0 =	sadd.s32 s11, s22;
	[smem:$0x7D4] =	sst s20  }
0x2a: {  	s22 =	sadd.s32 s9, s21;
	[dreg:$0x1e] =	wrdreg s0  }
0x2b: {  	s23 =	sor.u32 $0xC000, s12;
	s0 =	sadd.s32 s11, s24;
	[smem:$0x7D6] =	sst s22  }
0x2c: {  	s24 =	sadd.s32 s9, s23;
	[smem:$0x7C7] =	sst s0  }
0x2d: {  	s25 =	sor.u32 $0xC800, s12;
	s0 =	sadd.s32 s11, s26;
	[smem:$0x7D8] =	sst s24  }
0x2e: {  	s26 =	sadd.s32 s9, s25;
	[smem:$0x7C9] =	sst s0  }
0x2f: {  	s3 =	sor.u32 $0xD000, s12;
	s0 =	sadd.s32 s11, s4;
	[smem:$0x7DA] =	sst s26  }
0x30: {  	s4 =	sadd.s32 s9, s3;
	[smem:$0x7CB] =	sst s0  }
0x31: {  	s5 =	sor.u32 $0xD800, s12;
	s0 =	sadd.s32 s11, s6;
	[smem:$0x7DC] =	sst s4  }
0x32: {  	s6 =	sadd.s32 s9, s5;
	[smem:$0x7CD] =	sst s0  }
0x33: {  	s7 =	sor.u32 $0xE000, s12;
	s0 =	sadd.s32 s11, s8;
	[smem:$0x7DE] =	sst s6  }
0x34: {  	s8 =	sadd.s32 s9, s7;
	[smem:$0x7CF] =	sst s0  }
0x35: {  	s10 =	sor.u32 $0xE800, s12;
	s0 =	sadd.s32 s11, s13;
	[smem:$0x7E0] =	sst s8  }
0x36: {  	s13 =	sadd.s32 s9, s10;
	[smem:$0x7D1] =	sst s0  }
0x37: {  	s16 =	sor.u32 $0xF000, s12;
	s0 =	sadd.s32 s11, s17;
	[smem:$0x7E2] =	sst s13  }
0x38: {  	s15 =	smax.u32 s15, $0x1;
	s17 =	sadd.s32 s9, s16;
	[smem:$0x7D3] =	sst s0  }
0x39: {  	s18 =	sor.u32 $0xF800, s12;
	s0 =	sadd.s32 s11, s19;
	[smem:$0x7E4] =	sst s17  }
0x3a: {  	s20 =	sor.u32 $0x10000, s12;
	s19 =	sadd.s32 s9, s18;
	[smem:$0x7D5] =	sst s0  }
0x3b: {  	s22 =	sor.u32 $0x10800, s12;
	s0 =	sadd.s32 s11, s21;
	[smem:$0x7E6] =	sst s19  }
0x3c: {  	s24 =	sor.u32 $0x11000, s12;
	s21 =	sadd.s32 s9, s20;
	[smem:$0x7D7] =	sst s0  }
0x3d: {  	s26 =	sor.u32 $0x11800, s12;
	s0 =	sadd.s32 s11, s23;
	[smem:$0x7E8] =	sst s21  }
0x3e: {  	s4 =	sor.u32 $0x12000, s12;
	s23 =	sadd.s32 s9, s22;
	[smem:$0x7D9] =	sst s0  }
0x3f: {  	s6 =	sor.u32 $0x12800, s12;
	s0 =	sadd.s32 s11, s25;
	[smem:$0x7EA] =	sst s23  }
0x40: {  	s8 =	sor.u32 $0x13000, s12;
	s25 =	sadd.s32 s9, s24;
	[smem:$0x7DB] =	sst s0  }
0x41: {  	s13 =	sor.u32 $0x13800, s12;
	s0 =	sadd.s32 s11, s3;
	[smem:$0x7EC] =	sst s25  }
0x42: {  	s17 =	sor.u32 $0x14000, s12;
	s3 =	sadd.s32 s9, s26;
	[smem:$0x7DD] =	sst s0  }
0x43: {  	s19 =	sor.u32 $0x14800, s12;
	s0 =	sadd.s32 s11, s5;
	[smem:$0x7EE] =	sst s3  }
0x44: {  	s21 =	sor.u32 $0x15000, s12;
	s5 =	sadd.s32 s9, s4;
	[smem:$0x7DF] =	sst s0  }
0x45: {  	s23 =	sor.u32 $0x15800, s12;
	s0 =	sadd.s32 s11, s7;
	[smem:$0x7F0] =	sst s5  }
0x46: {  	s28 =	sadd.s32 s11, s23;
	s7 =	sadd.s32 s9, s6;
	[smem:$0x7E1] =	sst s0  }
0x47: {  	s25 =	sor.u32 $0x16800, s12;
	s0 =	sadd.s32 s11, s10;
	[smem:$0x7F2] =	sst s7  }
0x48: {  	s31 =	sadd.s32 s9, s25;
	s10 =	sadd.s32 s9, s8;
	[smem:$0x7E3] =	sst s0  }
0x49: {  	s3 =	sor.u32 $0x17000, s12;
	s0 =	sadd.s32 s11, s16;
	[smem:$0x7F4] =	sst s10  }
0x4a: {  	s2 =	sadd.s32 s9, s3;
	s16 =	sadd.s32 s9, s13;
	[smem:$0x7E5] =	sst s0  }
0x4b: {  	s3 =	sadd.s32 s11, s3;
	s0 =	sadd.s32 s11, s18;
	[smem:$0x7F6] =	sst s16  }
0x4c: {  	s5 =	sor.u32 $0x17800, s12;
	s18 =	sadd.s32 s9, s17;
	[smem:$0x7E7] =	sst s0  }
0x4d: {  	s7 =	sor.u32 $0x18000, s12;
	s0 =	sadd.s32 s11, s20;
	[smem:$0x7F8] =	sst s18  }
0x4e: {  	s10 =	sor.u32 $0x18800, s12;
	s20 =	sadd.s32 s9, s19;
	[smem:$0x7E9] =	sst s0  }
0x4f: {  	s16 =	simm.s32 $0x3200;
	s0 =	sadd.s32 s11, s22;
	[smem:$0x7FA] =	sst s20  }
0x50: {  	s18 =	simm.s32 $0x1;
	s22 =	sadd.s32 s9, s21;
	[smem:$0x7EB] =	sst s0  }
0x51: {  	s20 =	simm.s32 $0x3;
	s0 =	sadd.s32 s11, s24;
	[smem:$0x7FC] =	sst s22  }
0x52: {  	s24 =	sor.u32 $0x16000, s12;
	s22 =	simm.s32 $0x0;
	[smem:$0x7ED] =	sst s0  }
0x53: {  	s0 =	sadd.s32 s11, s26;
	s26 =	sadd.s32 s9, s23;
	s29 =	sadd.s32 s9, s24  }
0x54: {  	s30 =	sadd.s32 s11, s24;
	[smem:$0x7EF] =	sst s0;
	s0 =	sadd.s32 s11, s4  }
0x55: {  	s4 =	sadd.s32 s9, s5;
	[smem:$0x7F1] =	sst s0;
	s0 =	sadd.s32 s11, s6  }
0x56: {  	s5 =	sadd.s32 s11, s5;
	[smem:$0x7F3] =	sst s0;
	s0 =	sadd.s32 s11, s8  }
0x57: {  	s6 =	sadd.s32 s9, s7;
	s7 =	sadd.s32 s11, s7;
	[smem:$0x7F5] =	sst s0  }
0x58: {  	s8 =	sadd.s32 s9, s12;
	s0 =	sadd.s32 s11, s13;
	s13 =	rddreg [dreg:$0x1]  }
0x59: {  	s9 =	sadd.s32 s9, s10;
	[smem:$0x7F7] =	sst s0;
	s0 =	sadd.s32 s11, s17  }
0x5a: {  	s10 =	sadd.s32 s11, s10;
	[smem:$0x7F9] =	sst s0;
	s0 =	sadd.s32 s11, s19  }
0x5b: {  	s17 =	simm.s32 $0x5;
	[smem:$0x7FB] =	sst s0;
	s0 =	sadd.s32 s11, s21  }
0x5c: {  	s19 =	simm.s32 $0x2;
	s21 =	simm.s32 $0x4;
	[smem:$0x7FD] =	sst s0  }
0x5d: {  	s0 =	sadd.s32 s11, s25;
	s11 =	sadd.s32 s11, s12;
	s12 =	sadd.s32 s13, s12  }
0x5e: {  	s13 =	sadd.s32 $0x32800, s14;
	s14 =	sadd.s32 $0x51200, s14;
	_ =	strace $0x80000047  }
.LBB2_1:
0x5f: {  	[tilespmem:s1], [sflag:$0x1] =	stream.linear.gather [hbm4b:s8+s1], $0x200, $0x38;
	[tilespmem:$0x12E80] =	vst v63  }
0x60: {  	s23 =	simm.s32 $0x6400  }
0x61: {  	[tilespmem:s23], [sflag:$0x2] =	stream.linear.gather [hbm4b:s11+s1], $0x200, $0x38;
	[tilespmem:$0x12E80] =	vst v63  }
0x62: {  	s25 =	rddreg [dreg:$0x3];
	s24 =	simm.s32 $0x200  }
0x63: {  	[tilespmem:s24], [sflag:$0x1] =	stream.linear.gather [hbm4b:s25+s1], $0x200, $0x38;
	[tilespmem:$0x12E80] =	vst v63  }
0x64: {  	s24 =	rddreg [dreg:$0x4];
	s25 =	simm.s32 $0x6600  }
0x65: {  	[tilespmem:s25], [sflag:$0x2] =	stream.linear.gather [hbm4b:s24+s1], $0x200, $0x38;
	[tilespmem:$0x12E80] =	vst v63  }
0x66: {  	s24 =	rddreg [dreg:$0x5];
	s25 =	simm.s32 $0x400  }
0x67: {  	[tilespmem:s25], [sflag:$0x1] =	stream.linear.gather [hbm4b:s24+s1], $0x200, $0x38;
	[tilespmem:$0x12E80] =	vst v63  }
0x68: {  	s24 =	rddreg [dreg:$0x6];
	s25 =	simm.s32 $0x6800  }
0x69: {  	[tilespmem:s25], [sflag:$0x2] =	stream.linear.gather [hbm4b:s24+s1], $0x200, $0x38;
	[tilespmem:$0x12E80] =	vst v63  }
0x6a: {  	s24 =	rddreg [dreg:$0x7];
	s25 =	simm.s32 $0x600  }
0x6b: {  	[tilespmem:s25], [sflag:$0x1] =	stream.linear.gather [hbm4b:s24+s1], $0x200, $0x38;
	[tilespmem:$0x12E80] =	vst v63  }
0x6c: {  	s24 =	rddreg [dreg:$0x8];
	s25 =	simm.s32 $0x6A00  }
0x6d: {  	[tilespmem:s25], [sflag:$0x2] =	stream.linear.gather [hbm4b:s24+s1], $0x200, $0x38;
	[tilespmem:$0x12E80] =	vst v63  }
0x6e: {  	s24 =	rddreg [dreg:$0x9];
	s25 =	simm.s32 $0x800  }
0x6f: {  	[tilespmem:s25], [sflag:$0x1] =	stream.linear.gather [hbm4b:s24+s1], $0x200, $0x38;
	[tilespmem:$0x12E80] =	vst v63  }
0x70: {  	s24 =	rddreg [dreg:$0xa];
	s25 =	simm.s32 $0x6C00  }
0x71: {  	[tilespmem:s25], [sflag:$0x2] =	stream.linear.gather [hbm4b:s24+s1], $0x200, $0x38;
	[tilespmem:$0x12E80] =	vst v63  }
0x72: {  	s24 =	rddreg [dreg:$0xb];
	s25 =	simm.s32 $0xA00  }
0x73: {  	[tilespmem:s25], [sflag:$0x1] =	stream.linear.gather [hbm4b:s24+s1], $0x200, $0x38;
	[tilespmem:$0x12E80] =	vst v63  }
0x74: {  	s24 =	rddreg [dreg:$0xc];
	s25 =	simm.s32 $0x6E00  }
0x75: {  	[tilespmem:s25], [sflag:$0x2] =	stream.linear.gather [hbm4b:s24+s1], $0x200, $0x38;
	[tilespmem:$0x12E80] =	vst v63  }
0x76: {  	s24 =	rddreg [dreg:$0xd];
	s25 =	simm.s32 $0xC00  }
0x77: {  	[tilespmem:s25], [sflag:$0x1] =	stream.linear.gather [hbm4b:s24+s1], $0x200, $0x38;
	[tilespmem:$0x12E80] =	vst v63  }
0x78: {  	s24 =	rddreg [dreg:$0xe];
	s25 =	simm.s32 $0x7000  }
0x79: {  	[tilespmem:s25], [sflag:$0x2] =	stream.linear.gather [hbm4b:s24+s1], $0x200, $0x38;
	[tilespmem:$0x12E80] =	vst v63  }
0x7a: {  	s24 =	rddreg [dreg:$0xf];
	s25 =	simm.s32 $0xE00  }
0x7b: {  	[tilespmem:s25], [sflag:$0x1] =	stream.linear.gather [hbm4b:s24+s1], $0x200, $0x38;
	[tilespmem:$0x12E80] =	vst v63  }
0x7c: {  	s24 =	rddreg [dreg:$0x10];
	s25 =	simm.s32 $0x7200  }
0x7d: {  	[tilespmem:s25], [sflag:$0x2] =	stream.linear.gather [hbm4b:s24+s1], $0x200, $0x38;
	[tilespmem:$0x12E80] =	vst v63  }
0x7e: {  	s24 =	rddreg [dreg:$0x11];
	s25 =	simm.s32 $0x1000  }
0x7f: {  	[tilespmem:s25], [sflag:$0x1] =	stream.linear.gather [hbm4b:s24+s1], $0x200, $0x38;
	[tilespmem:$0x12E80] =	vst v63  }
0x80: {  	s24 =	rddreg [dreg:$0x12];
	s25 =	simm.s32 $0x7400  }
0x81: {  	[tilespmem:s25], [sflag:$0x2] =	stream.linear.gather [hbm4b:s24+s1], $0x200, $0x38;
	[tilespmem:$0x12E80] =	vst v63  }
0x82: {  	s24 =	rddreg [dreg:$0x13];
	s25 =	simm.s32 $0x1200  }
0x83: {  	[tilespmem:s25], [sflag:$0x1] =	stream.linear.gather [hbm4b:s24+s1], $0x200, $0x38;
	[tilespmem:$0x12E80] =	vst v63  }
0x84: {  	s24 =	rddreg [dreg:$0x14];
	s25 =	simm.s32 $0x7600  }
0x85: {  	[tilespmem:s25], [sflag:$0x2] =	stream.linear.gather [hbm4b:s24+s1], $0x200, $0x38;
	[tilespmem:$0x12E80] =	vst v63  }
0x86: {  	s24 =	rddreg [dreg:$0x15];
	s25 =	simm.s32 $0x1400  }
0x87: {  	[tilespmem:s25], [sflag:$0x1] =	stream.linear.gather [hbm4b:s24+s1], $0x200, $0x38;
	[tilespmem:$0x12E80] =	vst v63  }
0x88: {  	s24 =	rddreg [dreg:$0x16];
	s25 =	simm.s32 $0x7800  }
0x89: {  	[tilespmem:s25], [sflag:$0x2] =	stream.linear.gather [hbm4b:s24+s1], $0x200, $0x38;
	[tilespmem:$0x12E80] =	vst v63  }
0x8a: {  	s24 =	rddreg [dreg:$0x17];
	s25 =	simm.s32 $0x1600  }
0x8b: {  	[tilespmem:s25], [sflag:$0x1] =	stream.linear.gather [hbm4b:s24+s1], $0x200, $0x38;
	[tilespmem:$0x12E80] =	vst v63  }
0x8c: {  	s24 =	rddreg [dreg:$0x18];
	s25 =	simm.s32 $0x7A00  }
0x8d: {  	[tilespmem:s25], [sflag:$0x2] =	stream.linear.gather [hbm4b:s24+s1], $0x200, $0x38;
	[tilespmem:$0x12E80] =	vst v63  }
0x8e: {  	s24 =	rddreg [dreg:$0x19];
	s25 =	simm.s32 $0x1800  }
0x8f: {  	[tilespmem:s25], [sflag:$0x1] =	stream.linear.gather [hbm4b:s24+s1], $0x200, $0x38;
	[tilespmem:$0x12E80] =	vst v63  }
0x90: {  	s24 =	rddreg [dreg:$0x1a];
	s25 =	simm.s32 $0x7C00  }
0x91: {  	[tilespmem:s25], [sflag:$0x2] =	stream.linear.gather [hbm4b:s24+s1], $0x200, $0x38;
	[tilespmem:$0x12E80] =	vst v63  }
0x92: {  	s24 =	rddreg [dreg:$0x1b];
	s25 =	simm.s32 $0x1A00  }
0x93: {  	[tilespmem:s25], [sflag:$0x1] =	stream.linear.gather [hbm4b:s24+s1], $0x200, $0x38;
	[tilespmem:$0x12E80] =	vst v63  }
0x94: {  	s24 =	rddreg [dreg:$0x1c];
	s25 =	simm.s32 $0x7E00  }
0x95: {  	[tilespmem:s25], [sflag:$0x2] =	stream.linear.gather [hbm4b:s24+s1], $0x200, $0x38;
	[tilespmem:$0x12E80] =	vst v63  }
0x96: {  	s24 =	rddreg [dreg:$0x1d];
	s25 =	simm.s32 $0x1C00  }
0x97: {  	[tilespmem:s25], [sflag:$0x1] =	stream.linear.gather [hbm4b:s24+s1], $0x200, $0x38;
	[tilespmem:$0x12E80] =	vst v63  }
0x98: {  	s24 =	rddreg [dreg:$0x1e];
	s25 =	simm.s32 $0x8000  }
0x99: {  	[tilespmem:s25], [sflag:$0x2] =	stream.linear.gather [hbm4b:s24+s1], $0x200, $0x38;
	[tilespmem:$0x12E80] =	vst v63  }
0x9a: {  	s24 =	rddreg [dreg:$0x1f];
	s25 =	simm.s32 $0x1E00  }
0x9b: {  	[tilespmem:s25], [sflag:$0x1] =	stream.linear.gather [hbm4b:s24+s1], $0x200, $0x38;
	[tilespmem:$0x12E80] =	vst v63  }
0x9c: {  	s24 =	sld [smem:$0x7C7];
	_ =	sdelay $0x1  }
0x9d: {  	s25 =	simm.s32 $0x8200  }
0x9e: {  	[tilespmem:s25], [sflag:$0x2] =	stream.linear.gather [hbm4b:s24+s1], $0x200, $0x38;
	[tilespmem:$0x12E80] =	vst v63  }
0x9f: {  	s24 =	sld [smem:$0x7C8];
	_ =	sdelay $0x1  }
0xa0: {  	s25 =	simm.s32 $0x2000  }
0xa1: {  	[tilespmem:s25], [sflag:$0x1] =	stream.linear.gather [hbm4b:s24+s1], $0x200, $0x38;
	[tilespmem:$0x12E80] =	vst v63  }
0xa2: {  	s24 =	sld [smem:$0x7C9];
	_ =	sdelay $0x1  }
0xa3: {  	s25 =	simm.s32 $0x8400  }
0xa4: {  	[tilespmem:s25], [sflag:$0x2] =	stream.linear.gather [hbm4b:s24+s1], $0x200, $0x38;
	[tilespmem:$0x12E80] =	vst v63  }
0xa5: {  	s24 =	sld [smem:$0x7CA];
	_ =	sdelay $0x1  }
0xa6: {  	s25 =	simm.s32 $0x2200  }
0xa7: {  	[tilespmem:s25], [sflag:$0x1] =	stream.linear.gather [hbm4b:s24+s1], $0x200, $0x38;
	[tilespmem:$0x12E80] =	vst v63  }
0xa8: {  	s24 =	sld [smem:$0x7CB];
	_ =	sdelay $0x1  }
0xa9: {  	s25 =	simm.s32 $0x8600  }
0xaa: {  	[tilespmem:s25], [sflag:$0x2] =	stream.linear.gather [hbm4b:s24+s1], $0x200, $0x38;
	[tilespmem:$0x12E80] =	vst v63  }
0xab: {  	s24 =	sld [smem:$0x7CC];
	_ =	sdelay $0x1  }
0xac: {  	s25 =	simm.s32 $0x2400  }
0xad: {  	[tilespmem:s25], [sflag:$0x1] =	stream.linear.gather [hbm4b:s24+s1], $0x200, $0x38;
	[tilespmem:$0x12E80] =	vst v63  }
0xae: {  	s24 =	sld [smem:$0x7CD];
	_ =	sdelay $0x1  }
0xaf: {  	s25 =	simm.s32 $0x8800  }
0xb0: {  	[tilespmem:s25], [sflag:$0x2] =	stream.linear.gather [hbm4b:s24+s1], $0x200, $0x38;
	[tilespmem:$0x12E80] =	vst v63  }
0xb1: {  	s24 =	sld [smem:$0x7CE];
	_ =	sdelay $0x1  }
0xb2: {  	s25 =	simm.s32 $0x2600  }
0xb3: {  	[tilespmem:s25], [sflag:$0x1] =	stream.linear.gather [hbm4b:s24+s1], $0x200, $0x38;
	[tilespmem:$0x12E80] =	vst v63  }
0xb4: {  	s24 =	sld [smem:$0x7CF];
	_ =	sdelay $0x1  }
0xb5: {  	s25 =	simm.s32 $0x8A00  }
0xb6: {  	[tilespmem:s25], [sflag:$0x2] =	stream.linear.gather [hbm4b:s24+s1], $0x200, $0x38;
	[tilespmem:$0x12E80] =	vst v63  }
0xb7: {  	s24 =	sld [smem:$0x7D0];
	_ =	sdelay $0x1  }
0xb8: {  	s25 =	simm.s32 $0x2800  }
0xb9: {  	[tilespmem:s25], [sflag:$0x1] =	stream.linear.gather [hbm4b:s24+s1], $0x200, $0x38;
	[tilespmem:$0x12E80] =	vst v63  }
0xba: {  	s24 =	sld [smem:$0x7D1];
	_ =	sdelay $0x1  }
0xbb: {  	s25 =	simm.s32 $0x8C00  }
0xbc: {  	[tilespmem:s25], [sflag:$0x2] =	stream.linear.gather [hbm4b:s24+s1], $0x200, $0x38;
	[tilespmem:$0x12E80] =	vst v63  }
0xbd: {  	s24 =	sld [smem:$0x7D2];
	_ =	sdelay $0x1  }
0xbe: {  	s25 =	simm.s32 $0x2A00  }
0xbf: {  	[tilespmem:s25], [sflag:$0x1] =	stream.linear.gather [hbm4b:s24+s1], $0x200, $0x38;
	[tilespmem:$0x12E80] =	vst v63  }
0xc0: {  	s24 =	sld [smem:$0x7D3];
	_ =	sdelay $0x1  }
0xc1: {  	s25 =	simm.s32 $0x8E00  }
0xc2: {  	[tilespmem:s25], [sflag:$0x2] =	stream.linear.gather [hbm4b:s24+s1], $0x200, $0x38;
	[tilespmem:$0x12E80] =	vst v63  }
0xc3: {  	s24 =	sld [smem:$0x7D4];
	_ =	sdelay $0x1  }
0xc4: {  	s25 =	simm.s32 $0x2C00  }
0xc5: {  	[tilespmem:s25], [sflag:$0x1] =	stream.linear.gather [hbm4b:s24+s1], $0x200, $0x38;
	[tilespmem:$0x12E80] =	vst v63  }
0xc6: {  	s24 =	sld [smem:$0x7D5];
	_ =	sdelay $0x1  }
0xc7: {  	s25 =	simm.s32 $0x9000  }
0xc8: {  	[tilespmem:s25], [sflag:$0x2] =	stream.linear.gather [hbm4b:s24+s1], $0x200, $0x38;
	[tilespmem:$0x12E80] =	vst v63  }
0xc9: {  	s24 =	sld [smem:$0x7D6];
	_ =	sdelay $0x1  }
0xca: {  	s25 =	simm.s32 $0x2E00  }
0xcb: {  	[tilespmem:s25], [sflag:$0x1] =	stream.linear.gather [hbm4b:s24+s1], $0x200, $0x38;
	[tilespmem:$0x12E80] =	vst v63  }
0xcc: {  	s24 =	sld [smem:$0x7D7];
	_ =	sdelay $0x1  }
0xcd: {  	s25 =	simm.s32 $0x9200  }
0xce: {  	[tilespmem:s25], [sflag:$0x2] =	stream.linear.gather [hbm4b:s24+s1], $0x200, $0x38;
	[tilespmem:$0x12E80] =	vst v63  }
0xcf: {  	s24 =	sld [smem:$0x7D8];
	_ =	sdelay $0x1  }
0xd0: {  	s25 =	simm.s32 $0x3000  }
0xd1: {  	[tilespmem:s25], [sflag:$0x1] =	stream.linear.gather [hbm4b:s24+s1], $0x200, $0x38;
	[tilespmem:$0x12E80] =	vst v63  }
0xd2: {  	s24 =	sld [smem:$0x7D9];
	_ =	sdelay $0x1  }
0xd3: {  	s25 =	simm.s32 $0x9400  }
0xd4: {  	[tilespmem:s25], [sflag:$0x2] =	stream.linear.gather [hbm4b:s24+s1], $0x200, $0x38;
	[tilespmem:$0x12E80] =	vst v63  }
0xd5: {  	s25 =	sld [smem:$0x7DA];
	_ =	sdelay $0x1  }
0xd6: {  	s24 =	sld [smem:$0x7DB]  }
0xd7: {  	[tilespmem:s16], [sflag:$0x1] =	stream.linear.gather [hbm4b:s25+s1], $0x200, $0x38;
	[tilespmem:$0x12E80] =	vst v63  }
0xd8: {  	s25 =	simm.s32 $0x9600  }
0xd9: {  	[tilespmem:s25], [sflag:$0x2] =	stream.linear.gather [hbm4b:s24+s1], $0x200, $0x38;
	[tilespmem:$0x12E80] =	vst v63  }
0xda: {  	s24 =	sld [smem:$0x7DC];
	_ =	sdelay $0x1  }
0xdb: {  	s25 =	simm.s32 $0x3400  }
0xdc: {  	[tilespmem:s25], [sflag:$0x1] =	stream.linear.gather [hbm4b:s24+s1], $0x200, $0x38;
	[tilespmem:$0x12E80] =	vst v63  }
0xdd: {  	s24 =	sld [smem:$0x7DD];
	_ =	sdelay $0x1  }
0xde: {  	s25 =	simm.s32 $0x9800  }
0xdf: {  	[tilespmem:s25], [sflag:$0x2] =	stream.linear.gather [hbm4b:s24+s1], $0x200, $0x38;
	[tilespmem:$0x12E80] =	vst v63  }
0xe0: {  	s24 =	sld [smem:$0x7DE];
	_ =	sdelay $0x1  }
0xe1: {  	s25 =	simm.s32 $0x3600  }
0xe2: {  	[tilespmem:s25], [sflag:$0x1] =	stream.linear.gather [hbm4b:s24+s1], $0x200, $0x38;
	[tilespmem:$0x12E80] =	vst v63  }
0xe3: {  	s24 =	sld [smem:$0x7DF];
	_ =	sdelay $0x1  }
0xe4: {  	s25 =	simm.s32 $0x9A00  }
0xe5: {  	[tilespmem:s25], [sflag:$0x2] =	stream.linear.gather [hbm4b:s24+s1], $0x200, $0x38;
	[tilespmem:$0x12E80] =	vst v63  }
0xe6: {  	s24 =	sld [smem:$0x7E0];
	_ =	sdelay $0x1  }
0xe7: {  	s25 =	simm.s32 $0x3800  }
0xe8: {  	[tilespmem:s25], [sflag:$0x1] =	stream.linear.gather [hbm4b:s24+s1], $0x200, $0x38;
	[tilespmem:$0x12E80] =	vst v63  }
0xe9: {  	s24 =	sld [smem:$0x7E1];
	_ =	sdelay $0x1  }
0xea: {  	s25 =	simm.s32 $0x9C00  }
0xeb: {  	[tilespmem:s25], [sflag:$0x2] =	stream.linear.gather [hbm4b:s24+s1], $0x200, $0x38;
	[tilespmem:$0x12E80] =	vst v63  }
0xec: {  	s24 =	sld [smem:$0x7E2];
	_ =	sdelay $0x1  }
0xed: {  	s25 =	simm.s32 $0x3A00  }
0xee: {  	[tilespmem:s25], [sflag:$0x1] =	stream.linear.gather [hbm4b:s24+s1], $0x200, $0x38;
	[tilespmem:$0x12E80] =	vst v63  }
0xef: {  	s24 =	sld [smem:$0x7E3];
	_ =	sdelay $0x1  }
0xf0: {  	s25 =	simm.s32 $0x9E00  }
0xf1: {  	[tilespmem:s25], [sflag:$0x2] =	stream.linear.gather [hbm4b:s24+s1], $0x200, $0x38;
	[tilespmem:$0x12E80] =	vst v63  }
0xf2: {  	s24 =	sld [smem:$0x7E4];
	_ =	sdelay $0x1  }
0xf3: {  	s25 =	simm.s32 $0x3C00  }
0xf4: {  	[tilespmem:s25], [sflag:$0x1] =	stream.linear.gather [hbm4b:s24+s1], $0x200, $0x38;
	[tilespmem:$0x12E80] =	vst v63  }
0xf5: {  	s24 =	sld [smem:$0x7E5];
	_ =	sdelay $0x1  }
0xf6: {  	s25 =	simm.s32 $0xA000  }
0xf7: {  	[tilespmem:s25], [sflag:$0x2] =	stream.linear.gather [hbm4b:s24+s1], $0x200, $0x38;
	[tilespmem:$0x12E80] =	vst v63  }
0xf8: {  	s24 =	sld [smem:$0x7E6];
	_ =	sdelay $0x1  }
0xf9: {  	s25 =	simm.s32 $0x3E00  }
0xfa: {  	[tilespmem:s25], [sflag:$0x1] =	stream.linear.gather [hbm4b:s24+s1], $0x200, $0x38;
	[tilespmem:$0x12E80] =	vst v63  }
0xfb: {  	s24 =	sld [smem:$0x7E7];
	_ =	sdelay $0x1  }
0xfc: {  	s25 =	simm.s32 $0xA200  }
0xfd: {  	[tilespmem:s25], [sflag:$0x2] =	stream.linear.gather [hbm4b:s24+s1], $0x200, $0x38;
	[tilespmem:$0x12E80] =	vst v63  }
0xfe: {  	s24 =	sld [smem:$0x7E8];
	_ =	sdelay $0x1  }
0xff: {  	s25 =	simm.s32 $0x4000  }
0x100: {  	[tilespmem:s25], [sflag:$0x1] =	stream.linear.gather [hbm4b:s24+s1], $0x200, $0x38;
	[tilespmem:$0x12E80] =	vst v63  }
0x101: {  	s24 =	sld [smem:$0x7E9];
	_ =	sdelay $0x1  }
0x102: {  	s25 =	simm.s32 $0xA400  }
0x103: {  	[tilespmem:s25], [sflag:$0x2] =	stream.linear.gather [hbm4b:s24+s1], $0x200, $0x38;
	[tilespmem:$0x12E80] =	vst v63  }
0x104: {  	s24 =	sld [smem:$0x7EA];
	_ =	sdelay $0x1  }
0x105: {  	s25 =	simm.s32 $0x4200  }
0x106: {  	[tilespmem:s25], [sflag:$0x1] =	stream.linear.gather [hbm4b:s24+s1], $0x200, $0x38;
	[tilespmem:$0x12E80] =	vst v63  }
0x107: {  	s24 =	sld [smem:$0x7EB];
	_ =	sdelay $0x1  }
0x108: {  	s25 =	simm.s32 $0xA600  }
0x109: {  	[tilespmem:s25], [sflag:$0x2] =	stream.linear.gather [hbm4b:s24+s1], $0x200, $0x38;
	[tilespmem:$0x12E80] =	vst v63  }
0x10a: {  	s24 =	sld [smem:$0x7EC];
	_ =	sdelay $0x1  }
0x10b: {  	s25 =	simm.s32 $0x4400  }
0x10c: {  	[tilespmem:s25], [sflag:$0x1] =	stream.linear.gather [hbm4b:s24+s1], $0x200, $0x38;
	[tilespmem:$0x12E80] =	vst v63  }
0x10d: {  	s24 =	sld [smem:$0x7ED];
	_ =	sdelay $0x1  }
0x10e: {  	s25 =	simm.s32 $0xA800  }
0x10f: {  	[tilespmem:s25], [sflag:$0x2] =	stream.linear.gather [hbm4b:s24+s1], $0x200, $0x38;
	[tilespmem:$0x12E80] =	vst v63  }
0x110: {  	s24 =	sld [smem:$0x7EE];
	_ =	sdelay $0x1  }
0x111: {  	s25 =	simm.s32 $0x4600  }
0x112: {  	[tilespmem:s25], [sflag:$0x1] =	stream.linear.gather [hbm4b:s24+s1], $0x200, $0x38;
	[tilespmem:$0x12E80] =	vst v63  }
0x113: {  	s24 =	sld [smem:$0x7EF];
	_ =	sdelay $0x1  }
0x114: {  	s25 =	simm.s32 $0xAA00  }
0x115: {  	[tilespmem:s25], [sflag:$0x2] =	stream.linear.gather [hbm4b:s24+s1], $0x200, $0x38;
	[tilespmem:$0x12E80] =	vst v63  }
0x116: {  	s24 =	sld [smem:$0x7F0];
	_ =	sdelay $0x1  }
0x117: {  	s25 =	simm.s32 $0x4800  }
0x118: {  	[tilespmem:s25], [sflag:$0x1] =	stream.linear.gather [hbm4b:s24+s1], $0x200, $0x38;
	[tilespmem:$0x12E80] =	vst v63  }
0x119: {  	s24 =	sld [smem:$0x7F1];
	_ =	sdelay $0x1  }
0x11a: {  	s25 =	simm.s32 $0xAC00  }
0x11b: {  	[tilespmem:s25], [sflag:$0x2] =	stream.linear.gather [hbm4b:s24+s1], $0x200, $0x38;
	[tilespmem:$0x12E80] =	vst v63  }
0x11c: {  	s24 =	sld [smem:$0x7F2];
	_ =	sdelay $0x1  }
0x11d: {  	s25 =	simm.s32 $0x4A00  }
0x11e: {  	[tilespmem:s25], [sflag:$0x1] =	stream.linear.gather [hbm4b:s24+s1], $0x200, $0x38;
	[tilespmem:$0x12E80] =	vst v63  }
0x11f: {  	s24 =	sld [smem:$0x7F3];
	_ =	sdelay $0x1  }
0x120: {  	s25 =	simm.s32 $0xAE00  }
0x121: {  	[tilespmem:s25], [sflag:$0x2] =	stream.linear.gather [hbm4b:s24+s1], $0x200, $0x38;
	[tilespmem:$0x12E80] =	vst v63  }
0x122: {  	s24 =	sld [smem:$0x7F4];
	_ =	sdelay $0x1  }
0x123: {  	s25 =	simm.s32 $0x4C00  }
0x124: {  	[tilespmem:s25], [sflag:$0x1] =	stream.linear.gather [hbm4b:s24+s1], $0x200, $0x38;
	[tilespmem:$0x12E80] =	vst v63  }
0x125: {  	s24 =	sld [smem:$0x7F5];
	_ =	sdelay $0x1  }
0x126: {  	s25 =	simm.s32 $0xB000  }
0x127: {  	[tilespmem:s25], [sflag:$0x2] =	stream.linear.gather [hbm4b:s24+s1], $0x200, $0x38;
	[tilespmem:$0x12E80] =	vst v63  }
0x128: {  	s24 =	sld [smem:$0x7F6];
	_ =	sdelay $0x1  }
0x129: {  	s25 =	simm.s32 $0x4E00  }
0x12a: {  	[tilespmem:s25], [sflag:$0x1] =	stream.linear.gather [hbm4b:s24+s1], $0x200, $0x38;
	[tilespmem:$0x12E80] =	vst v63  }
0x12b: {  	s24 =	sld [smem:$0x7F7];
	_ =	sdelay $0x1  }
0x12c: {  	s25 =	simm.s32 $0xB200  }
0x12d: {  	[tilespmem:s25], [sflag:$0x2] =	stream.linear.gather [hbm4b:s24+s1], $0x200, $0x38;
	[tilespmem:$0x12E80] =	vst v63  }
0x12e: {  	s24 =	sld [smem:$0x7F8];
	_ =	sdelay $0x1  }
0x12f: {  	s25 =	simm.s32 $0x5000  }
0x130: {  	[tilespmem:s25], [sflag:$0x1] =	stream.linear.gather [hbm4b:s24+s1], $0x200, $0x38;
	[tilespmem:$0x12E80] =	vst v63  }
0x131: {  	s24 =	sld [smem:$0x7F9];
	_ =	sdelay $0x1  }
0x132: {  	s25 =	simm.s32 $0xB400  }
0x133: {  	[tilespmem:s25], [sflag:$0x2] =	stream.linear.gather [hbm4b:s24+s1], $0x200, $0x38;
	[tilespmem:$0x12E80] =	vst v63  }
0x134: {  	s24 =	sld [smem:$0x7FA];
	_ =	sdelay $0x1  }
0x135: {  	s25 =	simm.s32 $0x5200  }
0x136: {  	[tilespmem:s25], [sflag:$0x1] =	stream.linear.gather [hbm4b:s24+s1], $0x200, $0x38;
	[tilespmem:$0x12E80] =	vst v63  }
0x137: {  	s24 =	sld [smem:$0x7FB];
	_ =	sdelay $0x1  }
0x138: {  	s25 =	simm.s32 $0xB600  }
0x139: {  	[tilespmem:s25], [sflag:$0x2] =	stream.linear.gather [hbm4b:s24+s1], $0x200, $0x38;
	[tilespmem:$0x12E80] =	vst v63  }
0x13a: {  	s24 =	sld [smem:$0x7FC];
	_ =	sdelay $0x1  }
0x13b: {  	s25 =	simm.s32 $0x5400  }
0x13c: {  	[tilespmem:s25], [sflag:$0x1] =	stream.linear.gather [hbm4b:s24+s1], $0x200, $0x38;
	[tilespmem:$0x12E80] =	vst v63  }
0x13d: {  	s24 =	sld [smem:$0x7FD];
	_ =	sdelay $0x1  }
0x13e: {  	s25 =	simm.s32 $0xB800  }
0x13f: {  	[tilespmem:s25], [sflag:$0x2] =	stream.linear.gather [hbm4b:s24+s1], $0x200, $0x38;
	[tilespmem:$0x12E80] =	vst v63  }
0x140: {  	s24 =	simm.s32 $0x5600  }
0x141: {  	[tilespmem:s24], [sflag:$0x1] =	stream.linear.gather [hbm4b:s26+s1], $0x200, $0x38;
	[tilespmem:$0x12E80] =	vst v63  }
0x142: {  	s25 =	simm.s32 $0xBA00  }
0x143: {  	[tilespmem:s25], [sflag:$0x2] =	stream.linear.gather [hbm4b:s28+s1], $0x200, $0x38;
	[tilespmem:$0x12E80] =	vst v63  }
0x144: {  	s24 =	simm.s32 $0x5800  }
0x145: {  	[tilespmem:s24], [sflag:$0x1] =	stream.linear.gather [hbm4b:s29+s1], $0x200, $0x38;
	[tilespmem:$0x12E80] =	vst v63  }
0x146: {  	s25 =	simm.s32 $0xBC00  }
0x147: {  	[tilespmem:s25], [sflag:$0x2] =	stream.linear.gather [hbm4b:s30+s1], $0x200, $0x38;
	[tilespmem:$0x12E80] =	vst v63  }
0x148: {  	s24 =	simm.s32 $0x5A00  }
0x149: {  	[tilespmem:s24], [sflag:$0x1] =	stream.linear.gather [hbm4b:s31+s1], $0x200, $0x38;
	[tilespmem:$0x12E80] =	vst v63  }
0x14a: {  	s25 =	simm.s32 $0xBE00  }
0x14b: {  	[tilespmem:s25], [sflag:$0x2] =	stream.linear.gather [hbm4b:s0+s1], $0x200, $0x38;
	[tilespmem:$0x12E80] =	vst v63  }
0x14c: {  	s24 =	simm.s32 $0x5C00  }
0x14d: {  	[tilespmem:s24], [sflag:$0x1] =	stream.linear.gather [hbm4b:s2+s1], $0x200, $0x38;
	[tilespmem:$0x12E80] =	vst v63  }
0x14e: {  	s25 =	simm.s32 $0xC000  }
0x14f: {  	[tilespmem:s25], [sflag:$0x2] =	stream.linear.gather [hbm4b:s3+s1], $0x200, $0x38;
	[tilespmem:$0x12E80] =	vst v63  }
0x150: {  	s24 =	simm.s32 $0x5E00  }
0x151: {  	[tilespmem:s24], [sflag:$0x1] =	stream.linear.gather [hbm4b:s4+s1], $0x200, $0x38;
	[tilespmem:$0x12E80] =	vst v63  }
0x152: {  	s25 =	simm.s32 $0xC200  }
0x153: {  	[tilespmem:s25], [sflag:$0x2] =	stream.linear.gather [hbm4b:s5+s1], $0x200, $0x38;
	[tilespmem:$0x12E80] =	vst v63  }
0x154: {  	s24 =	simm.s32 $0x6000  }
0x155: {  	[tilespmem:s24], [sflag:$0x1] =	stream.linear.gather [hbm4b:s6+s1], $0x200, $0x38;
	[tilespmem:$0x12E80] =	vst v63  }
0x156: {  	s25 =	simm.s32 $0xC400  }
0x157: {  	[tilespmem:s25], [sflag:$0x2] =	stream.linear.gather [hbm4b:s7+s1], $0x200, $0x38;
	[tilespmem:$0x12E80] =	vst v63  }
0x158: {  	s24 =	simm.s32 $0x6200  }
0x159: {  	[tilespmem:s24], [sflag:$0x1] =	stream.linear.gather [hbm4b:s9+s1], $0x200, $0x38;
	[tilespmem:$0x12E80] =	vst v63  }
0x15a: {  	s25 =	simm.s32 $0xC600  }
0x15b: {  	[tilespmem:s25], [sflag:$0x2] =	stream.linear.gather [hbm4b:s10+s1], $0x200, $0x38;
	[tilespmem:$0x12E80] =	vst v63  }
0x15c: {  	s24 =	simm.s32 $0x12E00  }
0x15d: {  	[tilespmem:s24], [sflag:$0x5] =	stream.linear.gather [hbm4b:s14+s1], $0x80, $0x38;
	[tilespmem:$0x12E80] =	vst v63  }
0x15e: {  	_ =	swait.ge [sflag:s17], $0x80  }
0x15f: {  	[sflag:s17] =	ssyncset.done $0x0  }
0x160: {  	[sflag:s17] =	ssyncadd.s32 $0xFFFFFF80  }
0x161: {  	_ =	swait.ge [sflag:s18], $0x200  }
0x162: {  	[sflag:s18] =	ssyncset.done $0x0  }
0x163: {  	[sflag:s18] =	ssyncadd.s32 $0xFFFFFE00  }
0x164: {  	_ =	swait.ge [sflag:s18], $0x200  }
0x165: {  	[sflag:s18] =	ssyncset.done $0x0  }
0x166: {  	[sflag:s18] =	ssyncadd.s32 $0xFFFFFE00  }
0x167: {  	_ =	swait.ge [sflag:s18], $0x200  }
0x168: {  	[sflag:s18] =	ssyncset.done $0x0  }
0x169: {  	[sflag:s18] =	ssyncadd.s32 $0xFFFFFE00  }
0x16a: {  	_ =	swait.ge [sflag:s18], $0x200  }
0x16b: {  	[sflag:s18] =	ssyncset.done $0x0  }
0x16c: {  	[sflag:s18] =	ssyncadd.s32 $0xFFFFFE00  }
0x16d: {  	_ =	swait.ge [sflag:s18], $0x200  }
0x16e: {  	[sflag:s18] =	ssyncset.done $0x0  }
0x16f: {  	[sflag:s18] =	ssyncadd.s32 $0xFFFFFE00  }
0x170: {  	_ =	swait.ge [sflag:s18], $0x200  }
0x171: {  	[sflag:s18] =	ssyncset.done $0x0  }
0x172: {  	[sflag:s18] =	ssyncadd.s32 $0xFFFFFE00  }
0x173: {  	_ =	swait.ge [sflag:s18], $0x200  }
0x174: {  	[sflag:s18] =	ssyncset.done $0x0  }
0x175: {  	[sflag:s18] =	ssyncadd.s32 $0xFFFFFE00  }
0x176: {  	_ =	swait.ge [sflag:s18], $0x200  }
0x177: {  	[sflag:s18] =	ssyncset.done $0x0  }
0x178: {  	[sflag:s18] =	ssyncadd.s32 $0xFFFFFE00  }
0x179: {  	_ =	swait.ge [sflag:s18], $0x200  }
0x17a: {  	[sflag:s18] =	ssyncset.done $0x0  }
0x17b: {  	[sflag:s18] =	ssyncadd.s32 $0xFFFFFE00  }
0x17c: {  	_ =	swait.ge [sflag:s18], $0x200  }
0x17d: {  	[sflag:s18] =	ssyncset.done $0x0  }
0x17e: {  	[sflag:s18] =	ssyncadd.s32 $0xFFFFFE00  }
0x17f: {  	_ =	swait.ge [sflag:s18], $0x200  }
0x180: {  	[sflag:s18] =	ssyncset.done $0x0  }
0x181: {  	[sflag:s18] =	ssyncadd.s32 $0xFFFFFE00  }
0x182: {  	_ =	swait.ge [sflag:s18], $0x200  }
0x183: {  	[sflag:s18] =	ssyncset.done $0x0  }
0x184: {  	[sflag:s18] =	ssyncadd.s32 $0xFFFFFE00  }
0x185: {  	_ =	swait.ge [sflag:s18], $0x200  }
0x186: {  	[sflag:s18] =	ssyncset.done $0x0  }
0x187: {  	[sflag:s18] =	ssyncadd.s32 $0xFFFFFE00  }
0x188: {  	_ =	swait.ge [sflag:s18], $0x200  }
0x189: {  	[sflag:s18] =	ssyncset.done $0x0  }
0x18a: {  	[sflag:s18] =	ssyncadd.s32 $0xFFFFFE00  }
0x18b: {  	_ =	swait.ge [sflag:s18], $0x200  }
0x18c: {  	[sflag:s18] =	ssyncset.done $0x0  }
0x18d: {  	[sflag:s18] =	ssyncadd.s32 $0xFFFFFE00  }
0x18e: {  	_ =	swait.ge [sflag:s18], $0x200  }
0x18f: {  	[sflag:s18] =	ssyncset.done $0x0  }
0x190: {  	[sflag:s18] =	ssyncadd.s32 $0xFFFFFE00  }
0x191: {  	_ =	swait.ge [sflag:s18], $0x200  }
0x192: {  	[sflag:s18] =	ssyncset.done $0x0  }
0x193: {  	[sflag:s18] =	ssyncadd.s32 $0xFFFFFE00  }
0x194: {  	_ =	swait.ge [sflag:s18], $0x200  }
0x195: {  	[sflag:s18] =	ssyncset.done $0x0  }
0x196: {  	[sflag:s18] =	ssyncadd.s32 $0xFFFFFE00  }
0x197: {  	_ =	swait.ge [sflag:s18], $0x200  }
0x198: {  	[sflag:s18] =	ssyncset.done $0x0  }
0x199: {  	[sflag:s18] =	ssyncadd.s32 $0xFFFFFE00  }
0x19a: {  	_ =	swait.ge [sflag:s18], $0x200  }
0x19b: {  	[sflag:s18] =	ssyncset.done $0x0  }
0x19c: {  	[sflag:s18] =	ssyncadd.s32 $0xFFFFFE00  }
0x19d: {  	_ =	swait.ge [sflag:s18], $0x200  }
0x19e: {  	[sflag:s18] =	ssyncset.done $0x0  }
0x19f: {  	[sflag:s18] =	ssyncadd.s32 $0xFFFFFE00  }
0x1a0: {  	_ =	swait.ge [sflag:s18], $0x200  }
0x1a1: {  	[sflag:s18] =	ssyncset.done $0x0  }
0x1a2: {  	[sflag:s18] =	ssyncadd.s32 $0xFFFFFE00  }
0x1a3: {  	_ =	swait.ge [sflag:s18], $0x200  }
0x1a4: {  	[sflag:s18] =	ssyncset.done $0x0  }
0x1a5: {  	[sflag:s18] =	ssyncadd.s32 $0xFFFFFE00  }
0x1a6: {  	_ =	swait.ge [sflag:s18], $0x200  }
0x1a7: {  	[sflag:s18] =	ssyncset.done $0x0  }
0x1a8: {  	[sflag:s18] =	ssyncadd.s32 $0xFFFFFE00  }
0x1a9: {  	_ =	swait.ge [sflag:s18], $0x200  }
0x1aa: {  	[sflag:s18] =	ssyncset.done $0x0  }
0x1ab: {  	[sflag:s18] =	ssyncadd.s32 $0xFFFFFE00  }
0x1ac: {  	_ =	swait.ge [sflag:s18], $0x200  }
0x1ad: {  	[sflag:s18] =	ssyncset.done $0x0  }
0x1ae: {  	[sflag:s18] =	ssyncadd.s32 $0xFFFFFE00  }
0x1af: {  	_ =	swait.ge [sflag:s18], $0x200  }
0x1b0: {  	[sflag:s18] =	ssyncset.done $0x0  }
0x1b1: {  	[sflag:s18] =	ssyncadd.s32 $0xFFFFFE00  }
0x1b2: {  	_ =	swait.ge [sflag:s18], $0x200  }
0x1b3: {  	[sflag:s18] =	ssyncset.done $0x0  }
0x1b4: {  	[sflag:s18] =	ssyncadd.s32 $0xFFFFFE00  }
0x1b5: {  	_ =	swait.ge [sflag:s18], $0x200  }
0x1b6: {  	[sflag:s18] =	ssyncset.done $0x0  }
0x1b7: {  	[sflag:s18] =	ssyncadd.s32 $0xFFFFFE00  }
0x1b8: {  	_ =	swait.ge [sflag:s18], $0x200  }
0x1b9: {  	[sflag:s18] =	ssyncset.done $0x0  }
0x1ba: {  	[sflag:s18] =	ssyncadd.s32 $0xFFFFFE00  }
0x1bb: {  	_ =	swait.ge [sflag:s18], $0x200  }
0x1bc: {  	[sflag:s18] =	ssyncset.done $0x0  }
0x1bd: {  	[sflag:s18] =	ssyncadd.s32 $0xFFFFFE00  }
0x1be: {  	_ =	swait.ge [sflag:s18], $0x200  }
0x1bf: {  	[sflag:s18] =	ssyncset.done $0x0  }
0x1c0: {  	[sflag:s18] =	ssyncadd.s32 $0xFFFFFE00  }
0x1c1: {  	_ =	swait.ge [sflag:s18], $0x200  }
0x1c2: {  	[sflag:s18] =	ssyncset.done $0x0  }
0x1c3: {  	[sflag:s18] =	ssyncadd.s32 $0xFFFFFE00  }
0x1c4: {  	_ =	swait.ge [sflag:s18], $0x200  }
0x1c5: {  	[sflag:s18] =	ssyncset.done $0x0  }
0x1c6: {  	[sflag:s18] =	ssyncadd.s32 $0xFFFFFE00  }
0x1c7: {  	_ =	swait.ge [sflag:s18], $0x200  }
0x1c8: {  	[sflag:s18] =	ssyncset.done $0x0  }
0x1c9: {  	[sflag:s18] =	ssyncadd.s32 $0xFFFFFE00  }
0x1ca: {  	_ =	swait.ge [sflag:s18], $0x200  }
0x1cb: {  	[sflag:s18] =	ssyncset.done $0x0  }
0x1cc: {  	[sflag:s18] =	ssyncadd.s32 $0xFFFFFE00  }
0x1cd: {  	_ =	swait.ge [sflag:s18], $0x200  }
0x1ce: {  	[sflag:s18] =	ssyncset.done $0x0  }
0x1cf: {  	[sflag:s18] =	ssyncadd.s32 $0xFFFFFE00  }
0x1d0: {  	_ =	swait.ge [sflag:s18], $0x200  }
0x1d1: {  	[sflag:s18] =	ssyncset.done $0x0  }
0x1d2: {  	[sflag:s18] =	ssyncadd.s32 $0xFFFFFE00  }
0x1d3: {  	_ =	swait.ge [sflag:s18], $0x200  }
0x1d4: {  	[sflag:s18] =	ssyncset.done $0x0  }
0x1d5: {  	[sflag:s18] =	ssyncadd.s32 $0xFFFFFE00  }
0x1d6: {  	_ =	swait.ge [sflag:s18], $0x200  }
0x1d7: {  	[sflag:s18] =	ssyncset.done $0x0  }
0x1d8: {  	[sflag:s18] =	ssyncadd.s32 $0xFFFFFE00  }
0x1d9: {  	_ =	swait.ge [sflag:s18], $0x200  }
0x1da: {  	[sflag:s18] =	ssyncset.done $0x0  }
0x1db: {  	[sflag:s18] =	ssyncadd.s32 $0xFFFFFE00  }
0x1dc: {  	_ =	swait.ge [sflag:s18], $0x200  }
0x1dd: {  	[sflag:s18] =	ssyncset.done $0x0  }
0x1de: {  	[sflag:s18] =	ssyncadd.s32 $0xFFFFFE00  }
0x1df: {  	_ =	swait.ge [sflag:s18], $0x200  }
0x1e0: {  	[sflag:s18] =	ssyncset.done $0x0  }
0x1e1: {  	[sflag:s18] =	ssyncadd.s32 $0xFFFFFE00  }
0x1e2: {  	_ =	swait.ge [sflag:s18], $0x200  }
0x1e3: {  	[sflag:s18] =	ssyncset.done $0x0  }
0x1e4: {  	[sflag:s18] =	ssyncadd.s32 $0xFFFFFE00  }
0x1e5: {  	_ =	swait.ge [sflag:s18], $0x200  }
0x1e6: {  	[sflag:s18] =	ssyncset.done $0x0  }
0x1e7: {  	[sflag:s18] =	ssyncadd.s32 $0xFFFFFE00  }
0x1e8: {  	_ =	swait.ge [sflag:s18], $0x200  }
0x1e9: {  	[sflag:s18] =	ssyncset.done $0x0  }
0x1ea: {  	[sflag:s18] =	ssyncadd.s32 $0xFFFFFE00  }
0x1eb: {  	_ =	swait.ge [sflag:s18], $0x200  }
0x1ec: {  	[sflag:s18] =	ssyncset.done $0x0  }
0x1ed: {  	[sflag:s18] =	ssyncadd.s32 $0xFFFFFE00  }
0x1ee: {  	_ =	swait.ge [sflag:s18], $0x200  }
0x1ef: {  	[sflag:s18] =	ssyncset.done $0x0  }
0x1f0: {  	[sflag:s18] =	ssyncadd.s32 $0xFFFFFE00  }
0x1f1: {  	_ =	swait.ge [sflag:s18], $0x200  }
0x1f2: {  	[sflag:s18] =	ssyncset.done $0x0  }
0x1f3: {  	[sflag:s18] =	ssyncadd.s32 $0xFFFFFE00  }
0x1f4: {  	_ =	swait.ge [sflag:s18], $0x200  }
0x1f5: {  	[sflag:s18] =	ssyncset.done $0x0  }
0x1f6: {  	s25 =	simm.s32 $0xC800;
	[sflag:s18] =	ssyncadd.s32 $0xFFFFFE00  }
0x1f7: {  	[tilespmem:s25], [sflag:$0x3] =	stream.indirect.gather [hbm4b:s13+s16], $0x1, s1, s16, $0xb8;
	[tilespmem:$0x12E80] =	vst v63  }
0x1f8: {  	s24 =	simm.s32 $0xFA00  }
0x1f9: {  	[tilespmem:s24], [sflag:$0x4] =	stream.indirect.gather [hbm4b:s13+s16], $0x1, s16, s16, $0xb8;
	[tilespmem:$0x12E80] =	vst v63  }
0x1fa: {  	_ =	swait.ge [sflag:s19], $0x200  }
0x1fb: {  	[sflag:s19] =	ssyncset.done $0x0  }
0x1fc: {  	[sflag:s19] =	ssyncadd.s32 $0xFFFFFE00  }
0x1fd: {  	_ =	swait.ge [sflag:s19], $0x200  }
0x1fe: {  	[sflag:s19] =	ssyncset.done $0x0  }
0x1ff: {  	[sflag:s19] =	ssyncadd.s32 $0xFFFFFE00  }
0x200: {  	_ =	swait.ge [sflag:s19], $0x200  }
0x201: {  	[sflag:s19] =	ssyncset.done $0x0  }
0x202: {  	[sflag:s19] =	ssyncadd.s32 $0xFFFFFE00  }
0x203: {  	_ =	swait.ge [sflag:s19], $0x200  }
0x204: {  	[sflag:s19] =	ssyncset.done $0x0  }
0x205: {  	[sflag:s19] =	ssyncadd.s32 $0xFFFFFE00  }
0x206: {  	_ =	swait.ge [sflag:s19], $0x200  }
0x207: {  	[sflag:s19] =	ssyncset.done $0x0  }
0x208: {  	[sflag:s19] =	ssyncadd.s32 $0xFFFFFE00  }
0x209: {  	_ =	swait.ge [sflag:s19], $0x200  }
0x20a: {  	[sflag:s19] =	ssyncset.done $0x0  }
0x20b: {  	[sflag:s19] =	ssyncadd.s32 $0xFFFFFE00  }
0x20c: {  	_ =	swait.ge [sflag:s19], $0x200  }
0x20d: {  	[sflag:s19] =	ssyncset.done $0x0  }
0x20e: {  	[sflag:s19] =	ssyncadd.s32 $0xFFFFFE00  }
0x20f: {  	_ =	swait.ge [sflag:s19], $0x200  }
0x210: {  	[sflag:s19] =	ssyncset.done $0x0  }
0x211: {  	[sflag:s19] =	ssyncadd.s32 $0xFFFFFE00  }
0x212: {  	_ =	swait.ge [sflag:s19], $0x200  }
0x213: {  	[sflag:s19] =	ssyncset.done $0x0  }
0x214: {  	[sflag:s19] =	ssyncadd.s32 $0xFFFFFE00  }
0x215: {  	_ =	swait.ge [sflag:s19], $0x200  }
0x216: {  	[sflag:s19] =	ssyncset.done $0x0  }
0x217: {  	[sflag:s19] =	ssyncadd.s32 $0xFFFFFE00  }
0x218: {  	_ =	swait.ge [sflag:s19], $0x200  }
0x219: {  	[sflag:s19] =	ssyncset.done $0x0  }
0x21a: {  	[sflag:s19] =	ssyncadd.s32 $0xFFFFFE00  }
0x21b: {  	_ =	swait.ge [sflag:s19], $0x200  }
0x21c: {  	[sflag:s19] =	ssyncset.done $0x0  }
0x21d: {  	[sflag:s19] =	ssyncadd.s32 $0xFFFFFE00  }
0x21e: {  	_ =	swait.ge [sflag:s19], $0x200  }
0x21f: {  	[sflag:s19] =	ssyncset.done $0x0  }
0x220: {  	[sflag:s19] =	ssyncadd.s32 $0xFFFFFE00  }
0x221: {  	_ =	swait.ge [sflag:s19], $0x200  }
0x222: {  	[sflag:s19] =	ssyncset.done $0x0  }
0x223: {  	[sflag:s19] =	ssyncadd.s32 $0xFFFFFE00  }
0x224: {  	_ =	swait.ge [sflag:s19], $0x200  }
0x225: {  	[sflag:s19] =	ssyncset.done $0x0  }
0x226: {  	[sflag:s19] =	ssyncadd.s32 $0xFFFFFE00  }
0x227: {  	_ =	swait.ge [sflag:s19], $0x200  }
0x228: {  	[sflag:s19] =	ssyncset.done $0x0  }
0x229: {  	[sflag:s19] =	ssyncadd.s32 $0xFFFFFE00  }
0x22a: {  	_ =	swait.ge [sflag:s19], $0x200  }
0x22b: {  	[sflag:s19] =	ssyncset.done $0x0  }
0x22c: {  	[sflag:s19] =	ssyncadd.s32 $0xFFFFFE00  }
0x22d: {  	_ =	swait.ge [sflag:s19], $0x200  }
0x22e: {  	[sflag:s19] =	ssyncset.done $0x0  }
0x22f: {  	[sflag:s19] =	ssyncadd.s32 $0xFFFFFE00  }
0x230: {  	_ =	swait.ge [sflag:s19], $0x200  }
0x231: {  	[sflag:s19] =	ssyncset.done $0x0  }
0x232: {  	[sflag:s19] =	ssyncadd.s32 $0xFFFFFE00  }
0x233: {  	_ =	swait.ge [sflag:s19], $0x200  }
0x234: {  	[sflag:s19] =	ssyncset.done $0x0  }
0x235: {  	[sflag:s19] =	ssyncadd.s32 $0xFFFFFE00  }
0x236: {  	_ =	swait.ge [sflag:s19], $0x200  }
0x237: {  	[sflag:s19] =	ssyncset.done $0x0  }
0x238: {  	[sflag:s19] =	ssyncadd.s32 $0xFFFFFE00  }
0x239: {  	_ =	swait.ge [sflag:s19], $0x200  }
0x23a: {  	[sflag:s19] =	ssyncset.done $0x0  }
0x23b: {  	[sflag:s19] =	ssyncadd.s32 $0xFFFFFE00  }
0x23c: {  	_ =	swait.ge [sflag:s19], $0x200  }
0x23d: {  	[sflag:s19] =	ssyncset.done $0x0  }
0x23e: {  	[sflag:s19] =	ssyncadd.s32 $0xFFFFFE00  }
0x23f: {  	_ =	swait.ge [sflag:s19], $0x200  }
0x240: {  	[sflag:s19] =	ssyncset.done $0x0  }
0x241: {  	[sflag:s19] =	ssyncadd.s32 $0xFFFFFE00  }
0x242: {  	_ =	swait.ge [sflag:s19], $0x200  }
0x243: {  	[sflag:s19] =	ssyncset.done $0x0  }
0x244: {  	[sflag:s19] =	ssyncadd.s32 $0xFFFFFE00  }
0x245: {  	_ =	swait.ge [sflag:s19], $0x200  }
0x246: {  	[sflag:s19] =	ssyncset.done $0x0  }
0x247: {  	[sflag:s19] =	ssyncadd.s32 $0xFFFFFE00  }
0x248: {  	_ =	swait.ge [sflag:s19], $0x200  }
0x249: {  	[sflag:s19] =	ssyncset.done $0x0  }
0x24a: {  	[sflag:s19] =	ssyncadd.s32 $0xFFFFFE00  }
0x24b: {  	_ =	swait.ge [sflag:s19], $0x200  }
0x24c: {  	[sflag:s19] =	ssyncset.done $0x0  }
0x24d: {  	[sflag:s19] =	ssyncadd.s32 $0xFFFFFE00  }
0x24e: {  	_ =	swait.ge [sflag:s19], $0x200  }
0x24f: {  	[sflag:s19] =	ssyncset.done $0x0  }
0x250: {  	[sflag:s19] =	ssyncadd.s32 $0xFFFFFE00  }
0x251: {  	_ =	swait.ge [sflag:s19], $0x200  }
0x252: {  	[sflag:s19] =	ssyncset.done $0x0  }
0x253: {  	[sflag:s19] =	ssyncadd.s32 $0xFFFFFE00  }
0x254: {  	_ =	swait.ge [sflag:s19], $0x200  }
0x255: {  	[sflag:s19] =	ssyncset.done $0x0  }
0x256: {  	[sflag:s19] =	ssyncadd.s32 $0xFFFFFE00  }
0x257: {  	_ =	swait.ge [sflag:s19], $0x200  }
0x258: {  	[sflag:s19] =	ssyncset.done $0x0  }
0x259: {  	[sflag:s19] =	ssyncadd.s32 $0xFFFFFE00  }
0x25a: {  	_ =	swait.ge [sflag:s19], $0x200  }
0x25b: {  	[sflag:s19] =	ssyncset.done $0x0  }
0x25c: {  	[sflag:s19] =	ssyncadd.s32 $0xFFFFFE00  }
0x25d: {  	_ =	swait.ge [sflag:s19], $0x200  }
0x25e: {  	[sflag:s19] =	ssyncset.done $0x0  }
0x25f: {  	[sflag:s19] =	ssyncadd.s32 $0xFFFFFE00  }
0x260: {  	_ =	swait.ge [sflag:s19], $0x200  }
0x261: {  	[sflag:s19] =	ssyncset.done $0x0  }
0x262: {  	[sflag:s19] =	ssyncadd.s32 $0xFFFFFE00  }
0x263: {  	_ =	swait.ge [sflag:s19], $0x200  }
0x264: {  	[sflag:s19] =	ssyncset.done $0x0  }
0x265: {  	[sflag:s19] =	ssyncadd.s32 $0xFFFFFE00  }
0x266: {  	_ =	swait.ge [sflag:s19], $0x200  }
0x267: {  	[sflag:s19] =	ssyncset.done $0x0  }
0x268: {  	[sflag:s19] =	ssyncadd.s32 $0xFFFFFE00  }
0x269: {  	_ =	swait.ge [sflag:s19], $0x200  }
0x26a: {  	[sflag:s19] =	ssyncset.done $0x0  }
0x26b: {  	[sflag:s19] =	ssyncadd.s32 $0xFFFFFE00  }
0x26c: {  	_ =	swait.ge [sflag:s19], $0x200  }
0x26d: {  	[sflag:s19] =	ssyncset.done $0x0  }
0x26e: {  	[sflag:s19] =	ssyncadd.s32 $0xFFFFFE00  }
0x26f: {  	_ =	swait.ge [sflag:s19], $0x200  }
0x270: {  	[sflag:s19] =	ssyncset.done $0x0  }
0x271: {  	[sflag:s19] =	ssyncadd.s32 $0xFFFFFE00  }
0x272: {  	_ =	swait.ge [sflag:s19], $0x200  }
0x273: {  	[sflag:s19] =	ssyncset.done $0x0  }
0x274: {  	[sflag:s19] =	ssyncadd.s32 $0xFFFFFE00  }
0x275: {  	_ =	swait.ge [sflag:s19], $0x200  }
0x276: {  	[sflag:s19] =	ssyncset.done $0x0  }
0x277: {  	[sflag:s19] =	ssyncadd.s32 $0xFFFFFE00  }
0x278: {  	_ =	swait.ge [sflag:s19], $0x200  }
0x279: {  	[sflag:s19] =	ssyncset.done $0x0  }
0x27a: {  	[sflag:s19] =	ssyncadd.s32 $0xFFFFFE00  }
0x27b: {  	_ =	swait.ge [sflag:s19], $0x200  }
0x27c: {  	[sflag:s19] =	ssyncset.done $0x0  }
0x27d: {  	[sflag:s19] =	ssyncadd.s32 $0xFFFFFE00  }
0x27e: {  	_ =	swait.ge [sflag:s19], $0x200  }
0x27f: {  	[sflag:s19] =	ssyncset.done $0x0  }
0x280: {  	[sflag:s19] =	ssyncadd.s32 $0xFFFFFE00  }
0x281: {  	_ =	swait.ge [sflag:s19], $0x200  }
0x282: {  	[sflag:s19] =	ssyncset.done $0x0  }
0x283: {  	[sflag:s19] =	ssyncadd.s32 $0xFFFFFE00  }
0x284: {  	_ =	swait.ge [sflag:s19], $0x200  }
0x285: {  	[sflag:s19] =	ssyncset.done $0x0  }
0x286: {  	[sflag:s19] =	ssyncadd.s32 $0xFFFFFE00  }
0x287: {  	_ =	swait.ge [sflag:s19], $0x200  }
0x288: {  	[sflag:s19] =	ssyncset.done $0x0  }
0x289: {  	[sflag:s19] =	ssyncadd.s32 $0xFFFFFE00  }
0x28a: {  	_ =	swait.ge [sflag:s19], $0x200  }
0x28b: {  	[sflag:s19] =	ssyncset.done $0x0  }
0x28c: {  	[sflag:s19] =	ssyncadd.s32 $0xFFFFFE00  }
0x28d: {  	_ =	swait.ge [sflag:s19], $0x200  }
0x28e: {  	[sflag:s19] =	ssyncset.done $0x0  }
0x28f: {  	[sflag:s19] =	ssyncadd.s32 $0xFFFFFE00  }
0x290: {  	v0 =	vld [tilespmem:$0x12E00];
	_ =	sdelay $0x4  }
0x291: {  	[tilespmem:$0x1FFF0] =	vst v0  }
0x292: {  	_ =	swait.ge [sflag:s20], $0x3200  }
0x293: {  	[sflag:s20] =	ssyncset.done $0x0  }
0x294: {  	s25 =	simm.s32 $0x0;
	[sflag:s20] =	ssyncadd.s32 $0xFFFFCE00  }
0x295: {  	v1 =	vld [tilespmem:s25+$0xC800]  }
0x296: {  	v3 =	vimm.f32 $0.0e+00;
	v4 =	vimm.f32 $0.0e+00;
	s23 =	simm.s32 $0x800;
	v0 =	vimm.f32 $0.0e+00;
	v2 =	vld [tilespmem:s25+$0x6400]  }
.LBB2_2:
0x297: {  	_ = 	snop  }
0x298: {  	p0 =	sne.s32 s23, $0xC000  }
.Ltmp0:
0x299: {  	_ = 	snop;
	(pc) =	sbr.rel @p0 .LBB2_2-.Ltmp0, $4  }
0x29a: {  	_ = 	snop  }
0x29b: {  	s24 =	sshra.s32 s23, $0x2;
	v5 =	vmul.f32 v2, v1  }
0x29c: {  	v1 =	vld [tilespmem:s24+$0xC800]  }
0x29d: {  	s23 =	sadd.s32 $0x800, s23;
	v3 =	vadd.f32 v2, v3;
	v2 =	vld [tilespmem:s24+$0x6400];
	v4 =	vadd.f32 v5, v4  }
0x29e: {  	_ =	sdelay $0x3  }
0x29f: {  	s24 =	simm.s32 $0x10;
	v6 =	vmul.f32 v2, v1;
	v2 =	vadd.f32 v2, v3  }
0x2a0: {  	v1 =	vld [tilespmem:s24+$0xC800]  }
0x2a1: {  	s23 =	simm.s32 $0x840;
	v3 =	vld [tilespmem:s24+$0x6400];
	[tilespmem:$0x1FFE0] =	vst v2;
	v6 =	vadd.f32 v6, v4;
	v2 =	vimm.f32 $0.0e+00  }
.LBB2_4:
0x2a2: {  	_ = 	snop  }
0x2a3: {  	p0 =	sne.s32 s23, $0xC040  }
.Ltmp1:
0x2a4: {  	_ = 	snop;
	(pc) =	sbr.rel @p0 .LBB2_4-.Ltmp1, $4  }
0x2a5: {  	_ = 	snop  }
0x2a6: {  	s24 =	sshra.s32 s23, $0x2;
	v4 =	vmul.f32 v3, v1  }
0x2a7: {  	v1 =	vld [tilespmem:s24+$0xC800]  }
0x2a8: {  	s23 =	sadd.s32 $0x800, s23;
	v0 =	vadd.f32 v3, v0;
	v3 =	vld [tilespmem:s24+$0x6400];
	v2 =	vadd.f32 v4, v2  }
0x2a9: {  	_ =	sdelay $0x3  }
0x2aa: {  	s24 =	simm.s32 $0x20;
	v1 =	vmul.f32 v3, v1;
	v0 =	vadd.f32 v3, v0  }
0x2ab: {  	v4 =	vld [tilespmem:s24+$0x6400];
	v3 =	vimm.f32 $0.0e+00  }
0x2ac: {  	s23 =	simm.s32 $0x880;
	[tilespmem:$0x1FFD0] =	vst v0;
	v5 =	vadd.f32 v1, v2;
	v1 =	vld [tilespmem:s24+$0xC800];
	v0 =	vimm.f32 $0.0e+00;
	v2 =	vimm.f32 $0.0e+00  }
.LBB2_6:
0x2ad: {  	_ = 	snop  }
0x2ae: {  	p0 =	sne.s32 s23, $0xC080  }
.Ltmp2:
0x2af: {  	_ = 	snop;
	(pc) =	sbr.rel @p0 .LBB2_6-.Ltmp2, $4  }
0x2b0: {  	_ = 	snop  }
0x2b1: {  	s24 =	sshra.s32 s23, $0x2;
	v7 =	vmul.f32 v4, v1  }
0x2b2: {  	v1 =	vld [tilespmem:s24+$0xC800]  }
0x2b3: {  	s23 =	sadd.s32 $0x800, s23;
	v2 =	vadd.f32 v4, v2;
	v4 =	vld [tilespmem:s24+$0x6400];
	v3 =	vadd.f32 v7, v3  }
0x2b4: {  	_ =	sdelay $0x3  }
0x2b5: {  	s24 =	simm.s32 $0x30;
	v7 =	vmul.f32 v4, v1  }
0x2b6: {  	v1 =	vld [tilespmem:s24+$0xC800]  }
0x2b7: {  	s23 =	simm.s32 $0x8C0;
	v9 =	vadd.f32 v4, v2;
	v2 =	vimm.f32 $0.0e+00;
	v10 =	vadd.f32 v7, v3;
	v3 =	vld [tilespmem:s24+$0x6400]  }
.LBB2_8:
0x2b8: {  	_ = 	snop  }
0x2b9: {  	p0 =	sne.s32 s23, $0xC0C0  }
.Ltmp3:
0x2ba: {  	_ = 	snop;
	(pc) =	sbr.rel @p0 .LBB2_8-.Ltmp3, $4  }
0x2bb: {  	_ = 	snop  }
0x2bc: {  	s24 =	sshra.s32 s23, $0x2;
	v4 =	vmul.f32 v3, v1  }
0x2bd: {  	v1 =	vld [tilespmem:s24+$0xC800]  }
0x2be: {  	s23 =	sadd.s32 $0x800, s23;
	v0 =	vadd.f32 v3, v0;
	v3 =	vld [tilespmem:s24+$0x6400];
	v2 =	vadd.f32 v4, v2  }
0x2bf: {  	_ =	sdelay $0x3  }
0x2c0: {  	s24 =	simm.s32 $0x40;
	v1 =	vmul.f32 v3, v1  }
0x2c1: {  	v4 =	vld [tilespmem:s24+$0x6400];
	v7 =	vadd.f32 v3, v0;
	v0 =	vimm.f32 $0.0e+00  }
0x2c2: {  	s23 =	simm.s32 $0x900;
	v3 =	vimm.f32 $0.0e+00;
	v8 =	vadd.f32 v1, v2;
	v1 =	vld [tilespmem:s24+$0xC800];
	v2 =	vimm.f32 $0.0e+00  }
.LBB2_10:
0x2c3: {  	_ = 	snop  }
0x2c4: {  	p0 =	sne.s32 s23, $0xC100  }
.Ltmp4:
0x2c5: {  	_ = 	snop;
	(pc) =	sbr.rel @p0 .LBB2_10-.Ltmp4, $4  }
0x2c6: {  	_ = 	snop  }
0x2c7: {  	s24 =	sshra.s32 s23, $0x2;
	v11 =	vmul.f32 v4, v1  }
0x2c8: {  	v1 =	vld [tilespmem:s24+$0xC800]  }
0x2c9: {  	s23 =	sadd.s32 $0x800, s23;
	v2 =	vadd.f32 v4, v2;
	v4 =	vld [tilespmem:s24+$0x6400];
	v3 =	vadd.f32 v11, v3  }
0x2ca: {  	_ =	sdelay $0x3  }
0x2cb: {  	s24 =	simm.s32 $0x50;
	v11 =	vmul.f32 v4, v1  }
0x2cc: {  	v1 =	vld [tilespmem:s24+$0xC800]  }
0x2cd: {  	s23 =	simm.s32 $0x940;
	v13 =	vadd.f32 v4, v2;
	v2 =	vimm.f32 $0.0e+00;
	v14 =	vadd.f32 v11, v3;
	v3 =	vld [tilespmem:s24+$0x6400]  }
.LBB2_12:
0x2ce: {  	_ = 	snop  }
0x2cf: {  	p0 =	sne.s32 s23, $0xC140  }
.Ltmp5:
0x2d0: {  	_ = 	snop;
	(pc) =	sbr.rel @p0 .LBB2_12-.Ltmp5, $4  }
0x2d1: {  	_ = 	snop  }
0x2d2: {  	s24 =	sshra.s32 s23, $0x2;
	v4 =	vmul.f32 v3, v1  }
0x2d3: {  	v1 =	vld [tilespmem:s24+$0xC800]  }
0x2d4: {  	s23 =	sadd.s32 $0x800, s23;
	v0 =	vadd.f32 v3, v0;
	v3 =	vld [tilespmem:s24+$0x6400];
	v2 =	vadd.f32 v4, v2  }
0x2d5: {  	_ =	sdelay $0x3  }
0x2d6: {  	s24 =	simm.s32 $0x60;
	v1 =	vmul.f32 v3, v1  }
0x2d7: {  	v4 =	vld [tilespmem:s24+$0x6400];
	v11 =	vadd.f32 v3, v0;
	v0 =	vimm.f32 $0.0e+00  }
0x2d8: {  	s23 =	simm.s32 $0x980;
	v3 =	vimm.f32 $0.0e+00;
	v12 =	vadd.f32 v1, v2;
	v1 =	vld [tilespmem:s24+$0xC800];
	v2 =	vimm.f32 $0.0e+00  }
.LBB2_14:
0x2d9: {  	_ = 	snop  }
0x2da: {  	p0 =	sne.s32 s23, $0xC180  }
.Ltmp6:
0x2db: {  	_ = 	snop;
	(pc) =	sbr.rel @p0 .LBB2_14-.Ltmp6, $4  }
0x2dc: {  	_ = 	snop  }
0x2dd: {  	s24 =	sshra.s32 s23, $0x2;
	v15 =	vmul.f32 v4, v1  }
0x2de: {  	v1 =	vld [tilespmem:s24+$0xC800]  }
0x2df: {  	s23 =	sadd.s32 $0x800, s23;
	v2 =	vadd.f32 v4, v2;
	v4 =	vld [tilespmem:s24+$0x6400];
	v3 =	vadd.f32 v15, v3  }
0x2e0: {  	_ =	sdelay $0x3  }
0x2e1: {  	s24 =	simm.s32 $0x70;
	v15 =	vmul.f32 v4, v1  }
0x2e2: {  	v1 =	vld [tilespmem:s24+$0xC800]  }
0x2e3: {  	s23 =	simm.s32 $0x9C0;
	v17 =	vadd.f32 v4, v2;
	v2 =	vimm.f32 $0.0e+00;
	v18 =	vadd.f32 v15, v3;
	v3 =	vld [tilespmem:s24+$0x6400]  }
.LBB2_16:
0x2e4: {  	_ = 	snop  }
0x2e5: {  	p0 =	sne.s32 s23, $0xC1C0  }
.Ltmp7:
0x2e6: {  	_ = 	snop;
	(pc) =	sbr.rel @p0 .LBB2_16-.Ltmp7, $4  }
0x2e7: {  	_ = 	snop  }
0x2e8: {  	s24 =	sshra.s32 s23, $0x2;
	v4 =	vmul.f32 v3, v1  }
0x2e9: {  	v1 =	vld [tilespmem:s24+$0xC800]  }
0x2ea: {  	s23 =	sadd.s32 $0x800, s23;
	v0 =	vadd.f32 v3, v0;
	v3 =	vld [tilespmem:s24+$0x6400];
	v2 =	vadd.f32 v4, v2  }
0x2eb: {  	_ =	sdelay $0x3  }
0x2ec: {  	s24 =	simm.s32 $0x80;
	v1 =	vmul.f32 v3, v1  }
0x2ed: {  	v4 =	vld [tilespmem:s24+$0x6400];
	v15 =	vadd.f32 v3, v0;
	v0 =	vimm.f32 $0.0e+00  }
0x2ee: {  	s23 =	simm.s32 $0xA00;
	v3 =	vimm.f32 $0.0e+00;
	v16 =	vadd.f32 v1, v2;
	v1 =	vld [tilespmem:s24+$0xC800];
	v2 =	vimm.f32 $0.0e+00  }
.LBB2_18:
0x2ef: {  	_ = 	snop  }
0x2f0: {  	p0 =	sne.s32 s23, $0xC200  }
.Ltmp8:
0x2f1: {  	_ = 	snop;
	(pc) =	sbr.rel @p0 .LBB2_18-.Ltmp8, $4  }
0x2f2: {  	_ = 	snop  }
0x2f3: {  	s24 =	sshra.s32 s23, $0x2;
	v19 =	vmul.f32 v4, v1  }
0x2f4: {  	v1 =	vld [tilespmem:s24+$0xC800]  }
0x2f5: {  	s23 =	sadd.s32 $0x800, s23;
	v2 =	vadd.f32 v4, v2;
	v4 =	vld [tilespmem:s24+$0x6400];
	v3 =	vadd.f32 v19, v3  }
0x2f6: {  	_ =	sdelay $0x3  }
0x2f7: {  	s24 =	simm.s32 $0x90;
	v19 =	vmul.f32 v4, v1  }
0x2f8: {  	v1 =	vld [tilespmem:s24+$0xC800]  }
0x2f9: {  	s23 =	simm.s32 $0xA40;
	v21 =	vadd.f32 v4, v2;
	v2 =	vimm.f32 $0.0e+00;
	v22 =	vadd.f32 v19, v3;
	v3 =	vld [tilespmem:s24+$0x6400]  }
.LBB2_20:
0x2fa: {  	_ = 	snop  }
0x2fb: {  	p0 =	sne.s32 s23, $0xC240  }
.Ltmp9:
0x2fc: {  	_ = 	snop;
	(pc) =	sbr.rel @p0 .LBB2_20-.Ltmp9, $4  }
0x2fd: {  	_ = 	snop  }
0x2fe: {  	s24 =	sshra.s32 s23, $0x2;
	v4 =	vmul.f32 v3, v1  }
0x2ff: {  	v1 =	vld [tilespmem:s24+$0xC800]  }
0x300: {  	s23 =	sadd.s32 $0x800, s23;
	v0 =	vadd.f32 v3, v0;
	v3 =	vld [tilespmem:s24+$0x6400];
	v2 =	vadd.f32 v4, v2  }
0x301: {  	_ =	sdelay $0x3  }
0x302: {  	s24 =	simm.s32 $0xA0;
	v1 =	vmul.f32 v3, v1  }
0x303: {  	v4 =	vld [tilespmem:s24+$0x6400];
	v19 =	vadd.f32 v3, v0;
	v0 =	vimm.f32 $0.0e+00  }
0x304: {  	s23 =	simm.s32 $0xA80;
	v3 =	vimm.f32 $0.0e+00;
	v20 =	vadd.f32 v1, v2;
	v1 =	vld [tilespmem:s24+$0xC800];
	v2 =	vimm.f32 $0.0e+00  }
.LBB2_22:
0x305: {  	_ = 	snop  }
0x306: {  	p0 =	sne.s32 s23, $0xC280  }
.Ltmp10:
0x307: {  	_ = 	snop;
	(pc) =	sbr.rel @p0 .LBB2_22-.Ltmp10, $4  }
0x308: {  	_ = 	snop  }
0x309: {  	s24 =	sshra.s32 s23, $0x2;
	v23 =	vmul.f32 v4, v1  }
0x30a: {  	v1 =	vld [tilespmem:s24+$0xC800]  }
0x30b: {  	s23 =	sadd.s32 $0x800, s23;
	v2 =	vadd.f32 v4, v2;
	v4 =	vld [tilespmem:s24+$0x6400];
	v3 =	vadd.f32 v23, v3  }
0x30c: {  	_ =	sdelay $0x3  }
0x30d: {  	s24 =	simm.s32 $0xB0;
	v23 =	vmul.f32 v4, v1  }
0x30e: {  	v1 =	vld [tilespmem:s24+$0xC800]  }
0x30f: {  	s23 =	simm.s32 $0xAC0;
	v25 =	vadd.f32 v4, v2;
	v2 =	vimm.f32 $0.0e+00;
	v26 =	vadd.f32 v23, v3;
	v3 =	vld [tilespmem:s24+$0x6400]  }
.LBB2_24:
0x310: {  	_ = 	snop  }
0x311: {  	p0 =	sne.s32 s23, $0xC2C0  }
.Ltmp11:
0x312: {  	_ = 	snop;
	(pc) =	sbr.rel @p0 .LBB2_24-.Ltmp11, $4  }
0x313: {  	_ = 	snop  }
0x314: {  	s24 =	sshra.s32 s23, $0x2;
	v4 =	vmul.f32 v3, v1  }
0x315: {  	v1 =	vld [tilespmem:s24+$0xC800]  }
0x316: {  	s23 =	sadd.s32 $0x800, s23;
	v0 =	vadd.f32 v3, v0;
	v3 =	vld [tilespmem:s24+$0x6400];
	v2 =	vadd.f32 v4, v2  }
0x317: {  	_ =	sdelay $0x3  }
0x318: {  	s24 =	simm.s32 $0xC0;
	v1 =	vmul.f32 v3, v1  }
0x319: {  	v4 =	vld [tilespmem:s24+$0x6400];
	v23 =	vadd.f32 v3, v0;
	v0 =	vimm.f32 $0.0e+00  }
0x31a: {  	s23 =	simm.s32 $0xB00;
	v3 =	vimm.f32 $0.0e+00;
	v24 =	vadd.f32 v1, v2;
	v1 =	vld [tilespmem:s24+$0xC800];
	v2 =	vimm.f32 $0.0e+00  }
.LBB2_26:
0x31b: {  	_ = 	snop  }
0x31c: {  	p0 =	sne.s32 s23, $0xC300  }
.Ltmp12:
0x31d: {  	_ = 	snop;
	(pc) =	sbr.rel @p0 .LBB2_26-.Ltmp12, $4  }
0x31e: {  	_ = 	snop  }
0x31f: {  	s24 =	sshra.s32 s23, $0x2;
	v27 =	vmul.f32 v4, v1  }
0x320: {  	v1 =	vld [tilespmem:s24+$0xC800]  }
0x321: {  	s23 =	sadd.s32 $0x800, s23;
	v2 =	vadd.f32 v4, v2;
	v4 =	vld [tilespmem:s24+$0x6400];
	v3 =	vadd.f32 v27, v3  }
0x322: {  	_ =	sdelay $0x3  }
0x323: {  	s24 =	simm.s32 $0xD0;
	v27 =	vmul.f32 v4, v1  }
0x324: {  	v1 =	vld [tilespmem:s24+$0xC800]  }
0x325: {  	s23 =	simm.s32 $0xB40;
	v29 =	vadd.f32 v4, v2;
	v2 =	vimm.f32 $0.0e+00;
	v30 =	vadd.f32 v27, v3;
	v3 =	vld [tilespmem:s24+$0x6400]  }
.LBB2_28:
0x326: {  	_ = 	snop  }
0x327: {  	p0 =	sne.s32 s23, $0xC340  }
.Ltmp13:
0x328: {  	_ = 	snop;
	(pc) =	sbr.rel @p0 .LBB2_28-.Ltmp13, $4  }
0x329: {  	_ = 	snop  }
0x32a: {  	s24 =	sshra.s32 s23, $0x2;
	v4 =	vmul.f32 v3, v1  }
0x32b: {  	v1 =	vld [tilespmem:s24+$0xC800]  }
0x32c: {  	s23 =	sadd.s32 $0x800, s23;
	v0 =	vadd.f32 v3, v0;
	v3 =	vld [tilespmem:s24+$0x6400];
	v2 =	vadd.f32 v4, v2  }
0x32d: {  	_ =	sdelay $0x3  }
0x32e: {  	s24 =	simm.s32 $0xE0;
	v1 =	vmul.f32 v3, v1  }
0x32f: {  	v4 =	vld [tilespmem:s24+$0x6400];
	v27 =	vadd.f32 v3, v0;
	v0 =	vimm.f32 $0.0e+00  }
0x330: {  	s23 =	simm.s32 $0xB80;
	v3 =	vimm.f32 $0.0e+00;
	v28 =	vadd.f32 v1, v2;
	v1 =	vld [tilespmem:s24+$0xC800];
	v2 =	vimm.f32 $0.0e+00  }
.LBB2_30:
0x331: {  	_ = 	snop  }
0x332: {  	p0 =	sne.s32 s23, $0xC380  }
.Ltmp14:
0x333: {  	_ = 	snop;
	(pc) =	sbr.rel @p0 .LBB2_30-.Ltmp14, $4  }
0x334: {  	_ = 	snop  }
0x335: {  	s24 =	sshra.s32 s23, $0x2;
	v31 =	vmul.f32 v4, v1  }
0x336: {  	v1 =	vld [tilespmem:s24+$0xC800]  }
0x337: {  	s23 =	sadd.s32 $0x800, s23;
	v2 =	vadd.f32 v4, v2;
	v4 =	vld [tilespmem:s24+$0x6400];
	v3 =	vadd.f32 v31, v3  }
0x338: {  	_ =	sdelay $0x3  }
0x339: {  	s24 =	simm.s32 $0xF0;
	v31 =	vmul.f32 v4, v1  }
0x33a: {  	v1 =	vld [tilespmem:s24+$0xC800]  }
0x33b: {  	s23 =	simm.s32 $0xBC0;
	v33 =	vadd.f32 v4, v2;
	v2 =	vimm.f32 $0.0e+00;
	v34 =	vadd.f32 v31, v3;
	v3 =	vld [tilespmem:s24+$0x6400]  }
.LBB2_32:
0x33c: {  	_ = 	snop  }
0x33d: {  	p0 =	sne.s32 s23, $0xC3C0  }
.Ltmp15:
0x33e: {  	_ = 	snop;
	(pc) =	sbr.rel @p0 .LBB2_32-.Ltmp15, $4  }
0x33f: {  	_ = 	snop  }
0x340: {  	s24 =	sshra.s32 s23, $0x2;
	v4 =	vmul.f32 v3, v1  }
0x341: {  	v1 =	vld [tilespmem:s24+$0xC800]  }
0x342: {  	s23 =	sadd.s32 $0x800, s23;
	v0 =	vadd.f32 v3, v0;
	v3 =	vld [tilespmem:s24+$0x6400];
	v2 =	vadd.f32 v4, v2  }
0x343: {  	_ =	sdelay $0x3  }
0x344: {  	s24 =	simm.s32 $0x100;
	v1 =	vmul.f32 v3, v1  }
0x345: {  	v4 =	vld [tilespmem:s24+$0x6400];
	v31 =	vadd.f32 v3, v0;
	v0 =	vimm.f32 $0.0e+00  }
0x346: {  	s23 =	simm.s32 $0xC00;
	v3 =	vimm.f32 $0.0e+00;
	v32 =	vadd.f32 v1, v2;
	v1 =	vld [tilespmem:s24+$0xC800];
	v2 =	vimm.f32 $0.0e+00  }
.LBB2_34:
0x347: {  	_ = 	snop  }
0x348: {  	p0 =	sne.s32 s23, $0xC400  }
.Ltmp16:
0x349: {  	_ = 	snop;
	(pc) =	sbr.rel @p0 .LBB2_34-.Ltmp16, $4  }
0x34a: {  	_ = 	snop  }
0x34b: {  	s24 =	sshra.s32 s23, $0x2;
	v35 =	vmul.f32 v4, v1  }
0x34c: {  	v1 =	vld [tilespmem:s24+$0xC800]  }
0x34d: {  	s23 =	sadd.s32 $0x800, s23;
	v2 =	vadd.f32 v4, v2;
	v4 =	vld [tilespmem:s24+$0x6400];
	v3 =	vadd.f32 v35, v3  }
0x34e: {  	_ =	sdelay $0x3  }
0x34f: {  	s24 =	simm.s32 $0x110;
	v35 =	vmul.f32 v4, v1  }
0x350: {  	v1 =	vld [tilespmem:s24+$0xC800]  }
0x351: {  	s23 =	simm.s32 $0xC40;
	v37 =	vadd.f32 v4, v2;
	v2 =	vimm.f32 $0.0e+00;
	v38 =	vadd.f32 v35, v3;
	v3 =	vld [tilespmem:s24+$0x6400]  }
.LBB2_36:
0x352: {  	_ = 	snop  }
0x353: {  	p0 =	sne.s32 s23, $0xC440  }
.Ltmp17:
0x354: {  	_ = 	snop;
	(pc) =	sbr.rel @p0 .LBB2_36-.Ltmp17, $4  }
0x355: {  	_ = 	snop  }
0x356: {  	s24 =	sshra.s32 s23, $0x2;
	v4 =	vmul.f32 v3, v1  }
0x357: {  	v1 =	vld [tilespmem:s24+$0xC800]  }
0x358: {  	s23 =	sadd.s32 $0x800, s23;
	v0 =	vadd.f32 v3, v0;
	v3 =	vld [tilespmem:s24+$0x6400];
	v2 =	vadd.f32 v4, v2  }
0x359: {  	_ =	sdelay $0x3  }
0x35a: {  	s24 =	simm.s32 $0x120;
	v1 =	vmul.f32 v3, v1  }
0x35b: {  	v4 =	vld [tilespmem:s24+$0x6400];
	v35 =	vadd.f32 v3, v0;
	v0 =	vimm.f32 $0.0e+00  }
0x35c: {  	s23 =	simm.s32 $0xC80;
	v3 =	vimm.f32 $0.0e+00;
	v36 =	vadd.f32 v1, v2;
	v1 =	vld [tilespmem:s24+$0xC800];
	v2 =	vimm.f32 $0.0e+00  }
.LBB2_38:
0x35d: {  	_ = 	snop  }
0x35e: {  	p0 =	sne.s32 s23, $0xC480  }
.Ltmp18:
0x35f: {  	_ = 	snop;
	(pc) =	sbr.rel @p0 .LBB2_38-.Ltmp18, $4  }
0x360: {  	_ = 	snop  }
0x361: {  	s24 =	sshra.s32 s23, $0x2;
	v39 =	vmul.f32 v4, v1  }
0x362: {  	v1 =	vld [tilespmem:s24+$0xC800]  }
0x363: {  	s23 =	sadd.s32 $0x800, s23;
	v2 =	vadd.f32 v4, v2;
	v4 =	vld [tilespmem:s24+$0x6400];
	v3 =	vadd.f32 v39, v3  }
0x364: {  	_ =	sdelay $0x3  }
0x365: {  	s24 =	simm.s32 $0x130;
	v39 =	vmul.f32 v4, v1  }
0x366: {  	v1 =	vld [tilespmem:s24+$0xC800]  }
0x367: {  	s23 =	simm.s32 $0xCC0;
	v41 =	vadd.f32 v4, v2;
	v2 =	vimm.f32 $0.0e+00;
	v42 =	vadd.f32 v39, v3;
	v3 =	vld [tilespmem:s24+$0x6400]  }
.LBB2_40:
0x368: {  	_ = 	snop  }
0x369: {  	p0 =	sne.s32 s23, $0xC4C0  }
.Ltmp19:
0x36a: {  	_ = 	snop;
	(pc) =	sbr.rel @p0 .LBB2_40-.Ltmp19, $4  }
0x36b: {  	_ = 	snop  }
0x36c: {  	s24 =	sshra.s32 s23, $0x2;
	v4 =	vmul.f32 v3, v1  }
0x36d: {  	v1 =	vld [tilespmem:s24+$0xC800]  }
0x36e: {  	s23 =	sadd.s32 $0x800, s23;
	v0 =	vadd.f32 v3, v0;
	v3 =	vld [tilespmem:s24+$0x6400];
	v2 =	vadd.f32 v4, v2  }
0x36f: {  	_ =	sdelay $0x3  }
0x370: {  	s24 =	simm.s32 $0x140;
	v1 =	vmul.f32 v3, v1  }
0x371: {  	v4 =	vld [tilespmem:s24+$0x6400];
	v39 =	vadd.f32 v3, v0;
	v0 =	vimm.f32 $0.0e+00  }
0x372: {  	s23 =	simm.s32 $0xD00;
	v3 =	vimm.f32 $0.0e+00;
	v40 =	vadd.f32 v1, v2;
	v1 =	vld [tilespmem:s24+$0xC800];
	v2 =	vimm.f32 $0.0e+00  }
.LBB2_42:
0x373: {  	_ = 	snop  }
0x374: {  	p0 =	sne.s32 s23, $0xC500  }
.Ltmp20:
0x375: {  	_ = 	snop;
	(pc) =	sbr.rel @p0 .LBB2_42-.Ltmp20, $4  }
0x376: {  	_ = 	snop  }
0x377: {  	s24 =	sshra.s32 s23, $0x2;
	v43 =	vmul.f32 v4, v1  }
0x378: {  	v1 =	vld [tilespmem:s24+$0xC800]  }
0x379: {  	s23 =	sadd.s32 $0x800, s23;
	v2 =	vadd.f32 v4, v2;
	v4 =	vld [tilespmem:s24+$0x6400];
	v3 =	vadd.f32 v43, v3  }
0x37a: {  	_ =	sdelay $0x3  }
0x37b: {  	s24 =	simm.s32 $0x150;
	v43 =	vmul.f32 v4, v1  }
0x37c: {  	v1 =	vld [tilespmem:s24+$0xC800]  }
0x37d: {  	s23 =	simm.s32 $0xD40;
	v45 =	vadd.f32 v4, v2;
	v2 =	vimm.f32 $0.0e+00;
	v46 =	vadd.f32 v43, v3;
	v3 =	vld [tilespmem:s24+$0x6400]  }
.LBB2_44:
0x37e: {  	_ = 	snop  }
0x37f: {  	p0 =	sne.s32 s23, $0xC540  }
.Ltmp21:
0x380: {  	_ = 	snop;
	(pc) =	sbr.rel @p0 .LBB2_44-.Ltmp21, $4  }
0x381: {  	_ = 	snop  }
0x382: {  	s24 =	sshra.s32 s23, $0x2;
	v4 =	vmul.f32 v3, v1  }
0x383: {  	v1 =	vld [tilespmem:s24+$0xC800]  }
0x384: {  	s23 =	sadd.s32 $0x800, s23;
	v0 =	vadd.f32 v3, v0;
	v3 =	vld [tilespmem:s24+$0x6400];
	v2 =	vadd.f32 v4, v2  }
0x385: {  	_ =	sdelay $0x3  }
0x386: {  	s24 =	simm.s32 $0x160;
	v1 =	vmul.f32 v3, v1  }
0x387: {  	v4 =	vld [tilespmem:s24+$0x6400];
	v43 =	vadd.f32 v3, v0;
	v0 =	vimm.f32 $0.0e+00  }
0x388: {  	s23 =	simm.s32 $0xD80;
	v3 =	vimm.f32 $0.0e+00;
	v44 =	vadd.f32 v1, v2;
	v1 =	vld [tilespmem:s24+$0xC800];
	v2 =	vimm.f32 $0.0e+00  }
.LBB2_46:
0x389: {  	_ = 	snop  }
0x38a: {  	p0 =	sne.s32 s23, $0xC580  }
.Ltmp22:
0x38b: {  	_ = 	snop;
	(pc) =	sbr.rel @p0 .LBB2_46-.Ltmp22, $4  }
0x38c: {  	_ = 	snop  }
0x38d: {  	s24 =	sshra.s32 s23, $0x2;
	v47 =	vmul.f32 v4, v1  }
0x38e: {  	v1 =	vld [tilespmem:s24+$0xC800]  }
0x38f: {  	s23 =	sadd.s32 $0x800, s23;
	v2 =	vadd.f32 v4, v2;
	v4 =	vld [tilespmem:s24+$0x6400];
	v3 =	vadd.f32 v47, v3  }
0x390: {  	_ =	sdelay $0x3  }
0x391: {  	s24 =	simm.s32 $0x170;
	v47 =	vmul.f32 v4, v1  }
0x392: {  	v1 =	vld [tilespmem:s24+$0xC800]  }
0x393: {  	s23 =	simm.s32 $0xDC0;
	v49 =	vadd.f32 v4, v2;
	v2 =	vimm.f32 $0.0e+00;
	v50 =	vadd.f32 v47, v3;
	v3 =	vld [tilespmem:s24+$0x6400]  }
.LBB2_48:
0x394: {  	_ = 	snop  }
0x395: {  	p0 =	sne.s32 s23, $0xC5C0  }
.Ltmp23:
0x396: {  	_ = 	snop;
	(pc) =	sbr.rel @p0 .LBB2_48-.Ltmp23, $4  }
0x397: {  	_ = 	snop  }
0x398: {  	s24 =	sshra.s32 s23, $0x2;
	v4 =	vmul.f32 v3, v1  }
0x399: {  	v1 =	vld [tilespmem:s24+$0xC800]  }
0x39a: {  	s23 =	sadd.s32 $0x800, s23;
	v0 =	vadd.f32 v3, v0;
	v3 =	vld [tilespmem:s24+$0x6400];
	v2 =	vadd.f32 v4, v2  }
0x39b: {  	_ =	sdelay $0x3  }
0x39c: {  	s24 =	simm.s32 $0x180;
	v1 =	vmul.f32 v3, v1  }
0x39d: {  	v4 =	vld [tilespmem:s24+$0x6400];
	v47 =	vadd.f32 v3, v0;
	v0 =	vimm.f32 $0.0e+00  }
0x39e: {  	s23 =	simm.s32 $0xE00;
	v3 =	vimm.f32 $0.0e+00;
	v48 =	vadd.f32 v1, v2;
	v1 =	vld [tilespmem:s24+$0xC800];
	v2 =	vimm.f32 $0.0e+00  }
.LBB2_50:
0x39f: {  	_ = 	snop  }
0x3a0: {  	p0 =	sne.s32 s23, $0xC600  }
.Ltmp24:
0x3a1: {  	_ = 	snop;
	(pc) =	sbr.rel @p0 .LBB2_50-.Ltmp24, $4  }
0x3a2: {  	_ = 	snop  }
0x3a3: {  	s24 =	sshra.s32 s23, $0x2;
	v51 =	vmul.f32 v4, v1  }
0x3a4: {  	v1 =	vld [tilespmem:s24+$0xC800]  }
0x3a5: {  	s23 =	sadd.s32 $0x800, s23;
	v2 =	vadd.f32 v4, v2;
	v4 =	vld [tilespmem:s24+$0x6400];
	v3 =	vadd.f32 v51, v3  }
0x3a6: {  	_ =	sdelay $0x3  }
0x3a7: {  	s24 =	simm.s32 $0x190;
	v51 =	vmul.f32 v4, v1  }
0x3a8: {  	v1 =	vld [tilespmem:s24+$0xC800]  }
0x3a9: {  	s23 =	simm.s32 $0xE40;
	v53 =	vadd.f32 v4, v2;
	v2 =	vimm.f32 $0.0e+00;
	v54 =	vadd.f32 v51, v3;
	v3 =	vld [tilespmem:s24+$0x6400]  }
.LBB2_52:
0x3aa: {  	_ = 	snop  }
0x3ab: {  	p0 =	sne.s32 s23, $0xC640  }
.Ltmp25:
0x3ac: {  	_ = 	snop;
	(pc) =	sbr.rel @p0 .LBB2_52-.Ltmp25, $4  }
0x3ad: {  	_ = 	snop  }
0x3ae: {  	s24 =	sshra.s32 s23, $0x2;
	v4 =	vmul.f32 v3, v1  }
0x3af: {  	v1 =	vld [tilespmem:s24+$0xC800]  }
0x3b0: {  	s23 =	sadd.s32 $0x800, s23;
	v0 =	vadd.f32 v3, v0;
	v3 =	vld [tilespmem:s24+$0x6400];
	v2 =	vadd.f32 v4, v2  }
0x3b1: {  	_ =	sdelay $0x3  }
0x3b2: {  	s24 =	simm.s32 $0x1A0;
	v1 =	vmul.f32 v3, v1  }
0x3b3: {  	v4 =	vld [tilespmem:s24+$0x6400];
	v51 =	vadd.f32 v3, v0;
	v0 =	vimm.f32 $0.0e+00  }
0x3b4: {  	s23 =	simm.s32 $0xE80;
	v3 =	vimm.f32 $0.0e+00;
	v52 =	vadd.f32 v1, v2;
	v1 =	vld [tilespmem:s24+$0xC800];
	v2 =	vimm.f32 $0.0e+00  }
.LBB2_54:
0x3b5: {  	_ = 	snop  }
0x3b6: {  	p0 =	sne.s32 s23, $0xC680  }
.Ltmp26:
0x3b7: {  	_ = 	snop;
	(pc) =	sbr.rel @p0 .LBB2_54-.Ltmp26, $4  }
0x3b8: {  	_ = 	snop  }
0x3b9: {  	s24 =	sshra.s32 s23, $0x2;
	v55 =	vmul.f32 v4, v1  }
0x3ba: {  	v1 =	vld [tilespmem:s24+$0xC800]  }
0x3bb: {  	s23 =	sadd.s32 $0x800, s23;
	v2 =	vadd.f32 v4, v2;
	v4 =	vld [tilespmem:s24+$0x6400];
	v3 =	vadd.f32 v55, v3  }
0x3bc: {  	_ =	sdelay $0x3  }
0x3bd: {  	s24 =	simm.s32 $0x1B0;
	v55 =	vmul.f32 v4, v1  }
0x3be: {  	v1 =	vld [tilespmem:s24+$0xC800]  }
0x3bf: {  	s23 =	simm.s32 $0xEC0;
	v57 =	vadd.f32 v4, v2;
	v2 =	vimm.f32 $0.0e+00;
	v58 =	vadd.f32 v55, v3;
	v3 =	vld [tilespmem:s24+$0x6400]  }
.LBB2_56:
0x3c0: {  	_ = 	snop  }
0x3c1: {  	p0 =	sne.s32 s23, $0xC6C0  }
.Ltmp27:
0x3c2: {  	_ = 	snop;
	(pc) =	sbr.rel @p0 .LBB2_56-.Ltmp27, $4  }
0x3c3: {  	_ = 	snop  }
0x3c4: {  	s24 =	sshra.s32 s23, $0x2;
	v4 =	vmul.f32 v3, v1  }
0x3c5: {  	v1 =	vld [tilespmem:s24+$0xC800]  }
0x3c6: {  	s23 =	sadd.s32 $0x800, s23;
	v0 =	vadd.f32 v3, v0;
	v3 =	vld [tilespmem:s24+$0x6400];
	v2 =	vadd.f32 v4, v2  }
0x3c7: {  	_ =	sdelay $0x3  }
0x3c8: {  	s24 =	simm.s32 $0x1C0;
	v1 =	vmul.f32 v3, v1  }
0x3c9: {  	v4 =	vld [tilespmem:s24+$0x6400];
	v55 =	vadd.f32 v3, v0;
	v0 =	vimm.f32 $0.0e+00  }
0x3ca: {  	s23 =	simm.s32 $0xF00;
	v3 =	vimm.f32 $0.0e+00;
	v56 =	vadd.f32 v1, v2;
	v1 =	vld [tilespmem:s24+$0xC800];
	v2 =	vimm.f32 $0.0e+00  }
.LBB2_58:
0x3cb: {  	_ = 	snop  }
0x3cc: {  	p0 =	sne.s32 s23, $0xC700  }
.Ltmp28:
0x3cd: {  	_ = 	snop;
	(pc) =	sbr.rel @p0 .LBB2_58-.Ltmp28, $4  }
0x3ce: {  	_ = 	snop  }
0x3cf: {  	s24 =	sshra.s32 s23, $0x2;
	v59 =	vmul.f32 v4, v1  }
0x3d0: {  	v1 =	vld [tilespmem:s24+$0xC800]  }
0x3d1: {  	s23 =	sadd.s32 $0x800, s23;
	v2 =	vadd.f32 v4, v2;
	v4 =	vld [tilespmem:s24+$0x6400];
	v3 =	vadd.f32 v59, v3  }
0x3d2: {  	_ =	sdelay $0x3  }
0x3d3: {  	s24 =	simm.s32 $0x1D0;
	v59 =	vmul.f32 v4, v1  }
0x3d4: {  	v1 =	vld [tilespmem:s24+$0xC800]  }
0x3d5: {  	s23 =	simm.s32 $0xF40;
	v61 =	vadd.f32 v4, v2;
	v2 =	vimm.f32 $0.0e+00;
	v62 =	vadd.f32 v59, v3;
	v3 =	vld [tilespmem:s24+$0x6400]  }
.LBB2_60:
0x3d6: {  	_ = 	snop  }
0x3d7: {  	p0 =	sne.s32 s23, $0xC740  }
.Ltmp29:
0x3d8: {  	_ = 	snop;
	(pc) =	sbr.rel @p0 .LBB2_60-.Ltmp29, $4  }
0x3d9: {  	_ = 	snop  }
0x3da: {  	s24 =	sshra.s32 s23, $0x2;
	v4 =	vmul.f32 v3, v1  }
0x3db: {  	v1 =	vld [tilespmem:s24+$0xC800]  }
0x3dc: {  	s23 =	sadd.s32 $0x800, s23;
	v0 =	vadd.f32 v3, v0;
	v3 =	vld [tilespmem:s24+$0x6400];
	v2 =	vadd.f32 v4, v2  }
0x3dd: {  	_ =	sdelay $0x3  }
0x3de: {  	s24 =	simm.s32 $0x1E0;
	v1 =	vmul.f32 v3, v1  }
0x3df: {  	v4 =	vimm.f32 $0.0e+00;
	v63 =	vld [tilespmem:s24+$0x6400];
	v59 =	vadd.f32 v3, v0  }
0x3e0: {  	[tilespmem:$0x1FFC0] =	vst v5;
	s23 =	simm.s32 $0xF80;
	v0 =	vld [tilespmem:s24+$0xC800];
	v60 =	vadd.f32 v1, v2;
	v1 =	vimm.f32 $0.0e+00;
	v2 =	vimm.f32 $0.0e+00  }
.LBB2_62:
0x3e1: {  	_ = 	snop  }
0x3e2: {  	p0 =	sne.s32 s23, $0xC780  }
.Ltmp30:
0x3e3: {  	_ = 	snop;
	(pc) =	sbr.rel @p0 .LBB2_62-.Ltmp30, $4  }
0x3e4: {  	_ = 	snop  }
0x3e5: {  	s24 =	sshra.s32 s23, $0x2;
	v3 =	vmul.f32 v63, v0  }
0x3e6: {  	v0 =	vld [tilespmem:s24+$0xC800]  }
0x3e7: {  	s23 =	sadd.s32 $0x800, s23;
	v2 =	vadd.f32 v63, v2;
	v63 =	vld [tilespmem:s24+$0x6400];
	v4 =	vadd.f32 v3, v4  }
0x3e8: {  	_ =	sdelay $0x3  }
0x3e9: {  	s24 =	simm.s32 $0x1F0;
	v0 =	vmul.f32 v63, v0  }
0x3ea: {  	v3 =	vld [tilespmem:s24+$0xC800]  }
0x3eb: {  	s23 =	simm.s32 $0xFC0;
	v63 =	vadd.f32 v63, v2;
	v2 =	vimm.f32 $0.0e+00;
	v0 =	vadd.f32 v0, v4;
	v4 =	vld [tilespmem:s24+$0x6400]  }
.LBB2_64:
0x3ec: {  	_ = 	snop  }
0x3ed: {  	p0 =	sne.s32 s23, $0xC7C0  }
.Ltmp31:
0x3ee: {  	_ = 	snop;
	(pc) =	sbr.rel @p0 .LBB2_64-.Ltmp31, $4  }
0x3ef: {  	_ = 	snop  }
0x3f0: {  	s24 =	sshra.s32 s23, $0x2;
	v5 =	vmul.f32 v4, v3  }
0x3f1: {  	v3 =	vld [tilespmem:s24+$0xC800]  }
0x3f2: {  	s23 =	sadd.s32 $0x800, s23;
	v1 =	vadd.f32 v4, v1;
	v4 =	vld [tilespmem:s24+$0x6400];
	v2 =	vadd.f32 v5, v2  }
0x3f3: {  	_ =	sdelay $0x2  }
0x3f4: {  	_ =	swait.ge [sflag:s21], $0x3200  }
0x3f5: {  	[sflag:s21] =	ssyncset.done $0x0;
	v5 =	vmul.f32 v4, v3  }
0x3f6: {  	s23 =	simm.s32 $0x0;
	[sflag:s21] =	ssyncadd.s32 $0xFFFFCE00  }
0x3f7: {  	v3 =	vld [tilespmem:s23+$0xFA00];
	v2 =	vadd.f32 v5, v2  }
0x3f8: {  	v1 =	vadd.f32 v4, v1;
	v4 =	vld [tilespmem:s23+$0x9600]  }
0x3f9: {  	s24 =	simm.s32 $0x800;
	[tilespmem:$0x1FFB0] =	vst v2;
	v2 =	vld [tilespmem:$0x1FFE0]  }
.LBB2_66:
0x3fa: {  	_ = 	snop  }
0x3fb: {  	p0 =	sne.s32 s24, $0xC000  }
.Ltmp32:
0x3fc: {  	_ = 	snop;
	(pc) =	sbr.rel @p0 .LBB2_66-.Ltmp32, $4  }
0x3fd: {  	_ = 	snop  }
0x3fe: {  	s25 =	sshra.s32 s24, $0x2;
	v5 =	vmul.f32 v4, v3  }
0x3ff: {  	v3 =	vld [tilespmem:s25+$0xFA00]  }
0x400: {  	s24 =	sadd.s32 $0x800, s24;
	v2 =	vadd.f32 v4, v2;
	v4 =	vld [tilespmem:s25+$0x9600];
	v6 =	vadd.f32 v5, v6  }
0x401: {  	_ =	sdelay $0x3  }
0x402: {  	v5 =	vmul.f32 v4, v3;
	v2 =	vadd.f32 v4, v2  }
0x403: {  	v3 =	vld [tilespmem:s23+$0xFA10]  }
0x404: {  	v4 =	vld [tilespmem:s23+$0x9610];
	[tilespmem:$0x1FF90] =	vst v2;
	v2 =	vadd.f32 v5, v6  }
0x405: {  	v6 =	vld [tilespmem:$0x1FFD0]  }
0x406: {  	s24 =	simm.s32 $0x800;
	[tilespmem:$0x1FFA0] =	vst v2;
	v2 =	vld [tilespmem:$0x1FFC0]  }
.LBB2_68:
0x407: {  	_ = 	snop  }
0x408: {  	p0 =	sne.s32 s24, $0xC000  }
.Ltmp33:
0x409: {  	_ = 	snop;
	(pc) =	sbr.rel @p0 .LBB2_68-.Ltmp33, $4  }
0x40a: {  	_ = 	snop  }
0x40b: {  	s23 =	sshra.s32 s24, $0x2;
	v5 =	vmul.f32 v4, v3  }
0x40c: {  	v3 =	vld [tilespmem:s23+$0xFA10]  }
0x40d: {  	s24 =	sadd.s32 $0x800, s24;
	v6 =	vadd.f32 v4, v6;
	v4 =	vld [tilespmem:s23+$0x9610];
	v2 =	vadd.f32 v5, v2  }
0x40e: {  	_ =	sdelay $0x3  }
0x40f: {  	v5 =	vmul.f32 v4, v3;
	_ =	sdelay $0x1  }
0x410: {  	s23 =	simm.s32 $0x0;
	v2 =	vadd.f32 v5, v2  }
0x411: {  	v3 =	vld [tilespmem:s23+$0xFA20]  }
0x412: {  	s24 =	simm.s32 $0x800;
	v6 =	vadd.f32 v4, v6;
	v4 =	vld [tilespmem:s23+$0x9620];
	[tilespmem:$0x1FF80] =	vst v2  }
.LBB2_70:
0x413: {  	_ = 	snop  }
0x414: {  	p0 =	sne.s32 s24, $0xC000  }
.Ltmp34:
0x415: {  	_ = 	snop;
	(pc) =	sbr.rel @p0 .LBB2_70-.Ltmp34, $4  }
0x416: {  	_ = 	snop  }
0x417: {  	s25 =	sshra.s32 s24, $0x2;
	v5 =	vmul.f32 v4, v3  }
0x418: {  	v3 =	vld [tilespmem:s25+$0xFA20]  }
0x419: {  	s24 =	sadd.s32 $0x800, s24;
	v9 =	vadd.f32 v4, v9;
	v4 =	vld [tilespmem:s25+$0x9620];
	v10 =	vadd.f32 v5, v10  }
0x41a: {  	_ =	sdelay $0x3  }
0x41b: {  	v5 =	vmul.f32 v4, v3;
	_ =	sdelay $0x1  }
0x41c: {  	v3 =	vld [tilespmem:s23+$0xFA30];
	v2 =	vadd.f32 v5, v10  }
0x41d: {  	v5 =	vld [tilespmem:s23+$0x9630]  }
0x41e: {  	s24 =	simm.s32 $0x800;
	v9 =	vadd.f32 v4, v9;
	[tilespmem:$0x1FF70] =	vst v2;
	v2 =	vld [tilespmem:$0x1FFB0]  }
.LBB2_72:
0x41f: {  	_ = 	snop  }
0x420: {  	p0 =	sne.s32 s24, $0xC000  }
.Ltmp35:
0x421: {  	_ = 	snop;
	(pc) =	sbr.rel @p0 .LBB2_72-.Ltmp35, $4  }
0x422: {  	_ = 	snop  }
0x423: {  	s23 =	sshra.s32 s24, $0x2;
	v4 =	vmul.f32 v5, v3  }
0x424: {  	v3 =	vld [tilespmem:s23+$0xFA30]  }
0x425: {  	s24 =	sadd.s32 $0x800, s24;
	v7 =	vadd.f32 v5, v7;
	v5 =	vld [tilespmem:s23+$0x9630];
	v8 =	vadd.f32 v4, v8  }
0x426: {  	_ =	sdelay $0x3  }
0x427: {  	v10 =	vmul.f32 v5, v3;
	_ =	sdelay $0x1  }
0x428: {  	s23 =	simm.s32 $0x0;
	v3 =	vadd.f32 v5, v7;
	v5 =	vadd.f32 v10, v8  }
0x429: {  	v4 =	vld [tilespmem:s23+$0xFA40]  }
0x42a: {  	s24 =	simm.s32 $0x800;
	[tilespmem:$0x1FF60] =	vst v5;
	v5 =	vld [tilespmem:s23+$0x9640]  }
.LBB2_74:
0x42b: {  	_ = 	snop  }
0x42c: {  	p0 =	sne.s32 s24, $0xC000  }
.Ltmp36:
0x42d: {  	_ = 	snop;
	(pc) =	sbr.rel @p0 .LBB2_74-.Ltmp36, $4  }
0x42e: {  	_ = 	snop  }
0x42f: {  	s25 =	sshra.s32 s24, $0x2;
	v7 =	vmul.f32 v5, v4  }
0x430: {  	v4 =	vld [tilespmem:s25+$0xFA40]  }
0x431: {  	s24 =	sadd.s32 $0x800, s24;
	v13 =	vadd.f32 v5, v13;
	v5 =	vld [tilespmem:s25+$0x9640];
	v14 =	vadd.f32 v7, v14  }
0x432: {  	_ =	sdelay $0x3  }
0x433: {  	v7 =	vmul.f32 v5, v4  }
0x434: {  	v4 =	vld [tilespmem:s23+$0xFA50]  }
0x435: {  	s24 =	simm.s32 $0x800;
	v13 =	vadd.f32 v5, v13;
	v5 =	vld [tilespmem:s23+$0x9650];
	v8 =	vadd.f32 v7, v14  }
.LBB2_76:
0x436: {  	_ = 	snop  }
0x437: {  	p0 =	sne.s32 s24, $0xC000  }
.Ltmp37:
0x438: {  	_ = 	snop;
	(pc) =	sbr.rel @p0 .LBB2_76-.Ltmp37, $4  }
0x439: {  	_ = 	snop  }
0x43a: {  	s23 =	sshra.s32 s24, $0x2;
	v7 =	vmul.f32 v5, v4  }
0x43b: {  	v4 =	vld [tilespmem:s23+$0xFA50]  }
0x43c: {  	s24 =	sadd.s32 $0x800, s24;
	v11 =	vadd.f32 v5, v11;
	v5 =	vld [tilespmem:s23+$0x9650];
	v12 =	vadd.f32 v7, v12  }
0x43d: {  	_ =	sdelay $0x3  }
0x43e: {  	s23 =	simm.s32 $0x0;
	v7 =	vmul.f32 v5, v4  }
0x43f: {  	v4 =	vld [tilespmem:s23+$0xFA60]  }
0x440: {  	s24 =	simm.s32 $0x800;
	v14 =	vadd.f32 v5, v11;
	v5 =	vld [tilespmem:s23+$0x9660];
	v10 =	vadd.f32 v7, v12  }
.LBB2_78:
0x441: {  	_ = 	snop  }
0x442: {  	p0 =	sne.s32 s24, $0xC000  }
.Ltmp38:
0x443: {  	_ = 	snop;
	(pc) =	sbr.rel @p0 .LBB2_78-.Ltmp38, $4  }
0x444: {  	_ = 	snop  }
0x445: {  	s25 =	sshra.s32 s24, $0x2;
	v7 =	vmul.f32 v5, v4  }
0x446: {  	v4 =	vld [tilespmem:s25+$0xFA60]  }
0x447: {  	s24 =	sadd.s32 $0x800, s24;
	v17 =	vadd.f32 v5, v17;
	v5 =	vld [tilespmem:s25+$0x9660];
	v18 =	vadd.f32 v7, v18  }
0x448: {  	_ =	sdelay $0x3  }
0x449: {  	v7 =	vmul.f32 v5, v4  }
0x44a: {  	v4 =	vld [tilespmem:s23+$0xFA70]  }
0x44b: {  	s24 =	simm.s32 $0x800;
	v17 =	vadd.f32 v5, v17;
	v5 =	vld [tilespmem:s23+$0x9670];
	v11 =	vadd.f32 v7, v18  }
.LBB2_80:
0x44c: {  	_ = 	snop  }
0x44d: {  	p0 =	sne.s32 s24, $0xC000  }
.Ltmp39:
0x44e: {  	_ = 	snop;
	(pc) =	sbr.rel @p0 .LBB2_80-.Ltmp39, $4  }
0x44f: {  	_ = 	snop  }
0x450: {  	s23 =	sshra.s32 s24, $0x2;
	v7 =	vmul.f32 v5, v4  }
0x451: {  	v4 =	vld [tilespmem:s23+$0xFA70]  }
0x452: {  	s24 =	sadd.s32 $0x800, s24;
	v15 =	vadd.f32 v5, v15;
	v5 =	vld [tilespmem:s23+$0x9670];
	v16 =	vadd.f32 v7, v16  }
0x453: {  	_ =	sdelay $0x3  }
0x454: {  	s23 =	simm.s32 $0x0;
	v7 =	vmul.f32 v5, v4  }
0x455: {  	v4 =	vld [tilespmem:s23+$0xFA80]  }
0x456: {  	s24 =	simm.s32 $0x800;
	v18 =	vadd.f32 v5, v15;
	v5 =	vld [tilespmem:s23+$0x9680];
	v12 =	vadd.f32 v7, v16  }
.LBB2_82:
0x457: {  	_ = 	snop  }
0x458: {  	p0 =	sne.s32 s24, $0xC000  }
.Ltmp40:
0x459: {  	_ = 	snop;
	(pc) =	sbr.rel @p0 .LBB2_82-.Ltmp40, $4  }
0x45a: {  	_ = 	snop  }
0x45b: {  	s25 =	sshra.s32 s24, $0x2;
	v7 =	vmul.f32 v5, v4  }
0x45c: {  	v4 =	vld [tilespmem:s25+$0xFA80]  }
0x45d: {  	s24 =	sadd.s32 $0x800, s24;
	v21 =	vadd.f32 v5, v21;
	v5 =	vld [tilespmem:s25+$0x9680];
	v22 =	vadd.f32 v7, v22  }
0x45e: {  	_ =	sdelay $0x3  }
0x45f: {  	v7 =	vmul.f32 v5, v4  }
0x460: {  	v4 =	vld [tilespmem:s23+$0xFA90]  }
0x461: {  	s24 =	simm.s32 $0x800;
	v21 =	vadd.f32 v5, v21;
	v5 =	vld [tilespmem:s23+$0x9690];
	v15 =	vadd.f32 v7, v22  }
.LBB2_84:
0x462: {  	_ = 	snop  }
0x463: {  	p0 =	sne.s32 s24, $0xC000  }
.Ltmp41:
0x464: {  	_ = 	snop;
	(pc) =	sbr.rel @p0 .LBB2_84-.Ltmp41, $4  }
0x465: {  	_ = 	snop  }
0x466: {  	s23 =	sshra.s32 s24, $0x2;
	v7 =	vmul.f32 v5, v4  }
0x467: {  	v4 =	vld [tilespmem:s23+$0xFA90]  }
0x468: {  	s24 =	sadd.s32 $0x800, s24;
	v19 =	vadd.f32 v5, v19;
	v5 =	vld [tilespmem:s23+$0x9690];
	v20 =	vadd.f32 v7, v20  }
0x469: {  	_ =	sdelay $0x3  }
0x46a: {  	s23 =	simm.s32 $0x0;
	v7 =	vmul.f32 v5, v4  }
0x46b: {  	v4 =	vld [tilespmem:s23+$0xFAA0]  }
0x46c: {  	s24 =	simm.s32 $0x800;
	v22 =	vadd.f32 v5, v19;
	v5 =	vld [tilespmem:s23+$0x96A0];
	v16 =	vadd.f32 v7, v20  }
.LBB2_86:
0x46d: {  	_ = 	snop  }
0x46e: {  	p0 =	sne.s32 s24, $0xC000  }
.Ltmp42:
0x46f: {  	_ = 	snop;
	(pc) =	sbr.rel @p0 .LBB2_86-.Ltmp42, $4  }
0x470: {  	_ = 	snop  }
0x471: {  	s25 =	sshra.s32 s24, $0x2;
	v7 =	vmul.f32 v5, v4  }
0x472: {  	v4 =	vld [tilespmem:s25+$0xFAA0]  }
0x473: {  	s24 =	sadd.s32 $0x800, s24;
	v25 =	vadd.f32 v5, v25;
	v5 =	vld [tilespmem:s25+$0x96A0];
	v26 =	vadd.f32 v7, v26  }
0x474: {  	_ =	sdelay $0x3  }
0x475: {  	v7 =	vmul.f32 v5, v4  }
0x476: {  	v4 =	vld [tilespmem:s23+$0xFAB0]  }
0x477: {  	s24 =	simm.s32 $0x800;
	v25 =	vadd.f32 v5, v25;
	v5 =	vld [tilespmem:s23+$0x96B0];
	v19 =	vadd.f32 v7, v26  }
.LBB2_88:
0x478: {  	_ = 	snop  }
0x479: {  	p0 =	sne.s32 s24, $0xC000  }
.Ltmp43:
0x47a: {  	_ = 	snop;
	(pc) =	sbr.rel @p0 .LBB2_88-.Ltmp43, $4  }
0x47b: {  	_ = 	snop  }
0x47c: {  	s23 =	sshra.s32 s24, $0x2;
	v7 =	vmul.f32 v5, v4  }
0x47d: {  	v4 =	vld [tilespmem:s23+$0xFAB0]  }
0x47e: {  	s24 =	sadd.s32 $0x800, s24;
	v23 =	vadd.f32 v5, v23;
	v5 =	vld [tilespmem:s23+$0x96B0];
	v24 =	vadd.f32 v7, v24  }
0x47f: {  	_ =	sdelay $0x3  }
0x480: {  	s23 =	simm.s32 $0x0;
	v7 =	vmul.f32 v5, v4  }
0x481: {  	v4 =	vld [tilespmem:s23+$0xFAC0]  }
0x482: {  	s24 =	simm.s32 $0x800;
	v26 =	vadd.f32 v5, v23;
	v5 =	vld [tilespmem:s23+$0x96C0];
	v20 =	vadd.f32 v7, v24  }
.LBB2_90:
0x483: {  	_ = 	snop  }
0x484: {  	p0 =	sne.s32 s24, $0xC000  }
.Ltmp44:
0x485: {  	_ = 	snop;
	(pc) =	sbr.rel @p0 .LBB2_90-.Ltmp44, $4  }
0x486: {  	_ = 	snop  }
0x487: {  	s25 =	sshra.s32 s24, $0x2;
	v7 =	vmul.f32 v5, v4  }
0x488: {  	v4 =	vld [tilespmem:s25+$0xFAC0]  }
0x489: {  	s24 =	sadd.s32 $0x800, s24;
	v29 =	vadd.f32 v5, v29;
	v5 =	vld [tilespmem:s25+$0x96C0];
	v30 =	vadd.f32 v7, v30  }
0x48a: {  	_ =	sdelay $0x3  }
0x48b: {  	v7 =	vmul.f32 v5, v4  }
0x48c: {  	v4 =	vld [tilespmem:s23+$0xFAD0]  }
0x48d: {  	s24 =	simm.s32 $0x800;
	v29 =	vadd.f32 v5, v29;
	v5 =	vld [tilespmem:s23+$0x96D0];
	v23 =	vadd.f32 v7, v30  }
.LBB2_92:
0x48e: {  	_ = 	snop  }
0x48f: {  	p0 =	sne.s32 s24, $0xC000  }
.Ltmp45:
0x490: {  	_ = 	snop;
	(pc) =	sbr.rel @p0 .LBB2_92-.Ltmp45, $4  }
0x491: {  	_ = 	snop  }
0x492: {  	s23 =	sshra.s32 s24, $0x2;
	v7 =	vmul.f32 v5, v4  }
0x493: {  	v4 =	vld [tilespmem:s23+$0xFAD0]  }
0x494: {  	s24 =	sadd.s32 $0x800, s24;
	v27 =	vadd.f32 v5, v27;
	v5 =	vld [tilespmem:s23+$0x96D0];
	v28 =	vadd.f32 v7, v28  }
0x495: {  	_ =	sdelay $0x3  }
0x496: {  	s23 =	simm.s32 $0x0;
	v7 =	vmul.f32 v5, v4  }
0x497: {  	v4 =	vld [tilespmem:s23+$0xFAE0]  }
0x498: {  	s24 =	simm.s32 $0x800;
	v30 =	vadd.f32 v5, v27;
	v5 =	vld [tilespmem:s23+$0x96E0];
	v24 =	vadd.f32 v7, v28  }
.LBB2_94:
0x499: {  	_ = 	snop  }
0x49a: {  	p0 =	sne.s32 s24, $0xC000  }
.Ltmp46:
0x49b: {  	_ = 	snop;
	(pc) =	sbr.rel @p0 .LBB2_94-.Ltmp46, $4  }
0x49c: {  	_ = 	snop  }
0x49d: {  	s25 =	sshra.s32 s24, $0x2;
	v7 =	vmul.f32 v5, v4  }
0x49e: {  	v4 =	vld [tilespmem:s25+$0xFAE0]  }
0x49f: {  	s24 =	sadd.s32 $0x800, s24;
	v33 =	vadd.f32 v5, v33;
	v5 =	vld [tilespmem:s25+$0x96E0];
	v34 =	vadd.f32 v7, v34  }
0x4a0: {  	_ =	sdelay $0x3  }
0x4a1: {  	v7 =	vmul.f32 v5, v4  }
0x4a2: {  	v4 =	vld [tilespmem:s23+$0xFAF0]  }
0x4a3: {  	s24 =	simm.s32 $0x800;
	v33 =	vadd.f32 v5, v33;
	v5 =	vld [tilespmem:s23+$0x96F0];
	v27 =	vadd.f32 v7, v34  }
.LBB2_96:
0x4a4: {  	_ = 	snop  }
0x4a5: {  	p0 =	sne.s32 s24, $0xC000  }
.Ltmp47:
0x4a6: {  	_ = 	snop;
	(pc) =	sbr.rel @p0 .LBB2_96-.Ltmp47, $4  }
0x4a7: {  	_ = 	snop  }
0x4a8: {  	s23 =	sshra.s32 s24, $0x2;
	v7 =	vmul.f32 v5, v4  }
0x4a9: {  	v4 =	vld [tilespmem:s23+$0xFAF0]  }
0x4aa: {  	s24 =	sadd.s32 $0x800, s24;
	v31 =	vadd.f32 v5, v31;
	v5 =	vld [tilespmem:s23+$0x96F0];
	v32 =	vadd.f32 v7, v32  }
0x4ab: {  	_ =	sdelay $0x3  }
0x4ac: {  	s23 =	simm.s32 $0x0;
	v7 =	vmul.f32 v5, v4  }
0x4ad: {  	v4 =	vld [tilespmem:s23+$0xFB00]  }
0x4ae: {  	s24 =	simm.s32 $0x800;
	v34 =	vadd.f32 v5, v31;
	v5 =	vld [tilespmem:s23+$0x9700];
	v28 =	vadd.f32 v7, v32  }
.LBB2_98:
0x4af: {  	_ = 	snop  }
0x4b0: {  	p0 =	sne.s32 s24, $0xC000  }
.Ltmp48:
0x4b1: {  	_ = 	snop;
	(pc) =	sbr.rel @p0 .LBB2_98-.Ltmp48, $4  }
0x4b2: {  	_ = 	snop  }
0x4b3: {  	s25 =	sshra.s32 s24, $0x2;
	v7 =	vmul.f32 v5, v4  }
0x4b4: {  	v4 =	vld [tilespmem:s25+$0xFB00]  }
0x4b5: {  	s24 =	sadd.s32 $0x800, s24;
	v37 =	vadd.f32 v5, v37;
	v5 =	vld [tilespmem:s25+$0x9700];
	v38 =	vadd.f32 v7, v38  }
0x4b6: {  	_ =	sdelay $0x3  }
0x4b7: {  	v7 =	vmul.f32 v5, v4  }
0x4b8: {  	v4 =	vld [tilespmem:s23+$0xFB10]  }
0x4b9: {  	s24 =	simm.s32 $0x800;
	v37 =	vadd.f32 v5, v37;
	v31 =	vadd.f32 v7, v38;
	v7 =	vld [tilespmem:s23+$0x9710]  }
.LBB2_100:
0x4ba: {  	_ = 	snop  }
0x4bb: {  	p0 =	sne.s32 s24, $0xC000  }
.Ltmp49:
0x4bc: {  	_ = 	snop;
	(pc) =	sbr.rel @p0 .LBB2_100-.Ltmp49, $4  }
0x4bd: {  	_ = 	snop  }
0x4be: {  	s23 =	sshra.s32 s24, $0x2;
	v5 =	vmul.f32 v7, v4  }
0x4bf: {  	v4 =	vld [tilespmem:s23+$0xFB10]  }
0x4c0: {  	s24 =	sadd.s32 $0x800, s24;
	v35 =	vadd.f32 v7, v35;
	v7 =	vld [tilespmem:s23+$0x9710];
	v36 =	vadd.f32 v5, v36  }
0x4c1: {  	_ =	sdelay $0x3  }
0x4c2: {  	s23 =	simm.s32 $0x0;
	v32 =	vmul.f32 v7, v4  }
0x4c3: {  	v5 =	vld [tilespmem:s23+$0xFB20]  }
0x4c4: {  	s24 =	simm.s32 $0x800;
	v4 =	vadd.f32 v7, v35;
	v35 =	vld [tilespmem:s23+$0x9720];
	v32 =	vadd.f32 v32, v36  }
.LBB2_102:
0x4c5: {  	_ = 	snop  }
0x4c6: {  	p0 =	sne.s32 s24, $0xC000  }
.Ltmp50:
0x4c7: {  	_ = 	snop;
	(pc) =	sbr.rel @p0 .LBB2_102-.Ltmp50, $4  }
0x4c8: {  	_ = 	snop  }
0x4c9: {  	s25 =	sshra.s32 s24, $0x2;
	v7 =	vmul.f32 v35, v5  }
0x4ca: {  	v5 =	vld [tilespmem:s25+$0xFB20]  }
0x4cb: {  	s24 =	sadd.s32 $0x800, s24;
	v41 =	vadd.f32 v35, v41;
	v35 =	vld [tilespmem:s25+$0x9720];
	v42 =	vadd.f32 v7, v42  }
0x4cc: {  	_ =	sdelay $0x3  }
0x4cd: {  	v36 =	vmul.f32 v35, v5  }
0x4ce: {  	v7 =	vld [tilespmem:s23+$0xFB30]  }
0x4cf: {  	s24 =	simm.s32 $0x800;
	v38 =	vld [tilespmem:s23+$0x9730];
	v5 =	vadd.f32 v35, v41;
	v36 =	vadd.f32 v36, v42  }
.LBB2_104:
0x4d0: {  	_ = 	snop  }
0x4d1: {  	p0 =	sne.s32 s24, $0xC000  }
.Ltmp51:
0x4d2: {  	_ = 	snop;
	(pc) =	sbr.rel @p0 .LBB2_104-.Ltmp51, $4  }
0x4d3: {  	_ = 	snop  }
0x4d4: {  	s23 =	sshra.s32 s24, $0x2;
	v35 =	vmul.f32 v38, v7  }
0x4d5: {  	v7 =	vld [tilespmem:s23+$0xFB30]  }
0x4d6: {  	s24 =	sadd.s32 $0x800, s24;
	v39 =	vadd.f32 v38, v39;
	v38 =	vld [tilespmem:s23+$0x9730];
	v40 =	vadd.f32 v35, v40  }
0x4d7: {  	_ =	sdelay $0x3  }
0x4d8: {  	s23 =	simm.s32 $0x0;
	v41 =	vmul.f32 v38, v7  }
0x4d9: {  	v35 =	vld [tilespmem:s23+$0xFB40]  }
0x4da: {  	s24 =	simm.s32 $0x800;
	v7 =	vadd.f32 v38, v39;
	v39 =	vadd.f32 v41, v40;
	v40 =	vld [tilespmem:s23+$0x9740]  }
.LBB2_106:
0x4db: {  	_ = 	snop  }
0x4dc: {  	p0 =	sne.s32 s24, $0xC000  }
.Ltmp52:
0x4dd: {  	_ = 	snop;
	(pc) =	sbr.rel @p0 .LBB2_106-.Ltmp52, $4  }
0x4de: {  	_ = 	snop  }
0x4df: {  	s25 =	sshra.s32 s24, $0x2;
	v38 =	vmul.f32 v40, v35  }
0x4e0: {  	v35 =	vld [tilespmem:s25+$0xFB40]  }
0x4e1: {  	s24 =	sadd.s32 $0x800, s24;
	v45 =	vadd.f32 v40, v45;
	v40 =	vld [tilespmem:s25+$0x9740];
	v46 =	vadd.f32 v38, v46  }
0x4e2: {  	_ =	sdelay $0x3  }
0x4e3: {  	v35 =	vmul.f32 v40, v35  }
0x4e4: {  	v38 =	vld [tilespmem:s23+$0xFB50]  }
0x4e5: {  	s24 =	simm.s32 $0x800;
	v42 =	vld [tilespmem:s23+$0x9750];
	v41 =	vadd.f32 v40, v45;
	v35 =	vadd.f32 v35, v46  }
.LBB2_108:
0x4e6: {  	_ = 	snop  }
0x4e7: {  	p0 =	sne.s32 s24, $0xC000  }
.Ltmp53:
0x4e8: {  	_ = 	snop;
	(pc) =	sbr.rel @p0 .LBB2_108-.Ltmp53, $4  }
0x4e9: {  	_ = 	snop  }
0x4ea: {  	s23 =	sshra.s32 s24, $0x2;
	v40 =	vmul.f32 v42, v38  }
0x4eb: {  	v38 =	vld [tilespmem:s23+$0xFB50]  }
0x4ec: {  	s24 =	sadd.s32 $0x800, s24;
	v43 =	vadd.f32 v42, v43;
	v42 =	vld [tilespmem:s23+$0x9750];
	v44 =	vadd.f32 v40, v44  }
0x4ed: {  	_ =	sdelay $0x3  }
0x4ee: {  	s23 =	simm.s32 $0x0;
	v38 =	vmul.f32 v42, v38  }
0x4ef: {  	v40 =	vld [tilespmem:s23+$0xFB60]  }
0x4f0: {  	s24 =	simm.s32 $0x800;
	v43 =	vadd.f32 v42, v43;
	v38 =	vadd.f32 v38, v44;
	v44 =	vld [tilespmem:s23+$0x9760]  }
.LBB2_110:
0x4f1: {  	_ = 	snop  }
0x4f2: {  	p0 =	sne.s32 s24, $0xC000  }
.Ltmp54:
0x4f3: {  	_ = 	snop;
	(pc) =	sbr.rel @p0 .LBB2_110-.Ltmp54, $4  }
0x4f4: {  	_ = 	snop  }
0x4f5: {  	s25 =	sshra.s32 s24, $0x2;
	v42 =	vmul.f32 v44, v40  }
0x4f6: {  	v40 =	vld [tilespmem:s25+$0xFB60]  }
0x4f7: {  	s24 =	sadd.s32 $0x800, s24;
	v49 =	vadd.f32 v44, v49;
	v44 =	vld [tilespmem:s25+$0x9760];
	v50 =	vadd.f32 v42, v50  }
0x4f8: {  	_ =	sdelay $0x3  }
0x4f9: {  	v40 =	vmul.f32 v44, v40  }
0x4fa: {  	v42 =	vld [tilespmem:s23+$0xFB70]  }
0x4fb: {  	s24 =	simm.s32 $0x800;
	v46 =	vld [tilespmem:s23+$0x9770];
	v45 =	vadd.f32 v44, v49;
	v40 =	vadd.f32 v40, v50  }
.LBB2_112:
0x4fc: {  	_ = 	snop  }
0x4fd: {  	p0 =	sne.s32 s24, $0xC000  }
.Ltmp55:
0x4fe: {  	_ = 	snop;
	(pc) =	sbr.rel @p0 .LBB2_112-.Ltmp55, $4  }
0x4ff: {  	_ = 	snop  }
0x500: {  	s23 =	sshra.s32 s24, $0x2;
	v44 =	vmul.f32 v46, v42  }
0x501: {  	v42 =	vld [tilespmem:s23+$0xFB70]  }
0x502: {  	s24 =	sadd.s32 $0x800, s24;
	v47 =	vadd.f32 v46, v47;
	v46 =	vld [tilespmem:s23+$0x9770];
	v48 =	vadd.f32 v44, v48  }
0x503: {  	_ =	sdelay $0x3  }
0x504: {  	s23 =	simm.s32 $0x0;
	v42 =	vmul.f32 v46, v42  }
0x505: {  	v44 =	vld [tilespmem:s23+$0xFB80]  }
0x506: {  	s24 =	simm.s32 $0x800;
	v47 =	vadd.f32 v46, v47;
	v42 =	vadd.f32 v42, v48;
	v48 =	vld [tilespmem:s23+$0x9780]  }
.LBB2_114:
0x507: {  	_ = 	snop  }
0x508: {  	p0 =	sne.s32 s24, $0xC000  }
.Ltmp56:
0x509: {  	_ = 	snop;
	(pc) =	sbr.rel @p0 .LBB2_114-.Ltmp56, $4  }
0x50a: {  	_ = 	snop  }
0x50b: {  	s25 =	sshra.s32 s24, $0x2;
	v46 =	vmul.f32 v48, v44  }
0x50c: {  	v44 =	vld [tilespmem:s25+$0xFB80]  }
0x50d: {  	s24 =	sadd.s32 $0x800, s24;
	v53 =	vadd.f32 v48, v53;
	v48 =	vld [tilespmem:s25+$0x9780];
	v54 =	vadd.f32 v46, v54  }
0x50e: {  	_ =	sdelay $0x3  }
0x50f: {  	v44 =	vmul.f32 v48, v44  }
0x510: {  	v46 =	vld [tilespmem:s23+$0xFB90]  }
0x511: {  	s24 =	simm.s32 $0x800;
	v50 =	vld [tilespmem:s23+$0x9790];
	v49 =	vadd.f32 v48, v53;
	v44 =	vadd.f32 v44, v54  }
.LBB2_116:
0x512: {  	_ = 	snop  }
0x513: {  	p0 =	sne.s32 s24, $0xC000  }
.Ltmp57:
0x514: {  	_ = 	snop;
	(pc) =	sbr.rel @p0 .LBB2_116-.Ltmp57, $4  }
0x515: {  	_ = 	snop  }
0x516: {  	s23 =	sshra.s32 s24, $0x2;
	v48 =	vmul.f32 v50, v46  }
0x517: {  	v46 =	vld [tilespmem:s23+$0xFB90]  }
0x518: {  	s24 =	sadd.s32 $0x800, s24;
	v51 =	vadd.f32 v50, v51;
	v50 =	vld [tilespmem:s23+$0x9790];
	v52 =	vadd.f32 v48, v52  }
0x519: {  	_ =	sdelay $0x3  }
0x51a: {  	s23 =	simm.s32 $0x0;
	v46 =	vmul.f32 v50, v46  }
0x51b: {  	v48 =	vld [tilespmem:s23+$0xFBA0]  }
0x51c: {  	s24 =	simm.s32 $0x800;
	v51 =	vadd.f32 v50, v51;
	v46 =	vadd.f32 v46, v52;
	v52 =	vld [tilespmem:s23+$0x97A0]  }
.LBB2_118:
0x51d: {  	_ = 	snop  }
0x51e: {  	p0 =	sne.s32 s24, $0xC000  }
.Ltmp58:
0x51f: {  	_ = 	snop;
	(pc) =	sbr.rel @p0 .LBB2_118-.Ltmp58, $4  }
0x520: {  	_ = 	snop  }
0x521: {  	s25 =	sshra.s32 s24, $0x2;
	v50 =	vmul.f32 v52, v48  }
0x522: {  	v48 =	vld [tilespmem:s25+$0xFBA0]  }
0x523: {  	s24 =	sadd.s32 $0x800, s24;
	v57 =	vadd.f32 v52, v57;
	v52 =	vld [tilespmem:s25+$0x97A0];
	v58 =	vadd.f32 v50, v58  }
0x524: {  	_ =	sdelay $0x3  }
0x525: {  	v48 =	vmul.f32 v52, v48  }
0x526: {  	v50 =	vld [tilespmem:s23+$0xFBB0]  }
0x527: {  	s24 =	simm.s32 $0x800;
	v54 =	vld [tilespmem:s23+$0x97B0];
	v53 =	vadd.f32 v52, v57;
	v48 =	vadd.f32 v48, v58  }
.LBB2_120:
0x528: {  	_ = 	snop  }
0x529: {  	p0 =	sne.s32 s24, $0xC000  }
.Ltmp59:
0x52a: {  	_ = 	snop;
	(pc) =	sbr.rel @p0 .LBB2_120-.Ltmp59, $4  }
0x52b: {  	_ = 	snop  }
0x52c: {  	s23 =	sshra.s32 s24, $0x2;
	v52 =	vmul.f32 v54, v50  }
0x52d: {  	v50 =	vld [tilespmem:s23+$0xFBB0]  }
0x52e: {  	s24 =	sadd.s32 $0x800, s24;
	v55 =	vadd.f32 v54, v55;
	v54 =	vld [tilespmem:s23+$0x97B0];
	v56 =	vadd.f32 v52, v56  }
0x52f: {  	_ =	sdelay $0x3  }
0x530: {  	s23 =	simm.s32 $0x0;
	v50 =	vmul.f32 v54, v50  }
0x531: {  	v52 =	vld [tilespmem:s23+$0xFBC0]  }
0x532: {  	s24 =	simm.s32 $0x800;
	v55 =	vadd.f32 v54, v55;
	v50 =	vadd.f32 v50, v56;
	v56 =	vld [tilespmem:s23+$0x97C0]  }
.LBB2_122:
0x533: {  	_ = 	snop  }
0x534: {  	p0 =	sne.s32 s24, $0xC000  }
.Ltmp60:
0x535: {  	_ = 	snop;
	(pc) =	sbr.rel @p0 .LBB2_122-.Ltmp60, $4  }
0x536: {  	_ = 	snop  }
0x537: {  	s25 =	sshra.s32 s24, $0x2;
	v54 =	vmul.f32 v56, v52  }
0x538: {  	v52 =	vld [tilespmem:s25+$0xFBC0]  }
0x539: {  	s24 =	sadd.s32 $0x800, s24;
	v61 =	vadd.f32 v56, v61;
	v56 =	vld [tilespmem:s25+$0x97C0];
	v62 =	vadd.f32 v54, v62  }
0x53a: {  	_ =	sdelay $0x3  }
0x53b: {  	v52 =	vmul.f32 v56, v52  }
0x53c: {  	v54 =	vld [tilespmem:s23+$0xFBD0]  }
0x53d: {  	s24 =	simm.s32 $0x800;
	v58 =	vld [tilespmem:s23+$0x97D0];
	v56 =	vadd.f32 v56, v61;
	v52 =	vadd.f32 v52, v62  }
.LBB2_124:
0x53e: {  	_ = 	snop  }
0x53f: {  	p0 =	sne.s32 s24, $0xC000  }
.Ltmp61:
0x540: {  	_ = 	snop;
	(pc) =	sbr.rel @p0 .LBB2_124-.Ltmp61, $4  }
0x541: {  	_ = 	snop  }
0x542: {  	s23 =	sshra.s32 s24, $0x2;
	v57 =	vmul.f32 v58, v54  }
0x543: {  	v54 =	vld [tilespmem:s23+$0xFBD0]  }
0x544: {  	s24 =	sadd.s32 $0x800, s24;
	v59 =	vadd.f32 v58, v59;
	v58 =	vld [tilespmem:s23+$0x97D0];
	v60 =	vadd.f32 v57, v60  }
0x545: {  	_ =	sdelay $0x3  }
0x546: {  	s23 =	simm.s32 $0x0;
	v54 =	vmul.f32 v58, v54  }
0x547: {  	v57 =	vld [tilespmem:s23+$0xFBE0]  }
0x548: {  	s24 =	simm.s32 $0x800;
	v59 =	vadd.f32 v58, v59;
	v58 =	vld [tilespmem:s23+$0x97E0];
	v54 =	vadd.f32 v54, v60  }
.LBB2_126:
0x549: {  	_ = 	snop  }
0x54a: {  	p0 =	sne.s32 s24, $0xC000  }
.Ltmp62:
0x54b: {  	_ = 	snop;
	(pc) =	sbr.rel @p0 .LBB2_126-.Ltmp62, $4  }
0x54c: {  	_ = 	snop  }
0x54d: {  	s25 =	sshra.s32 s24, $0x2;
	v60 =	vmul.f32 v58, v57  }
0x54e: {  	v57 =	vld [tilespmem:s25+$0xFBE0]  }
0x54f: {  	s24 =	sadd.s32 $0x800, s24;
	v63 =	vadd.f32 v58, v63;
	v58 =	vld [tilespmem:s25+$0x97E0];
	v0 =	vadd.f32 v60, v0  }
0x550: {  	_ =	sdelay $0x3  }
0x551: {  	v61 =	vmul.f32 v58, v57  }
0x552: {  	v57 =	vld [tilespmem:s23+$0xFBF0]  }
0x553: {  	s24 =	simm.s32 $0x800;
	v60 =	vadd.f32 v58, v63;
	v58 =	vld [tilespmem:s23+$0x97F0];
	v0 =	vadd.f32 v61, v0  }
.LBB2_128:
0x554: {  	_ = 	snop  }
0x555: {  	p0 =	sne.s32 s24, $0xC000  }
.Ltmp63:
0x556: {  	_ = 	snop;
	(pc) =	sbr.rel @p0 .LBB2_128-.Ltmp63, $4  }
0x557: {  	_ = 	snop  }
0x558: {  	s23 =	sshra.s32 s24, $0x2;
	v61 =	vmul.f32 v58, v57  }
0x559: {  	v57 =	vld [tilespmem:s23+$0xFBF0]  }
0x55a: {  	s24 =	sadd.s32 $0x800, s24;
	v1 =	vadd.f32 v58, v1;
	v58 =	vld [tilespmem:s23+$0x97F0];
	v2 =	vadd.f32 v61, v2  }
0x55b: {  	v61 =	vld [tilespmem:$0x1FF90];
	_ =	sdelay $0x4  }
0x55c: {  	v61 =	vadd.f32 $9.999999710e-10, v61  }
0x55d: {  	v6 =	vadd.f32 $9.999999710e-10, v6  }
0x55e: {  	v9 =	vadd.f32 $9.999999710e-10, v9;
	(erf) = vrcp.f32 v61  }
0x55f: {  	v3 =	vadd.f32 $9.999999710e-10, v3;
	(erf) = vrcp.f32 v6  }
0x560: {  	(erf) = vrcp.f32 v9;
	v9 =	vadd.f32 $9.999999710e-10, v13  }
0x561: {  	v13 =	vadd.f32 $9.999999710e-10, v14;
	(erf) = vrcp.f32 v3  }
0x562: {  	v14 =	vadd.f32 $9.999999710e-10, v17;
	(erf) = vrcp.f32 v9  }
0x563: {  	v17 =	vadd.f32 $9.999999710e-10, v18;
	(erf) = vrcp.f32 v13  }
0x564: {  	v18 =	vadd.f32 $9.999999710e-10, v21;
	(erf) = vrcp.f32 v14  }
0x565: {  	v21 =	vadd.f32 $9.999999710e-10, v22;
	(erf) = vrcp.f32 v17  }
0x566: {  	v22 =	vadd.f32 $9.999999710e-10, v25;
	(erf) = vrcp.f32 v18  }
0x567: {  	v26 =	vadd.f32 $9.999999710e-10, v26;
	v29 =	vadd.f32 $9.999999710e-10, v29;
	v63 =	vld [tilespmem:$0x1FFA0];
	(erf) = vrcp.f32 v21  }
0x568: {  	v30 =	vadd.f32 $9.999999710e-10, v30;
	v33 =	vadd.f32 $9.999999710e-10, v33;
	v25 =	vpop (erf);
	(erf) = vrcp.f32 v22  }
0x569: {  	v34 =	vadd.f32 $9.999999710e-10, v34;
	v37 =	vadd.f32 $9.999999710e-10, v37;
	v21 =	vld [tilespmem:$0x1FFF0];
	v6 =	vpop (erf);
	(erf) = vrcp.f32 v26  }
0x56a: {  	v4 =	vadd.f32 $9.999999710e-10, v4;
	v5 =	vadd.f32 $9.999999710e-10, v5;
	v9 =	vpop (erf);
	v26 =	vld [tilespmem:$0x1FF80];
	(erf) = vrcp.f32 v29  }
0x56b: {  	v7 =	vadd.f32 $9.999999710e-10, v7;
	v1 =	vadd.f32 v58, v1;
	v13 =	vpop (erf);
	(erf) = vrcp.f32 v30  }
0x56c: {  	v41 =	vadd.f32 $9.999999710e-10, v41;
	v3 =	vmul.f32 v25, v63;
	v14 =	vpop (erf);
	v30 =	vld [tilespmem:$0x1FF70];
	(erf) = vrcp.f32 v33  }
0x56d: {  	v1 =	vadd.f32 $9.999999710e-10, v1;
	v17 =	vpop (erf);
	v8 =	vmul.f32 v14, v8;
	(erf) = vrcp.f32 v34  }
0x56e: {  	v3 =	vadd.f32 v3, v21;
	v61 =	vpop (erf);
	v34 =	vld [tilespmem:$0x1FF60];
	v10 =	vmul.f32 v17, v10;
	(erf) = vrcp.f32 v37  }
0x56f: {  	v17 =	vadd.f32 $9.999999710e-10, v47;
	v62 =	vpop (erf);
	v6 =	vmul.f32 v6, v26;
	v11 =	vmul.f32 v61, v11  }
0x570: {  	v8 =	vadd.f32 v8, v21;
	(erf) = vrcp.f32 v4;
	v12 =	vmul.f32 v62, v12  }
0x571: {  	v25 =	vpop (erf);
	v10 =	vadd.f32 v10, v21;
	(erf) = vrcp.f32 v5;
	v9 =	vmul.f32 v9, v30  }
0x572: {  	[tilespmem:$0x12C00] =	vst v3;
	v29 =	vpop (erf);
	v4 =	vmul.f32 v25, v15;
	v6 =	vadd.f32 v6, v21;
	(erf) = vrcp.f32 v7  }
0x573: {  	[tilespmem:$0x12C40] =	vst v8;
	v33 =	vpop (erf);
	v5 =	vmul.f32 v29, v16;
	v12 =	vadd.f32 v12, v21;
	v13 =	vmul.f32 v13, v34  }
0x574: {  	[tilespmem:$0x12C50] =	vst v10;
	v37 =	vpop (erf);
	v7 =	vmul.f32 v33, v19;
	v9 =	vadd.f32 v9, v21;
	v34 =	vadd.f32 v11, v21  }
0x575: {  	[tilespmem:$0x12C10] =	vst v6;
	(erf) = vrcp.f32 v41;
	v4 =	vadd.f32 v4, v21;
	v19 =	vadd.f32 $9.999999710e-10, v49;
	v61 =	vpop (erf)  }
0x576: {  	v22 =	vmul.f32 v37, v20;
	[tilespmem:$0x12C70] =	vst v12;
	v5 =	vadd.f32 v5, v21;
	v20 =	vadd.f32 $9.999999710e-10, v51;
	v62 =	vpop (erf)  }
0x577: {  	v23 =	vmul.f32 v61, v23;
	[tilespmem:$0x12C20] =	vst v9;
	v63 =	vpop (erf);
	v26 =	vmul.f32 v62, v24;
	v62 =	vadd.f32 $9.999999710e-10, v43  }
0x578: {  	v13 =	vadd.f32 v13, v21;
	[tilespmem:$0x12C60] =	vst v34;
	v27 =	vmul.f32 v63, v27;
	v63 =	vadd.f32 $9.999999710e-10, v45  }
0x579: {  	[tilespmem:$0x12C80] =	vst v4;
	v18 =	vadd.f32 v7, v21;
	v3 =	vadd.f32 v22, v21;
	(erf) = vrcp.f32 v62  }
0x57a: {  	[tilespmem:$0x12C90] =	vst v5;
	v25 =	vpop (erf);
	v22 =	vadd.f32 v23, v21;
	v23 =	vadd.f32 $9.999999710e-10, v53;
	(erf) = vrcp.f32 v63  }
0x57b: {  	[tilespmem:$0x12C30] =	vst v13;
	v29 =	vpop (erf);
	v30 =	vmul.f32 v25, v28;
	v24 =	vadd.f32 v26, v21;
	(erf) = vrcp.f32 v17  }
0x57c: {  	[tilespmem:$0x12CA0] =	vst v18;
	v25 =	vadd.f32 $9.999999710e-10, v55;
	v16 =	vmul.f32 v29, v31;
	v31 =	vpop (erf);
	(erf) = vrcp.f32 v19  }
0x57d: {  	[tilespmem:$0x12CB0] =	vst v3;
	v26 =	vadd.f32 v27, v21;
	v27 =	vadd.f32 $9.999999710e-10, v56;
	v33 =	vpop (erf);
	(erf) = vrcp.f32 v20  }
0x57e: {  	[tilespmem:$0x12CC0] =	vst v22;
	v29 =	vadd.f32 $9.999999710e-10, v59;
	v36 =	vmul.f32 v33, v36;
	(erf) = vrcp.f32 v23  }
0x57f: {  	v32 =	vmul.f32 v31, v32;
	[tilespmem:$0x12CD0] =	vst v24;
	v28 =	vadd.f32 v30, v21;
	(erf) = vrcp.f32 v25  }
0x580: {  	v31 =	vadd.f32 $9.999999710e-10, v60;
	v37 =	vpop (erf);
	[tilespmem:$0x12CE0] =	vst v26;
	v30 =	vadd.f32 v16, v21;
	(erf) = vrcp.f32 v27  }
0x581: {  	v61 =	vmul.f32 v37, v39;
	[tilespmem:$0x12CF0] =	vst v28;
	v32 =	vadd.f32 v32, v21;
	v33 =	vpop (erf);
	(erf) = vrcp.f32 v29  }
0x582: {  	[tilespmem:$0x12D00] =	vst v30;
	v34 =	vmul.f32 v33, v35;
	v35 =	vadd.f32 v36, v21;
	(erf) = vrcp.f32 v31;
	v36 =	vpop (erf)  }
0x583: {  	[tilespmem:$0x12D10] =	vst v32;
	v39 =	vadd.f32 v61, v21;
	v37 =	vmul.f32 v36, v38;
	(erf) = vrcp.f32 v1;
	v38 =	vpop (erf)  }
0x584: {  	[tilespmem:$0x12D20] =	vst v35;
	v4 =	vadd.f32 v34, v21;
	v1 =	vmul.f32 v38, v40;
	v41 =	vpop (erf)  }
0x585: {  	[tilespmem:$0x12D30] =	vst v39;
	v5 =	vmul.f32 v41, v42;
	v43 =	vpop (erf);
	v3 =	vadd.f32 v37, v21  }
0x586: {  	[tilespmem:$0x12D40] =	vst v4;
	v44 =	vmul.f32 v43, v44;
	v45 =	vpop (erf);
	v1 =	vadd.f32 v1, v21  }
0x587: {  	[tilespmem:$0x12D50] =	vst v3;
	v46 =	vmul.f32 v45, v46;
	v47 =	vpop (erf);
	v5 =	vadd.f32 v5, v21  }
0x588: {  	[tilespmem:$0x12D60] =	vst v1;
	v49 =	vmul.f32 v47, v48;
	v51 =	vpop (erf);
	v4 =	vadd.f32 v44, v21  }
0x589: {  	v53 =	vmul.f32 v58, v57;
	[tilespmem:$0x12D70] =	vst v5;
	v55 =	vmul.f32 v51, v50;
	v56 =	vpop (erf);
	v3 =	vadd.f32 v46, v21  }
0x58a: {  	[tilespmem:$0x12D80] =	vst v4;
	v57 =	vmul.f32 v56, v52;
	v58 =	vpop (erf);
	v1 =	vadd.f32 v49, v21  }
0x58b: {  	v2 =	vadd.f32 v53, v2;
	[tilespmem:$0x12D90] =	vst v3;
	v59 =	vmul.f32 v58, v54;
	v60 =	vpop (erf);
	v5 =	vadd.f32 v55, v21  }
0x58c: {  	[tilespmem:$0x12DA0] =	vst v1;
	v61 =	vadd.f32 v57, v21;
	v0 =	vmul.f32 v60, v0;
	v62 =	vpop (erf)  }
0x58d: {  	[tilespmem:$0x12DB0] =	vst v5;
	v2 =	vmul.f32 v62, v2;
	v3 =	vadd.f32 v59, v21  }
0x58e: {  	[tilespmem:$0x12DC0] =	vst v61;
	v0 =	vadd.f32 v0, v21  }
0x58f: {  	s22 =	sadd.s32 $0x1, s22;
	[tilespmem:$0x12DD0] =	vst v3;
	v63 =	vadd.f32 v2, v21  }
0x590: {  	p0 =	sne.s32 s22, s15;
	[tilespmem:$0x12DE0] =	vst v0  }
.Ltmp64:
0x591: {  	s23 =	simm.s32 $0x12C00;
	[tilespmem:$0x12DF0] =	vst v63;
	(pc) =	sbr.rel @p0 .LBB2_1-.Ltmp64, $4  }
0x592: {  	[hbm4b:s12+s1] =	stream.linear.scatter [tilespmem:s23], [sflag:$0x5], $0x200, $0x38;
	[tilespmem:$0x12E80] =	vst v63  }
0x593: {  	_ =	swait.ge [sflag:s17], $0x200  }
0x594: {  	[sflag:s17] =	ssyncset.done $0x0  }
0x595: {  	[sflag:s17] =	ssyncadd.s32 $0xFFFFFE00  }
0x596: {  	_ =	sfence.sel $0x180000  }
0x597: {  	[bflag:$0x0] =	sbarrier.arrive $0xFFFF  }
0x598: {  	_ =	strace $0x90000047  }
0x599: {  	s0 =	stileid.u32;
	[bflag:$0x2] =	sbarrier.arrive $0xFFFF  }
0x59a: {  	p0 =	sne.s32 s0, $0x0;
	s0 =	rddreg [dreg:$0x2]  }
0x59b: {  	s0 =	sadd.s32 @!p0 $0x100000, s0  }
0x59c: {  	[sflag:s0] =	ssyncadd.tile.s32 @!p0 $0x1;
	_ =	shalt  }
.Lfunc_end2:
_tile_overlayer_lowered:
.L_overlay_start_2:
0x59d: {  	(tag) =	ssettag $0x2  }
0x59e: {  	s0 =	rddreg [dreg:$0x0];
	s2 =	stileid.u32  }
0x59f: {  	s1 =	rddreg [dreg:$0x1];
	p0 =	sne.s32 s2, $0x0  }
0x5a0: {  	s3 =	rddreg [dreg:$0x2];
	[bflag:$0x3] =	sbarrier.arrive $0xFFFF;
	s2 =	simm.s32 @!p0 $0x1C05  }
0x5a1: {  	[timem:s3], [sflag:s2] =	dma.local @!p0 [hbm:s0], s1  }
0x5a2: {  	s0 =	simm.s32 @!p0 $0x5  }
0x5a3: {  	_ =	swait.ge @!p0 [sflag:s0], s1  }
0x5a4: {  	s1 =	ssub.s32 @!p0 $0x0, s1;
	[sflag:s0] =	ssyncset.done @!p0 $0x0  }
0x5a5: {  	[sflag:s0] =	ssyncadd.s32 @!p0 s1  }
0x5a6: {  	[bflag:$0x3] =	sbarrier.arrive $0xFFFF  }
0x5a7: {  	_ =	shalt  }

</sc_bundles>
